<compile_context>
chip_gen: v7x
topology: tpu7x:2x2x1
jax: 0.10.2.dev20260603
libtpu: 0.0.44.dev20260713+nightly
codegen_flags: <defaults>
</compile_context>

<pallas_src>
import functools

import jax
import jax.numpy as jnp
from jax import lax
from jax.experimental import pallas as pl
from jax.experimental.pallas import tpu as pltpu
from jax.experimental.pallas import tpu_sc as plsc

NN = 10000
EE = 320000
DD = 128
HH = 128
PP = 64

NC = 2
NS = 16
K = 125
CH = EE // K
IPT = CH // NS
NB = 4
NP = 10240
RPT = NP // NS
RCH = 128
DW = 16
BN_C = 1.0 / (1.0 + 1e-5) ** 0.5


def _make_sc_agg(w, with_deg):
    mesh = plsc.VectorSubcoreMesh(core_axis_name="c", subcore_axis_name="s")

    out_type = jax.ShapeDtypeStruct((NC, NP, w), jnp.float32)
    if with_deg:
        out_type = [out_type, jax.ShapeDtypeStruct((NC, NP, DW), jnp.float32)]
    scratch = [
        pltpu.VMEM((IPT, K), jnp.int32),
        pltpu.VMEM((IPT, K), jnp.int32),
        [pltpu.VMEM((K, w), jnp.float32)] * NB,
        pltpu.VMEM_SHARED((NP, w), jnp.float32),
        pltpu.SemaphoreType.DMA,
        [pltpu.SemaphoreType.DMA] * NB,
    ]
    if with_deg:
        scratch += [
            pltpu.VMEM((K, DW), jnp.float32),
            pltpu.VMEM((RCH, DW), jnp.float32),
            pltpu.VMEM_SHARED((NP, DW), jnp.float32),
        ]

    @functools.partial(
        pl.kernel,
        out_type=out_type,
        mesh=mesh,
        compiler_params=pltpu.CompilerParams(use_tc_tiling_on_sc=False),
        scratch_types=scratch,
    )
    def agg(z_hbm, src_hbm, dst_hbm, *refs):
        if with_deg:
            (out_hbm, outd_hbm, srcs_v, dsts_v, rows, acc,
             isem, gsems, ones_v, zdeg, accd) = refs
        else:
            (out_hbm, srcs_v, dsts_v, rows, acc, isem, gsems) = refs
        c = lax.axis_index("c")
        s = lax.axis_index("s")

        row0 = s * IPT
        di = pltpu.async_copy(src_hbm.at[c, pl.ds(row0, IPT)], srcs_v, isem)
        dj = pltpu.async_copy(dst_hbm.at[pl.ds(row0, IPT)], dsts_v, isem)

        zv = jnp.zeros((16,), jnp.float32)

        def zrow(i, carry):
            for j in range(w // 16):
                rows[0][i, pl.ds(j * 16, 16)] = zv
            return carry

        lax.fori_loop(0, K, zrow, 0)
        offs = list(range(0, RPT - K + 1, K))
        if offs[-1] != RPT - K:
            offs.append(RPT - K)
        for o in offs:
            pltpu.sync_copy(rows[0], acc.at[pl.ds(s * RPT + o, K)])

        if with_deg:
            ov = jnp.ones((16,), jnp.float32)

            def drow(i, carry):
                zdeg[i, pl.ds(0, 16)] = zv
                return carry

            lax.fori_loop(0, RCH, drow, 0)
            for j in range(RPT // RCH):
                pltpu.sync_copy(zdeg, accd.at[pl.ds(s * RPT + j * RCH, RCH)])
            for i in range(K):
                ones_v[i, pl.ds(0, 16)] = ov

        di.wait()
        dj.wait()
        for b in range(NB):
            pltpu.async_copy(z_hbm.at[srcs_v.at[b]], rows[b], gsems[b])
        plsc.subcore_barrier()

        def wait_gather(b):
            pltpu.make_async_copy(z_hbm.at[pl.ds(0, K)], rows[b],
                                  gsems[b]).wait()

        def chunk_deg(b, idx):
            if with_deg:
                @pl.when(c == (b % 2))
                def _():
                    pltpu.sync_copy(ones_v, accd.at[dsts_v.at[idx]], add=True)

        def step(i, carry):
            for b in range(NB):
                idx = NB * i + b
                wait_gather(b)
                chunk_deg(b, idx)
                pltpu.sync_copy(rows[b], acc.at[dsts_v.at[idx]], add=True)
                pltpu.async_copy(z_hbm.at[srcs_v.at[NB * (i + 1) + b]],
                                 rows[b], gsems[b])
            return carry

        lax.fori_loop(0, IPT // NB - 1, step, 0)
        for b in range(NB):
            idx = IPT - NB + b
            wait_gather(b)
            chunk_deg(b, idx)
            pltpu.sync_copy(rows[b], acc.at[dsts_v.at[idx]], add=True)
        plsc.subcore_barrier()

        pltpu.sync_copy(acc.at[pl.ds(s * RPT, RPT)],
                        out_hbm.at[c, pl.ds(s * RPT, RPT)])
        if with_deg:
            pltpu.sync_copy(accd.at[pl.ds(s * RPT, RPT)],
                            outd_hbm.at[c, pl.ds(s * RPT, RPT)])

    return agg


_sc_agg_cache = {}


def _sc_agg(w, with_deg=False):
    key = (w, with_deg)
    if key not in _sc_agg_cache:
        _sc_agg_cache[key] = _make_sc_agg(w, with_deg)
    return _sc_agg_cache[key]



def _unpack_half(x, w):
    f = 128 // w
    parts = [x[:, i * w:(i + 1) * w] for i in range(f)]
    return jnp.stack(parts, axis=1).reshape(x.shape[0] * f, w)


def _unpack_sp(sp_ref, w):
    return jnp.concatenate(
        [_unpack_half(sp_ref[c], w) for c in range(NC)], axis=1)


def _tc_pre_body(x_ref, wl_ref, wr_ref, bl_ref, z_ref, r_ref):
    x = x_ref[...]
    z_ref[...] = lax.dot_general(x, wl_ref[...], (((1,), (1,)), ((), ())),
                                 preferred_element_type=jnp.float32)
    r_ref[...] = lax.dot_general(x, wr_ref[...], (((1,), (1,)), ((), ())),
                                 preferred_element_type=jnp.float32) + bl_ref[...][None, :]


def _tc_mid1_body(sp_ref, dp_ref, r_ref, g_ref, b_ref, wl_ref, wr_ref, bl_ref,
                  z_ref, rn_ref, invd_ref):
    sp = _unpack_sp(sp_ref, HH // 2)
    dsum = dp_ref[0] + dp_ref[1]
    deg = _unpack_half(dsum, DW)[:, 0:1]
    invd = 1.0 / jnp.maximum(deg, 1.0)
    h = sp * invd + r_ref[...]
    h = jnp.maximum(h * (BN_C * g_ref[...])[None, :] + b_ref[...][None, :], 0.0)
    z_ref[...] = lax.dot_general(h, wl_ref[...], (((1,), (1,)), ((), ())),
                                 preferred_element_type=jnp.float32)
    rn_ref[...] = lax.dot_general(h, wr_ref[...], (((1,), (1,)), ((), ())),
                                  preferred_element_type=jnp.float32) + bl_ref[...][None, :]
    invd_ref[...] = invd


def _tc_mid2_body(sp_ref, r_ref, invd_ref, g_ref, b_ref, wl_ref, wr_ref, bl_ref,
                  z_ref, rn_ref):
    sp = _unpack_sp(sp_ref, HH // 2)
    invd = invd_ref[...]
    h = sp * invd + r_ref[...]
    h = jnp.maximum(h * (BN_C * g_ref[...])[None, :] + b_ref[...][None, :], 0.0)
    z_ref[...] = lax.dot_general(h, wl_ref[...], (((1,), (1,)), ((), ())),
                                 preferred_element_type=jnp.float32)
    rn_ref[...] = lax.dot_general(h, wr_ref[...], (((1,), (1,)), ((), ())),
                                  preferred_element_type=jnp.float32) + bl_ref[...][None, :]


def _tc_fin_body(sp_ref, r_ref, invd_ref, out_ref):
    o = _unpack_sp(sp_ref, PP // 2) * invd_ref[...] + r_ref[...]
    m = jnp.max(o, axis=1, keepdims=True)
    e = jnp.exp(o - m)
    out_ref[...] = e / jnp.sum(e, axis=1, keepdims=True)


_f32 = jnp.float32
BR = 2048
TG = -(-NN // BR)


def _rowspec(cols):
    return pl.BlockSpec((BR, cols), lambda i: (i, 0))


def _packspec(w):
    return pl.BlockSpec((NC, BR * w // 128, 128), lambda i: (0, i, 0))


def _fullspec(shape):
    nd = len(shape)
    return pl.BlockSpec(shape, lambda i, _n=nd: (0,) * _n)


_tc_pre = pl.pallas_call(
    _tc_pre_body,
    grid=(TG,),
    in_specs=[_rowspec(DD), _fullspec((HH, DD)), _fullspec((HH, DD)),
              _fullspec((HH,))],
    out_specs=[_rowspec(HH), _rowspec(HH)],
    out_shape=[jax.ShapeDtypeStruct((NN, HH), _f32),
               jax.ShapeDtypeStruct((NN, HH), _f32)],
)

_tc_mid1 = pl.pallas_call(
    _tc_mid1_body,
    grid=(TG,),
    in_specs=[_packspec(HH // 2), _packspec(DW), _rowspec(HH),
              _fullspec((HH,)), _fullspec((HH,)),
              _fullspec((HH, HH)), _fullspec((HH, HH)), _fullspec((HH,))],
    out_specs=[_rowspec(HH), _rowspec(HH), _rowspec(1)],
    out_shape=[jax.ShapeDtypeStruct((NN, HH), _f32),
               jax.ShapeDtypeStruct((NN, HH), _f32),
               jax.ShapeDtypeStruct((NN, 1), _f32)],
)

_tc_mid2 = pl.pallas_call(
    _tc_mid2_body,
    grid=(TG,),
    in_specs=[_packspec(HH // 2), _rowspec(HH), _rowspec(1),
              _fullspec((HH,)), _fullspec((HH,)),
              _fullspec((PP, HH)), _fullspec((PP, HH)), _fullspec((PP,))],
    out_specs=[_rowspec(PP), _rowspec(PP)],
    out_shape=[jax.ShapeDtypeStruct((NN, PP), _f32),
               jax.ShapeDtypeStruct((NN, PP), _f32)],
)

_tc_fin = pl.pallas_call(
    _tc_fin_body,
    grid=(TG,),
    in_specs=[_packspec(PP // 2), _rowspec(PP), _rowspec(1)],
    out_specs=_rowspec(PP),
    out_shape=jax.ShapeDtypeStruct((NN, PP), _f32),
)


def kernel(x, edge_index, Wl0, bl0, Wr0, g1, b1, Wl1, bl1, Wr1, g2, b2, Wl2,
           bl2, Wr2):
    src2 = jnp.stack([2 * edge_index[0], 2 * edge_index[0] + 1]).reshape(
        NC, CH, K)
    dst = edge_index[1].reshape(CH, K)

    def _v(a, w):
        return a.reshape(NC, NP * w // 128, 128)

    z0, r0 = _tc_pre(x, Wl0, Wr0, bl0)
    s0, degp = _sc_agg(HH // 2, True)(z0.reshape(2 * NN, HH // 2), src2, dst)
    z1, r1, invd = _tc_mid1(_v(s0, HH // 2), _v(degp, DW), r0,
                            g1, b1, Wl1, Wr1, bl1)
    s1 = _sc_agg(HH // 2)(z1.reshape(2 * NN, HH // 2), src2, dst)
    z2, r2 = _tc_mid2(_v(s1, HH // 2), r1, invd, g2, b2, Wl2, Wr2, bl2)
    s2 = _sc_agg(PP // 2)(z2.reshape(2 * NN, PP // 2), src2, dst)
    return _tc_fin(_v(s2, PP // 2), r2, invd)

# --- scband reference (transcript-rebuilt; emitter-appended) ---
"""Pipeline reference for scband-gnn-50139448213879 (READ-ONLY COPY).

The authoritative reference and input builder live on the scoring server;
editing this copy changes nothing except your own understanding.
"""

import jax, jax.numpy as jnp
import numpy as np

N = 10000
E = 320000
D = 128
H = 128
P = 64


def setup_inputs(seed: int = 0):
    key = jax.random.key(seed)
    ks = jax.random.split(key, 20)
    inp = {}
    inp["x"] = jax.random.normal(ks[0], (N, D), dtype=jnp.float32)
    inp["edge_index"] = jax.random.randint(ks[1], (2, E), 0, N, dtype=jnp.int32)
    s_d = 1.0 / np.sqrt(D)
    s_h = 1.0 / np.sqrt(H)
    # SAGEConv layer 0: in D -> H
    inp["Wl0"] = jax.random.normal(ks[2], (H, D), dtype=jnp.float32) * s_d
    inp["bl0"] = jnp.zeros((H,), dtype=jnp.float32)
    inp["Wr0"] = jax.random.normal(ks[3], (H, D), dtype=jnp.float32) * s_d
    # BatchNorm 1
    inp["g1"] = jnp.ones((H,), dtype=jnp.float32)
    inp["b1"] = jnp.zeros((H,), dtype=jnp.float32)
    # SAGEConv layer 1: H -> H
    inp["Wl1"] = jax.random.normal(ks[4], (H, H), dtype=jnp.float32) * s_h
    inp["bl1"] = jnp.zeros((H,), dtype=jnp.float32)
    inp["Wr1"] = jax.random.normal(ks[5], (H, H), dtype=jnp.float32) * s_h
    # BatchNorm 2
    inp["g2"] = jnp.ones((H,), dtype=jnp.float32)
    inp["b2"] = jnp.zeros((H,), dtype=jnp.float32)
    # SAGEConv layer 2: H -> P
    inp["Wl2"] = jax.random.normal(ks[6], (P, H), dtype=jnp.float32) * s_h
    inp["bl2"] = jnp.zeros((P,), dtype=jnp.float32)
    inp["Wr2"] = jax.random.normal(ks[7], (P, H), dtype=jnp.float32) * s_h
    return inp


def _sage_conv(x, edge_index, Wl, bl, Wr):
    # PyG SAGEConv with mean aggregation:
    #   out = lin_l(mean_{j in N(i)} x_j) + lin_r(x_i)
    src = edge_index[0]
    dst = edge_index[1]
    msgs = jnp.take(x, src, axis=0)
    agg_sum = jax.ops.segment_sum(msgs, dst, num_segments=N)
    deg = jax.ops.segment_sum(jnp.ones((dst.shape[0],), dtype=x.dtype), dst, num_segments=N)
    agg = agg_sum / jnp.clip(deg, 1.0)[:, None]
    return agg @ Wl.T + bl + x @ Wr.T


def _batch_norm_eval(h, g, b):
    # eval-mode BatchNorm1d with running_mean=0, running_var=1
    eps = 1e-5
    return (h - 0.0) / jnp.sqrt(1.0 + eps) * g + b


def reference(x, edge_index, Wl0, bl0, Wr0, g1, b1, Wl1, bl1, Wr1, g2, b2, Wl2, bl2, Wr2):
    h = _sage_conv(x, edge_index, Wl0, bl0, Wr0)
    h = jax.nn.relu(_batch_norm_eval(h, g1, b1))
    h = _sage_conv(h, edge_index, Wl1, bl1, Wr1)
    h = jax.nn.relu(_batch_norm_eval(h, g2, b2))
    h = _sage_conv(h, edge_index, Wl2, bl2, Wr2)
    return jax.nn.softmax(h, axis=1)

if __name__ == "__main__":
    import jax
    _d = setup_inputs()
    print(jax.jit(kernel)(*tuple(_d.values())))

</pallas_src>

<mosaic_0001>
#map = affine_map<(d0, d1) -> (0, 0)>
#map1 = affine_map<(d0, d1) -> (0, 0, 0)>
module attributes {stable_mosaic.version = 14 : i64} {
  func.func @agg(%arg0: i32, %arg1: i32, %arg2: memref<20000x64xf32, #tpu.memory_space<hbm>>, %arg3: memref<2x2560x125xi32, #tpu.memory_space<hbm>>, %arg4: memref<2560x125xi32, #tpu.memory_space<hbm>>, %arg5: memref<2x10240x64xf32, #tpu.memory_space<hbm>>, %arg6: memref<2x10240x16xf32, #tpu.memory_space<hbm>>, %arg7: memref<160x125xi32, #tpu.memory_space<vmem>>, %arg8: memref<160x125xi32, #tpu.memory_space<vmem>>, %arg9: memref<125x64xf32, #tpu.memory_space<vmem>>, %arg10: memref<125x64xf32, #tpu.memory_space<vmem>>, %arg11: memref<125x64xf32, #tpu.memory_space<vmem>>, %arg12: memref<125x64xf32, #tpu.memory_space<vmem>>, %arg13: memref<10240x64xf32, #tpu.memory_space<vmem_shared>>, %arg14: memref<!tpu.dma_semaphore, #tpu.memory_space<semaphore_mem>>, %arg15: memref<!tpu.dma_semaphore, #tpu.memory_space<semaphore_mem>>, %arg16: memref<!tpu.dma_semaphore, #tpu.memory_space<semaphore_mem>>, %arg17: memref<!tpu.dma_semaphore, #tpu.memory_space<semaphore_mem>>, %arg18: memref<!tpu.dma_semaphore, #tpu.memory_space<semaphore_mem>>, %arg19: memref<125x16xf32, #tpu.memory_space<vmem>>, %arg20: memref<128x16xf32, #tpu.memory_space<vmem>>, %arg21: memref<10240x16xf32, #tpu.memory_space<vmem_shared>>) attributes {dimension_semantics = [#tpu.dimension_semantics<core_parallel>, #tpu.dimension_semantics<subcore_parallel>], iteration_bounds = array<i64: 2, 16>, scalar_prefetch = 0 : i64, scratch_operands = 15 : i64, tpu.core_type = #tpu.core_type<sc_vector_subcore>, window_params = [{transform_indices = #map}, {transform_indices = #map1}, {transform_indices = #map}, {transform_indices = #map1}, {transform_indices = #map1}]} {
    %mul3A = arith.constant 160 : i32
    %mul3A_0 = arith.muli %arg1, %mul3A : i32
    %dma_start3A = arith.constant 0 : i32
    %dma_start3A_1 = tpu.memref_slice %arg3[%arg0, %mul3A_0, %dma_start3A] : memref<2x2560x125xi32, #tpu.memory_space<hbm>> -> memref<1x160x125xi32, #tpu.memory_space<hbm>>
    %dma_start3A_2 = tpu.memref_squeeze %dma_start3A_1 : memref<1x160x125xi32, #tpu.memory_space<hbm>> -> memref<160x125xi32, #tpu.memory_space<hbm>>
    %dma_start3A_3 = arith.constant 0 : i32
    %dma_start3A_4 = tpu.memref_slice %arg3[%arg0, %mul3A_0, %dma_start3A_3] : memref<2x2560x125xi32, #tpu.memory_space<hbm>> -> memref<1x160x125xi32, #tpu.memory_space<hbm>>
    %dma_start3A_5 = tpu.memref_squeeze %dma_start3A_4 : memref<1x160x125xi32, #tpu.memory_space<hbm>> -> memref<160x125xi32, #tpu.memory_space<hbm>>
    tpu.enqueue_dma source(%dma_start3A_5 : memref<160x125xi32, #tpu.memory_space<hbm>>) target(%arg7 : memref<160x125xi32, #tpu.memory_space<vmem>>) target_semaphore(%arg14 : memref<!tpu.dma_semaphore, #tpu.memory_space<semaphore_mem>>)
    %dma_start3A_6 = arith.constant 0 : i32
    %dma_start3A_7 = tpu.memref_slice %arg4[%mul3A_0, %dma_start3A_6] : memref<2560x125xi32, #tpu.memory_space<hbm>> -> memref<160x125xi32, #tpu.memory_space<hbm>>
    %dma_start3A_8 = arith.constant 0 : i32
    %dma_start3A_9 = tpu.memref_slice %arg4[%mul3A_0, %dma_start3A_8] : memref<2560x125xi32, #tpu.memory_space<hbm>> -> memref<160x125xi32, #tpu.memory_space<hbm>>
    tpu.enqueue_dma source(%dma_start3A_9 : memref<160x125xi32, #tpu.memory_space<hbm>>) target(%arg8 : memref<160x125xi32, #tpu.memory_space<vmem>>) target_semaphore(%arg14 : memref<!tpu.dma_semaphore, #tpu.memory_space<semaphore_mem>>)
    %broadcast_in_dim3A = arith.constant 0.000000e+00 : f32
    %broadcast_in_dim3A_10 = vector.broadcast %broadcast_in_dim3A : f32 to vector<16xf32>
    %scan3A = arith.constant 0 : i32
    %scan3A_11 = arith.constant 0 : i32
    %scan3A_12 = arith.constant 125 : i32
    %scan3A_13 = arith.addi %scan3A_11, %scan3A_12 : i32
    %scan3A_14 = arith.constant 1 : i32
    scf.for %scan3A_912 = %scan3A_11 to %scan3A_13 step %scan3A_14  : i32 {
      %swap3A_913 = arith.index_cast %scan3A_912 : i32 to index
      %swap3A_914 = arith.constant 0 : index
      %swap3A_915 = tpu.vector_load %arg9[%swap3A_913, %swap3A_914] {strides = array<i32>} : memref<125x64xf32, #tpu.memory_space<vmem>>, vector<1x16xf32>,
      %swap3A_916 = vector.shape_cast %swap3A_915 : vector<1x16xf32> to vector<16xf32>
      %swap3A_917 = vector.shape_cast %broadcast_in_dim3A_10 : vector<16xf32> to vector<1x16xf32>
      tpu.vector_store %arg9[%swap3A_913, %swap3A_914], %swap3A_917 {strides = array<i32>} : memref<125x64xf32, #tpu.memory_space<vmem>>, vector<1x16xf32>,
      %swap3A_918 = arith.index_cast %scan3A_912 : i32 to index
      %swap3A_919 = arith.constant 16 : index
      %swap3A_920 = tpu.vector_load %arg9[%swap3A_918, %swap3A_919] {strides = array<i32>} : memref<125x64xf32, #tpu.memory_space<vmem>>, vector<1x16xf32>,
      %swap3A_921 = vector.shape_cast %swap3A_920 : vector<1x16xf32> to vector<16xf32>
      %swap3A_922 = vector.shape_cast %broadcast_in_dim3A_10 : vector<16xf32> to vector<1x16xf32>
      tpu.vector_store %arg9[%swap3A_918, %swap3A_919], %swap3A_922 {strides = array<i32>} : memref<125x64xf32, #tpu.memory_space<vmem>>, vector<1x16xf32>,
      %swap3A_923 = arith.index_cast %scan3A_912 : i32 to index
      %swap3A_924 = arith.constant 32 : index
      %swap3A_925 = tpu.vector_load %arg9[%swap3A_923, %swap3A_924] {strides = array<i32>} : memref<125x64xf32, #tpu.memory_space<vmem>>, vector<1x16xf32>,
      %swap3A_926 = vector.shape_cast %swap3A_925 : vector<1x16xf32> to vector<16xf32>
      %swap3A_927 = vector.shape_cast %broadcast_in_dim3A_10 : vector<16xf32> to vector<1x16xf32>
      tpu.vector_store %arg9[%swap3A_923, %swap3A_924], %swap3A_927 {strides = array<i32>} : memref<125x64xf32, #tpu.memory_space<vmem>>, vector<1x16xf32>,
      %swap3A_928 = arith.index_cast %scan3A_912 : i32 to index
      %swap3A_929 = arith.constant 48 : index
      %swap3A_930 = tpu.vector_load %arg9[%swap3A_928, %swap3A_929] {strides = array<i32>} : memref<125x64xf32, #tpu.memory_space<vmem>>, vector<1x16xf32>,
      %swap3A_931 = vector.shape_cast %swap3A_930 : vector<1x16xf32> to vector<16xf32>
      %swap3A_932 = vector.shape_cast %broadcast_in_dim3A_10 : vector<16xf32> to vector<1x16xf32>
      tpu.vector_store %arg9[%swap3A_928, %swap3A_929], %swap3A_932 {strides = array<i32>} : memref<125x64xf32, #tpu.memory_space<vmem>>, vector<1x16xf32>,
    }
    %scan3A_15 = arith.constant 125 : i32
    %mul3A_16 = arith.constant 640 : i32
    %mul3A_17 = arith.muli %arg1, %mul3A_16 : i32
    %add3A = arith.constant 0 : i32
    %add3A_18 = arith.addi %mul3A_17, %add3A : i32
    "tpu.region"() ({
      %run_scoped3A_912 = tpu.sem_alloc : memref<!tpu.dma_semaphore, #tpu.memory_space<semaphore_mem>>
      %dma_start3A_913 = arith.constant 0 : i32
      %dma_start3A_914 = tpu.memref_slice %arg13[%add3A_18, %dma_start3A_913] : memref<10240x64xf32, #tpu.memory_space<vmem_shared>> -> memref<125x64xf32, #tpu.memory_space<vmem_shared>>
      %dma_start3A_915 = arith.constant 0 : i32
      %dma_start3A_916 = tpu.memref_slice %arg13[%add3A_18, %dma_start3A_915] : memref<10240x64xf32, #tpu.memory_space<vmem_shared>> -> memref<125x64xf32, #tpu.memory_space<vmem_shared>>
      tpu.enqueue_dma source(%arg9 : memref<125x64xf32, #tpu.memory_space<vmem>>) target(%dma_start3A_916 : memref<125x64xf32, #tpu.memory_space<vmem_shared>>) target_semaphore(%run_scoped3A_912 : memref<!tpu.dma_semaphore, #tpu.memory_space<semaphore_mem>>)
      %dma_wait3A_917 = arith.constant 0 : i32
      %dma_wait3A_918 = tpu.memref_slice %arg13[%add3A_18, %dma_wait3A_917] : memref<10240x64xf32, #tpu.memory_space<vmem_shared>> -> memref<125x64xf32, #tpu.memory_space<vmem_shared>>
      %dma_wait3A_919 = arith.constant 0 : i32
      %dma_wait3A_920 = tpu.memref_slice %arg13[%add3A_18, %dma_wait3A_919] : memref<10240x64xf32, #tpu.memory_space<vmem_shared>> -> memref<125x64xf32, #tpu.memory_space<vmem_shared>>
      tpu.wait_dma2 semaphore(%run_scoped3A_912 : memref<!tpu.dma_semaphore, #tpu.memory_space<semaphore_mem>>) src(%arg9 : memref<125x64xf32, #tpu.memory_space<vmem>>) dst(%dma_wait3A_920 : memref<125x64xf32, #tpu.memory_space<vmem_shared>>)
      tpu.yield
    }) : () -> ()
    %mul3A_19 = arith.constant 640 : i32
    %mul3A_20 = arith.muli %arg1, %mul3A_19 : i32
    %add3A_21 = arith.constant 125 : i32
    %add3A_22 = arith.addi %mul3A_20, %add3A_21 : i32
    "tpu.region"() ({
      %run_scoped3A_912 = tpu.sem_alloc : memref<!tpu.dma_semaphore, #tpu.memory_space<semaphore_mem>>
      %dma_start3A_913 = arith.constant 0 : i32
      %dma_start3A_914 = tpu.memref_slice %arg13[%add3A_22, %dma_start3A_913] : memref<10240x64xf32, #tpu.memory_space<vmem_shared>> -> memref<125x64xf32, #tpu.memory_space<vmem_shared>>
      %dma_start3A_915 = arith.constant 0 : i32
      %dma_start3A_916 = tpu.memref_slice %arg13[%add3A_22, %dma_start3A_915] : memref<10240x64xf32, #tpu.memory_space<vmem_shared>> -> memref<125x64xf32, #tpu.memory_space<vmem_shared>>
      tpu.enqueue_dma source(%arg9 : memref<125x64xf32, #tpu.memory_space<vmem>>) target(%dma_start3A_916 : memref<125x64xf32, #tpu.memory_space<vmem_shared>>) target_semaphore(%run_scoped3A_912 : memref<!tpu.dma_semaphore, #tpu.memory_space<semaphore_mem>>)
      %dma_wait3A_917 = arith.constant 0 : i32
      %dma_wait3A_918 = tpu.memref_slice %arg13[%add3A_22, %dma_wait3A_917] : memref<10240x64xf32, #tpu.memory_space<vmem_shared>> -> memref<125x64xf32, #tpu.memory_space<vmem_shared>>
      %dma_wait3A_919 = arith.constant 0 : i32
      %dma_wait3A_920 = tpu.memref_slice %arg13[%add3A_22, %dma_wait3A_919] : memref<10240x64xf32, #tpu.memory_space<vmem_shared>> -> memref<125x64xf32, #tpu.memory_space<vmem_shared>>
      tpu.wait_dma2 semaphore(%run_scoped3A_912 : memref<!tpu.dma_semaphore, #tpu.memory_space<semaphore_mem>>) src(%arg9 : memref<125x64xf32, #tpu.memory_space<vmem>>) dst(%dma_wait3A_920 : memref<125x64xf32, #tpu.memory_space<vmem_shared>>)
      tpu.yield
    }) : () -> ()
    %mul3A_23 = arith.constant 640 : i32
    %mul3A_24 = arith.muli %arg1, %mul3A_23 : i32
    %add3A_25 = arith.constant 250 : i32
    %add3A_26 = arith.addi %mul3A_24, %add3A_25 : i32
    "tpu.region"() ({
      %run_scoped3A_912 = tpu.sem_alloc : memref<!tpu.dma_semaphore, #tpu.memory_space<semaphore_mem>>
      %dma_start3A_913 = arith.constant 0 : i32
      %dma_start3A_914 = tpu.memref_slice %arg13[%add3A_26, %dma_start3A_913] : memref<10240x64xf32, #tpu.memory_space<vmem_shared>> -> memref<125x64xf32, #tpu.memory_space<vmem_shared>>
      %dma_start3A_915 = arith.constant 0 : i32
      %dma_start3A_916 = tpu.memref_slice %arg13[%add3A_26, %dma_start3A_915] : memref<10240x64xf32, #tpu.memory_space<vmem_shared>> -> memref<125x64xf32, #tpu.memory_space<vmem_shared>>
      tpu.enqueue_dma source(%arg9 : memref<125x64xf32, #tpu.memory_space<vmem>>) target(%dma_start3A_916 : memref<125x64xf32, #tpu.memory_space<vmem_shared>>) target_semaphore(%run_scoped3A_912 : memref<!tpu.dma_semaphore, #tpu.memory_space<semaphore_mem>>)
      %dma_wait3A_917 = arith.constant 0 : i32
      %dma_wait3A_918 = tpu.memref_slice %arg13[%add3A_26, %dma_wait3A_917] : memref<10240x64xf32, #tpu.memory_space<vmem_shared>> -> memref<125x64xf32, #tpu.memory_space<vmem_shared>>
      %dma_wait3A_919 = arith.constant 0 : i32
      %dma_wait3A_920 = tpu.memref_slice %arg13[%add3A_26, %dma_wait3A_919] : memref<10240x64xf32, #tpu.memory_space<vmem_shared>> -> memref<125x64xf32, #tpu.memory_space<vmem_shared>>
      tpu.wait_dma2 semaphore(%run_scoped3A_912 : memref<!tpu.dma_semaphore, #tpu.memory_space<semaphore_mem>>) src(%arg9 : memref<125x64xf32, #tpu.memory_space<vmem>>) dst(%dma_wait3A_920 : memref<125x64xf32, #tpu.memory_space<vmem_shared>>)
      tpu.yield
    }) : () -> ()
    %mul3A_27 = arith.constant 640 : i32
    %mul3A_28 = arith.muli %arg1, %mul3A_27 : i32
    %add3A_29 = arith.constant 375 : i32
    %add3A_30 = arith.addi %mul3A_28, %add3A_29 : i32
    "tpu.region"() ({
      %run_scoped3A_912 = tpu.sem_alloc : memref<!tpu.dma_semaphore, #tpu.memory_space<semaphore_mem>>
      %dma_start3A_913 = arith.constant 0 : i32
      %dma_start3A_914 = tpu.memref_slice %arg13[%add3A_30, %dma_start3A_913] : memref<10240x64xf32, #tpu.memory_space<vmem_shared>> -> memref<125x64xf32, #tpu.memory_space<vmem_shared>>
      %dma_start3A_915 = arith.constant 0 : i32
      %dma_start3A_916 = tpu.memref_slice %arg13[%add3A_30, %dma_start3A_915] : memref<10240x64xf32, #tpu.memory_space<vmem_shared>> -> memref<125x64xf32, #tpu.memory_space<vmem_shared>>
      tpu.enqueue_dma source(%arg9 : memref<125x64xf32, #tpu.memory_space<vmem>>) target(%dma_start3A_916 : memref<125x64xf32, #tpu.memory_space<vmem_shared>>) target_semaphore(%run_scoped3A_912 : memref<!tpu.dma_semaphore, #tpu.memory_space<semaphore_mem>>)
      %dma_wait3A_917 = arith.constant 0 : i32
      %dma_wait3A_918 = tpu.memref_slice %arg13[%add3A_30, %dma_wait3A_917] : memref<10240x64xf32, #tpu.memory_space<vmem_shared>> -> memref<125x64xf32, #tpu.memory_space<vmem_shared>>
      %dma_wait3A_919 = arith.constant 0 : i32
      %dma_wait3A_920 = tpu.memref_slice %arg13[%add3A_30, %dma_wait3A_919] : memref<10240x64xf32, #tpu.memory_space<vmem_shared>> -> memref<125x64xf32, #tpu.memory_space<vmem_shared>>
      tpu.wait_dma2 semaphore(%run_scoped3A_912 : memref<!tpu.dma_semaphore, #tpu.memory_space<semaphore_mem>>) src(%arg9 : memref<125x64xf32, #tpu.memory_space<vmem>>) dst(%dma_wait3A_920 : memref<125x64xf32, #tpu.memory_space<vmem_shared>>)
      tpu.yield
    }) : () -> ()
    %mul3A_31 = arith.constant 640 : i32
    %mul3A_32 = arith.muli %arg1, %mul3A_31 : i32
    %add3A_33 = arith.constant 500 : i32
    %add3A_34 = arith.addi %mul3A_32, %add3A_33 : i32
    "tpu.region"() ({
      %run_scoped3A_912 = tpu.sem_alloc : memref<!tpu.dma_semaphore, #tpu.memory_space<semaphore_mem>>
      %dma_start3A_913 = arith.constant 0 : i32
      %dma_start3A_914 = tpu.memref_slice %arg13[%add3A_34, %dma_start3A_913] : memref<10240x64xf32, #tpu.memory_space<vmem_shared>> -> memref<125x64xf32, #tpu.memory_space<vmem_shared>>
      %dma_start3A_915 = arith.constant 0 : i32
      %dma_start3A_916 = tpu.memref_slice %arg13[%add3A_34, %dma_start3A_915] : memref<10240x64xf32, #tpu.memory_space<vmem_shared>> -> memref<125x64xf32, #tpu.memory_space<vmem_shared>>
      tpu.enqueue_dma source(%arg9 : memref<125x64xf32, #tpu.memory_space<vmem>>) target(%dma_start3A_916 : memref<125x64xf32, #tpu.memory_space<vmem_shared>>) target_semaphore(%run_scoped3A_912 : memref<!tpu.dma_semaphore, #tpu.memory_space<semaphore_mem>>)
      %dma_wait3A_917 = arith.constant 0 : i32
      %dma_wait3A_918 = tpu.memref_slice %arg13[%add3A_34, %dma_wait3A_917] : memref<10240x64xf32, #tpu.memory_space<vmem_shared>> -> memref<125x64xf32, #tpu.memory_space<vmem_shared>>
      %dma_wait3A_919 = arith.constant 0 : i32
      %dma_wait3A_920 = tpu.memref_slice %arg13[%add3A_34, %dma_wait3A_919] : memref<10240x64xf32, #tpu.memory_space<vmem_shared>> -> memref<125x64xf32, #tpu.memory_space<vmem_shared>>
      tpu.wait_dma2 semaphore(%run_scoped3A_912 : memref<!tpu.dma_semaphore, #tpu.memory_space<semaphore_mem>>) src(%arg9 : memref<125x64xf32, #tpu.memory_space<vmem>>) dst(%dma_wait3A_920 : memref<125x64xf32, #tpu.memory_space<vmem_shared>>)
      tpu.yield
    }) : () -> ()
    %mul3A_35 = arith.constant 640 : i32
    %mul3A_36 = arith.muli %arg1, %mul3A_35 : i32
    %add3A_37 = arith.constant 515 : i32
    %add3A_38 = arith.addi %mul3A_36, %add3A_37 : i32
    "tpu.region"() ({
      %run_scoped3A_912 = tpu.sem_alloc : memref<!tpu.dma_semaphore, #tpu.memory_space<semaphore_mem>>
      %dma_start3A_913 = arith.constant 0 : i32
      %dma_start3A_914 = tpu.memref_slice %arg13[%add3A_38, %dma_start3A_913] : memref<10240x64xf32, #tpu.memory_space<vmem_shared>> -> memref<125x64xf32, #tpu.memory_space<vmem_shared>>
      %dma_start3A_915 = arith.constant 0 : i32
      %dma_start3A_916 = tpu.memref_slice %arg13[%add3A_38, %dma_start3A_915] : memref<10240x64xf32, #tpu.memory_space<vmem_shared>> -> memref<125x64xf32, #tpu.memory_space<vmem_shared>>
      tpu.enqueue_dma source(%arg9 : memref<125x64xf32, #tpu.memory_space<vmem>>) target(%dma_start3A_916 : memref<125x64xf32, #tpu.memory_space<vmem_shared>>) target_semaphore(%run_scoped3A_912 : memref<!tpu.dma_semaphore, #tpu.memory_space<semaphore_mem>>)
      %dma_wait3A_917 = arith.constant 0 : i32
      %dma_wait3A_918 = tpu.memref_slice %arg13[%add3A_38, %dma_wait3A_917] : memref<10240x64xf32, #tpu.memory_space<vmem_shared>> -> memref<125x64xf32, #tpu.memory_space<vmem_shared>>
      %dma_wait3A_919 = arith.constant 0 : i32
      %dma_wait3A_920 = tpu.memref_slice %arg13[%add3A_38, %dma_wait3A_919] : memref<10240x64xf32, #tpu.memory_space<vmem_shared>> -> memref<125x64xf32, #tpu.memory_space<vmem_shared>>
      tpu.wait_dma2 semaphore(%run_scoped3A_912 : memref<!tpu.dma_semaphore, #tpu.memory_space<semaphore_mem>>) src(%arg9 : memref<125x64xf32, #tpu.memory_space<vmem>>) dst(%dma_wait3A_920 : memref<125x64xf32, #tpu.memory_space<vmem_shared>>)
      tpu.yield
    }) : () -> ()
    %broadcast_in_dim3A_39 = arith.constant 1.000000e+00 : f32
    %broadcast_in_dim3A_40 = vector.broadcast %broadcast_in_dim3A_39 : f32 to vector<16xf32>
    %scan3A_41 = arith.constant 0 : i32
    %scan3A_42 = arith.constant 0 : i32
    %scan3A_43 = arith.constant 128 : i32
    %scan3A_44 = arith.addi %scan3A_42, %scan3A_43 : i32
    %scan3A_45 = arith.constant 1 : i32
    scf.for %scan3A_912 = %scan3A_42 to %scan3A_44 step %scan3A_45  : i32 {
      %swap3A_913 = arith.index_cast %scan3A_912 : i32 to index
      %swap3A_914 = arith.constant 0 : index
      %swap3A_915 = tpu.vector_load %arg20[%swap3A_913, %swap3A_914] {strides = array<i32>} : memref<128x16xf32, #tpu.memory_space<vmem>>, vector<1x16xf32>,
      %swap3A_916 = vector.shape_cast %swap3A_915 : vector<1x16xf32> to vector<16xf32>
      %swap3A_917 = vector.shape_cast %broadcast_in_dim3A_10 : vector<16xf32> to vector<1x16xf32>
      tpu.vector_store %arg20[%swap3A_913, %swap3A_914], %swap3A_917 {strides = array<i32>} : memref<128x16xf32, #tpu.memory_space<vmem>>, vector<1x16xf32>,
    }
    %scan3A_46 = arith.constant 128 : i32
    %mul3A_47 = arith.constant 640 : i32
    %mul3A_48 = arith.muli %arg1, %mul3A_47 : i32
    %add3A_49 = arith.constant 0 : i32
    %add3A_50 = arith.addi %mul3A_48, %add3A_49 : i32
    "tpu.region"() ({
      %run_scoped3A_912 = tpu.sem_alloc : memref<!tpu.dma_semaphore, #tpu.memory_space<semaphore_mem>>
      %dma_start3A_913 = arith.constant 0 : i32
      %dma_start3A_914 = tpu.memref_slice %arg21[%add3A_50, %dma_start3A_913] : memref<10240x16xf32, #tpu.memory_space<vmem_shared>> -> memref<128x16xf32, #tpu.memory_space<vmem_shared>>
      %dma_start3A_915 = arith.constant 0 : i32
      %dma_start3A_916 = tpu.memref_slice %arg21[%add3A_50, %dma_start3A_915] : memref<10240x16xf32, #tpu.memory_space<vmem_shared>> -> memref<128x16xf32, #tpu.memory_space<vmem_shared>>
      tpu.enqueue_dma source(%arg20 : memref<128x16xf32, #tpu.memory_space<vmem>>) target(%dma_start3A_916 : memref<128x16xf32, #tpu.memory_space<vmem_shared>>) target_semaphore(%run_scoped3A_912 : memref<!tpu.dma_semaphore, #tpu.memory_space<semaphore_mem>>)
      %dma_wait3A_917 = arith.constant 0 : i32
      %dma_wait3A_918 = tpu.memref_slice %arg21[%add3A_50, %dma_wait3A_917] : memref<10240x16xf32, #tpu.memory_space<vmem_shared>> -> memref<128x16xf32, #tpu.memory_space<vmem_shared>>
      %dma_wait3A_919 = arith.constant 0 : i32
      %dma_wait3A_920 = tpu.memref_slice %arg21[%add3A_50, %dma_wait3A_919] : memref<10240x16xf32, #tpu.memory_space<vmem_shared>> -> memref<128x16xf32, #tpu.memory_space<vmem_shared>>
      tpu.wait_dma2 semaphore(%run_scoped3A_912 : memref<!tpu.dma_semaphore, #tpu.memory_space<semaphore_mem>>) src(%arg20 : memref<128x16xf32, #tpu.memory_space<vmem>>) dst(%dma_wait3A_920 : memref<128x16xf32, #tpu.memory_space<vmem_shared>>)
      tpu.yield
    }) : () -> ()
    %mul3A_51 = arith.constant 640 : i32
    %mul3A_52 = arith.muli %arg1, %mul3A_51 : i32
    %add3A_53 = arith.constant 128 : i32
    %add3A_54 = arith.addi %mul3A_52, %add3A_53 : i32
    "tpu.region"() ({
      %run_scoped3A_912 = tpu.sem_alloc : memref<!tpu.dma_semaphore, #tpu.memory_space<semaphore_mem>>
      %dma_start3A_913 = arith.constant 0 : i32
      %dma_start3A_914 = tpu.memref_slice %arg21[%add3A_54, %dma_start3A_913] : memref<10240x16xf32, #tpu.memory_space<vmem_shared>> -> memref<128x16xf32, #tpu.memory_space<vmem_shared>>
      %dma_start3A_915 = arith.constant 0 : i32
      %dma_start3A_916 = tpu.memref_slice %arg21[%add3A_54, %dma_start3A_915] : memref<10240x16xf32, #tpu.memory_space<vmem_shared>> -> memref<128x16xf32, #tpu.memory_space<vmem_shared>>
      tpu.enqueue_dma source(%arg20 : memref<128x16xf32, #tpu.memory_space<vmem>>) target(%dma_start3A_916 : memref<128x16xf32, #tpu.memory_space<vmem_shared>>) target_semaphore(%run_scoped3A_912 : memref<!tpu.dma_semaphore, #tpu.memory_space<semaphore_mem>>)
      %dma_wait3A_917 = arith.constant 0 : i32
      %dma_wait3A_918 = tpu.memref_slice %arg21[%add3A_54, %dma_wait3A_917] : memref<10240x16xf32, #tpu.memory_space<vmem_shared>> -> memref<128x16xf32, #tpu.memory_space<vmem_shared>>
      %dma_wait3A_919 = arith.constant 0 : i32
      %dma_wait3A_920 = tpu.memref_slice %arg21[%add3A_54, %dma_wait3A_919] : memref<10240x16xf32, #tpu.memory_space<vmem_shared>> -> memref<128x16xf32, #tpu.memory_space<vmem_shared>>
      tpu.wait_dma2 semaphore(%run_scoped3A_912 : memref<!tpu.dma_semaphore, #tpu.memory_space<semaphore_mem>>) src(%arg20 : memref<128x16xf32, #tpu.memory_space<vmem>>) dst(%dma_wait3A_920 : memref<128x16xf32, #tpu.memory_space<vmem_shared>>)
      tpu.yield
    }) : () -> ()
    %mul3A_55 = arith.constant 640 : i32
    %mul3A_56 = arith.muli %arg1, %mul3A_55 : i32
    %add3A_57 = arith.constant 256 : i32
    %add3A_58 = arith.addi %mul3A_56, %add3A_57 : i32
    "tpu.region"() ({
      %run_scoped3A_912 = tpu.sem_alloc : memref<!tpu.dma_semaphore, #tpu.memory_space<semaphore_mem>>
      %dma_start3A_913 = arith.constant 0 : i32
      %dma_start3A_914 = tpu.memref_slice %arg21[%add3A_58, %dma_start3A_913] : memref<10240x16xf32, #tpu.memory_space<vmem_shared>> -> memref<128x16xf32, #tpu.memory_space<vmem_shared>>
      %dma_start3A_915 = arith.constant 0 : i32
      %dma_start3A_916 = tpu.memref_slice %arg21[%add3A_58, %dma_start3A_915] : memref<10240x16xf32, #tpu.memory_space<vmem_shared>> -> memref<128x16xf32, #tpu.memory_space<vmem_shared>>
      tpu.enqueue_dma source(%arg20 : memref<128x16xf32, #tpu.memory_space<vmem>>) target(%dma_start3A_916 : memref<128x16xf32, #tpu.memory_space<vmem_shared>>) target_semaphore(%run_scoped3A_912 : memref<!tpu.dma_semaphore, #tpu.memory_space<semaphore_mem>>)
      %dma_wait3A_917 = arith.constant 0 : i32
      %dma_wait3A_918 = tpu.memref_slice %arg21[%add3A_58, %dma_wait3A_917] : memref<10240x16xf32, #tpu.memory_space<vmem_shared>> -> memref<128x16xf32, #tpu.memory_space<vmem_shared>>
      %dma_wait3A_919 = arith.constant 0 : i32
      %dma_wait3A_920 = tpu.memref_slice %arg21[%add3A_58, %dma_wait3A_919] : memref<10240x16xf32, #tpu.memory_space<vmem_shared>> -> memref<128x16xf32, #tpu.memory_space<vmem_shared>>
      tpu.wait_dma2 semaphore(%run_scoped3A_912 : memref<!tpu.dma_semaphore, #tpu.memory_space<semaphore_mem>>) src(%arg20 : memref<128x16xf32, #tpu.memory_space<vmem>>) dst(%dma_wait3A_920 : memref<128x16xf32, #tpu.memory_space<vmem_shared>>)
      tpu.yield
    }) : () -> ()
    %mul3A_59 = arith.constant 640 : i32
    %mul3A_60 = arith.muli %arg1, %mul3A_59 : i32
    %add3A_61 = arith.constant 384 : i32
    %add3A_62 = arith.addi %mul3A_60, %add3A_61 : i32
    "tpu.region"() ({
      %run_scoped3A_912 = tpu.sem_alloc : memref<!tpu.dma_semaphore, #tpu.memory_space<semaphore_mem>>
      %dma_start3A_913 = arith.constant 0 : i32
      %dma_start3A_914 = tpu.memref_slice %arg21[%add3A_62, %dma_start3A_913] : memref<10240x16xf32, #tpu.memory_space<vmem_shared>> -> memref<128x16xf32, #tpu.memory_space<vmem_shared>>
      %dma_start3A_915 = arith.constant 0 : i32
      %dma_start3A_916 = tpu.memref_slice %arg21[%add3A_62, %dma_start3A_915] : memref<10240x16xf32, #tpu.memory_space<vmem_shared>> -> memref<128x16xf32, #tpu.memory_space<vmem_shared>>
      tpu.enqueue_dma source(%arg20 : memref<128x16xf32, #tpu.memory_space<vmem>>) target(%dma_start3A_916 : memref<128x16xf32, #tpu.memory_space<vmem_shared>>) target_semaphore(%run_scoped3A_912 : memref<!tpu.dma_semaphore, #tpu.memory_space<semaphore_mem>>)
      %dma_wait3A_917 = arith.constant 0 : i32
      %dma_wait3A_918 = tpu.memref_slice %arg21[%add3A_62, %dma_wait3A_917] : memref<10240x16xf32, #tpu.memory_space<vmem_shared>> -> memref<128x16xf32, #tpu.memory_space<vmem_shared>>
      %dma_wait3A_919 = arith.constant 0 : i32
      %dma_wait3A_920 = tpu.memref_slice %arg21[%add3A_62, %dma_wait3A_919] : memref<10240x16xf32, #tpu.memory_space<vmem_shared>> -> memref<128x16xf32, #tpu.memory_space<vmem_shared>>
      tpu.wait_dma2 semaphore(%run_scoped3A_912 : memref<!tpu.dma_semaphore, #tpu.memory_space<semaphore_mem>>) src(%arg20 : memref<128x16xf32, #tpu.memory_space<vmem>>) dst(%dma_wait3A_920 : memref<128x16xf32, #tpu.memory_space<vmem_shared>>)
      tpu.yield
    }) : () -> ()
    %mul3A_63 = arith.constant 640 : i32
    %mul3A_64 = arith.muli %arg1, %mul3A_63 : i32
    %add3A_65 = arith.constant 512 : i32
    %add3A_66 = arith.addi %mul3A_64, %add3A_65 : i32
    "tpu.region"() ({
      %run_scoped3A_912 = tpu.sem_alloc : memref<!tpu.dma_semaphore, #tpu.memory_space<semaphore_mem>>
      %dma_start3A_913 = arith.constant 0 : i32
      %dma_start3A_914 = tpu.memref_slice %arg21[%add3A_66, %dma_start3A_913] : memref<10240x16xf32, #tpu.memory_space<vmem_shared>> -> memref<128x16xf32, #tpu.memory_space<vmem_shared>>
      %dma_start3A_915 = arith.constant 0 : i32
      %dma_start3A_916 = tpu.memref_slice %arg21[%add3A_66, %dma_start3A_915] : memref<10240x16xf32, #tpu.memory_space<vmem_shared>> -> memref<128x16xf32, #tpu.memory_space<vmem_shared>>
      tpu.enqueue_dma source(%arg20 : memref<128x16xf32, #tpu.memory_space<vmem>>) target(%dma_start3A_916 : memref<128x16xf32, #tpu.memory_space<vmem_shared>>) target_semaphore(%run_scoped3A_912 : memref<!tpu.dma_semaphore, #tpu.memory_space<semaphore_mem>>)
      %dma_wait3A_917 = arith.constant 0 : i32
      %dma_wait3A_918 = tpu.memref_slice %arg21[%add3A_66, %dma_wait3A_917] : memref<10240x16xf32, #tpu.memory_space<vmem_shared>> -> memref<128x16xf32, #tpu.memory_space<vmem_shared>>
      %dma_wait3A_919 = arith.constant 0 : i32
      %dma_wait3A_920 = tpu.memref_slice %arg21[%add3A_66, %dma_wait3A_919] : memref<10240x16xf32, #tpu.memory_space<vmem_shared>> -> memref<128x16xf32, #tpu.memory_space<vmem_shared>>
      tpu.wait_dma2 semaphore(%run_scoped3A_912 : memref<!tpu.dma_semaphore, #tpu.memory_space<semaphore_mem>>) src(%arg20 : memref<128x16xf32, #tpu.memory_space<vmem>>) dst(%dma_wait3A_920 : memref<128x16xf32, #tpu.memory_space<vmem_shared>>)
      tpu.yield
    }) : () -> ()
    %swap3A = arith.constant 0 : i32
    %swap3A_67 = arith.index_cast %swap3A : i32 to index
    %swap3A_68 = arith.constant 0 : index
    %swap3A_69 = tpu.vector_load %arg19[%swap3A_67, %swap3A_68] {strides = array<i32>} : memref<125x16xf32, #tpu.memory_space<vmem>>, vector<1x16xf32>,
    %swap3A_70 = vector.shape_cast %swap3A_69 : vector<1x16xf32> to vector<16xf32>
    %swap3A_71 = vector.shape_cast %broadcast_in_dim3A_40 : vector<16xf32> to vector<1x16xf32>
    tpu.vector_store %arg19[%swap3A_67, %swap3A_68], %swap3A_71 {strides = array<i32>} : memref<125x16xf32, #tpu.memory_space<vmem>>, vector<1x16xf32>,
    %swap3A_72 = arith.constant 1 : i32
    %swap3A_73 = arith.index_cast %swap3A_72 : i32 to index
    %swap3A_74 = arith.constant 0 : index
    %swap3A_75 = tpu.vector_load %arg19[%swap3A_73, %swap3A_74] {strides = array<i32>} : memref<125x16xf32, #tpu.memory_space<vmem>>, vector<1x16xf32>,
    %swap3A_76 = vector.shape_cast %swap3A_75 : vector<1x16xf32> to vector<16xf32>
    %swap3A_77 = vector.shape_cast %broadcast_in_dim3A_40 : vector<16xf32> to vector<1x16xf32>
    tpu.vector_store %arg19[%swap3A_73, %swap3A_74], %swap3A_77 {strides = array<i32>} : memref<125x16xf32, #tpu.memory_space<vmem>>, vector<1x16xf32>,
    %swap3A_78 = arith.constant 2 : i32
    %swap3A_79 = arith.index_cast %swap3A_78 : i32 to index
    %swap3A_80 = arith.constant 0 : index
    %swap3A_81 = tpu.vector_load %arg19[%swap3A_79, %swap3A_80] {strides = array<i32>} : memref<125x16xf32, #tpu.memory_space<vmem>>, vector<1x16xf32>,
    %swap3A_82 = vector.shape_cast %swap3A_81 : vector<1x16xf32> to vector<16xf32>
    %swap3A_83 = vector.shape_cast %broadcast_in_dim3A_40 : vector<16xf32> to vector<1x16xf32>
    tpu.vector_store %arg19[%swap3A_79, %swap3A_80], %swap3A_83 {strides = array<i32>} : memref<125x16xf32, #tpu.memory_space<vmem>>, vector<1x16xf32>,
    %swap3A_84 = arith.constant 3 : i32
    %swap3A_85 = arith.index_cast %swap3A_84 : i32 to index
    %swap3A_86 = arith.constant 0 : index
    %swap3A_87 = tpu.vector_load %arg19[%swap3A_85, %swap3A_86] {strides = array<i32>} : memref<125x16xf32, #tpu.memory_space<vmem>>, vector<1x16xf32>,
    %swap3A_88 = vector.shape_cast %swap3A_87 : vector<1x16xf32> to vector<16xf32>
    %swap3A_89 = vector.shape_cast %broadcast_in_dim3A_40 : vector<16xf32> to vector<1x16xf32>
    tpu.vector_store %arg19[%swap3A_85, %swap3A_86], %swap3A_89 {strides = array<i32>} : memref<125x16xf32, #tpu.memory_space<vmem>>, vector<1x16xf32>,
    %swap3A_90 = arith.constant 4 : i32
    %swap3A_91 = arith.index_cast %swap3A_90 : i32 to index
    %swap3A_92 = arith.constant 0 : index
    %swap3A_93 = tpu.vector_load %arg19[%swap3A_91, %swap3A_92] {strides = array<i32>} : memref<125x16xf32, #tpu.memory_space<vmem>>, vector<1x16xf32>,
    %swap3A_94 = vector.shape_cast %swap3A_93 : vector<1x16xf32> to vector<16xf32>
    %swap3A_95 = vector.shape_cast %broadcast_in_dim3A_40 : vector<16xf32> to vector<1x16xf32>
    tpu.vector_store %arg19[%swap3A_91, %swap3A_92], %swap3A_95 {strides = array<i32>} : memref<125x16xf32, #tpu.memory_space<vmem>>, vector<1x16xf32>,
    %swap3A_96 = arith.constant 5 : i32
    %swap3A_97 = arith.index_cast %swap3A_96 : i32 to index
    %swap3A_98 = arith.constant 0 : index
    %swap3A_99 = tpu.vector_load %arg19[%swap3A_97, %swap3A_98] {strides = array<i32>} : memref<125x16xf32, #tpu.memory_space<vmem>>, vector<1x16xf32>,
    %swap3A_100 = vector.shape_cast %swap3A_99 : vector<1x16xf32> to vector<16xf32>
    %swap3A_101 = vector.shape_cast %broadcast_in_dim3A_40 : vector<16xf32> to vector<1x16xf32>
    tpu.vector_store %arg19[%swap3A_97, %swap3A_98], %swap3A_101 {strides = array<i32>} : memref<125x16xf32, #tpu.memory_space<vmem>>, vector<1x16xf32>,
    %swap3A_102 = arith.constant 6 : i32
    %swap3A_103 = arith.index_cast %swap3A_102 : i32 to index
    %swap3A_104 = arith.constant 0 : index
    %swap3A_105 = tpu.vector_load %arg19[%swap3A_103, %swap3A_104] {strides = array<i32>} : memref<125x16xf32, #tpu.memory_space<vmem>>, vector<1x16xf32>,
    %swap3A_106 = vector.shape_cast %swap3A_105 : vector<1x16xf32> to vector<16xf32>
    %swap3A_107 = vector.shape_cast %broadcast_in_dim3A_40 : vector<16xf32> to vector<1x16xf32>
    tpu.vector_store %arg19[%swap3A_103, %swap3A_104], %swap3A_107 {strides = array<i32>} : memref<125x16xf32, #tpu.memory_space<vmem>>, vector<1x16xf32>,
    %swap3A_108 = arith.constant 7 : i32
    %swap3A_109 = arith.index_cast %swap3A_108 : i32 to index
    %swap3A_110 = arith.constant 0 : index
    %swap3A_111 = tpu.vector_load %arg19[%swap3A_109, %swap3A_110] {strides = array<i32>} : memref<125x16xf32, #tpu.memory_space<vmem>>, vector<1x16xf32>,
    %swap3A_112 = vector.shape_cast %swap3A_111 : vector<1x16xf32> to vector<16xf32>
    %swap3A_113 = vector.shape_cast %broadcast_in_dim3A_40 : vector<16xf32> to vector<1x16xf32>
    tpu.vector_store %arg19[%swap3A_109, %swap3A_110], %swap3A_113 {strides = array<i32>} : memref<125x16xf32, #tpu.memory_space<vmem>>, vector<1x16xf32>,
    %swap3A_114 = arith.constant 8 : i32
    %swap3A_115 = arith.index_cast %swap3A_114 : i32 to index
    %swap3A_116 = arith.constant 0 : index
    %swap3A_117 = tpu.vector_load %arg19[%swap3A_115, %swap3A_116] {strides = array<i32>} : memref<125x16xf32, #tpu.memory_space<vmem>>, vector<1x16xf32>,
    %swap3A_118 = vector.shape_cast %swap3A_117 : vector<1x16xf32> to vector<16xf32>
    %swap3A_119 = vector.shape_cast %broadcast_in_dim3A_40 : vector<16xf32> to vector<1x16xf32>
    tpu.vector_store %arg19[%swap3A_115, %swap3A_116], %swap3A_119 {strides = array<i32>} : memref<125x16xf32, #tpu.memory_space<vmem>>, vector<1x16xf32>,
    %swap3A_120 = arith.constant 9 : i32
    %swap3A_121 = arith.index_cast %swap3A_120 : i32 to index
    %swap3A_122 = arith.constant 0 : index
    %swap3A_123 = tpu.vector_load %arg19[%swap3A_121, %swap3A_122] {strides = array<i32>} : memref<125x16xf32, #tpu.memory_space<vmem>>, vector<1x16xf32>,
    %swap3A_124 = vector.shape_cast %swap3A_123 : vector<1x16xf32> to vector<16xf32>
    %swap3A_125 = vector.shape_cast %broadcast_in_dim3A_40 : vector<16xf32> to vector<1x16xf32>
    tpu.vector_store %arg19[%swap3A_121, %swap3A_122], %swap3A_125 {strides = array<i32>} : memref<125x16xf32, #tpu.memory_space<vmem>>, vector<1x16xf32>,
    %swap3A_126 = arith.constant 10 : i32
    %swap3A_127 = arith.index_cast %swap3A_126 : i32 to index
    %swap3A_128 = arith.constant 0 : index
    %swap3A_129 = tpu.vector_load %arg19[%swap3A_127, %swap3A_128] {strides = array<i32>} : memref<125x16xf32, #tpu.memory_space<vmem>>, vector<1x16xf32>,
    %swap3A_130 = vector.shape_cast %swap3A_129 : vector<1x16xf32> to vector<16xf32>
    %swap3A_131 = vector.shape_cast %broadcast_in_dim3A_40 : vector<16xf32> to vector<1x16xf32>
    tpu.vector_store %arg19[%swap3A_127, %swap3A_128], %swap3A_131 {strides = array<i32>} : memref<125x16xf32, #tpu.memory_space<vmem>>, vector<1x16xf32>,
    %swap3A_132 = arith.constant 11 : i32
    %swap3A_133 = arith.index_cast %swap3A_132 : i32 to index
    %swap3A_134 = arith.constant 0 : index
    %swap3A_135 = tpu.vector_load %arg19[%swap3A_133, %swap3A_134] {strides = array<i32>} : memref<125x16xf32, #tpu.memory_space<vmem>>, vector<1x16xf32>,
    %swap3A_136 = vector.shape_cast %swap3A_135 : vector<1x16xf32> to vector<16xf32>
    %swap3A_137 = vector.shape_cast %broadcast_in_dim3A_40 : vector<16xf32> to vector<1x16xf32>
    tpu.vector_store %arg19[%swap3A_133, %swap3A_134], %swap3A_137 {strides = array<i32>} : memref<125x16xf32, #tpu.memory_space<vmem>>, vector<1x16xf32>,
    %swap3A_138 = arith.constant 12 : i32
    %swap3A_139 = arith.index_cast %swap3A_138 : i32 to index
    %swap3A_140 = arith.constant 0 : index
    %swap3A_141 = tpu.vector_load %arg19[%swap3A_139, %swap3A_140] {strides = array<i32>} : memref<125x16xf32, #tpu.memory_space<vmem>>, vector<1x16xf32>,
    %swap3A_142 = vector.shape_cast %swap3A_141 : vector<1x16xf32> to vector<16xf32>
    %swap3A_143 = vector.shape_cast %broadcast_in_dim3A_40 : vector<16xf32> to vector<1x16xf32>
    tpu.vector_store %arg19[%swap3A_139, %swap3A_140], %swap3A_143 {strides = array<i32>} : memref<125x16xf32, #tpu.memory_space<vmem>>, vector<1x16xf32>,
    %swap3A_144 = arith.constant 13 : i32
    %swap3A_145 = arith.index_cast %swap3A_144 : i32 to index
    %swap3A_146 = arith.constant 0 : index
    %swap3A_147 = tpu.vector_load %arg19[%swap3A_145, %swap3A_146] {strides = array<i32>} : memref<125x16xf32, #tpu.memory_space<vmem>>, vector<1x16xf32>,
    %swap3A_148 = vector.shape_cast %swap3A_147 : vector<1x16xf32> to vector<16xf32>
    %swap3A_149 = vector.shape_cast %broadcast_in_dim3A_40 : vector<16xf32> to vector<1x16xf32>
    tpu.vector_store %arg19[%swap3A_145, %swap3A_146], %swap3A_149 {strides = array<i32>} : memref<125x16xf32, #tpu.memory_space<vmem>>, vector<1x16xf32>,
    %swap3A_150 = arith.constant 14 : i32
    %swap3A_151 = arith.index_cast %swap3A_150 : i32 to index
    %swap3A_152 = arith.constant 0 : index
    %swap3A_153 = tpu.vector_load %arg19[%swap3A_151, %swap3A_152] {strides = array<i32>} : memref<125x16xf32, #tpu.memory_space<vmem>>, vector<1x16xf32>,
    %swap3A_154 = vector.shape_cast %swap3A_153 : vector<1x16xf32> to vector<16xf32>
    %swap3A_155 = vector.shape_cast %broadcast_in_dim3A_40 : vector<16xf32> to vector<1x16xf32>
    tpu.vector_store %arg19[%swap3A_151, %swap3A_152], %swap3A_155 {strides = array<i32>} : memref<125x16xf32, #tpu.memory_space<vmem>>, vector<1x16xf32>,
    %swap3A_156 = arith.constant 15 : i32
    %swap3A_157 = arith.index_cast %swap3A_156 : i32 to index
    %swap3A_158 = arith.constant 0 : index
    %swap3A_159 = tpu.vector_load %arg19[%swap3A_157, %swap3A_158] {strides = array<i32>} : memref<125x16xf32, #tpu.memory_space<vmem>>, vector<1x16xf32>,
    %swap3A_160 = vector.shape_cast %swap3A_159 : vector<1x16xf32> to vector<16xf32>
    %swap3A_161 = vector.shape_cast %broadcast_in_dim3A_40 : vector<16xf32> to vector<1x16xf32>
    tpu.vector_store %arg19[%swap3A_157, %swap3A_158], %swap3A_161 {strides = array<i32>} : memref<125x16xf32, #tpu.memory_space<vmem>>, vector<1x16xf32>,
    %swap3A_162 = arith.constant 16 : i32
    %swap3A_163 = arith.index_cast %swap3A_162 : i32 to index
    %swap3A_164 = arith.constant 0 : index
    %swap3A_165 = tpu.vector_load %arg19[%swap3A_163, %swap3A_164] {strides = array<i32>} : memref<125x16xf32, #tpu.memory_space<vmem>>, vector<1x16xf32>,
    %swap3A_166 = vector.shape_cast %swap3A_165 : vector<1x16xf32> to vector<16xf32>
    %swap3A_167 = vector.shape_cast %broadcast_in_dim3A_40 : vector<16xf32> to vector<1x16xf32>
    tpu.vector_store %arg19[%swap3A_163, %swap3A_164], %swap3A_167 {strides = array<i32>} : memref<125x16xf32, #tpu.memory_space<vmem>>, vector<1x16xf32>,
    %swap3A_168 = arith.constant 17 : i32
    %swap3A_169 = arith.index_cast %swap3A_168 : i32 to index
    %swap3A_170 = arith.constant 0 : index
    %swap3A_171 = tpu.vector_load %arg19[%swap3A_169, %swap3A_170] {strides = array<i32>} : memref<125x16xf32, #tpu.memory_space<vmem>>, vector<1x16xf32>,
    %swap3A_172 = vector.shape_cast %swap3A_171 : vector<1x16xf32> to vector<16xf32>
    %swap3A_173 = vector.shape_cast %broadcast_in_dim3A_40 : vector<16xf32> to vector<1x16xf32>
    tpu.vector_store %arg19[%swap3A_169, %swap3A_170], %swap3A_173 {strides = array<i32>} : memref<125x16xf32, #tpu.memory_space<vmem>>, vector<1x16xf32>,
    %swap3A_174 = arith.constant 18 : i32
    %swap3A_175 = arith.index_cast %swap3A_174 : i32 to index
    %swap3A_176 = arith.constant 0 : index
    %swap3A_177 = tpu.vector_load %arg19[%swap3A_175, %swap3A_176] {strides = array<i32>} : memref<125x16xf32, #tpu.memory_space<vmem>>, vector<1x16xf32>,
    %swap3A_178 = vector.shape_cast %swap3A_177 : vector<1x16xf32> to vector<16xf32>
    %swap3A_179 = vector.shape_cast %broadcast_in_dim3A_40 : vector<16xf32> to vector<1x16xf32>
    tpu.vector_store %arg19[%swap3A_175, %swap3A_176], %swap3A_179 {strides = array<i32>} : memref<125x16xf32, #tpu.memory_space<vmem>>, vector<1x16xf32>,
    %swap3A_180 = arith.constant 19 : i32
    %swap3A_181 = arith.index_cast %swap3A_180 : i32 to index
    %swap3A_182 = arith.constant 0 : index
    %swap3A_183 = tpu.vector_load %arg19[%swap3A_181, %swap3A_182] {strides = array<i32>} : memref<125x16xf32, #tpu.memory_space<vmem>>, vector<1x16xf32>,
    %swap3A_184 = vector.shape_cast %swap3A_183 : vector<1x16xf32> to vector<16xf32>
    %swap3A_185 = vector.shape_cast %broadcast_in_dim3A_40 : vector<16xf32> to vector<1x16xf32>
    tpu.vector_store %arg19[%swap3A_181, %swap3A_182], %swap3A_185 {strides = array<i32>} : memref<125x16xf32, #tpu.memory_space<vmem>>, vector<1x16xf32>,
    %swap3A_186 = arith.constant 20 : i32
    %swap3A_187 = arith.index_cast %swap3A_186 : i32 to index
    %swap3A_188 = arith.constant 0 : index
    %swap3A_189 = tpu.vector_load %arg19[%swap3A_187, %swap3A_188] {strides = array<i32>} : memref<125x16xf32, #tpu.memory_space<vmem>>, vector<1x16xf32>,
    %swap3A_190 = vector.shape_cast %swap3A_189 : vector<1x16xf32> to vector<16xf32>
    %swap3A_191 = vector.shape_cast %broadcast_in_dim3A_40 : vector<16xf32> to vector<1x16xf32>
    tpu.vector_store %arg19[%swap3A_187, %swap3A_188], %swap3A_191 {strides = array<i32>} : memref<125x16xf32, #tpu.memory_space<vmem>>, vector<1x16xf32>,
    %swap3A_192 = arith.constant 21 : i32
    %swap3A_193 = arith.index_cast %swap3A_192 : i32 to index
    %swap3A_194 = arith.constant 0 : index
    %swap3A_195 = tpu.vector_load %arg19[%swap3A_193, %swap3A_194] {strides = array<i32>} : memref<125x16xf32, #tpu.memory_space<vmem>>, vector<1x16xf32>,
    %swap3A_196 = vector.shape_cast %swap3A_195 : vector<1x16xf32> to vector<16xf32>
    %swap3A_197 = vector.shape_cast %broadcast_in_dim3A_40 : vector<16xf32> to vector<1x16xf32>
    tpu.vector_store %arg19[%swap3A_193, %swap3A_194], %swap3A_197 {strides = array<i32>} : memref<125x16xf32, #tpu.memory_space<vmem>>, vector<1x16xf32>,
    %swap3A_198 = arith.constant 22 : i32
    %swap3A_199 = arith.index_cast %swap3A_198 : i32 to index
    %swap3A_200 = arith.constant 0 : index
    %swap3A_201 = tpu.vector_load %arg19[%swap3A_199, %swap3A_200] {strides = array<i32>} : memref<125x16xf32, #tpu.memory_space<vmem>>, vector<1x16xf32>,
    %swap3A_202 = vector.shape_cast %swap3A_201 : vector<1x16xf32> to vector<16xf32>
    %swap3A_203 = vector.shape_cast %broadcast_in_dim3A_40 : vector<16xf32> to vector<1x16xf32>
    tpu.vector_store %arg19[%swap3A_199, %swap3A_200], %swap3A_203 {strides = array<i32>} : memref<125x16xf32, #tpu.memory_space<vmem>>, vector<1x16xf32>,
    %swap3A_204 = arith.constant 23 : i32
    %swap3A_205 = arith.index_cast %swap3A_204 : i32 to index
    %swap3A_206 = arith.constant 0 : index
    %swap3A_207 = tpu.vector_load %arg19[%swap3A_205, %swap3A_206] {strides = array<i32>} : memref<125x16xf32, #tpu.memory_space<vmem>>, vector<1x16xf32>,
    %swap3A_208 = vector.shape_cast %swap3A_207 : vector<1x16xf32> to vector<16xf32>
    %swap3A_209 = vector.shape_cast %broadcast_in_dim3A_40 : vector<16xf32> to vector<1x16xf32>
    tpu.vector_store %arg19[%swap3A_205, %swap3A_206], %swap3A_209 {strides = array<i32>} : memref<125x16xf32, #tpu.memory_space<vmem>>, vector<1x16xf32>,
    %swap3A_210 = arith.constant 24 : i32
    %swap3A_211 = arith.index_cast %swap3A_210 : i32 to index
    %swap3A_212 = arith.constant 0 : index
    %swap3A_213 = tpu.vector_load %arg19[%swap3A_211, %swap3A_212] {strides = array<i32>} : memref<125x16xf32, #tpu.memory_space<vmem>>, vector<1x16xf32>,
    %swap3A_214 = vector.shape_cast %swap3A_213 : vector<1x16xf32> to vector<16xf32>
    %swap3A_215 = vector.shape_cast %broadcast_in_dim3A_40 : vector<16xf32> to vector<1x16xf32>
    tpu.vector_store %arg19[%swap3A_211, %swap3A_212], %swap3A_215 {strides = array<i32>} : memref<125x16xf32, #tpu.memory_space<vmem>>, vector<1x16xf32>,
    %swap3A_216 = arith.constant 25 : i32
    %swap3A_217 = arith.index_cast %swap3A_216 : i32 to index
    %swap3A_218 = arith.constant 0 : index
    %swap3A_219 = tpu.vector_load %arg19[%swap3A_217, %swap3A_218] {strides = array<i32>} : memref<125x16xf32, #tpu.memory_space<vmem>>, vector<1x16xf32>,
    %swap3A_220 = vector.shape_cast %swap3A_219 : vector<1x16xf32> to vector<16xf32>
    %swap3A_221 = vector.shape_cast %broadcast_in_dim3A_40 : vector<16xf32> to vector<1x16xf32>
    tpu.vector_store %arg19[%swap3A_217, %swap3A_218], %swap3A_221 {strides = array<i32>} : memref<125x16xf32, #tpu.memory_space<vmem>>, vector<1x16xf32>,
    %swap3A_222 = arith.constant 26 : i32
    %swap3A_223 = arith.index_cast %swap3A_222 : i32 to index
    %swap3A_224 = arith.constant 0 : index
    %swap3A_225 = tpu.vector_load %arg19[%swap3A_223, %swap3A_224] {strides = array<i32>} : memref<125x16xf32, #tpu.memory_space<vmem>>, vector<1x16xf32>,
    %swap3A_226 = vector.shape_cast %swap3A_225 : vector<1x16xf32> to vector<16xf32>
    %swap3A_227 = vector.shape_cast %broadcast_in_dim3A_40 : vector<16xf32> to vector<1x16xf32>
    tpu.vector_store %arg19[%swap3A_223, %swap3A_224], %swap3A_227 {strides = array<i32>} : memref<125x16xf32, #tpu.memory_space<vmem>>, vector<1x16xf32>,
    %swap3A_228 = arith.constant 27 : i32
    %swap3A_229 = arith.index_cast %swap3A_228 : i32 to index
    %swap3A_230 = arith.constant 0 : index
    %swap3A_231 = tpu.vector_load %arg19[%swap3A_229, %swap3A_230] {strides = array<i32>} : memref<125x16xf32, #tpu.memory_space<vmem>>, vector<1x16xf32>,
    %swap3A_232 = vector.shape_cast %swap3A_231 : vector<1x16xf32> to vector<16xf32>
    %swap3A_233 = vector.shape_cast %broadcast_in_dim3A_40 : vector<16xf32> to vector<1x16xf32>
    tpu.vector_store %arg19[%swap3A_229, %swap3A_230], %swap3A_233 {strides = array<i32>} : memref<125x16xf32, #tpu.memory_space<vmem>>, vector<1x16xf32>,
    %swap3A_234 = arith.constant 28 : i32
    %swap3A_235 = arith.index_cast %swap3A_234 : i32 to index
    %swap3A_236 = arith.constant 0 : index
    %swap3A_237 = tpu.vector_load %arg19[%swap3A_235, %swap3A_236] {strides = array<i32>} : memref<125x16xf32, #tpu.memory_space<vmem>>, vector<1x16xf32>,
    %swap3A_238 = vector.shape_cast %swap3A_237 : vector<1x16xf32> to vector<16xf32>
    %swap3A_239 = vector.shape_cast %broadcast_in_dim3A_40 : vector<16xf32> to vector<1x16xf32>
    tpu.vector_store %arg19[%swap3A_235, %swap3A_236], %swap3A_239 {strides = array<i32>} : memref<125x16xf32, #tpu.memory_space<vmem>>, vector<1x16xf32>,
    %swap3A_240 = arith.constant 29 : i32
    %swap3A_241 = arith.index_cast %swap3A_240 : i32 to index
    %swap3A_242 = arith.constant 0 : index
    %swap3A_243 = tpu.vector_load %arg19[%swap3A_241, %swap3A_242] {strides = array<i32>} : memref<125x16xf32, #tpu.memory_space<vmem>>, vector<1x16xf32>,
    %swap3A_244 = vector.shape_cast %swap3A_243 : vector<1x16xf32> to vector<16xf32>
    %swap3A_245 = vector.shape_cast %broadcast_in_dim3A_40 : vector<16xf32> to vector<1x16xf32>
    tpu.vector_store %arg19[%swap3A_241, %swap3A_242], %swap3A_245 {strides = array<i32>} : memref<125x16xf32, #tpu.memory_space<vmem>>, vector<1x16xf32>,
    %swap3A_246 = arith.constant 30 : i32
    %swap3A_247 = arith.index_cast %swap3A_246 : i32 to index
    %swap3A_248 = arith.constant 0 : index
    %swap3A_249 = tpu.vector_load %arg19[%swap3A_247, %swap3A_248] {strides = array<i32>} : memref<125x16xf32, #tpu.memory_space<vmem>>, vector<1x16xf32>,
    %swap3A_250 = vector.shape_cast %swap3A_249 : vector<1x16xf32> to vector<16xf32>
    %swap3A_251 = vector.shape_cast %broadcast_in_dim3A_40 : vector<16xf32> to vector<1x16xf32>
    tpu.vector_store %arg19[%swap3A_247, %swap3A_248], %swap3A_251 {strides = array<i32>} : memref<125x16xf32, #tpu.memory_space<vmem>>, vector<1x16xf32>,
    %swap3A_252 = arith.constant 31 : i32
    %swap3A_253 = arith.index_cast %swap3A_252 : i32 to index
    %swap3A_254 = arith.constant 0 : index
    %swap3A_255 = tpu.vector_load %arg19[%swap3A_253, %swap3A_254] {strides = array<i32>} : memref<125x16xf32, #tpu.memory_space<vmem>>, vector<1x16xf32>,
    %swap3A_256 = vector.shape_cast %swap3A_255 : vector<1x16xf32> to vector<16xf32>
    %swap3A_257 = vector.shape_cast %broadcast_in_dim3A_40 : vector<16xf32> to vector<1x16xf32>
    tpu.vector_store %arg19[%swap3A_253, %swap3A_254], %swap3A_257 {strides = array<i32>} : memref<125x16xf32, #tpu.memory_space<vmem>>, vector<1x16xf32>,
    %swap3A_258 = arith.constant 32 : i32
    %swap3A_259 = arith.index_cast %swap3A_258 : i32 to index
    %swap3A_260 = arith.constant 0 : index
    %swap3A_261 = tpu.vector_load %arg19[%swap3A_259, %swap3A_260] {strides = array<i32>} : memref<125x16xf32, #tpu.memory_space<vmem>>, vector<1x16xf32>,
    %swap3A_262 = vector.shape_cast %swap3A_261 : vector<1x16xf32> to vector<16xf32>
    %swap3A_263 = vector.shape_cast %broadcast_in_dim3A_40 : vector<16xf32> to vector<1x16xf32>
    tpu.vector_store %arg19[%swap3A_259, %swap3A_260], %swap3A_263 {strides = array<i32>} : memref<125x16xf32, #tpu.memory_space<vmem>>, vector<1x16xf32>,
    %swap3A_264 = arith.constant 33 : i32
    %swap3A_265 = arith.index_cast %swap3A_264 : i32 to index
    %swap3A_266 = arith.constant 0 : index
    %swap3A_267 = tpu.vector_load %arg19[%swap3A_265, %swap3A_266] {strides = array<i32>} : memref<125x16xf32, #tpu.memory_space<vmem>>, vector<1x16xf32>,
    %swap3A_268 = vector.shape_cast %swap3A_267 : vector<1x16xf32> to vector<16xf32>
    %swap3A_269 = vector.shape_cast %broadcast_in_dim3A_40 : vector<16xf32> to vector<1x16xf32>
    tpu.vector_store %arg19[%swap3A_265, %swap3A_266], %swap3A_269 {strides = array<i32>} : memref<125x16xf32, #tpu.memory_space<vmem>>, vector<1x16xf32>,
    %swap3A_270 = arith.constant 34 : i32
    %swap3A_271 = arith.index_cast %swap3A_270 : i32 to index
    %swap3A_272 = arith.constant 0 : index
    %swap3A_273 = tpu.vector_load %arg19[%swap3A_271, %swap3A_272] {strides = array<i32>} : memref<125x16xf32, #tpu.memory_space<vmem>>, vector<1x16xf32>,
    %swap3A_274 = vector.shape_cast %swap3A_273 : vector<1x16xf32> to vector<16xf32>
    %swap3A_275 = vector.shape_cast %broadcast_in_dim3A_40 : vector<16xf32> to vector<1x16xf32>
    tpu.vector_store %arg19[%swap3A_271, %swap3A_272], %swap3A_275 {strides = array<i32>} : memref<125x16xf32, #tpu.memory_space<vmem>>, vector<1x16xf32>,
    %swap3A_276 = arith.constant 35 : i32
    %swap3A_277 = arith.index_cast %swap3A_276 : i32 to index
    %swap3A_278 = arith.constant 0 : index
    %swap3A_279 = tpu.vector_load %arg19[%swap3A_277, %swap3A_278] {strides = array<i32>} : memref<125x16xf32, #tpu.memory_space<vmem>>, vector<1x16xf32>,
    %swap3A_280 = vector.shape_cast %swap3A_279 : vector<1x16xf32> to vector<16xf32>
    %swap3A_281 = vector.shape_cast %broadcast_in_dim3A_40 : vector<16xf32> to vector<1x16xf32>
    tpu.vector_store %arg19[%swap3A_277, %swap3A_278], %swap3A_281 {strides = array<i32>} : memref<125x16xf32, #tpu.memory_space<vmem>>, vector<1x16xf32>,
    %swap3A_282 = arith.constant 36 : i32
    %swap3A_283 = arith.index_cast %swap3A_282 : i32 to index
    %swap3A_284 = arith.constant 0 : index
    %swap3A_285 = tpu.vector_load %arg19[%swap3A_283, %swap3A_284] {strides = array<i32>} : memref<125x16xf32, #tpu.memory_space<vmem>>, vector<1x16xf32>,
    %swap3A_286 = vector.shape_cast %swap3A_285 : vector<1x16xf32> to vector<16xf32>
    %swap3A_287 = vector.shape_cast %broadcast_in_dim3A_40 : vector<16xf32> to vector<1x16xf32>
    tpu.vector_store %arg19[%swap3A_283, %swap3A_284], %swap3A_287 {strides = array<i32>} : memref<125x16xf32, #tpu.memory_space<vmem>>, vector<1x16xf32>,
    %swap3A_288 = arith.constant 37 : i32
    %swap3A_289 = arith.index_cast %swap3A_288 : i32 to index
    %swap3A_290 = arith.constant 0 : index
    %swap3A_291 = tpu.vector_load %arg19[%swap3A_289, %swap3A_290] {strides = array<i32>} : memref<125x16xf32, #tpu.memory_space<vmem>>, vector<1x16xf32>,
    %swap3A_292 = vector.shape_cast %swap3A_291 : vector<1x16xf32> to vector<16xf32>
    %swap3A_293 = vector.shape_cast %broadcast_in_dim3A_40 : vector<16xf32> to vector<1x16xf32>
    tpu.vector_store %arg19[%swap3A_289, %swap3A_290], %swap3A_293 {strides = array<i32>} : memref<125x16xf32, #tpu.memory_space<vmem>>, vector<1x16xf32>,
    %swap3A_294 = arith.constant 38 : i32
    %swap3A_295 = arith.index_cast %swap3A_294 : i32 to index
    %swap3A_296 = arith.constant 0 : index
    %swap3A_297 = tpu.vector_load %arg19[%swap3A_295, %swap3A_296] {strides = array<i32>} : memref<125x16xf32, #tpu.memory_space<vmem>>, vector<1x16xf32>,
    %swap3A_298 = vector.shape_cast %swap3A_297 : vector<1x16xf32> to vector<16xf32>
    %swap3A_299 = vector.shape_cast %broadcast_in_dim3A_40 : vector<16xf32> to vector<1x16xf32>
    tpu.vector_store %arg19[%swap3A_295, %swap3A_296], %swap3A_299 {strides = array<i32>} : memref<125x16xf32, #tpu.memory_space<vmem>>, vector<1x16xf32>,
    %swap3A_300 = arith.constant 39 : i32
    %swap3A_301 = arith.index_cast %swap3A_300 : i32 to index
    %swap3A_302 = arith.constant 0 : index
    %swap3A_303 = tpu.vector_load %arg19[%swap3A_301, %swap3A_302] {strides = array<i32>} : memref<125x16xf32, #tpu.memory_space<vmem>>, vector<1x16xf32>,
    %swap3A_304 = vector.shape_cast %swap3A_303 : vector<1x16xf32> to vector<16xf32>
    %swap3A_305 = vector.shape_cast %broadcast_in_dim3A_40 : vector<16xf32> to vector<1x16xf32>
    tpu.vector_store %arg19[%swap3A_301, %swap3A_302], %swap3A_305 {strides = array<i32>} : memref<125x16xf32, #tpu.memory_space<vmem>>, vector<1x16xf32>,
    %swap3A_306 = arith.constant 40 : i32
    %swap3A_307 = arith.index_cast %swap3A_306 : i32 to index
    %swap3A_308 = arith.constant 0 : index
    %swap3A_309 = tpu.vector_load %arg19[%swap3A_307, %swap3A_308] {strides = array<i32>} : memref<125x16xf32, #tpu.memory_space<vmem>>, vector<1x16xf32>,
    %swap3A_310 = vector.shape_cast %swap3A_309 : vector<1x16xf32> to vector<16xf32>
    %swap3A_311 = vector.shape_cast %broadcast_in_dim3A_40 : vector<16xf32> to vector<1x16xf32>
    tpu.vector_store %arg19[%swap3A_307, %swap3A_308], %swap3A_311 {strides = array<i32>} : memref<125x16xf32, #tpu.memory_space<vmem>>, vector<1x16xf32>,
    %swap3A_312 = arith.constant 41 : i32
    %swap3A_313 = arith.index_cast %swap3A_312 : i32 to index
    %swap3A_314 = arith.constant 0 : index
    %swap3A_315 = tpu.vector_load %arg19[%swap3A_313, %swap3A_314] {strides = array<i32>} : memref<125x16xf32, #tpu.memory_space<vmem>>, vector<1x16xf32>,
    %swap3A_316 = vector.shape_cast %swap3A_315 : vector<1x16xf32> to vector<16xf32>
    %swap3A_317 = vector.shape_cast %broadcast_in_dim3A_40 : vector<16xf32> to vector<1x16xf32>
    tpu.vector_store %arg19[%swap3A_313, %swap3A_314], %swap3A_317 {strides = array<i32>} : memref<125x16xf32, #tpu.memory_space<vmem>>, vector<1x16xf32>,
    %swap3A_318 = arith.constant 42 : i32
    %swap3A_319 = arith.index_cast %swap3A_318 : i32 to index
    %swap3A_320 = arith.constant 0 : index
    %swap3A_321 = tpu.vector_load %arg19[%swap3A_319, %swap3A_320] {strides = array<i32>} : memref<125x16xf32, #tpu.memory_space<vmem>>, vector<1x16xf32>,
    %swap3A_322 = vector.shape_cast %swap3A_321 : vector<1x16xf32> to vector<16xf32>
    %swap3A_323 = vector.shape_cast %broadcast_in_dim3A_40 : vector<16xf32> to vector<1x16xf32>
    tpu.vector_store %arg19[%swap3A_319, %swap3A_320], %swap3A_323 {strides = array<i32>} : memref<125x16xf32, #tpu.memory_space<vmem>>, vector<1x16xf32>,
    %swap3A_324 = arith.constant 43 : i32
    %swap3A_325 = arith.index_cast %swap3A_324 : i32 to index
    %swap3A_326 = arith.constant 0 : index
    %swap3A_327 = tpu.vector_load %arg19[%swap3A_325, %swap3A_326] {strides = array<i32>} : memref<125x16xf32, #tpu.memory_space<vmem>>, vector<1x16xf32>,
    %swap3A_328 = vector.shape_cast %swap3A_327 : vector<1x16xf32> to vector<16xf32>
    %swap3A_329 = vector.shape_cast %broadcast_in_dim3A_40 : vector<16xf32> to vector<1x16xf32>
    tpu.vector_store %arg19[%swap3A_325, %swap3A_326], %swap3A_329 {strides = array<i32>} : memref<125x16xf32, #tpu.memory_space<vmem>>, vector<1x16xf32>,
    %swap3A_330 = arith.constant 44 : i32
    %swap3A_331 = arith.index_cast %swap3A_330 : i32 to index
    %swap3A_332 = arith.constant 0 : index
    %swap3A_333 = tpu.vector_load %arg19[%swap3A_331, %swap3A_332] {strides = array<i32>} : memref<125x16xf32, #tpu.memory_space<vmem>>, vector<1x16xf32>,
    %swap3A_334 = vector.shape_cast %swap3A_333 : vector<1x16xf32> to vector<16xf32>
    %swap3A_335 = vector.shape_cast %broadcast_in_dim3A_40 : vector<16xf32> to vector<1x16xf32>
    tpu.vector_store %arg19[%swap3A_331, %swap3A_332], %swap3A_335 {strides = array<i32>} : memref<125x16xf32, #tpu.memory_space<vmem>>, vector<1x16xf32>,
    %swap3A_336 = arith.constant 45 : i32
    %swap3A_337 = arith.index_cast %swap3A_336 : i32 to index
    %swap3A_338 = arith.constant 0 : index
    %swap3A_339 = tpu.vector_load %arg19[%swap3A_337, %swap3A_338] {strides = array<i32>} : memref<125x16xf32, #tpu.memory_space<vmem>>, vector<1x16xf32>,
    %swap3A_340 = vector.shape_cast %swap3A_339 : vector<1x16xf32> to vector<16xf32>
    %swap3A_341 = vector.shape_cast %broadcast_in_dim3A_40 : vector<16xf32> to vector<1x16xf32>
    tpu.vector_store %arg19[%swap3A_337, %swap3A_338], %swap3A_341 {strides = array<i32>} : memref<125x16xf32, #tpu.memory_space<vmem>>, vector<1x16xf32>,
    %swap3A_342 = arith.constant 46 : i32
    %swap3A_343 = arith.index_cast %swap3A_342 : i32 to index
    %swap3A_344 = arith.constant 0 : index
    %swap3A_345 = tpu.vector_load %arg19[%swap3A_343, %swap3A_344] {strides = array<i32>} : memref<125x16xf32, #tpu.memory_space<vmem>>, vector<1x16xf32>,
    %swap3A_346 = vector.shape_cast %swap3A_345 : vector<1x16xf32> to vector<16xf32>
    %swap3A_347 = vector.shape_cast %broadcast_in_dim3A_40 : vector<16xf32> to vector<1x16xf32>
    tpu.vector_store %arg19[%swap3A_343, %swap3A_344], %swap3A_347 {strides = array<i32>} : memref<125x16xf32, #tpu.memory_space<vmem>>, vector<1x16xf32>,
    %swap3A_348 = arith.constant 47 : i32
    %swap3A_349 = arith.index_cast %swap3A_348 : i32 to index
    %swap3A_350 = arith.constant 0 : index
    %swap3A_351 = tpu.vector_load %arg19[%swap3A_349, %swap3A_350] {strides = array<i32>} : memref<125x16xf32, #tpu.memory_space<vmem>>, vector<1x16xf32>,
    %swap3A_352 = vector.shape_cast %swap3A_351 : vector<1x16xf32> to vector<16xf32>
    %swap3A_353 = vector.shape_cast %broadcast_in_dim3A_40 : vector<16xf32> to vector<1x16xf32>
    tpu.vector_store %arg19[%swap3A_349, %swap3A_350], %swap3A_353 {strides = array<i32>} : memref<125x16xf32, #tpu.memory_space<vmem>>, vector<1x16xf32>,
    %swap3A_354 = arith.constant 48 : i32
    %swap3A_355 = arith.index_cast %swap3A_354 : i32 to index
    %swap3A_356 = arith.constant 0 : index
    %swap3A_357 = tpu.vector_load %arg19[%swap3A_355, %swap3A_356] {strides = array<i32>} : memref<125x16xf32, #tpu.memory_space<vmem>>, vector<1x16xf32>,
    %swap3A_358 = vector.shape_cast %swap3A_357 : vector<1x16xf32> to vector<16xf32>
    %swap3A_359 = vector.shape_cast %broadcast_in_dim3A_40 : vector<16xf32> to vector<1x16xf32>
    tpu.vector_store %arg19[%swap3A_355, %swap3A_356], %swap3A_359 {strides = array<i32>} : memref<125x16xf32, #tpu.memory_space<vmem>>, vector<1x16xf32>,
    %swap3A_360 = arith.constant 49 : i32
    %swap3A_361 = arith.index_cast %swap3A_360 : i32 to index
    %swap3A_362 = arith.constant 0 : index
    %swap3A_363 = tpu.vector_load %arg19[%swap3A_361, %swap3A_362] {strides = array<i32>} : memref<125x16xf32, #tpu.memory_space<vmem>>, vector<1x16xf32>,
    %swap3A_364 = vector.shape_cast %swap3A_363 : vector<1x16xf32> to vector<16xf32>
    %swap3A_365 = vector.shape_cast %broadcast_in_dim3A_40 : vector<16xf32> to vector<1x16xf32>
    tpu.vector_store %arg19[%swap3A_361, %swap3A_362], %swap3A_365 {strides = array<i32>} : memref<125x16xf32, #tpu.memory_space<vmem>>, vector<1x16xf32>,
    %swap3A_366 = arith.constant 50 : i32
    %swap3A_367 = arith.index_cast %swap3A_366 : i32 to index
    %swap3A_368 = arith.constant 0 : index
    %swap3A_369 = tpu.vector_load %arg19[%swap3A_367, %swap3A_368] {strides = array<i32>} : memref<125x16xf32, #tpu.memory_space<vmem>>, vector<1x16xf32>,
    %swap3A_370 = vector.shape_cast %swap3A_369 : vector<1x16xf32> to vector<16xf32>
    %swap3A_371 = vector.shape_cast %broadcast_in_dim3A_40 : vector<16xf32> to vector<1x16xf32>
    tpu.vector_store %arg19[%swap3A_367, %swap3A_368], %swap3A_371 {strides = array<i32>} : memref<125x16xf32, #tpu.memory_space<vmem>>, vector<1x16xf32>,
    %swap3A_372 = arith.constant 51 : i32
    %swap3A_373 = arith.index_cast %swap3A_372 : i32 to index
    %swap3A_374 = arith.constant 0 : index
    %swap3A_375 = tpu.vector_load %arg19[%swap3A_373, %swap3A_374] {strides = array<i32>} : memref<125x16xf32, #tpu.memory_space<vmem>>, vector<1x16xf32>,
    %swap3A_376 = vector.shape_cast %swap3A_375 : vector<1x16xf32> to vector<16xf32>
    %swap3A_377 = vector.shape_cast %broadcast_in_dim3A_40 : vector<16xf32> to vector<1x16xf32>
    tpu.vector_store %arg19[%swap3A_373, %swap3A_374], %swap3A_377 {strides = array<i32>} : memref<125x16xf32, #tpu.memory_space<vmem>>, vector<1x16xf32>,
    %swap3A_378 = arith.constant 52 : i32
    %swap3A_379 = arith.index_cast %swap3A_378 : i32 to index
    %swap3A_380 = arith.constant 0 : index
    %swap3A_381 = tpu.vector_load %arg19[%swap3A_379, %swap3A_380] {strides = array<i32>} : memref<125x16xf32, #tpu.memory_space<vmem>>, vector<1x16xf32>,
    %swap3A_382 = vector.shape_cast %swap3A_381 : vector<1x16xf32> to vector<16xf32>
    %swap3A_383 = vector.shape_cast %broadcast_in_dim3A_40 : vector<16xf32> to vector<1x16xf32>
    tpu.vector_store %arg19[%swap3A_379, %swap3A_380], %swap3A_383 {strides = array<i32>} : memref<125x16xf32, #tpu.memory_space<vmem>>, vector<1x16xf32>,
    %swap3A_384 = arith.constant 53 : i32
    %swap3A_385 = arith.index_cast %swap3A_384 : i32 to index
    %swap3A_386 = arith.constant 0 : index
    %swap3A_387 = tpu.vector_load %arg19[%swap3A_385, %swap3A_386] {strides = array<i32>} : memref<125x16xf32, #tpu.memory_space<vmem>>, vector<1x16xf32>,
    %swap3A_388 = vector.shape_cast %swap3A_387 : vector<1x16xf32> to vector<16xf32>
    %swap3A_389 = vector.shape_cast %broadcast_in_dim3A_40 : vector<16xf32> to vector<1x16xf32>
    tpu.vector_store %arg19[%swap3A_385, %swap3A_386], %swap3A_389 {strides = array<i32>} : memref<125x16xf32, #tpu.memory_space<vmem>>, vector<1x16xf32>,
    %swap3A_390 = arith.constant 54 : i32
    %swap3A_391 = arith.index_cast %swap3A_390 : i32 to index
    %swap3A_392 = arith.constant 0 : index
    %swap3A_393 = tpu.vector_load %arg19[%swap3A_391, %swap3A_392] {strides = array<i32>} : memref<125x16xf32, #tpu.memory_space<vmem>>, vector<1x16xf32>,
    %swap3A_394 = vector.shape_cast %swap3A_393 : vector<1x16xf32> to vector<16xf32>
    %swap3A_395 = vector.shape_cast %broadcast_in_dim3A_40 : vector<16xf32> to vector<1x16xf32>
    tpu.vector_store %arg19[%swap3A_391, %swap3A_392], %swap3A_395 {strides = array<i32>} : memref<125x16xf32, #tpu.memory_space<vmem>>, vector<1x16xf32>,
    %swap3A_396 = arith.constant 55 : i32
    %swap3A_397 = arith.index_cast %swap3A_396 : i32 to index
    %swap3A_398 = arith.constant 0 : index
    %swap3A_399 = tpu.vector_load %arg19[%swap3A_397, %swap3A_398] {strides = array<i32>} : memref<125x16xf32, #tpu.memory_space<vmem>>, vector<1x16xf32>,
    %swap3A_400 = vector.shape_cast %swap3A_399 : vector<1x16xf32> to vector<16xf32>
    %swap3A_401 = vector.shape_cast %broadcast_in_dim3A_40 : vector<16xf32> to vector<1x16xf32>
    tpu.vector_store %arg19[%swap3A_397, %swap3A_398], %swap3A_401 {strides = array<i32>} : memref<125x16xf32, #tpu.memory_space<vmem>>, vector<1x16xf32>,
    %swap3A_402 = arith.constant 56 : i32
    %swap3A_403 = arith.index_cast %swap3A_402 : i32 to index
    %swap3A_404 = arith.constant 0 : index
    %swap3A_405 = tpu.vector_load %arg19[%swap3A_403, %swap3A_404] {strides = array<i32>} : memref<125x16xf32, #tpu.memory_space<vmem>>, vector<1x16xf32>,
    %swap3A_406 = vector.shape_cast %swap3A_405 : vector<1x16xf32> to vector<16xf32>
    %swap3A_407 = vector.shape_cast %broadcast_in_dim3A_40 : vector<16xf32> to vector<1x16xf32>
    tpu.vector_store %arg19[%swap3A_403, %swap3A_404], %swap3A_407 {strides = array<i32>} : memref<125x16xf32, #tpu.memory_space<vmem>>, vector<1x16xf32>,
    %swap3A_408 = arith.constant 57 : i32
    %swap3A_409 = arith.index_cast %swap3A_408 : i32 to index
    %swap3A_410 = arith.constant 0 : index
    %swap3A_411 = tpu.vector_load %arg19[%swap3A_409, %swap3A_410] {strides = array<i32>} : memref<125x16xf32, #tpu.memory_space<vmem>>, vector<1x16xf32>,
    %swap3A_412 = vector.shape_cast %swap3A_411 : vector<1x16xf32> to vector<16xf32>
    %swap3A_413 = vector.shape_cast %broadcast_in_dim3A_40 : vector<16xf32> to vector<1x16xf32>
    tpu.vector_store %arg19[%swap3A_409, %swap3A_410], %swap3A_413 {strides = array<i32>} : memref<125x16xf32, #tpu.memory_space<vmem>>, vector<1x16xf32>,
    %swap3A_414 = arith.constant 58 : i32
    %swap3A_415 = arith.index_cast %swap3A_414 : i32 to index
    %swap3A_416 = arith.constant 0 : index
    %swap3A_417 = tpu.vector_load %arg19[%swap3A_415, %swap3A_416] {strides = array<i32>} : memref<125x16xf32, #tpu.memory_space<vmem>>, vector<1x16xf32>,
    %swap3A_418 = vector.shape_cast %swap3A_417 : vector<1x16xf32> to vector<16xf32>
    %swap3A_419 = vector.shape_cast %broadcast_in_dim3A_40 : vector<16xf32> to vector<1x16xf32>
    tpu.vector_store %arg19[%swap3A_415, %swap3A_416], %swap3A_419 {strides = array<i32>} : memref<125x16xf32, #tpu.memory_space<vmem>>, vector<1x16xf32>,
    %swap3A_420 = arith.constant 59 : i32
    %swap3A_421 = arith.index_cast %swap3A_420 : i32 to index
    %swap3A_422 = arith.constant 0 : index
    %swap3A_423 = tpu.vector_load %arg19[%swap3A_421, %swap3A_422] {strides = array<i32>} : memref<125x16xf32, #tpu.memory_space<vmem>>, vector<1x16xf32>,
    %swap3A_424 = vector.shape_cast %swap3A_423 : vector<1x16xf32> to vector<16xf32>
    %swap3A_425 = vector.shape_cast %broadcast_in_dim3A_40 : vector<16xf32> to vector<1x16xf32>
    tpu.vector_store %arg19[%swap3A_421, %swap3A_422], %swap3A_425 {strides = array<i32>} : memref<125x16xf32, #tpu.memory_space<vmem>>, vector<1x16xf32>,
    %swap3A_426 = arith.constant 60 : i32
    %swap3A_427 = arith.index_cast %swap3A_426 : i32 to index
    %swap3A_428 = arith.constant 0 : index
    %swap3A_429 = tpu.vector_load %arg19[%swap3A_427, %swap3A_428] {strides = array<i32>} : memref<125x16xf32, #tpu.memory_space<vmem>>, vector<1x16xf32>,
    %swap3A_430 = vector.shape_cast %swap3A_429 : vector<1x16xf32> to vector<16xf32>
    %swap3A_431 = vector.shape_cast %broadcast_in_dim3A_40 : vector<16xf32> to vector<1x16xf32>
    tpu.vector_store %arg19[%swap3A_427, %swap3A_428], %swap3A_431 {strides = array<i32>} : memref<125x16xf32, #tpu.memory_space<vmem>>, vector<1x16xf32>,
    %swap3A_432 = arith.constant 61 : i32
    %swap3A_433 = arith.index_cast %swap3A_432 : i32 to index
    %swap3A_434 = arith.constant 0 : index
    %swap3A_435 = tpu.vector_load %arg19[%swap3A_433, %swap3A_434] {strides = array<i32>} : memref<125x16xf32, #tpu.memory_space<vmem>>, vector<1x16xf32>,
    %swap3A_436 = vector.shape_cast %swap3A_435 : vector<1x16xf32> to vector<16xf32>
    %swap3A_437 = vector.shape_cast %broadcast_in_dim3A_40 : vector<16xf32> to vector<1x16xf32>
    tpu.vector_store %arg19[%swap3A_433, %swap3A_434], %swap3A_437 {strides = array<i32>} : memref<125x16xf32, #tpu.memory_space<vmem>>, vector<1x16xf32>,
    %swap3A_438 = arith.constant 62 : i32
    %swap3A_439 = arith.index_cast %swap3A_438 : i32 to index
    %swap3A_440 = arith.constant 0 : index
    %swap3A_441 = tpu.vector_load %arg19[%swap3A_439, %swap3A_440] {strides = array<i32>} : memref<125x16xf32, #tpu.memory_space<vmem>>, vector<1x16xf32>,
    %swap3A_442 = vector.shape_cast %swap3A_441 : vector<1x16xf32> to vector<16xf32>
    %swap3A_443 = vector.shape_cast %broadcast_in_dim3A_40 : vector<16xf32> to vector<1x16xf32>
    tpu.vector_store %arg19[%swap3A_439, %swap3A_440], %swap3A_443 {strides = array<i32>} : memref<125x16xf32, #tpu.memory_space<vmem>>, vector<1x16xf32>,
    %swap3A_444 = arith.constant 63 : i32
    %swap3A_445 = arith.index_cast %swap3A_444 : i32 to index
    %swap3A_446 = arith.constant 0 : index
    %swap3A_447 = tpu.vector_load %arg19[%swap3A_445, %swap3A_446] {strides = array<i32>} : memref<125x16xf32, #tpu.memory_space<vmem>>, vector<1x16xf32>,
    %swap3A_448 = vector.shape_cast %swap3A_447 : vector<1x16xf32> to vector<16xf32>
    %swap3A_449 = vector.shape_cast %broadcast_in_dim3A_40 : vector<16xf32> to vector<1x16xf32>
    tpu.vector_store %arg19[%swap3A_445, %swap3A_446], %swap3A_449 {strides = array<i32>} : memref<125x16xf32, #tpu.memory_space<vmem>>, vector<1x16xf32>,
    %swap3A_450 = arith.constant 64 : i32
    %swap3A_451 = arith.index_cast %swap3A_450 : i32 to index
    %swap3A_452 = arith.constant 0 : index
    %swap3A_453 = tpu.vector_load %arg19[%swap3A_451, %swap3A_452] {strides = array<i32>} : memref<125x16xf32, #tpu.memory_space<vmem>>, vector<1x16xf32>,
    %swap3A_454 = vector.shape_cast %swap3A_453 : vector<1x16xf32> to vector<16xf32>
    %swap3A_455 = vector.shape_cast %broadcast_in_dim3A_40 : vector<16xf32> to vector<1x16xf32>
    tpu.vector_store %arg19[%swap3A_451, %swap3A_452], %swap3A_455 {strides = array<i32>} : memref<125x16xf32, #tpu.memory_space<vmem>>, vector<1x16xf32>,
    %swap3A_456 = arith.constant 65 : i32
    %swap3A_457 = arith.index_cast %swap3A_456 : i32 to index
    %swap3A_458 = arith.constant 0 : index
    %swap3A_459 = tpu.vector_load %arg19[%swap3A_457, %swap3A_458] {strides = array<i32>} : memref<125x16xf32, #tpu.memory_space<vmem>>, vector<1x16xf32>,
    %swap3A_460 = vector.shape_cast %swap3A_459 : vector<1x16xf32> to vector<16xf32>
    %swap3A_461 = vector.shape_cast %broadcast_in_dim3A_40 : vector<16xf32> to vector<1x16xf32>
    tpu.vector_store %arg19[%swap3A_457, %swap3A_458], %swap3A_461 {strides = array<i32>} : memref<125x16xf32, #tpu.memory_space<vmem>>, vector<1x16xf32>,
    %swap3A_462 = arith.constant 66 : i32
    %swap3A_463 = arith.index_cast %swap3A_462 : i32 to index
    %swap3A_464 = arith.constant 0 : index
    %swap3A_465 = tpu.vector_load %arg19[%swap3A_463, %swap3A_464] {strides = array<i32>} : memref<125x16xf32, #tpu.memory_space<vmem>>, vector<1x16xf32>,
    %swap3A_466 = vector.shape_cast %swap3A_465 : vector<1x16xf32> to vector<16xf32>
    %swap3A_467 = vector.shape_cast %broadcast_in_dim3A_40 : vector<16xf32> to vector<1x16xf32>
    tpu.vector_store %arg19[%swap3A_463, %swap3A_464], %swap3A_467 {strides = array<i32>} : memref<125x16xf32, #tpu.memory_space<vmem>>, vector<1x16xf32>,
    %swap3A_468 = arith.constant 67 : i32
    %swap3A_469 = arith.index_cast %swap3A_468 : i32 to index
    %swap3A_470 = arith.constant 0 : index
    %swap3A_471 = tpu.vector_load %arg19[%swap3A_469, %swap3A_470] {strides = array<i32>} : memref<125x16xf32, #tpu.memory_space<vmem>>, vector<1x16xf32>,
    %swap3A_472 = vector.shape_cast %swap3A_471 : vector<1x16xf32> to vector<16xf32>
    %swap3A_473 = vector.shape_cast %broadcast_in_dim3A_40 : vector<16xf32> to vector<1x16xf32>
    tpu.vector_store %arg19[%swap3A_469, %swap3A_470], %swap3A_473 {strides = array<i32>} : memref<125x16xf32, #tpu.memory_space<vmem>>, vector<1x16xf32>,
    %swap3A_474 = arith.constant 68 : i32
    %swap3A_475 = arith.index_cast %swap3A_474 : i32 to index
    %swap3A_476 = arith.constant 0 : index
    %swap3A_477 = tpu.vector_load %arg19[%swap3A_475, %swap3A_476] {strides = array<i32>} : memref<125x16xf32, #tpu.memory_space<vmem>>, vector<1x16xf32>,
    %swap3A_478 = vector.shape_cast %swap3A_477 : vector<1x16xf32> to vector<16xf32>
    %swap3A_479 = vector.shape_cast %broadcast_in_dim3A_40 : vector<16xf32> to vector<1x16xf32>
    tpu.vector_store %arg19[%swap3A_475, %swap3A_476], %swap3A_479 {strides = array<i32>} : memref<125x16xf32, #tpu.memory_space<vmem>>, vector<1x16xf32>,
    %swap3A_480 = arith.constant 69 : i32
    %swap3A_481 = arith.index_cast %swap3A_480 : i32 to index
    %swap3A_482 = arith.constant 0 : index
    %swap3A_483 = tpu.vector_load %arg19[%swap3A_481, %swap3A_482] {strides = array<i32>} : memref<125x16xf32, #tpu.memory_space<vmem>>, vector<1x16xf32>,
    %swap3A_484 = vector.shape_cast %swap3A_483 : vector<1x16xf32> to vector<16xf32>
    %swap3A_485 = vector.shape_cast %broadcast_in_dim3A_40 : vector<16xf32> to vector<1x16xf32>
    tpu.vector_store %arg19[%swap3A_481, %swap3A_482], %swap3A_485 {strides = array<i32>} : memref<125x16xf32, #tpu.memory_space<vmem>>, vector<1x16xf32>,
    %swap3A_486 = arith.constant 70 : i32
    %swap3A_487 = arith.index_cast %swap3A_486 : i32 to index
    %swap3A_488 = arith.constant 0 : index
    %swap3A_489 = tpu.vector_load %arg19[%swap3A_487, %swap3A_488] {strides = array<i32>} : memref<125x16xf32, #tpu.memory_space<vmem>>, vector<1x16xf32>,
    %swap3A_490 = vector.shape_cast %swap3A_489 : vector<1x16xf32> to vector<16xf32>
    %swap3A_491 = vector.shape_cast %broadcast_in_dim3A_40 : vector<16xf32> to vector<1x16xf32>
    tpu.vector_store %arg19[%swap3A_487, %swap3A_488], %swap3A_491 {strides = array<i32>} : memref<125x16xf32, #tpu.memory_space<vmem>>, vector<1x16xf32>,
    %swap3A_492 = arith.constant 71 : i32
    %swap3A_493 = arith.index_cast %swap3A_492 : i32 to index
    %swap3A_494 = arith.constant 0 : index
    %swap3A_495 = tpu.vector_load %arg19[%swap3A_493, %swap3A_494] {strides = array<i32>} : memref<125x16xf32, #tpu.memory_space<vmem>>, vector<1x16xf32>,
    %swap3A_496 = vector.shape_cast %swap3A_495 : vector<1x16xf32> to vector<16xf32>
    %swap3A_497 = vector.shape_cast %broadcast_in_dim3A_40 : vector<16xf32> to vector<1x16xf32>
    tpu.vector_store %arg19[%swap3A_493, %swap3A_494], %swap3A_497 {strides = array<i32>} : memref<125x16xf32, #tpu.memory_space<vmem>>, vector<1x16xf32>,
    %swap3A_498 = arith.constant 72 : i32
    %swap3A_499 = arith.index_cast %swap3A_498 : i32 to index
    %swap3A_500 = arith.constant 0 : index
    %swap3A_501 = tpu.vector_load %arg19[%swap3A_499, %swap3A_500] {strides = array<i32>} : memref<125x16xf32, #tpu.memory_space<vmem>>, vector<1x16xf32>,
    %swap3A_502 = vector.shape_cast %swap3A_501 : vector<1x16xf32> to vector<16xf32>
    %swap3A_503 = vector.shape_cast %broadcast_in_dim3A_40 : vector<16xf32> to vector<1x16xf32>
    tpu.vector_store %arg19[%swap3A_499, %swap3A_500], %swap3A_503 {strides = array<i32>} : memref<125x16xf32, #tpu.memory_space<vmem>>, vector<1x16xf32>,
    %swap3A_504 = arith.constant 73 : i32
    %swap3A_505 = arith.index_cast %swap3A_504 : i32 to index
    %swap3A_506 = arith.constant 0 : index
    %swap3A_507 = tpu.vector_load %arg19[%swap3A_505, %swap3A_506] {strides = array<i32>} : memref<125x16xf32, #tpu.memory_space<vmem>>, vector<1x16xf32>,
    %swap3A_508 = vector.shape_cast %swap3A_507 : vector<1x16xf32> to vector<16xf32>
    %swap3A_509 = vector.shape_cast %broadcast_in_dim3A_40 : vector<16xf32> to vector<1x16xf32>
    tpu.vector_store %arg19[%swap3A_505, %swap3A_506], %swap3A_509 {strides = array<i32>} : memref<125x16xf32, #tpu.memory_space<vmem>>, vector<1x16xf32>,
    %swap3A_510 = arith.constant 74 : i32
    %swap3A_511 = arith.index_cast %swap3A_510 : i32 to index
    %swap3A_512 = arith.constant 0 : index
    %swap3A_513 = tpu.vector_load %arg19[%swap3A_511, %swap3A_512] {strides = array<i32>} : memref<125x16xf32, #tpu.memory_space<vmem>>, vector<1x16xf32>,
    %swap3A_514 = vector.shape_cast %swap3A_513 : vector<1x16xf32> to vector<16xf32>
    %swap3A_515 = vector.shape_cast %broadcast_in_dim3A_40 : vector<16xf32> to vector<1x16xf32>
    tpu.vector_store %arg19[%swap3A_511, %swap3A_512], %swap3A_515 {strides = array<i32>} : memref<125x16xf32, #tpu.memory_space<vmem>>, vector<1x16xf32>,
    %swap3A_516 = arith.constant 75 : i32
    %swap3A_517 = arith.index_cast %swap3A_516 : i32 to index
    %swap3A_518 = arith.constant 0 : index
    %swap3A_519 = tpu.vector_load %arg19[%swap3A_517, %swap3A_518] {strides = array<i32>} : memref<125x16xf32, #tpu.memory_space<vmem>>, vector<1x16xf32>,
    %swap3A_520 = vector.shape_cast %swap3A_519 : vector<1x16xf32> to vector<16xf32>
    %swap3A_521 = vector.shape_cast %broadcast_in_dim3A_40 : vector<16xf32> to vector<1x16xf32>
    tpu.vector_store %arg19[%swap3A_517, %swap3A_518], %swap3A_521 {strides = array<i32>} : memref<125x16xf32, #tpu.memory_space<vmem>>, vector<1x16xf32>,
    %swap3A_522 = arith.constant 76 : i32
    %swap3A_523 = arith.index_cast %swap3A_522 : i32 to index
    %swap3A_524 = arith.constant 0 : index
    %swap3A_525 = tpu.vector_load %arg19[%swap3A_523, %swap3A_524] {strides = array<i32>} : memref<125x16xf32, #tpu.memory_space<vmem>>, vector<1x16xf32>,
    %swap3A_526 = vector.shape_cast %swap3A_525 : vector<1x16xf32> to vector<16xf32>
    %swap3A_527 = vector.shape_cast %broadcast_in_dim3A_40 : vector<16xf32> to vector<1x16xf32>
    tpu.vector_store %arg19[%swap3A_523, %swap3A_524], %swap3A_527 {strides = array<i32>} : memref<125x16xf32, #tpu.memory_space<vmem>>, vector<1x16xf32>,
    %swap3A_528 = arith.constant 77 : i32
    %swap3A_529 = arith.index_cast %swap3A_528 : i32 to index
    %swap3A_530 = arith.constant 0 : index
    %swap3A_531 = tpu.vector_load %arg19[%swap3A_529, %swap3A_530] {strides = array<i32>} : memref<125x16xf32, #tpu.memory_space<vmem>>, vector<1x16xf32>,
    %swap3A_532 = vector.shape_cast %swap3A_531 : vector<1x16xf32> to vector<16xf32>
    %swap3A_533 = vector.shape_cast %broadcast_in_dim3A_40 : vector<16xf32> to vector<1x16xf32>
    tpu.vector_store %arg19[%swap3A_529, %swap3A_530], %swap3A_533 {strides = array<i32>} : memref<125x16xf32, #tpu.memory_space<vmem>>, vector<1x16xf32>,
    %swap3A_534 = arith.constant 78 : i32
    %swap3A_535 = arith.index_cast %swap3A_534 : i32 to index
    %swap3A_536 = arith.constant 0 : index
    %swap3A_537 = tpu.vector_load %arg19[%swap3A_535, %swap3A_536] {strides = array<i32>} : memref<125x16xf32, #tpu.memory_space<vmem>>, vector<1x16xf32>,
    %swap3A_538 = vector.shape_cast %swap3A_537 : vector<1x16xf32> to vector<16xf32>
    %swap3A_539 = vector.shape_cast %broadcast_in_dim3A_40 : vector<16xf32> to vector<1x16xf32>
    tpu.vector_store %arg19[%swap3A_535, %swap3A_536], %swap3A_539 {strides = array<i32>} : memref<125x16xf32, #tpu.memory_space<vmem>>, vector<1x16xf32>,
    %swap3A_540 = arith.constant 79 : i32
    %swap3A_541 = arith.index_cast %swap3A_540 : i32 to index
    %swap3A_542 = arith.constant 0 : index
    %swap3A_543 = tpu.vector_load %arg19[%swap3A_541, %swap3A_542] {strides = array<i32>} : memref<125x16xf32, #tpu.memory_space<vmem>>, vector<1x16xf32>,
    %swap3A_544 = vector.shape_cast %swap3A_543 : vector<1x16xf32> to vector<16xf32>
    %swap3A_545 = vector.shape_cast %broadcast_in_dim3A_40 : vector<16xf32> to vector<1x16xf32>
    tpu.vector_store %arg19[%swap3A_541, %swap3A_542], %swap3A_545 {strides = array<i32>} : memref<125x16xf32, #tpu.memory_space<vmem>>, vector<1x16xf32>,
    %swap3A_546 = arith.constant 80 : i32
    %swap3A_547 = arith.index_cast %swap3A_546 : i32 to index
    %swap3A_548 = arith.constant 0 : index
    %swap3A_549 = tpu.vector_load %arg19[%swap3A_547, %swap3A_548] {strides = array<i32>} : memref<125x16xf32, #tpu.memory_space<vmem>>, vector<1x16xf32>,
    %swap3A_550 = vector.shape_cast %swap3A_549 : vector<1x16xf32> to vector<16xf32>
    %swap3A_551 = vector.shape_cast %broadcast_in_dim3A_40 : vector<16xf32> to vector<1x16xf32>
    tpu.vector_store %arg19[%swap3A_547, %swap3A_548], %swap3A_551 {strides = array<i32>} : memref<125x16xf32, #tpu.memory_space<vmem>>, vector<1x16xf32>,
    %swap3A_552 = arith.constant 81 : i32
    %swap3A_553 = arith.index_cast %swap3A_552 : i32 to index
    %swap3A_554 = arith.constant 0 : index
    %swap3A_555 = tpu.vector_load %arg19[%swap3A_553, %swap3A_554] {strides = array<i32>} : memref<125x16xf32, #tpu.memory_space<vmem>>, vector<1x16xf32>,
    %swap3A_556 = vector.shape_cast %swap3A_555 : vector<1x16xf32> to vector<16xf32>
    %swap3A_557 = vector.shape_cast %broadcast_in_dim3A_40 : vector<16xf32> to vector<1x16xf32>
    tpu.vector_store %arg19[%swap3A_553, %swap3A_554], %swap3A_557 {strides = array<i32>} : memref<125x16xf32, #tpu.memory_space<vmem>>, vector<1x16xf32>,
    %swap3A_558 = arith.constant 82 : i32
    %swap3A_559 = arith.index_cast %swap3A_558 : i32 to index
    %swap3A_560 = arith.constant 0 : index
    %swap3A_561 = tpu.vector_load %arg19[%swap3A_559, %swap3A_560] {strides = array<i32>} : memref<125x16xf32, #tpu.memory_space<vmem>>, vector<1x16xf32>,
    %swap3A_562 = vector.shape_cast %swap3A_561 : vector<1x16xf32> to vector<16xf32>
    %swap3A_563 = vector.shape_cast %broadcast_in_dim3A_40 : vector<16xf32> to vector<1x16xf32>
    tpu.vector_store %arg19[%swap3A_559, %swap3A_560], %swap3A_563 {strides = array<i32>} : memref<125x16xf32, #tpu.memory_space<vmem>>, vector<1x16xf32>,
    %swap3A_564 = arith.constant 83 : i32
    %swap3A_565 = arith.index_cast %swap3A_564 : i32 to index
    %swap3A_566 = arith.constant 0 : index
    %swap3A_567 = tpu.vector_load %arg19[%swap3A_565, %swap3A_566] {strides = array<i32>} : memref<125x16xf32, #tpu.memory_space<vmem>>, vector<1x16xf32>,
    %swap3A_568 = vector.shape_cast %swap3A_567 : vector<1x16xf32> to vector<16xf32>
    %swap3A_569 = vector.shape_cast %broadcast_in_dim3A_40 : vector<16xf32> to vector<1x16xf32>
    tpu.vector_store %arg19[%swap3A_565, %swap3A_566], %swap3A_569 {strides = array<i32>} : memref<125x16xf32, #tpu.memory_space<vmem>>, vector<1x16xf32>,
    %swap3A_570 = arith.constant 84 : i32
    %swap3A_571 = arith.index_cast %swap3A_570 : i32 to index
    %swap3A_572 = arith.constant 0 : index
    %swap3A_573 = tpu.vector_load %arg19[%swap3A_571, %swap3A_572] {strides = array<i32>} : memref<125x16xf32, #tpu.memory_space<vmem>>, vector<1x16xf32>,
    %swap3A_574 = vector.shape_cast %swap3A_573 : vector<1x16xf32> to vector<16xf32>
    %swap3A_575 = vector.shape_cast %broadcast_in_dim3A_40 : vector<16xf32> to vector<1x16xf32>
    tpu.vector_store %arg19[%swap3A_571, %swap3A_572], %swap3A_575 {strides = array<i32>} : memref<125x16xf32, #tpu.memory_space<vmem>>, vector<1x16xf32>,
    %swap3A_576 = arith.constant 85 : i32
    %swap3A_577 = arith.index_cast %swap3A_576 : i32 to index
    %swap3A_578 = arith.constant 0 : index
    %swap3A_579 = tpu.vector_load %arg19[%swap3A_577, %swap3A_578] {strides = array<i32>} : memref<125x16xf32, #tpu.memory_space<vmem>>, vector<1x16xf32>,
    %swap3A_580 = vector.shape_cast %swap3A_579 : vector<1x16xf32> to vector<16xf32>
    %swap3A_581 = vector.shape_cast %broadcast_in_dim3A_40 : vector<16xf32> to vector<1x16xf32>
    tpu.vector_store %arg19[%swap3A_577, %swap3A_578], %swap3A_581 {strides = array<i32>} : memref<125x16xf32, #tpu.memory_space<vmem>>, vector<1x16xf32>,
    %swap3A_582 = arith.constant 86 : i32
    %swap3A_583 = arith.index_cast %swap3A_582 : i32 to index
    %swap3A_584 = arith.constant 0 : index
    %swap3A_585 = tpu.vector_load %arg19[%swap3A_583, %swap3A_584] {strides = array<i32>} : memref<125x16xf32, #tpu.memory_space<vmem>>, vector<1x16xf32>,
    %swap3A_586 = vector.shape_cast %swap3A_585 : vector<1x16xf32> to vector<16xf32>
    %swap3A_587 = vector.shape_cast %broadcast_in_dim3A_40 : vector<16xf32> to vector<1x16xf32>
    tpu.vector_store %arg19[%swap3A_583, %swap3A_584], %swap3A_587 {strides = array<i32>} : memref<125x16xf32, #tpu.memory_space<vmem>>, vector<1x16xf32>,
    %swap3A_588 = arith.constant 87 : i32
    %swap3A_589 = arith.index_cast %swap3A_588 : i32 to index
    %swap3A_590 = arith.constant 0 : index
    %swap3A_591 = tpu.vector_load %arg19[%swap3A_589, %swap3A_590] {strides = array<i32>} : memref<125x16xf32, #tpu.memory_space<vmem>>, vector<1x16xf32>,
    %swap3A_592 = vector.shape_cast %swap3A_591 : vector<1x16xf32> to vector<16xf32>
    %swap3A_593 = vector.shape_cast %broadcast_in_dim3A_40 : vector<16xf32> to vector<1x16xf32>
    tpu.vector_store %arg19[%swap3A_589, %swap3A_590], %swap3A_593 {strides = array<i32>} : memref<125x16xf32, #tpu.memory_space<vmem>>, vector<1x16xf32>,
    %swap3A_594 = arith.constant 88 : i32
    %swap3A_595 = arith.index_cast %swap3A_594 : i32 to index
    %swap3A_596 = arith.constant 0 : index
    %swap3A_597 = tpu.vector_load %arg19[%swap3A_595, %swap3A_596] {strides = array<i32>} : memref<125x16xf32, #tpu.memory_space<vmem>>, vector<1x16xf32>,
    %swap3A_598 = vector.shape_cast %swap3A_597 : vector<1x16xf32> to vector<16xf32>
    %swap3A_599 = vector.shape_cast %broadcast_in_dim3A_40 : vector<16xf32> to vector<1x16xf32>
    tpu.vector_store %arg19[%swap3A_595, %swap3A_596], %swap3A_599 {strides = array<i32>} : memref<125x16xf32, #tpu.memory_space<vmem>>, vector<1x16xf32>,
    %swap3A_600 = arith.constant 89 : i32
    %swap3A_601 = arith.index_cast %swap3A_600 : i32 to index
    %swap3A_602 = arith.constant 0 : index
    %swap3A_603 = tpu.vector_load %arg19[%swap3A_601, %swap3A_602] {strides = array<i32>} : memref<125x16xf32, #tpu.memory_space<vmem>>, vector<1x16xf32>,
    %swap3A_604 = vector.shape_cast %swap3A_603 : vector<1x16xf32> to vector<16xf32>
    %swap3A_605 = vector.shape_cast %broadcast_in_dim3A_40 : vector<16xf32> to vector<1x16xf32>
    tpu.vector_store %arg19[%swap3A_601, %swap3A_602], %swap3A_605 {strides = array<i32>} : memref<125x16xf32, #tpu.memory_space<vmem>>, vector<1x16xf32>,
    %swap3A_606 = arith.constant 90 : i32
    %swap3A_607 = arith.index_cast %swap3A_606 : i32 to index
    %swap3A_608 = arith.constant 0 : index
    %swap3A_609 = tpu.vector_load %arg19[%swap3A_607, %swap3A_608] {strides = array<i32>} : memref<125x16xf32, #tpu.memory_space<vmem>>, vector<1x16xf32>,
    %swap3A_610 = vector.shape_cast %swap3A_609 : vector<1x16xf32> to vector<16xf32>
    %swap3A_611 = vector.shape_cast %broadcast_in_dim3A_40 : vector<16xf32> to vector<1x16xf32>
    tpu.vector_store %arg19[%swap3A_607, %swap3A_608], %swap3A_611 {strides = array<i32>} : memref<125x16xf32, #tpu.memory_space<vmem>>, vector<1x16xf32>,
    %swap3A_612 = arith.constant 91 : i32
    %swap3A_613 = arith.index_cast %swap3A_612 : i32 to index
    %swap3A_614 = arith.constant 0 : index
    %swap3A_615 = tpu.vector_load %arg19[%swap3A_613, %swap3A_614] {strides = array<i32>} : memref<125x16xf32, #tpu.memory_space<vmem>>, vector<1x16xf32>,
    %swap3A_616 = vector.shape_cast %swap3A_615 : vector<1x16xf32> to vector<16xf32>
    %swap3A_617 = vector.shape_cast %broadcast_in_dim3A_40 : vector<16xf32> to vector<1x16xf32>
    tpu.vector_store %arg19[%swap3A_613, %swap3A_614], %swap3A_617 {strides = array<i32>} : memref<125x16xf32, #tpu.memory_space<vmem>>, vector<1x16xf32>,
    %swap3A_618 = arith.constant 92 : i32
    %swap3A_619 = arith.index_cast %swap3A_618 : i32 to index
    %swap3A_620 = arith.constant 0 : index
    %swap3A_621 = tpu.vector_load %arg19[%swap3A_619, %swap3A_620] {strides = array<i32>} : memref<125x16xf32, #tpu.memory_space<vmem>>, vector<1x16xf32>,
    %swap3A_622 = vector.shape_cast %swap3A_621 : vector<1x16xf32> to vector<16xf32>
    %swap3A_623 = vector.shape_cast %broadcast_in_dim3A_40 : vector<16xf32> to vector<1x16xf32>
    tpu.vector_store %arg19[%swap3A_619, %swap3A_620], %swap3A_623 {strides = array<i32>} : memref<125x16xf32, #tpu.memory_space<vmem>>, vector<1x16xf32>,
    %swap3A_624 = arith.constant 93 : i32
    %swap3A_625 = arith.index_cast %swap3A_624 : i32 to index
    %swap3A_626 = arith.constant 0 : index
    %swap3A_627 = tpu.vector_load %arg19[%swap3A_625, %swap3A_626] {strides = array<i32>} : memref<125x16xf32, #tpu.memory_space<vmem>>, vector<1x16xf32>,
    %swap3A_628 = vector.shape_cast %swap3A_627 : vector<1x16xf32> to vector<16xf32>
    %swap3A_629 = vector.shape_cast %broadcast_in_dim3A_40 : vector<16xf32> to vector<1x16xf32>
    tpu.vector_store %arg19[%swap3A_625, %swap3A_626], %swap3A_629 {strides = array<i32>} : memref<125x16xf32, #tpu.memory_space<vmem>>, vector<1x16xf32>,
    %swap3A_630 = arith.constant 94 : i32
    %swap3A_631 = arith.index_cast %swap3A_630 : i32 to index
    %swap3A_632 = arith.constant 0 : index
    %swap3A_633 = tpu.vector_load %arg19[%swap3A_631, %swap3A_632] {strides = array<i32>} : memref<125x16xf32, #tpu.memory_space<vmem>>, vector<1x16xf32>,
    %swap3A_634 = vector.shape_cast %swap3A_633 : vector<1x16xf32> to vector<16xf32>
    %swap3A_635 = vector.shape_cast %broadcast_in_dim3A_40 : vector<16xf32> to vector<1x16xf32>
    tpu.vector_store %arg19[%swap3A_631, %swap3A_632], %swap3A_635 {strides = array<i32>} : memref<125x16xf32, #tpu.memory_space<vmem>>, vector<1x16xf32>,
    %swap3A_636 = arith.constant 95 : i32
    %swap3A_637 = arith.index_cast %swap3A_636 : i32 to index
    %swap3A_638 = arith.constant 0 : index
    %swap3A_639 = tpu.vector_load %arg19[%swap3A_637, %swap3A_638] {strides = array<i32>} : memref<125x16xf32, #tpu.memory_space<vmem>>, vector<1x16xf32>,
    %swap3A_640 = vector.shape_cast %swap3A_639 : vector<1x16xf32> to vector<16xf32>
    %swap3A_641 = vector.shape_cast %broadcast_in_dim3A_40 : vector<16xf32> to vector<1x16xf32>
    tpu.vector_store %arg19[%swap3A_637, %swap3A_638], %swap3A_641 {strides = array<i32>} : memref<125x16xf32, #tpu.memory_space<vmem>>, vector<1x16xf32>,
    %swap3A_642 = arith.constant 96 : i32
    %swap3A_643 = arith.index_cast %swap3A_642 : i32 to index
    %swap3A_644 = arith.constant 0 : index
    %swap3A_645 = tpu.vector_load %arg19[%swap3A_643, %swap3A_644] {strides = array<i32>} : memref<125x16xf32, #tpu.memory_space<vmem>>, vector<1x16xf32>,
    %swap3A_646 = vector.shape_cast %swap3A_645 : vector<1x16xf32> to vector<16xf32>
    %swap3A_647 = vector.shape_cast %broadcast_in_dim3A_40 : vector<16xf32> to vector<1x16xf32>
    tpu.vector_store %arg19[%swap3A_643, %swap3A_644], %swap3A_647 {strides = array<i32>} : memref<125x16xf32, #tpu.memory_space<vmem>>, vector<1x16xf32>,
    %swap3A_648 = arith.constant 97 : i32
    %swap3A_649 = arith.index_cast %swap3A_648 : i32 to index
    %swap3A_650 = arith.constant 0 : index
    %swap3A_651 = tpu.vector_load %arg19[%swap3A_649, %swap3A_650] {strides = array<i32>} : memref<125x16xf32, #tpu.memory_space<vmem>>, vector<1x16xf32>,
    %swap3A_652 = vector.shape_cast %swap3A_651 : vector<1x16xf32> to vector<16xf32>
    %swap3A_653 = vector.shape_cast %broadcast_in_dim3A_40 : vector<16xf32> to vector<1x16xf32>
    tpu.vector_store %arg19[%swap3A_649, %swap3A_650], %swap3A_653 {strides = array<i32>} : memref<125x16xf32, #tpu.memory_space<vmem>>, vector<1x16xf32>,
    %swap3A_654 = arith.constant 98 : i32
    %swap3A_655 = arith.index_cast %swap3A_654 : i32 to index
    %swap3A_656 = arith.constant 0 : index
    %swap3A_657 = tpu.vector_load %arg19[%swap3A_655, %swap3A_656] {strides = array<i32>} : memref<125x16xf32, #tpu.memory_space<vmem>>, vector<1x16xf32>,
    %swap3A_658 = vector.shape_cast %swap3A_657 : vector<1x16xf32> to vector<16xf32>
    %swap3A_659 = vector.shape_cast %broadcast_in_dim3A_40 : vector<16xf32> to vector<1x16xf32>
    tpu.vector_store %arg19[%swap3A_655, %swap3A_656], %swap3A_659 {strides = array<i32>} : memref<125x16xf32, #tpu.memory_space<vmem>>, vector<1x16xf32>,
    %swap3A_660 = arith.constant 99 : i32
    %swap3A_661 = arith.index_cast %swap3A_660 : i32 to index
    %swap3A_662 = arith.constant 0 : index
    %swap3A_663 = tpu.vector_load %arg19[%swap3A_661, %swap3A_662] {strides = array<i32>} : memref<125x16xf32, #tpu.memory_space<vmem>>, vector<1x16xf32>,
    %swap3A_664 = vector.shape_cast %swap3A_663 : vector<1x16xf32> to vector<16xf32>
    %swap3A_665 = vector.shape_cast %broadcast_in_dim3A_40 : vector<16xf32> to vector<1x16xf32>
    tpu.vector_store %arg19[%swap3A_661, %swap3A_662], %swap3A_665 {strides = array<i32>} : memref<125x16xf32, #tpu.memory_space<vmem>>, vector<1x16xf32>,
    %swap3A_666 = arith.constant 100 : i32
    %swap3A_667 = arith.index_cast %swap3A_666 : i32 to index
    %swap3A_668 = arith.constant 0 : index
    %swap3A_669 = tpu.vector_load %arg19[%swap3A_667, %swap3A_668] {strides = array<i32>} : memref<125x16xf32, #tpu.memory_space<vmem>>, vector<1x16xf32>,
    %swap3A_670 = vector.shape_cast %swap3A_669 : vector<1x16xf32> to vector<16xf32>
    %swap3A_671 = vector.shape_cast %broadcast_in_dim3A_40 : vector<16xf32> to vector<1x16xf32>
    tpu.vector_store %arg19[%swap3A_667, %swap3A_668], %swap3A_671 {strides = array<i32>} : memref<125x16xf32, #tpu.memory_space<vmem>>, vector<1x16xf32>,
    %swap3A_672 = arith.constant 101 : i32
    %swap3A_673 = arith.index_cast %swap3A_672 : i32 to index
    %swap3A_674 = arith.constant 0 : index
    %swap3A_675 = tpu.vector_load %arg19[%swap3A_673, %swap3A_674] {strides = array<i32>} : memref<125x16xf32, #tpu.memory_space<vmem>>, vector<1x16xf32>,
    %swap3A_676 = vector.shape_cast %swap3A_675 : vector<1x16xf32> to vector<16xf32>
    %swap3A_677 = vector.shape_cast %broadcast_in_dim3A_40 : vector<16xf32> to vector<1x16xf32>
    tpu.vector_store %arg19[%swap3A_673, %swap3A_674], %swap3A_677 {strides = array<i32>} : memref<125x16xf32, #tpu.memory_space<vmem>>, vector<1x16xf32>,
    %swap3A_678 = arith.constant 102 : i32
    %swap3A_679 = arith.index_cast %swap3A_678 : i32 to index
    %swap3A_680 = arith.constant 0 : index
    %swap3A_681 = tpu.vector_load %arg19[%swap3A_679, %swap3A_680] {strides = array<i32>} : memref<125x16xf32, #tpu.memory_space<vmem>>, vector<1x16xf32>,
    %swap3A_682 = vector.shape_cast %swap3A_681 : vector<1x16xf32> to vector<16xf32>
    %swap3A_683 = vector.shape_cast %broadcast_in_dim3A_40 : vector<16xf32> to vector<1x16xf32>
    tpu.vector_store %arg19[%swap3A_679, %swap3A_680], %swap3A_683 {strides = array<i32>} : memref<125x16xf32, #tpu.memory_space<vmem>>, vector<1x16xf32>,
    %swap3A_684 = arith.constant 103 : i32
    %swap3A_685 = arith.index_cast %swap3A_684 : i32 to index
    %swap3A_686 = arith.constant 0 : index
    %swap3A_687 = tpu.vector_load %arg19[%swap3A_685, %swap3A_686] {strides = array<i32>} : memref<125x16xf32, #tpu.memory_space<vmem>>, vector<1x16xf32>,
    %swap3A_688 = vector.shape_cast %swap3A_687 : vector<1x16xf32> to vector<16xf32>
    %swap3A_689 = vector.shape_cast %broadcast_in_dim3A_40 : vector<16xf32> to vector<1x16xf32>
    tpu.vector_store %arg19[%swap3A_685, %swap3A_686], %swap3A_689 {strides = array<i32>} : memref<125x16xf32, #tpu.memory_space<vmem>>, vector<1x16xf32>,
    %swap3A_690 = arith.constant 104 : i32
    %swap3A_691 = arith.index_cast %swap3A_690 : i32 to index
    %swap3A_692 = arith.constant 0 : index
    %swap3A_693 = tpu.vector_load %arg19[%swap3A_691, %swap3A_692] {strides = array<i32>} : memref<125x16xf32, #tpu.memory_space<vmem>>, vector<1x16xf32>,
    %swap3A_694 = vector.shape_cast %swap3A_693 : vector<1x16xf32> to vector<16xf32>
    %swap3A_695 = vector.shape_cast %broadcast_in_dim3A_40 : vector<16xf32> to vector<1x16xf32>
    tpu.vector_store %arg19[%swap3A_691, %swap3A_692], %swap3A_695 {strides = array<i32>} : memref<125x16xf32, #tpu.memory_space<vmem>>, vector<1x16xf32>,
    %swap3A_696 = arith.constant 105 : i32
    %swap3A_697 = arith.index_cast %swap3A_696 : i32 to index
    %swap3A_698 = arith.constant 0 : index
    %swap3A_699 = tpu.vector_load %arg19[%swap3A_697, %swap3A_698] {strides = array<i32>} : memref<125x16xf32, #tpu.memory_space<vmem>>, vector<1x16xf32>,
    %swap3A_700 = vector.shape_cast %swap3A_699 : vector<1x16xf32> to vector<16xf32>
    %swap3A_701 = vector.shape_cast %broadcast_in_dim3A_40 : vector<16xf32> to vector<1x16xf32>
    tpu.vector_store %arg19[%swap3A_697, %swap3A_698], %swap3A_701 {strides = array<i32>} : memref<125x16xf32, #tpu.memory_space<vmem>>, vector<1x16xf32>,
    %swap3A_702 = arith.constant 106 : i32
    %swap3A_703 = arith.index_cast %swap3A_702 : i32 to index
    %swap3A_704 = arith.constant 0 : index
    %swap3A_705 = tpu.vector_load %arg19[%swap3A_703, %swap3A_704] {strides = array<i32>} : memref<125x16xf32, #tpu.memory_space<vmem>>, vector<1x16xf32>,
    %swap3A_706 = vector.shape_cast %swap3A_705 : vector<1x16xf32> to vector<16xf32>
    %swap3A_707 = vector.shape_cast %broadcast_in_dim3A_40 : vector<16xf32> to vector<1x16xf32>
    tpu.vector_store %arg19[%swap3A_703, %swap3A_704], %swap3A_707 {strides = array<i32>} : memref<125x16xf32, #tpu.memory_space<vmem>>, vector<1x16xf32>,
    %swap3A_708 = arith.constant 107 : i32
    %swap3A_709 = arith.index_cast %swap3A_708 : i32 to index
    %swap3A_710 = arith.constant 0 : index
    %swap3A_711 = tpu.vector_load %arg19[%swap3A_709, %swap3A_710] {strides = array<i32>} : memref<125x16xf32, #tpu.memory_space<vmem>>, vector<1x16xf32>,
    %swap3A_712 = vector.shape_cast %swap3A_711 : vector<1x16xf32> to vector<16xf32>
    %swap3A_713 = vector.shape_cast %broadcast_in_dim3A_40 : vector<16xf32> to vector<1x16xf32>
    tpu.vector_store %arg19[%swap3A_709, %swap3A_710], %swap3A_713 {strides = array<i32>} : memref<125x16xf32, #tpu.memory_space<vmem>>, vector<1x16xf32>,
    %swap3A_714 = arith.constant 108 : i32
    %swap3A_715 = arith.index_cast %swap3A_714 : i32 to index
    %swap3A_716 = arith.constant 0 : index
    %swap3A_717 = tpu.vector_load %arg19[%swap3A_715, %swap3A_716] {strides = array<i32>} : memref<125x16xf32, #tpu.memory_space<vmem>>, vector<1x16xf32>,
    %swap3A_718 = vector.shape_cast %swap3A_717 : vector<1x16xf32> to vector<16xf32>
    %swap3A_719 = vector.shape_cast %broadcast_in_dim3A_40 : vector<16xf32> to vector<1x16xf32>
    tpu.vector_store %arg19[%swap3A_715, %swap3A_716], %swap3A_719 {strides = array<i32>} : memref<125x16xf32, #tpu.memory_space<vmem>>, vector<1x16xf32>,
    %swap3A_720 = arith.constant 109 : i32
    %swap3A_721 = arith.index_cast %swap3A_720 : i32 to index
    %swap3A_722 = arith.constant 0 : index
    %swap3A_723 = tpu.vector_load %arg19[%swap3A_721, %swap3A_722] {strides = array<i32>} : memref<125x16xf32, #tpu.memory_space<vmem>>, vector<1x16xf32>,
    %swap3A_724 = vector.shape_cast %swap3A_723 : vector<1x16xf32> to vector<16xf32>
    %swap3A_725 = vector.shape_cast %broadcast_in_dim3A_40 : vector<16xf32> to vector<1x16xf32>
    tpu.vector_store %arg19[%swap3A_721, %swap3A_722], %swap3A_725 {strides = array<i32>} : memref<125x16xf32, #tpu.memory_space<vmem>>, vector<1x16xf32>,
    %swap3A_726 = arith.constant 110 : i32
    %swap3A_727 = arith.index_cast %swap3A_726 : i32 to index
    %swap3A_728 = arith.constant 0 : index
    %swap3A_729 = tpu.vector_load %arg19[%swap3A_727, %swap3A_728] {strides = array<i32>} : memref<125x16xf32, #tpu.memory_space<vmem>>, vector<1x16xf32>,
    %swap3A_730 = vector.shape_cast %swap3A_729 : vector<1x16xf32> to vector<16xf32>
    %swap3A_731 = vector.shape_cast %broadcast_in_dim3A_40 : vector<16xf32> to vector<1x16xf32>
    tpu.vector_store %arg19[%swap3A_727, %swap3A_728], %swap3A_731 {strides = array<i32>} : memref<125x16xf32, #tpu.memory_space<vmem>>, vector<1x16xf32>,
    %swap3A_732 = arith.constant 111 : i32
    %swap3A_733 = arith.index_cast %swap3A_732 : i32 to index
    %swap3A_734 = arith.constant 0 : index
    %swap3A_735 = tpu.vector_load %arg19[%swap3A_733, %swap3A_734] {strides = array<i32>} : memref<125x16xf32, #tpu.memory_space<vmem>>, vector<1x16xf32>,
    %swap3A_736 = vector.shape_cast %swap3A_735 : vector<1x16xf32> to vector<16xf32>
    %swap3A_737 = vector.shape_cast %broadcast_in_dim3A_40 : vector<16xf32> to vector<1x16xf32>
    tpu.vector_store %arg19[%swap3A_733, %swap3A_734], %swap3A_737 {strides = array<i32>} : memref<125x16xf32, #tpu.memory_space<vmem>>, vector<1x16xf32>,
    %swap3A_738 = arith.constant 112 : i32
    %swap3A_739 = arith.index_cast %swap3A_738 : i32 to index
    %swap3A_740 = arith.constant 0 : index
    %swap3A_741 = tpu.vector_load %arg19[%swap3A_739, %swap3A_740] {strides = array<i32>} : memref<125x16xf32, #tpu.memory_space<vmem>>, vector<1x16xf32>,
    %swap3A_742 = vector.shape_cast %swap3A_741 : vector<1x16xf32> to vector<16xf32>
    %swap3A_743 = vector.shape_cast %broadcast_in_dim3A_40 : vector<16xf32> to vector<1x16xf32>
    tpu.vector_store %arg19[%swap3A_739, %swap3A_740], %swap3A_743 {strides = array<i32>} : memref<125x16xf32, #tpu.memory_space<vmem>>, vector<1x16xf32>,
    %swap3A_744 = arith.constant 113 : i32
    %swap3A_745 = arith.index_cast %swap3A_744 : i32 to index
    %swap3A_746 = arith.constant 0 : index
    %swap3A_747 = tpu.vector_load %arg19[%swap3A_745, %swap3A_746] {strides = array<i32>} : memref<125x16xf32, #tpu.memory_space<vmem>>, vector<1x16xf32>,
    %swap3A_748 = vector.shape_cast %swap3A_747 : vector<1x16xf32> to vector<16xf32>
    %swap3A_749 = vector.shape_cast %broadcast_in_dim3A_40 : vector<16xf32> to vector<1x16xf32>
    tpu.vector_store %arg19[%swap3A_745, %swap3A_746], %swap3A_749 {strides = array<i32>} : memref<125x16xf32, #tpu.memory_space<vmem>>, vector<1x16xf32>,
    %swap3A_750 = arith.constant 114 : i32
    %swap3A_751 = arith.index_cast %swap3A_750 : i32 to index
    %swap3A_752 = arith.constant 0 : index
    %swap3A_753 = tpu.vector_load %arg19[%swap3A_751, %swap3A_752] {strides = array<i32>} : memref<125x16xf32, #tpu.memory_space<vmem>>, vector<1x16xf32>,
    %swap3A_754 = vector.shape_cast %swap3A_753 : vector<1x16xf32> to vector<16xf32>
    %swap3A_755 = vector.shape_cast %broadcast_in_dim3A_40 : vector<16xf32> to vector<1x16xf32>
    tpu.vector_store %arg19[%swap3A_751, %swap3A_752], %swap3A_755 {strides = array<i32>} : memref<125x16xf32, #tpu.memory_space<vmem>>, vector<1x16xf32>,
    %swap3A_756 = arith.constant 115 : i32
    %swap3A_757 = arith.index_cast %swap3A_756 : i32 to index
    %swap3A_758 = arith.constant 0 : index
    %swap3A_759 = tpu.vector_load %arg19[%swap3A_757, %swap3A_758] {strides = array<i32>} : memref<125x16xf32, #tpu.memory_space<vmem>>, vector<1x16xf32>,
    %swap3A_760 = vector.shape_cast %swap3A_759 : vector<1x16xf32> to vector<16xf32>
    %swap3A_761 = vector.shape_cast %broadcast_in_dim3A_40 : vector<16xf32> to vector<1x16xf32>
    tpu.vector_store %arg19[%swap3A_757, %swap3A_758], %swap3A_761 {strides = array<i32>} : memref<125x16xf32, #tpu.memory_space<vmem>>, vector<1x16xf32>,
    %swap3A_762 = arith.constant 116 : i32
    %swap3A_763 = arith.index_cast %swap3A_762 : i32 to index
    %swap3A_764 = arith.constant 0 : index
    %swap3A_765 = tpu.vector_load %arg19[%swap3A_763, %swap3A_764] {strides = array<i32>} : memref<125x16xf32, #tpu.memory_space<vmem>>, vector<1x16xf32>,
    %swap3A_766 = vector.shape_cast %swap3A_765 : vector<1x16xf32> to vector<16xf32>
    %swap3A_767 = vector.shape_cast %broadcast_in_dim3A_40 : vector<16xf32> to vector<1x16xf32>
    tpu.vector_store %arg19[%swap3A_763, %swap3A_764], %swap3A_767 {strides = array<i32>} : memref<125x16xf32, #tpu.memory_space<vmem>>, vector<1x16xf32>,
    %swap3A_768 = arith.constant 117 : i32
    %swap3A_769 = arith.index_cast %swap3A_768 : i32 to index
    %swap3A_770 = arith.constant 0 : index
    %swap3A_771 = tpu.vector_load %arg19[%swap3A_769, %swap3A_770] {strides = array<i32>} : memref<125x16xf32, #tpu.memory_space<vmem>>, vector<1x16xf32>,
    %swap3A_772 = vector.shape_cast %swap3A_771 : vector<1x16xf32> to vector<16xf32>
    %swap3A_773 = vector.shape_cast %broadcast_in_dim3A_40 : vector<16xf32> to vector<1x16xf32>
    tpu.vector_store %arg19[%swap3A_769, %swap3A_770], %swap3A_773 {strides = array<i32>} : memref<125x16xf32, #tpu.memory_space<vmem>>, vector<1x16xf32>,
    %swap3A_774 = arith.constant 118 : i32
    %swap3A_775 = arith.index_cast %swap3A_774 : i32 to index
    %swap3A_776 = arith.constant 0 : index
    %swap3A_777 = tpu.vector_load %arg19[%swap3A_775, %swap3A_776] {strides = array<i32>} : memref<125x16xf32, #tpu.memory_space<vmem>>, vector<1x16xf32>,
    %swap3A_778 = vector.shape_cast %swap3A_777 : vector<1x16xf32> to vector<16xf32>
    %swap3A_779 = vector.shape_cast %broadcast_in_dim3A_40 : vector<16xf32> to vector<1x16xf32>
    tpu.vector_store %arg19[%swap3A_775, %swap3A_776], %swap3A_779 {strides = array<i32>} : memref<125x16xf32, #tpu.memory_space<vmem>>, vector<1x16xf32>,
    %swap3A_780 = arith.constant 119 : i32
    %swap3A_781 = arith.index_cast %swap3A_780 : i32 to index
    %swap3A_782 = arith.constant 0 : index
    %swap3A_783 = tpu.vector_load %arg19[%swap3A_781, %swap3A_782] {strides = array<i32>} : memref<125x16xf32, #tpu.memory_space<vmem>>, vector<1x16xf32>,
    %swap3A_784 = vector.shape_cast %swap3A_783 : vector<1x16xf32> to vector<16xf32>
    %swap3A_785 = vector.shape_cast %broadcast_in_dim3A_40 : vector<16xf32> to vector<1x16xf32>
    tpu.vector_store %arg19[%swap3A_781, %swap3A_782], %swap3A_785 {strides = array<i32>} : memref<125x16xf32, #tpu.memory_space<vmem>>, vector<1x16xf32>,
    %swap3A_786 = arith.constant 120 : i32
    %swap3A_787 = arith.index_cast %swap3A_786 : i32 to index
    %swap3A_788 = arith.constant 0 : index
    %swap3A_789 = tpu.vector_load %arg19[%swap3A_787, %swap3A_788] {strides = array<i32>} : memref<125x16xf32, #tpu.memory_space<vmem>>, vector<1x16xf32>,
    %swap3A_790 = vector.shape_cast %swap3A_789 : vector<1x16xf32> to vector<16xf32>
    %swap3A_791 = vector.shape_cast %broadcast_in_dim3A_40 : vector<16xf32> to vector<1x16xf32>
    tpu.vector_store %arg19[%swap3A_787, %swap3A_788], %swap3A_791 {strides = array<i32>} : memref<125x16xf32, #tpu.memory_space<vmem>>, vector<1x16xf32>,
    %swap3A_792 = arith.constant 121 : i32
    %swap3A_793 = arith.index_cast %swap3A_792 : i32 to index
    %swap3A_794 = arith.constant 0 : index
    %swap3A_795 = tpu.vector_load %arg19[%swap3A_793, %swap3A_794] {strides = array<i32>} : memref<125x16xf32, #tpu.memory_space<vmem>>, vector<1x16xf32>,
    %swap3A_796 = vector.shape_cast %swap3A_795 : vector<1x16xf32> to vector<16xf32>
    %swap3A_797 = vector.shape_cast %broadcast_in_dim3A_40 : vector<16xf32> to vector<1x16xf32>
    tpu.vector_store %arg19[%swap3A_793, %swap3A_794], %swap3A_797 {strides = array<i32>} : memref<125x16xf32, #tpu.memory_space<vmem>>, vector<1x16xf32>,
    %swap3A_798 = arith.constant 122 : i32
    %swap3A_799 = arith.index_cast %swap3A_798 : i32 to index
    %swap3A_800 = arith.constant 0 : index
    %swap3A_801 = tpu.vector_load %arg19[%swap3A_799, %swap3A_800] {strides = array<i32>} : memref<125x16xf32, #tpu.memory_space<vmem>>, vector<1x16xf32>,
    %swap3A_802 = vector.shape_cast %swap3A_801 : vector<1x16xf32> to vector<16xf32>
    %swap3A_803 = vector.shape_cast %broadcast_in_dim3A_40 : vector<16xf32> to vector<1x16xf32>
    tpu.vector_store %arg19[%swap3A_799, %swap3A_800], %swap3A_803 {strides = array<i32>} : memref<125x16xf32, #tpu.memory_space<vmem>>, vector<1x16xf32>,
    %swap3A_804 = arith.constant 123 : i32
    %swap3A_805 = arith.index_cast %swap3A_804 : i32 to index
    %swap3A_806 = arith.constant 0 : index
    %swap3A_807 = tpu.vector_load %arg19[%swap3A_805, %swap3A_806] {strides = array<i32>} : memref<125x16xf32, #tpu.memory_space<vmem>>, vector<1x16xf32>,
    %swap3A_808 = vector.shape_cast %swap3A_807 : vector<1x16xf32> to vector<16xf32>
    %swap3A_809 = vector.shape_cast %broadcast_in_dim3A_40 : vector<16xf32> to vector<1x16xf32>
    tpu.vector_store %arg19[%swap3A_805, %swap3A_806], %swap3A_809 {strides = array<i32>} : memref<125x16xf32, #tpu.memory_space<vmem>>, vector<1x16xf32>,
    %swap3A_810 = arith.constant 124 : i32
    %swap3A_811 = arith.index_cast %swap3A_810 : i32 to index
    %swap3A_812 = arith.constant 0 : index
    %swap3A_813 = tpu.vector_load %arg19[%swap3A_811, %swap3A_812] {strides = array<i32>} : memref<125x16xf32, #tpu.memory_space<vmem>>, vector<1x16xf32>,
    %swap3A_814 = vector.shape_cast %swap3A_813 : vector<1x16xf32> to vector<16xf32>
    %swap3A_815 = vector.shape_cast %broadcast_in_dim3A_40 : vector<16xf32> to vector<1x16xf32>
    tpu.vector_store %arg19[%swap3A_811, %swap3A_812], %swap3A_815 {strides = array<i32>} : memref<125x16xf32, #tpu.memory_space<vmem>>, vector<1x16xf32>,
    %dma_wait3A = arith.constant 0 : i32
    %dma_wait3A_816 = tpu.memref_slice %arg3[%arg0, %mul3A_0, %dma_wait3A] : memref<2x2560x125xi32, #tpu.memory_space<hbm>> -> memref<1x160x125xi32, #tpu.memory_space<hbm>>
    %dma_wait3A_817 = tpu.memref_squeeze %dma_wait3A_816 : memref<1x160x125xi32, #tpu.memory_space<hbm>> -> memref<160x125xi32, #tpu.memory_space<hbm>>
    %dma_wait3A_818 = arith.constant 0 : i32
    %dma_wait3A_819 = tpu.memref_slice %arg3[%arg0, %mul3A_0, %dma_wait3A_818] : memref<2x2560x125xi32, #tpu.memory_space<hbm>> -> memref<1x160x125xi32, #tpu.memory_space<hbm>>
    %dma_wait3A_820 = tpu.memref_squeeze %dma_wait3A_819 : memref<1x160x125xi32, #tpu.memory_space<hbm>> -> memref<160x125xi32, #tpu.memory_space<hbm>>
    tpu.wait_dma2 semaphore(%arg14 : memref<!tpu.dma_semaphore, #tpu.memory_space<semaphore_mem>>) src(%dma_wait3A_820 : memref<160x125xi32, #tpu.memory_space<hbm>>) dst(%arg7 : memref<160x125xi32, #tpu.memory_space<vmem>>)
    %dma_wait3A_821 = arith.constant 0 : i32
    %dma_wait3A_822 = tpu.memref_slice %arg4[%mul3A_0, %dma_wait3A_821] : memref<2560x125xi32, #tpu.memory_space<hbm>> -> memref<160x125xi32, #tpu.memory_space<hbm>>
    %dma_wait3A_823 = arith.constant 0 : i32
    %dma_wait3A_824 = tpu.memref_slice %arg4[%mul3A_0, %dma_wait3A_823] : memref<2560x125xi32, #tpu.memory_space<hbm>> -> memref<160x125xi32, #tpu.memory_space<hbm>>
    tpu.wait_dma2 semaphore(%arg14 : memref<!tpu.dma_semaphore, #tpu.memory_space<semaphore_mem>>) src(%dma_wait3A_824 : memref<160x125xi32, #tpu.memory_space<hbm>>) dst(%arg8 : memref<160x125xi32, #tpu.memory_space<vmem>>)
    %dma_start3A_825 = arith.constant 0 : i32
    %dma_start3A_826 = arith.constant 0 : i32
    %dma_start3A_827 = tpu.memref_slice %arg7[%dma_start3A_825, %dma_start3A_826] : memref<160x125xi32, #tpu.memory_space<vmem>> -> memref<1x125xi32, #tpu.memory_space<vmem>>
    %dma_start3A_828 = tpu.memref_squeeze %dma_start3A_827 : memref<1x125xi32, #tpu.memory_space<vmem>> -> memref<125xi32, #tpu.memory_space<vmem>>
    %dma_start3A_829 = arith.constant 0 : i32
    %dma_start3A_830 = arith.constant 0 : i32
    %dma_start3A_831 = tpu.memref_slice %arg2[%dma_start3A_829, %dma_start3A_830] : memref<20000x64xf32, #tpu.memory_space<hbm>> -> memref<20000x64xf32, #tpu.memory_space<hbm>>
    tpu.enqueue_indirect_dma source(%dma_start3A_831 : memref<20000x64xf32, #tpu.memory_space<hbm>>) target(%arg9 : memref<125x64xf32, #tpu.memory_space<vmem>>) offsets(%dma_start3A_828 : memref<125xi32, #tpu.memory_space<vmem>>) semaphore(%arg15 : memref<!tpu.dma_semaphore, #tpu.memory_space<semaphore_mem>>)
    %dma_start3A_832 = arith.constant 1 : i32
    %dma_start3A_833 = arith.constant 0 : i32
    %dma_start3A_834 = tpu.memref_slice %arg7[%dma_start3A_832, %dma_start3A_833] : memref<160x125xi32, #tpu.memory_space<vmem>> -> memref<1x125xi32, #tpu.memory_space<vmem>>
    %dma_start3A_835 = tpu.memref_squeeze %dma_start3A_834 : memref<1x125xi32, #tpu.memory_space<vmem>> -> memref<125xi32, #tpu.memory_space<vmem>>
    %dma_start3A_836 = arith.constant 0 : i32
    %dma_start3A_837 = arith.constant 0 : i32
    %dma_start3A_838 = tpu.memref_slice %arg2[%dma_start3A_836, %dma_start3A_837] : memref<20000x64xf32, #tpu.memory_space<hbm>> -> memref<20000x64xf32, #tpu.memory_space<hbm>>
    tpu.enqueue_indirect_dma source(%dma_start3A_838 : memref<20000x64xf32, #tpu.memory_space<hbm>>) target(%arg10 : memref<125x64xf32, #tpu.memory_space<vmem>>) offsets(%dma_start3A_835 : memref<125xi32, #tpu.memory_space<vmem>>) semaphore(%arg16 : memref<!tpu.dma_semaphore, #tpu.memory_space<semaphore_mem>>)
    %dma_start3A_839 = arith.constant 2 : i32
    %dma_start3A_840 = arith.constant 0 : i32
    %dma_start3A_841 = tpu.memref_slice %arg7[%dma_start3A_839, %dma_start3A_840] : memref<160x125xi32, #tpu.memory_space<vmem>> -> memref<1x125xi32, #tpu.memory_space<vmem>>
    %dma_start3A_842 = tpu.memref_squeeze %dma_start3A_841 : memref<1x125xi32, #tpu.memory_space<vmem>> -> memref<125xi32, #tpu.memory_space<vmem>>
    %dma_start3A_843 = arith.constant 0 : i32
    %dma_start3A_844 = arith.constant 0 : i32
    %dma_start3A_845 = tpu.memref_slice %arg2[%dma_start3A_843, %dma_start3A_844] : memref<20000x64xf32, #tpu.memory_space<hbm>> -> memref<20000x64xf32, #tpu.memory_space<hbm>>
    tpu.enqueue_indirect_dma source(%dma_start3A_845 : memref<20000x64xf32, #tpu.memory_space<hbm>>) target(%arg11 : memref<125x64xf32, #tpu.memory_space<vmem>>) offsets(%dma_start3A_842 : memref<125xi32, #tpu.memory_space<vmem>>) semaphore(%arg17 : memref<!tpu.dma_semaphore, #tpu.memory_space<semaphore_mem>>)
    %dma_start3A_846 = arith.constant 3 : i32
    %dma_start3A_847 = arith.constant 0 : i32
    %dma_start3A_848 = tpu.memref_slice %arg7[%dma_start3A_846, %dma_start3A_847] : memref<160x125xi32, #tpu.memory_space<vmem>> -> memref<1x125xi32, #tpu.memory_space<vmem>>
    %dma_start3A_849 = tpu.memref_squeeze %dma_start3A_848 : memref<1x125xi32, #tpu.memory_space<vmem>> -> memref<125xi32, #tpu.memory_space<vmem>>
    %dma_start3A_850 = arith.constant 0 : i32
    %dma_start3A_851 = arith.constant 0 : i32
    %dma_start3A_852 = tpu.memref_slice %arg2[%dma_start3A_850, %dma_start3A_851] : memref<20000x64xf32, #tpu.memory_space<hbm>> -> memref<20000x64xf32, #tpu.memory_space<hbm>>
    tpu.enqueue_indirect_dma source(%dma_start3A_852 : memref<20000x64xf32, #tpu.memory_space<hbm>>) target(%arg12 : memref<125x64xf32, #tpu.memory_space<vmem>>) offsets(%dma_start3A_849 : memref<125xi32, #tpu.memory_space<vmem>>) semaphore(%arg18 : memref<!tpu.dma_semaphore, #tpu.memory_space<semaphore_mem>>)
    %barrier3A = arith.constant 0 : index
    tpu.barrier barrier_id(%barrier3A)
    %scan3A_853 = arith.constant 0 : i32
    %scan3A_854 = arith.constant 0 : i32
    %scan3A_855 = arith.constant 39 : i32
    %scan3A_856 = arith.addi %scan3A_854, %scan3A_855 : i32
    %scan3A_857 = arith.constant 1 : i32
    scf.for %scan3A_912 = %scan3A_854 to %scan3A_856 step %scan3A_857  : i32 {
      %mul3A_913 = arith.constant 4 : i32
      %mul3A_914 = arith.muli %mul3A_913, %scan3A_912 : i32
      %add3A_915 = arith.constant 0 : i32
      %add3A_916 = arith.addi %mul3A_914, %add3A_915 : i32
      %dma_wait3A_917 = arith.constant 0 : i32
      %dma_wait3A_918 = arith.constant 0 : i32
      %dma_wait3A_919 = tpu.memref_slice %arg2[%dma_wait3A_917, %dma_wait3A_918] : memref<20000x64xf32, #tpu.memory_space<hbm>> -> memref<125x64xf32, #tpu.memory_space<hbm>>
      %dma_wait3A_920 = arith.constant 0 : i32
      %dma_wait3A_921 = arith.constant 0 : i32
      %dma_wait3A_922 = tpu.memref_slice %arg2[%dma_wait3A_920, %dma_wait3A_921] : memref<20000x64xf32, #tpu.memory_space<hbm>> -> memref<125x64xf32, #tpu.memory_space<hbm>>
      tpu.wait_dma2 semaphore(%arg15 : memref<!tpu.dma_semaphore, #tpu.memory_space<semaphore_mem>>) src(%dma_wait3A_922 : memref<125x64xf32, #tpu.memory_space<hbm>>) dst(%arg9 : memref<125x64xf32, #tpu.memory_space<vmem>>)
      %eq3A_923 = arith.constant 0 : i32
      %eq3A_924 = arith.cmpi eq, %arg0, %eq3A_923 : i32
      %convert_element_type3A_925 = arith.extui %eq3A_924 : i1 to i32
      %cond3A_926 = arith.constant 0 : i32
      %cond3A_927 = arith.cmpi ne, %convert_element_type3A_925, %cond3A_926 : i32
      scf.if %cond3A_927 {
        "tpu.region"() ({
          %run_scoped3A_1021 = tpu.sem_alloc : memref<!tpu.dma_semaphore, #tpu.memory_space<semaphore_mem>>
          %dma_start3A_1022 = arith.constant 0 : i32
          %dma_start3A_1023 = tpu.memref_slice %arg8[%add3A_916, %dma_start3A_1022] : memref<160x125xi32, #tpu.memory_space<vmem>> -> memref<1x125xi32, #tpu.memory_space<vmem>>
          %dma_start3A_1024 = tpu.memref_squeeze %dma_start3A_1023 : memref<1x125xi32, #tpu.memory_space<vmem>> -> memref<125xi32, #tpu.memory_space<vmem>>
          %dma_start3A_1025 = arith.constant 0 : i32
          %dma_start3A_1026 = arith.constant 0 : i32
          %dma_start3A_1027 = tpu.memref_slice %arg21[%dma_start3A_1025, %dma_start3A_1026] : memref<10240x16xf32, #tpu.memory_space<vmem_shared>> -> memref<10240x16xf32, #tpu.memory_space<vmem_shared>>
          tpu.enqueue_indirect_dma source(%arg19 : memref<125x16xf32, #tpu.memory_space<vmem>>) target(%dma_start3A_1027 : memref<10240x16xf32, #tpu.memory_space<vmem_shared>>) offsets(%dma_start3A_1024 : memref<125xi32, #tpu.memory_space<vmem>>) semaphore(%run_scoped3A_1021 : memref<!tpu.dma_semaphore, #tpu.memory_space<semaphore_mem>>) {add = true}
          %dma_wait3A_1028 = arith.constant 0 : i32
          %dma_wait3A_1029 = tpu.memref_slice %arg8[%add3A_916, %dma_wait3A_1028] : memref<160x125xi32, #tpu.memory_space<vmem>> -> memref<1x125xi32, #tpu.memory_space<vmem>>
          %dma_wait3A_1030 = tpu.memref_squeeze %dma_wait3A_1029 : memref<1x125xi32, #tpu.memory_space<vmem>> -> memref<125xi32, #tpu.memory_space<vmem>>
          %dma_wait3A_1031 = arith.constant 0 : i32
          %dma_wait3A_1032 = arith.constant 0 : i32
          %dma_wait3A_1033 = tpu.memref_slice %arg21[%dma_wait3A_1031, %dma_wait3A_1032] : memref<10240x16xf32, #tpu.memory_space<vmem_shared>> -> memref<10240x16xf32, #tpu.memory_space<vmem_shared>>
          tpu.wait_indirect_dma semaphore(%run_scoped3A_1021 : memref<!tpu.dma_semaphore, #tpu.memory_space<semaphore_mem>>) src(%arg19 : memref<125x16xf32, #tpu.memory_space<vmem>>) dst(%dma_wait3A_1033 : memref<10240x16xf32, #tpu.memory_space<vmem_shared>>)
          tpu.yield
        }) : () -> ()
      } else {
      }
      "tpu.region"() ({
        %run_scoped3A_1021 = tpu.sem_alloc : memref<!tpu.dma_semaphore, #tpu.memory_space<semaphore_mem>>
        %dma_start3A_1022 = arith.constant 0 : i32
        %dma_start3A_1023 = tpu.memref_slice %arg8[%add3A_916, %dma_start3A_1022] : memref<160x125xi32, #tpu.memory_space<vmem>> -> memref<1x125xi32, #tpu.memory_space<vmem>>
        %dma_start3A_1024 = tpu.memref_squeeze %dma_start3A_1023 : memref<1x125xi32, #tpu.memory_space<vmem>> -> memref<125xi32, #tpu.memory_space<vmem>>
        %dma_start3A_1025 = arith.constant 0 : i32
        %dma_start3A_1026 = arith.constant 0 : i32
        %dma_start3A_1027 = tpu.memref_slice %arg13[%dma_start3A_1025, %dma_start3A_1026] : memref<10240x64xf32, #tpu.memory_space<vmem_shared>> -> memref<10240x64xf32, #tpu.memory_space<vmem_shared>>
        tpu.enqueue_indirect_dma source(%arg9 : memref<125x64xf32, #tpu.memory_space<vmem>>) target(%dma_start3A_1027 : memref<10240x64xf32, #tpu.memory_space<vmem_shared>>) offsets(%dma_start3A_1024 : memref<125xi32, #tpu.memory_space<vmem>>) semaphore(%run_scoped3A_1021 : memref<!tpu.dma_semaphore, #tpu.memory_space<semaphore_mem>>) {add = true}
        %dma_wait3A_1028 = arith.constant 0 : i32
        %dma_wait3A_1029 = tpu.memref_slice %arg8[%add3A_916, %dma_wait3A_1028] : memref<160x125xi32, #tpu.memory_space<vmem>> -> memref<1x125xi32, #tpu.memory_space<vmem>>
        %dma_wait3A_1030 = tpu.memref_squeeze %dma_wait3A_1029 : memref<1x125xi32, #tpu.memory_space<vmem>> -> memref<125xi32, #tpu.memory_space<vmem>>
        %dma_wait3A_1031 = arith.constant 0 : i32
        %dma_wait3A_1032 = arith.constant 0 : i32
        %dma_wait3A_1033 = tpu.memref_slice %arg13[%dma_wait3A_1031, %dma_wait3A_1032] : memref<10240x64xf32, #tpu.memory_space<vmem_shared>> -> memref<10240x64xf32, #tpu.memory_space<vmem_shared>>
        tpu.wait_indirect_dma semaphore(%run_scoped3A_1021 : memref<!tpu.dma_semaphore, #tpu.memory_space<semaphore_mem>>) src(%arg9 : memref<125x64xf32, #tpu.memory_space<vmem>>) dst(%dma_wait3A_1033 : memref<10240x64xf32, #tpu.memory_space<vmem_shared>>)
        tpu.yield
      }) : () -> ()
      %add3A_928 = arith.constant 1 : i32
      %add3A_929 = arith.addi %scan3A_912, %add3A_928 : i32
      %mul3A_930 = arith.constant 4 : i32
      %mul3A_931 = arith.muli %mul3A_930, %add3A_929 : i32
      %add3A_932 = arith.constant 0 : i32
      %add3A_933 = arith.addi %mul3A_931, %add3A_932 : i32
      %dma_start3A_934 = arith.constant 0 : i32
      %dma_start3A_935 = tpu.memref_slice %arg7[%add3A_933, %dma_start3A_934] : memref<160x125xi32, #tpu.memory_space<vmem>> -> memref<1x125xi32, #tpu.memory_space<vmem>>
      %dma_start3A_936 = tpu.memref_squeeze %dma_start3A_935 : memref<1x125xi32, #tpu.memory_space<vmem>> -> memref<125xi32, #tpu.memory_space<vmem>>
      %dma_start3A_937 = arith.constant 0 : i32
      %dma_start3A_938 = arith.constant 0 : i32
      %dma_start3A_939 = tpu.memref_slice %arg2[%dma_start3A_937, %dma_start3A_938] : memref<20000x64xf32, #tpu.memory_space<hbm>> -> memref<20000x64xf32, #tpu.memory_space<hbm>>
      tpu.enqueue_indirect_dma source(%dma_start3A_939 : memref<20000x64xf32, #tpu.memory_space<hbm>>) target(%arg9 : memref<125x64xf32, #tpu.memory_space<vmem>>) offsets(%dma_start3A_936 : memref<125xi32, #tpu.memory_space<vmem>>) semaphore(%arg15 : memref<!tpu.dma_semaphore, #tpu.memory_space<semaphore_mem>>)
      %mul3A_940 = arith.constant 4 : i32
      %mul3A_941 = arith.muli %mul3A_940, %scan3A_912 : i32
      %add3A_942 = arith.constant 1 : i32
      %add3A_943 = arith.addi %mul3A_941, %add3A_942 : i32
      %dma_wait3A_944 = arith.constant 0 : i32
      %dma_wait3A_945 = arith.constant 0 : i32
      %dma_wait3A_946 = tpu.memref_slice %arg2[%dma_wait3A_944, %dma_wait3A_945] : memref<20000x64xf32, #tpu.memory_space<hbm>> -> memref<125x64xf32, #tpu.memory_space<hbm>>
      %dma_wait3A_947 = arith.constant 0 : i32
      %dma_wait3A_948 = arith.constant 0 : i32
      %dma_wait3A_949 = tpu.memref_slice %arg2[%dma_wait3A_947, %dma_wait3A_948] : memref<20000x64xf32, #tpu.memory_space<hbm>> -> memref<125x64xf32, #tpu.memory_space<hbm>>
      tpu.wait_dma2 semaphore(%arg16 : memref<!tpu.dma_semaphore, #tpu.memory_space<semaphore_mem>>) src(%dma_wait3A_949 : memref<125x64xf32, #tpu.memory_space<hbm>>) dst(%arg10 : memref<125x64xf32, #tpu.memory_space<vmem>>)
      %eq3A_950 = arith.constant 1 : i32
      %eq3A_951 = arith.cmpi eq, %arg0, %eq3A_950 : i32
      %convert_element_type3A_952 = arith.extui %eq3A_951 : i1 to i32
      %cond3A_953 = arith.constant 0 : i32
      %cond3A_954 = arith.cmpi ne, %convert_element_type3A_952, %cond3A_953 : i32
      scf.if %cond3A_954 {
        "tpu.region"() ({
          %run_scoped3A_1021 = tpu.sem_alloc : memref<!tpu.dma_semaphore, #tpu.memory_space<semaphore_mem>>
          %dma_start3A_1022 = arith.constant 0 : i32
          %dma_start3A_1023 = tpu.memref_slice %arg8[%add3A_943, %dma_start3A_1022] : memref<160x125xi32, #tpu.memory_space<vmem>> -> memref<1x125xi32, #tpu.memory_space<vmem>>
          %dma_start3A_1024 = tpu.memref_squeeze %dma_start3A_1023 : memref<1x125xi32, #tpu.memory_space<vmem>> -> memref<125xi32, #tpu.memory_space<vmem>>
          %dma_start3A_1025 = arith.constant 0 : i32
          %dma_start3A_1026 = arith.constant 0 : i32
          %dma_start3A_1027 = tpu.memref_slice %arg21[%dma_start3A_1025, %dma_start3A_1026] : memref<10240x16xf32, #tpu.memory_space<vmem_shared>> -> memref<10240x16xf32, #tpu.memory_space<vmem_shared>>
          tpu.enqueue_indirect_dma source(%arg19 : memref<125x16xf32, #tpu.memory_space<vmem>>) target(%dma_start3A_1027 : memref<10240x16xf32, #tpu.memory_space<vmem_shared>>) offsets(%dma_start3A_1024 : memref<125xi32, #tpu.memory_space<vmem>>) semaphore(%run_scoped3A_1021 : memref<!tpu.dma_semaphore, #tpu.memory_space<semaphore_mem>>) {add = true}
          %dma_wait3A_1028 = arith.constant 0 : i32
          %dma_wait3A_1029 = tpu.memref_slice %arg8[%add3A_943, %dma_wait3A_1028] : memref<160x125xi32, #tpu.memory_space<vmem>> -> memref<1x125xi32, #tpu.memory_space<vmem>>
          %dma_wait3A_1030 = tpu.memref_squeeze %dma_wait3A_1029 : memref<1x125xi32, #tpu.memory_space<vmem>> -> memref<125xi32, #tpu.memory_space<vmem>>
          %dma_wait3A_1031 = arith.constant 0 : i32
          %dma_wait3A_1032 = arith.constant 0 : i32
          %dma_wait3A_1033 = tpu.memref_slice %arg21[%dma_wait3A_1031, %dma_wait3A_1032] : memref<10240x16xf32, #tpu.memory_space<vmem_shared>> -> memref<10240x16xf32, #tpu.memory_space<vmem_shared>>
          tpu.wait_indirect_dma semaphore(%run_scoped3A_1021 : memref<!tpu.dma_semaphore, #tpu.memory_space<semaphore_mem>>) src(%arg19 : memref<125x16xf32, #tpu.memory_space<vmem>>) dst(%dma_wait3A_1033 : memref<10240x16xf32, #tpu.memory_space<vmem_shared>>)
          tpu.yield
        }) : () -> ()
      } else {
      }
      "tpu.region"() ({
        %run_scoped3A_1021 = tpu.sem_alloc : memref<!tpu.dma_semaphore, #tpu.memory_space<semaphore_mem>>
        %dma_start3A_1022 = arith.constant 0 : i32
        %dma_start3A_1023 = tpu.memref_slice %arg8[%add3A_943, %dma_start3A_1022] : memref<160x125xi32, #tpu.memory_space<vmem>> -> memref<1x125xi32, #tpu.memory_space<vmem>>
        %dma_start3A_1024 = tpu.memref_squeeze %dma_start3A_1023 : memref<1x125xi32, #tpu.memory_space<vmem>> -> memref<125xi32, #tpu.memory_space<vmem>>
        %dma_start3A_1025 = arith.constant 0 : i32
        %dma_start3A_1026 = arith.constant 0 : i32
        %dma_start3A_1027 = tpu.memref_slice %arg13[%dma_start3A_1025, %dma_start3A_1026] : memref<10240x64xf32, #tpu.memory_space<vmem_shared>> -> memref<10240x64xf32, #tpu.memory_space<vmem_shared>>
        tpu.enqueue_indirect_dma source(%arg10 : memref<125x64xf32, #tpu.memory_space<vmem>>) target(%dma_start3A_1027 : memref<10240x64xf32, #tpu.memory_space<vmem_shared>>) offsets(%dma_start3A_1024 : memref<125xi32, #tpu.memory_space<vmem>>) semaphore(%run_scoped3A_1021 : memref<!tpu.dma_semaphore, #tpu.memory_space<semaphore_mem>>) {add = true}
        %dma_wait3A_1028 = arith.constant 0 : i32
        %dma_wait3A_1029 = tpu.memref_slice %arg8[%add3A_943, %dma_wait3A_1028] : memref<160x125xi32, #tpu.memory_space<vmem>> -> memref<1x125xi32, #tpu.memory_space<vmem>>
        %dma_wait3A_1030 = tpu.memref_squeeze %dma_wait3A_1029 : memref<1x125xi32, #tpu.memory_space<vmem>> -> memref<125xi32, #tpu.memory_space<vmem>>
        %dma_wait3A_1031 = arith.constant 0 : i32
        %dma_wait3A_1032 = arith.constant 0 : i32
        %dma_wait3A_1033 = tpu.memref_slice %arg13[%dma_wait3A_1031, %dma_wait3A_1032] : memref<10240x64xf32, #tpu.memory_space<vmem_shared>> -> memref<10240x64xf32, #tpu.memory_space<vmem_shared>>
        tpu.wait_indirect_dma semaphore(%run_scoped3A_1021 : memref<!tpu.dma_semaphore, #tpu.memory_space<semaphore_mem>>) src(%arg10 : memref<125x64xf32, #tpu.memory_space<vmem>>) dst(%dma_wait3A_1033 : memref<10240x64xf32, #tpu.memory_space<vmem_shared>>)
        tpu.yield
      }) : () -> ()
      %add3A_955 = arith.constant 1 : i32
      %add3A_956 = arith.addi %scan3A_912, %add3A_955 : i32
      %mul3A_957 = arith.constant 4 : i32
      %mul3A_958 = arith.muli %mul3A_957, %add3A_956 : i32
      %add3A_959 = arith.constant 1 : i32
      %add3A_960 = arith.addi %mul3A_958, %add3A_959 : i32
      %dma_start3A_961 = arith.constant 0 : i32
      %dma_start3A_962 = tpu.memref_slice %arg7[%add3A_960, %dma_start3A_961] : memref<160x125xi32, #tpu.memory_space<vmem>> -> memref<1x125xi32, #tpu.memory_space<vmem>>
      %dma_start3A_963 = tpu.memref_squeeze %dma_start3A_962 : memref<1x125xi32, #tpu.memory_space<vmem>> -> memref<125xi32, #tpu.memory_space<vmem>>
      %dma_start3A_964 = arith.constant 0 : i32
      %dma_start3A_965 = arith.constant 0 : i32
      %dma_start3A_966 = tpu.memref_slice %arg2[%dma_start3A_964, %dma_start3A_965] : memref<20000x64xf32, #tpu.memory_space<hbm>> -> memref<20000x64xf32, #tpu.memory_space<hbm>>
      tpu.enqueue_indirect_dma source(%dma_start3A_966 : memref<20000x64xf32, #tpu.memory_space<hbm>>) target(%arg10 : memref<125x64xf32, #tpu.memory_space<vmem>>) offsets(%dma_start3A_963 : memref<125xi32, #tpu.memory_space<vmem>>) semaphore(%arg16 : memref<!tpu.dma_semaphore, #tpu.memory_space<semaphore_mem>>)
      %mul3A_967 = arith.constant 4 : i32
      %mul3A_968 = arith.muli %mul3A_967, %scan3A_912 : i32
      %add3A_969 = arith.constant 2 : i32
      %add3A_970 = arith.addi %mul3A_968, %add3A_969 : i32
      %dma_wait3A_971 = arith.constant 0 : i32
      %dma_wait3A_972 = arith.constant 0 : i32
      %dma_wait3A_973 = tpu.memref_slice %arg2[%dma_wait3A_971, %dma_wait3A_972] : memref<20000x64xf32, #tpu.memory_space<hbm>> -> memref<125x64xf32, #tpu.memory_space<hbm>>
      %dma_wait3A_974 = arith.constant 0 : i32
      %dma_wait3A_975 = arith.constant 0 : i32
      %dma_wait3A_976 = tpu.memref_slice %arg2[%dma_wait3A_974, %dma_wait3A_975] : memref<20000x64xf32, #tpu.memory_space<hbm>> -> memref<125x64xf32, #tpu.memory_space<hbm>>
      tpu.wait_dma2 semaphore(%arg17 : memref<!tpu.dma_semaphore, #tpu.memory_space<semaphore_mem>>) src(%dma_wait3A_976 : memref<125x64xf32, #tpu.memory_space<hbm>>) dst(%arg11 : memref<125x64xf32, #tpu.memory_space<vmem>>)
      %eq3A_977 = arith.constant 0 : i32
      %eq3A_978 = arith.cmpi eq, %arg0, %eq3A_977 : i32
      %convert_element_type3A_979 = arith.extui %eq3A_978 : i1 to i32
      %cond3A_980 = arith.constant 0 : i32
      %cond3A_981 = arith.cmpi ne, %convert_element_type3A_979, %cond3A_980 : i32
      scf.if %cond3A_981 {
        "tpu.region"() ({
          %run_scoped3A_1021 = tpu.sem_alloc : memref<!tpu.dma_semaphore, #tpu.memory_space<semaphore_mem>>
          %dma_start3A_1022 = arith.constant 0 : i32
          %dma_start3A_1023 = tpu.memref_slice %arg8[%add3A_970, %dma_start3A_1022] : memref<160x125xi32, #tpu.memory_space<vmem>> -> memref<1x125xi32, #tpu.memory_space<vmem>>
          %dma_start3A_1024 = tpu.memref_squeeze %dma_start3A_1023 : memref<1x125xi32, #tpu.memory_space<vmem>> -> memref<125xi32, #tpu.memory_space<vmem>>
          %dma_start3A_1025 = arith.constant 0 : i32
          %dma_start3A_1026 = arith.constant 0 : i32
          %dma_start3A_1027 = tpu.memref_slice %arg21[%dma_start3A_1025, %dma_start3A_1026] : memref<10240x16xf32, #tpu.memory_space<vmem_shared>> -> memref<10240x16xf32, #tpu.memory_space<vmem_shared>>
          tpu.enqueue_indirect_dma source(%arg19 : memref<125x16xf32, #tpu.memory_space<vmem>>) target(%dma_start3A_1027 : memref<10240x16xf32, #tpu.memory_space<vmem_shared>>) offsets(%dma_start3A_1024 : memref<125xi32, #tpu.memory_space<vmem>>) semaphore(%run_scoped3A_1021 : memref<!tpu.dma_semaphore, #tpu.memory_space<semaphore_mem>>) {add = true}
          %dma_wait3A_1028 = arith.constant 0 : i32
          %dma_wait3A_1029 = tpu.memref_slice %arg8[%add3A_970, %dma_wait3A_1028] : memref<160x125xi32, #tpu.memory_space<vmem>> -> memref<1x125xi32, #tpu.memory_space<vmem>>
          %dma_wait3A_1030 = tpu.memref_squeeze %dma_wait3A_1029 : memref<1x125xi32, #tpu.memory_space<vmem>> -> memref<125xi32, #tpu.memory_space<vmem>>
          %dma_wait3A_1031 = arith.constant 0 : i32
          %dma_wait3A_1032 = arith.constant 0 : i32
          %dma_wait3A_1033 = tpu.memref_slice %arg21[%dma_wait3A_1031, %dma_wait3A_1032] : memref<10240x16xf32, #tpu.memory_space<vmem_shared>> -> memref<10240x16xf32, #tpu.memory_space<vmem_shared>>
          tpu.wait_indirect_dma semaphore(%run_scoped3A_1021 : memref<!tpu.dma_semaphore, #tpu.memory_space<semaphore_mem>>) src(%arg19 : memref<125x16xf32, #tpu.memory_space<vmem>>) dst(%dma_wait3A_1033 : memref<10240x16xf32, #tpu.memory_space<vmem_shared>>)
          tpu.yield
        }) : () -> ()
      } else {
      }
      "tpu.region"() ({
        %run_scoped3A_1021 = tpu.sem_alloc : memref<!tpu.dma_semaphore, #tpu.memory_space<semaphore_mem>>
        %dma_start3A_1022 = arith.constant 0 : i32
        %dma_start3A_1023 = tpu.memref_slice %arg8[%add3A_970, %dma_start3A_1022] : memref<160x125xi32, #tpu.memory_space<vmem>> -> memref<1x125xi32, #tpu.memory_space<vmem>>
        %dma_start3A_1024 = tpu.memref_squeeze %dma_start3A_1023 : memref<1x125xi32, #tpu.memory_space<vmem>> -> memref<125xi32, #tpu.memory_space<vmem>>
        %dma_start3A_1025 = arith.constant 0 : i32
        %dma_start3A_1026 = arith.constant 0 : i32
        %dma_start3A_1027 = tpu.memref_slice %arg13[%dma_start3A_1025, %dma_start3A_1026] : memref<10240x64xf32, #tpu.memory_space<vmem_shared>> -> memref<10240x64xf32, #tpu.memory_space<vmem_shared>>
        tpu.enqueue_indirect_dma source(%arg11 : memref<125x64xf32, #tpu.memory_space<vmem>>) target(%dma_start3A_1027 : memref<10240x64xf32, #tpu.memory_space<vmem_shared>>) offsets(%dma_start3A_1024 : memref<125xi32, #tpu.memory_space<vmem>>) semaphore(%run_scoped3A_1021 : memref<!tpu.dma_semaphore, #tpu.memory_space<semaphore_mem>>) {add = true}
        %dma_wait3A_1028 = arith.constant 0 : i32
        %dma_wait3A_1029 = tpu.memref_slice %arg8[%add3A_970, %dma_wait3A_1028] : memref<160x125xi32, #tpu.memory_space<vmem>> -> memref<1x125xi32, #tpu.memory_space<vmem>>
        %dma_wait3A_1030 = tpu.memref_squeeze %dma_wait3A_1029 : memref<1x125xi32, #tpu.memory_space<vmem>> -> memref<125xi32, #tpu.memory_space<vmem>>
        %dma_wait3A_1031 = arith.constant 0 : i32
        %dma_wait3A_1032 = arith.constant 0 : i32
        %dma_wait3A_1033 = tpu.memref_slice %arg13[%dma_wait3A_1031, %dma_wait3A_1032] : memref<10240x64xf32, #tpu.memory_space<vmem_shared>> -> memref<10240x64xf32, #tpu.memory_space<vmem_shared>>
        tpu.wait_indirect_dma semaphore(%run_scoped3A_1021 : memref<!tpu.dma_semaphore, #tpu.memory_space<semaphore_mem>>) src(%arg11 : memref<125x64xf32, #tpu.memory_space<vmem>>) dst(%dma_wait3A_1033 : memref<10240x64xf32, #tpu.memory_space<vmem_shared>>)
        tpu.yield
      }) : () -> ()
      %add3A_982 = arith.constant 1 : i32
      %add3A_983 = arith.addi %scan3A_912, %add3A_982 : i32
      %mul3A_984 = arith.constant 4 : i32
      %mul3A_985 = arith.muli %mul3A_984, %add3A_983 : i32
      %add3A_986 = arith.constant 2 : i32
      %add3A_987 = arith.addi %mul3A_985, %add3A_986 : i32
      %dma_start3A_988 = arith.constant 0 : i32
      %dma_start3A_989 = tpu.memref_slice %arg7[%add3A_987, %dma_start3A_988] : memref<160x125xi32, #tpu.memory_space<vmem>> -> memref<1x125xi32, #tpu.memory_space<vmem>>
      %dma_start3A_990 = tpu.memref_squeeze %dma_start3A_989 : memref<1x125xi32, #tpu.memory_space<vmem>> -> memref<125xi32, #tpu.memory_space<vmem>>
      %dma_start3A_991 = arith.constant 0 : i32
      %dma_start3A_992 = arith.constant 0 : i32
      %dma_start3A_993 = tpu.memref_slice %arg2[%dma_start3A_991, %dma_start3A_992] : memref<20000x64xf32, #tpu.memory_space<hbm>> -> memref<20000x64xf32, #tpu.memory_space<hbm>>
      tpu.enqueue_indirect_dma source(%dma_start3A_993 : memref<20000x64xf32, #tpu.memory_space<hbm>>) target(%arg11 : memref<125x64xf32, #tpu.memory_space<vmem>>) offsets(%dma_start3A_990 : memref<125xi32, #tpu.memory_space<vmem>>) semaphore(%arg17 : memref<!tpu.dma_semaphore, #tpu.memory_space<semaphore_mem>>)
      %mul3A_994 = arith.constant 4 : i32
      %mul3A_995 = arith.muli %mul3A_994, %scan3A_912 : i32
      %add3A_996 = arith.constant 3 : i32
      %add3A_997 = arith.addi %mul3A_995, %add3A_996 : i32
      %dma_wait3A_998 = arith.constant 0 : i32
      %dma_wait3A_999 = arith.constant 0 : i32
      %dma_wait3A_1000 = tpu.memref_slice %arg2[%dma_wait3A_998, %dma_wait3A_999] : memref<20000x64xf32, #tpu.memory_space<hbm>> -> memref<125x64xf32, #tpu.memory_space<hbm>>
      %dma_wait3A_1001 = arith.constant 0 : i32
      %dma_wait3A_1002 = arith.constant 0 : i32
      %dma_wait3A_1003 = tpu.memref_slice %arg2[%dma_wait3A_1001, %dma_wait3A_1002] : memref<20000x64xf32, #tpu.memory_space<hbm>> -> memref<125x64xf32, #tpu.memory_space<hbm>>
      tpu.wait_dma2 semaphore(%arg18 : memref<!tpu.dma_semaphore, #tpu.memory_space<semaphore_mem>>) src(%dma_wait3A_1003 : memref<125x64xf32, #tpu.memory_space<hbm>>) dst(%arg12 : memref<125x64xf32, #tpu.memory_space<vmem>>)
      %eq3A_1004 = arith.constant 1 : i32
      %eq3A_1005 = arith.cmpi eq, %arg0, %eq3A_1004 : i32
      %convert_element_type3A_1006 = arith.extui %eq3A_1005 : i1 to i32
      %cond3A_1007 = arith.constant 0 : i32
      %cond3A_1008 = arith.cmpi ne, %convert_element_type3A_1006, %cond3A_1007 : i32
      scf.if %cond3A_1008 {
        "tpu.region"() ({
          %run_scoped3A_1021 = tpu.sem_alloc : memref<!tpu.dma_semaphore, #tpu.memory_space<semaphore_mem>>
          %dma_start3A_1022 = arith.constant 0 : i32
          %dma_start3A_1023 = tpu.memref_slice %arg8[%add3A_997, %dma_start3A_1022] : memref<160x125xi32, #tpu.memory_space<vmem>> -> memref<1x125xi32, #tpu.memory_space<vmem>>
          %dma_start3A_1024 = tpu.memref_squeeze %dma_start3A_1023 : memref<1x125xi32, #tpu.memory_space<vmem>> -> memref<125xi32, #tpu.memory_space<vmem>>
          %dma_start3A_1025 = arith.constant 0 : i32
          %dma_start3A_1026 = arith.constant 0 : i32
          %dma_start3A_1027 = tpu.memref_slice %arg21[%dma_start3A_1025, %dma_start3A_1026] : memref<10240x16xf32, #tpu.memory_space<vmem_shared>> -> memref<10240x16xf32, #tpu.memory_space<vmem_shared>>
          tpu.enqueue_indirect_dma source(%arg19 : memref<125x16xf32, #tpu.memory_space<vmem>>) target(%dma_start3A_1027 : memref<10240x16xf32, #tpu.memory_space<vmem_shared>>) offsets(%dma_start3A_1024 : memref<125xi32, #tpu.memory_space<vmem>>) semaphore(%run_scoped3A_1021 : memref<!tpu.dma_semaphore, #tpu.memory_space<semaphore_mem>>) {add = true}
          %dma_wait3A_1028 = arith.constant 0 : i32
          %dma_wait3A_1029 = tpu.memref_slice %arg8[%add3A_997, %dma_wait3A_1028] : memref<160x125xi32, #tpu.memory_space<vmem>> -> memref<1x125xi32, #tpu.memory_space<vmem>>
          %dma_wait3A_1030 = tpu.memref_squeeze %dma_wait3A_1029 : memref<1x125xi32, #tpu.memory_space<vmem>> -> memref<125xi32, #tpu.memory_space<vmem>>
          %dma_wait3A_1031 = arith.constant 0 : i32
          %dma_wait3A_1032 = arith.constant 0 : i32
          %dma_wait3A_1033 = tpu.memref_slice %arg21[%dma_wait3A_1031, %dma_wait3A_1032] : memref<10240x16xf32, #tpu.memory_space<vmem_shared>> -> memref<10240x16xf32, #tpu.memory_space<vmem_shared>>
          tpu.wait_indirect_dma semaphore(%run_scoped3A_1021 : memref<!tpu.dma_semaphore, #tpu.memory_space<semaphore_mem>>) src(%arg19 : memref<125x16xf32, #tpu.memory_space<vmem>>) dst(%dma_wait3A_1033 : memref<10240x16xf32, #tpu.memory_space<vmem_shared>>)
          tpu.yield
        }) : () -> ()
      } else {
      }
      "tpu.region"() ({
        %run_scoped3A_1021 = tpu.sem_alloc : memref<!tpu.dma_semaphore, #tpu.memory_space<semaphore_mem>>
        %dma_start3A_1022 = arith.constant 0 : i32
        %dma_start3A_1023 = tpu.memref_slice %arg8[%add3A_997, %dma_start3A_1022] : memref<160x125xi32, #tpu.memory_space<vmem>> -> memref<1x125xi32, #tpu.memory_space<vmem>>
        %dma_start3A_1024 = tpu.memref_squeeze %dma_start3A_1023 : memref<1x125xi32, #tpu.memory_space<vmem>> -> memref<125xi32, #tpu.memory_space<vmem>>
        %dma_start3A_1025 = arith.constant 0 : i32
        %dma_start3A_1026 = arith.constant 0 : i32
        %dma_start3A_1027 = tpu.memref_slice %arg13[%dma_start3A_1025, %dma_start3A_1026] : memref<10240x64xf32, #tpu.memory_space<vmem_shared>> -> memref<10240x64xf32, #tpu.memory_space<vmem_shared>>
        tpu.enqueue_indirect_dma source(%arg12 : memref<125x64xf32, #tpu.memory_space<vmem>>) target(%dma_start3A_1027 : memref<10240x64xf32, #tpu.memory_space<vmem_shared>>) offsets(%dma_start3A_1024 : memref<125xi32, #tpu.memory_space<vmem>>) semaphore(%run_scoped3A_1021 : memref<!tpu.dma_semaphore, #tpu.memory_space<semaphore_mem>>) {add = true}
        %dma_wait3A_1028 = arith.constant 0 : i32
        %dma_wait3A_1029 = tpu.memref_slice %arg8[%add3A_997, %dma_wait3A_1028] : memref<160x125xi32, #tpu.memory_space<vmem>> -> memref<1x125xi32, #tpu.memory_space<vmem>>
        %dma_wait3A_1030 = tpu.memref_squeeze %dma_wait3A_1029 : memref<1x125xi32, #tpu.memory_space<vmem>> -> memref<125xi32, #tpu.memory_space<vmem>>
        %dma_wait3A_1031 = arith.constant 0 : i32
        %dma_wait3A_1032 = arith.constant 0 : i32
        %dma_wait3A_1033 = tpu.memref_slice %arg13[%dma_wait3A_1031, %dma_wait3A_1032] : memref<10240x64xf32, #tpu.memory_space<vmem_shared>> -> memref<10240x64xf32, #tpu.memory_space<vmem_shared>>
        tpu.wait_indirect_dma semaphore(%run_scoped3A_1021 : memref<!tpu.dma_semaphore, #tpu.memory_space<semaphore_mem>>) src(%arg12 : memref<125x64xf32, #tpu.memory_space<vmem>>) dst(%dma_wait3A_1033 : memref<10240x64xf32, #tpu.memory_space<vmem_shared>>)
        tpu.yield
      }) : () -> ()
      %add3A_1009 = arith.constant 1 : i32
      %add3A_1010 = arith.addi %scan3A_912, %add3A_1009 : i32
      %mul3A_1011 = arith.constant 4 : i32
      %mul3A_1012 = arith.muli %mul3A_1011, %add3A_1010 : i32
      %add3A_1013 = arith.constant 3 : i32
      %add3A_1014 = arith.addi %mul3A_1012, %add3A_1013 : i32
      %dma_start3A_1015 = arith.constant 0 : i32
      %dma_start3A_1016 = tpu.memref_slice %arg7[%add3A_1014, %dma_start3A_1015] : memref<160x125xi32, #tpu.memory_space<vmem>> -> memref<1x125xi32, #tpu.memory_space<vmem>>
      %dma_start3A_1017 = tpu.memref_squeeze %dma_start3A_1016 : memref<1x125xi32, #tpu.memory_space<vmem>> -> memref<125xi32, #tpu.memory_space<vmem>>
      %dma_start3A_1018 = arith.constant 0 : i32
      %dma_start3A_1019 = arith.constant 0 : i32
      %dma_start3A_1020 = tpu.memref_slice %arg2[%dma_start3A_1018, %dma_start3A_1019] : memref<20000x64xf32, #tpu.memory_space<hbm>> -> memref<20000x64xf32, #tpu.memory_space<hbm>>
      tpu.enqueue_indirect_dma source(%dma_start3A_1020 : memref<20000x64xf32, #tpu.memory_space<hbm>>) target(%arg12 : memref<125x64xf32, #tpu.memory_space<vmem>>) offsets(%dma_start3A_1017 : memref<125xi32, #tpu.memory_space<vmem>>) semaphore(%arg18 : memref<!tpu.dma_semaphore, #tpu.memory_space<semaphore_mem>>)
    }
    %scan3A_858 = arith.constant 39 : i32
    %dma_wait3A_859 = arith.constant 0 : i32
    %dma_wait3A_860 = arith.constant 0 : i32
    %dma_wait3A_861 = tpu.memref_slice %arg2[%dma_wait3A_859, %dma_wait3A_860] : memref<20000x64xf32, #tpu.memory_space<hbm>> -> memref<125x64xf32, #tpu.memory_space<hbm>>
    %dma_wait3A_862 = arith.constant 0 : i32
    %dma_wait3A_863 = arith.constant 0 : i32
    %dma_wait3A_864 = tpu.memref_slice %arg2[%dma_wait3A_862, %dma_wait3A_863] : memref<20000x64xf32, #tpu.memory_space<hbm>> -> memref<125x64xf32, #tpu.memory_space<hbm>>
    tpu.wait_dma2 semaphore(%arg15 : memref<!tpu.dma_semaphore, #tpu.memory_space<semaphore_mem>>) src(%dma_wait3A_864 : memref<125x64xf32, #tpu.memory_space<hbm>>) dst(%arg9 : memref<125x64xf32, #tpu.memory_space<vmem>>)
    %eq3A = arith.constant 0 : i32
    %eq3A_865 = arith.cmpi eq, %arg0, %eq3A : i32
    %convert_element_type3A = arith.extui %eq3A_865 : i1 to i32
    %cond3A = arith.constant 0 : i32
    %cond3A_866 = arith.cmpi ne, %convert_element_type3A, %cond3A : i32
    scf.if %cond3A_866 {
      %run_scoped3A_912 = arith.constant 156 : i32
      "tpu.region"() ({
        %run_scoped3A_913 = tpu.sem_alloc : memref<!tpu.dma_semaphore, #tpu.memory_space<semaphore_mem>>
        %dma_start3A_914 = arith.constant 0 : i32
        %dma_start3A_915 = tpu.memref_slice %arg8[%run_scoped3A_912, %dma_start3A_914] : memref<160x125xi32, #tpu.memory_space<vmem>> -> memref<1x125xi32, #tpu.memory_space<vmem>>
        %dma_start3A_916 = tpu.memref_squeeze %dma_start3A_915 : memref<1x125xi32, #tpu.memory_space<vmem>> -> memref<125xi32, #tpu.memory_space<vmem>>
        %dma_start3A_917 = arith.constant 0 : i32
        %dma_start3A_918 = arith.constant 0 : i32
        %dma_start3A_919 = tpu.memref_slice %arg21[%dma_start3A_917, %dma_start3A_918] : memref<10240x16xf32, #tpu.memory_space<vmem_shared>> -> memref<10240x16xf32, #tpu.memory_space<vmem_shared>>
        tpu.enqueue_indirect_dma source(%arg19 : memref<125x16xf32, #tpu.memory_space<vmem>>) target(%dma_start3A_919 : memref<10240x16xf32, #tpu.memory_space<vmem_shared>>) offsets(%dma_start3A_916 : memref<125xi32, #tpu.memory_space<vmem>>) semaphore(%run_scoped3A_913 : memref<!tpu.dma_semaphore, #tpu.memory_space<semaphore_mem>>) {add = true}
        %dma_wait3A_920 = arith.constant 0 : i32
        %dma_wait3A_921 = tpu.memref_slice %arg8[%run_scoped3A_912, %dma_wait3A_920] : memref<160x125xi32, #tpu.memory_space<vmem>> -> memref<1x125xi32, #tpu.memory_space<vmem>>
        %dma_wait3A_922 = tpu.memref_squeeze %dma_wait3A_921 : memref<1x125xi32, #tpu.memory_space<vmem>> -> memref<125xi32, #tpu.memory_space<vmem>>
        %dma_wait3A_923 = arith.constant 0 : i32
        %dma_wait3A_924 = arith.constant 0 : i32
        %dma_wait3A_925 = tpu.memref_slice %arg21[%dma_wait3A_923, %dma_wait3A_924] : memref<10240x16xf32, #tpu.memory_space<vmem_shared>> -> memref<10240x16xf32, #tpu.memory_space<vmem_shared>>
        tpu.wait_indirect_dma semaphore(%run_scoped3A_913 : memref<!tpu.dma_semaphore, #tpu.memory_space<semaphore_mem>>) src(%arg19 : memref<125x16xf32, #tpu.memory_space<vmem>>) dst(%dma_wait3A_925 : memref<10240x16xf32, #tpu.memory_space<vmem_shared>>)
        tpu.yield
      }) : () -> ()
    } else {
    }
    %run_scoped3A = arith.constant 156 : i32
    "tpu.region"() ({
      %run_scoped3A_912 = tpu.sem_alloc : memref<!tpu.dma_semaphore, #tpu.memory_space<semaphore_mem>>
      %dma_start3A_913 = arith.constant 0 : i32
      %dma_start3A_914 = tpu.memref_slice %arg8[%run_scoped3A, %dma_start3A_913] : memref<160x125xi32, #tpu.memory_space<vmem>> -> memref<1x125xi32, #tpu.memory_space<vmem>>
      %dma_start3A_915 = tpu.memref_squeeze %dma_start3A_914 : memref<1x125xi32, #tpu.memory_space<vmem>> -> memref<125xi32, #tpu.memory_space<vmem>>
      %dma_start3A_916 = arith.constant 0 : i32
      %dma_start3A_917 = arith.constant 0 : i32
      %dma_start3A_918 = tpu.memref_slice %arg13[%dma_start3A_916, %dma_start3A_917] : memref<10240x64xf32, #tpu.memory_space<vmem_shared>> -> memref<10240x64xf32, #tpu.memory_space<vmem_shared>>
      tpu.enqueue_indirect_dma source(%arg9 : memref<125x64xf32, #tpu.memory_space<vmem>>) target(%dma_start3A_918 : memref<10240x64xf32, #tpu.memory_space<vmem_shared>>) offsets(%dma_start3A_915 : memref<125xi32, #tpu.memory_space<vmem>>) semaphore(%run_scoped3A_912 : memref<!tpu.dma_semaphore, #tpu.memory_space<semaphore_mem>>) {add = true}
      %dma_wait3A_919 = arith.constant 0 : i32
      %dma_wait3A_920 = tpu.memref_slice %arg8[%run_scoped3A, %dma_wait3A_919] : memref<160x125xi32, #tpu.memory_space<vmem>> -> memref<1x125xi32, #tpu.memory_space<vmem>>
      %dma_wait3A_921 = tpu.memref_squeeze %dma_wait3A_920 : memref<1x125xi32, #tpu.memory_space<vmem>> -> memref<125xi32, #tpu.memory_space<vmem>>
      %dma_wait3A_922 = arith.constant 0 : i32
      %dma_wait3A_923 = arith.constant 0 : i32
      %dma_wait3A_924 = tpu.memref_slice %arg13[%dma_wait3A_922, %dma_wait3A_923] : memref<10240x64xf32, #tpu.memory_space<vmem_shared>> -> memref<10240x64xf32, #tpu.memory_space<vmem_shared>>
      tpu.wait_indirect_dma semaphore(%run_scoped3A_912 : memref<!tpu.dma_semaphore, #tpu.memory_space<semaphore_mem>>) src(%arg9 : memref<125x64xf32, #tpu.memory_space<vmem>>) dst(%dma_wait3A_924 : memref<10240x64xf32, #tpu.memory_space<vmem_shared>>)
      tpu.yield
    }) : () -> ()
    %dma_wait3A_867 = arith.constant 0 : i32
    %dma_wait3A_868 = arith.constant 0 : i32
    %dma_wait3A_869 = tpu.memref_slice %arg2[%dma_wait3A_867, %dma_wait3A_868] : memref<20000x64xf32, #tpu.memory_space<hbm>> -> memref<125x64xf32, #tpu.memory_space<hbm>>
    %dma_wait3A_870 = arith.constant 0 : i32
    %dma_wait3A_871 = arith.constant 0 : i32
    %dma_wait3A_872 = tpu.memref_slice %arg2[%dma_wait3A_870, %dma_wait3A_871] : memref<20000x64xf32, #tpu.memory_space<hbm>> -> memref<125x64xf32, #tpu.memory_space<hbm>>
    tpu.wait_dma2 semaphore(%arg16 : memref<!tpu.dma_semaphore, #tpu.memory_space<semaphore_mem>>) src(%dma_wait3A_872 : memref<125x64xf32, #tpu.memory_space<hbm>>) dst(%arg10 : memref<125x64xf32, #tpu.memory_space<vmem>>)
    %eq3A_873 = arith.constant 1 : i32
    %eq3A_874 = arith.cmpi eq, %arg0, %eq3A_873 : i32
    %convert_element_type3A_875 = arith.extui %eq3A_874 : i1 to i32
    %cond3A_876 = arith.constant 0 : i32
    %cond3A_877 = arith.cmpi ne, %convert_element_type3A_875, %cond3A_876 : i32
    scf.if %cond3A_877 {
      %run_scoped3A_912 = arith.constant 157 : i32
      "tpu.region"() ({
        %run_scoped3A_913 = tpu.sem_alloc : memref<!tpu.dma_semaphore, #tpu.memory_space<semaphore_mem>>
        %dma_start3A_914 = arith.constant 0 : i32
        %dma_start3A_915 = tpu.memref_slice %arg8[%run_scoped3A_912, %dma_start3A_914] : memref<160x125xi32, #tpu.memory_space<vmem>> -> memref<1x125xi32, #tpu.memory_space<vmem>>
        %dma_start3A_916 = tpu.memref_squeeze %dma_start3A_915 : memref<1x125xi32, #tpu.memory_space<vmem>> -> memref<125xi32, #tpu.memory_space<vmem>>
        %dma_start3A_917 = arith.constant 0 : i32
        %dma_start3A_918 = arith.constant 0 : i32
        %dma_start3A_919 = tpu.memref_slice %arg21[%dma_start3A_917, %dma_start3A_918] : memref<10240x16xf32, #tpu.memory_space<vmem_shared>> -> memref<10240x16xf32, #tpu.memory_space<vmem_shared>>
        tpu.enqueue_indirect_dma source(%arg19 : memref<125x16xf32, #tpu.memory_space<vmem>>) target(%dma_start3A_919 : memref<10240x16xf32, #tpu.memory_space<vmem_shared>>) offsets(%dma_start3A_916 : memref<125xi32, #tpu.memory_space<vmem>>) semaphore(%run_scoped3A_913 : memref<!tpu.dma_semaphore, #tpu.memory_space<semaphore_mem>>) {add = true}
        %dma_wait3A_920 = arith.constant 0 : i32
        %dma_wait3A_921 = tpu.memref_slice %arg8[%run_scoped3A_912, %dma_wait3A_920] : memref<160x125xi32, #tpu.memory_space<vmem>> -> memref<1x125xi32, #tpu.memory_space<vmem>>
        %dma_wait3A_922 = tpu.memref_squeeze %dma_wait3A_921 : memref<1x125xi32, #tpu.memory_space<vmem>> -> memref<125xi32, #tpu.memory_space<vmem>>
        %dma_wait3A_923 = arith.constant 0 : i32
        %dma_wait3A_924 = arith.constant 0 : i32
        %dma_wait3A_925 = tpu.memref_slice %arg21[%dma_wait3A_923, %dma_wait3A_924] : memref<10240x16xf32, #tpu.memory_space<vmem_shared>> -> memref<10240x16xf32, #tpu.memory_space<vmem_shared>>
        tpu.wait_indirect_dma semaphore(%run_scoped3A_913 : memref<!tpu.dma_semaphore, #tpu.memory_space<semaphore_mem>>) src(%arg19 : memref<125x16xf32, #tpu.memory_space<vmem>>) dst(%dma_wait3A_925 : memref<10240x16xf32, #tpu.memory_space<vmem_shared>>)
        tpu.yield
      }) : () -> ()
    } else {
    }
    %run_scoped3A_878 = arith.constant 157 : i32
    "tpu.region"() ({
      %run_scoped3A_912 = tpu.sem_alloc : memref<!tpu.dma_semaphore, #tpu.memory_space<semaphore_mem>>
      %dma_start3A_913 = arith.constant 0 : i32
      %dma_start3A_914 = tpu.memref_slice %arg8[%run_scoped3A_878, %dma_start3A_913] : memref<160x125xi32, #tpu.memory_space<vmem>> -> memref<1x125xi32, #tpu.memory_space<vmem>>
      %dma_start3A_915 = tpu.memref_squeeze %dma_start3A_914 : memref<1x125xi32, #tpu.memory_space<vmem>> -> memref<125xi32, #tpu.memory_space<vmem>>
      %dma_start3A_916 = arith.constant 0 : i32
      %dma_start3A_917 = arith.constant 0 : i32
      %dma_start3A_918 = tpu.memref_slice %arg13[%dma_start3A_916, %dma_start3A_917] : memref<10240x64xf32, #tpu.memory_space<vmem_shared>> -> memref<10240x64xf32, #tpu.memory_space<vmem_shared>>
      tpu.enqueue_indirect_dma source(%arg10 : memref<125x64xf32, #tpu.memory_space<vmem>>) target(%dma_start3A_918 : memref<10240x64xf32, #tpu.memory_space<vmem_shared>>) offsets(%dma_start3A_915 : memref<125xi32, #tpu.memory_space<vmem>>) semaphore(%run_scoped3A_912 : memref<!tpu.dma_semaphore, #tpu.memory_space<semaphore_mem>>) {add = true}
      %dma_wait3A_919 = arith.constant 0 : i32
      %dma_wait3A_920 = tpu.memref_slice %arg8[%run_scoped3A_878, %dma_wait3A_919] : memref<160x125xi32, #tpu.memory_space<vmem>> -> memref<1x125xi32, #tpu.memory_space<vmem>>
      %dma_wait3A_921 = tpu.memref_squeeze %dma_wait3A_920 : memref<1x125xi32, #tpu.memory_space<vmem>> -> memref<125xi32, #tpu.memory_space<vmem>>
      %dma_wait3A_922 = arith.constant 0 : i32
      %dma_wait3A_923 = arith.constant 0 : i32
      %dma_wait3A_924 = tpu.memref_slice %arg13[%dma_wait3A_922, %dma_wait3A_923] : memref<10240x64xf32, #tpu.memory_space<vmem_shared>> -> memref<10240x64xf32, #tpu.memory_space<vmem_shared>>
      tpu.wait_indirect_dma semaphore(%run_scoped3A_912 : memref<!tpu.dma_semaphore, #tpu.memory_space<semaphore_mem>>) src(%arg10 : memref<125x64xf32, #tpu.memory_space<vmem>>) dst(%dma_wait3A_924 : memref<10240x64xf32, #tpu.memory_space<vmem_shared>>)
      tpu.yield
    }) : () -> ()
    %dma_wait3A_879 = arith.constant 0 : i32
    %dma_wait3A_880 = arith.constant 0 : i32
    %dma_wait3A_881 = tpu.memref_slice %arg2[%dma_wait3A_879, %dma_wait3A_880] : memref<20000x64xf32, #tpu.memory_space<hbm>> -> memref<125x64xf32, #tpu.memory_space<hbm>>
    %dma_wait3A_882 = arith.constant 0 : i32
    %dma_wait3A_883 = arith.constant 0 : i32
    %dma_wait3A_884 = tpu.memref_slice %arg2[%dma_wait3A_882, %dma_wait3A_883] : memref<20000x64xf32, #tpu.memory_space<hbm>> -> memref<125x64xf32, #tpu.memory_space<hbm>>
    tpu.wait_dma2 semaphore(%arg17 : memref<!tpu.dma_semaphore, #tpu.memory_space<semaphore_mem>>) src(%dma_wait3A_884 : memref<125x64xf32, #tpu.memory_space<hbm>>) dst(%arg11 : memref<125x64xf32, #tpu.memory_space<vmem>>)
    %eq3A_885 = arith.constant 0 : i32
    %eq3A_886 = arith.cmpi eq, %arg0, %eq3A_885 : i32
    %convert_element_type3A_887 = arith.extui %eq3A_886 : i1 to i32
    %cond3A_888 = arith.constant 0 : i32
    %cond3A_889 = arith.cmpi ne, %convert_element_type3A_887, %cond3A_888 : i32
    scf.if %cond3A_889 {
      %run_scoped3A_912 = arith.constant 158 : i32
      "tpu.region"() ({
        %run_scoped3A_913 = tpu.sem_alloc : memref<!tpu.dma_semaphore, #tpu.memory_space<semaphore_mem>>
        %dma_start3A_914 = arith.constant 0 : i32
        %dma_start3A_915 = tpu.memref_slice %arg8[%run_scoped3A_912, %dma_start3A_914] : memref<160x125xi32, #tpu.memory_space<vmem>> -> memref<1x125xi32, #tpu.memory_space<vmem>>
        %dma_start3A_916 = tpu.memref_squeeze %dma_start3A_915 : memref<1x125xi32, #tpu.memory_space<vmem>> -> memref<125xi32, #tpu.memory_space<vmem>>
        %dma_start3A_917 = arith.constant 0 : i32
        %dma_start3A_918 = arith.constant 0 : i32
        %dma_start3A_919 = tpu.memref_slice %arg21[%dma_start3A_917, %dma_start3A_918] : memref<10240x16xf32, #tpu.memory_space<vmem_shared>> -> memref<10240x16xf32, #tpu.memory_space<vmem_shared>>
        tpu.enqueue_indirect_dma source(%arg19 : memref<125x16xf32, #tpu.memory_space<vmem>>) target(%dma_start3A_919 : memref<10240x16xf32, #tpu.memory_space<vmem_shared>>) offsets(%dma_start3A_916 : memref<125xi32, #tpu.memory_space<vmem>>) semaphore(%run_scoped3A_913 : memref<!tpu.dma_semaphore, #tpu.memory_space<semaphore_mem>>) {add = true}
        %dma_wait3A_920 = arith.constant 0 : i32
        %dma_wait3A_921 = tpu.memref_slice %arg8[%run_scoped3A_912, %dma_wait3A_920] : memref<160x125xi32, #tpu.memory_space<vmem>> -> memref<1x125xi32, #tpu.memory_space<vmem>>
        %dma_wait3A_922 = tpu.memref_squeeze %dma_wait3A_921 : memref<1x125xi32, #tpu.memory_space<vmem>> -> memref<125xi32, #tpu.memory_space<vmem>>
        %dma_wait3A_923 = arith.constant 0 : i32
        %dma_wait3A_924 = arith.constant 0 : i32
        %dma_wait3A_925 = tpu.memref_slice %arg21[%dma_wait3A_923, %dma_wait3A_924] : memref<10240x16xf32, #tpu.memory_space<vmem_shared>> -> memref<10240x16xf32, #tpu.memory_space<vmem_shared>>
        tpu.wait_indirect_dma semaphore(%run_scoped3A_913 : memref<!tpu.dma_semaphore, #tpu.memory_space<semaphore_mem>>) src(%arg19 : memref<125x16xf32, #tpu.memory_space<vmem>>) dst(%dma_wait3A_925 : memref<10240x16xf32, #tpu.memory_space<vmem_shared>>)
        tpu.yield
      }) : () -> ()
    } else {
    }
    %run_scoped3A_890 = arith.constant 158 : i32
    "tpu.region"() ({
      %run_scoped3A_912 = tpu.sem_alloc : memref<!tpu.dma_semaphore, #tpu.memory_space<semaphore_mem>>
      %dma_start3A_913 = arith.constant 0 : i32
      %dma_start3A_914 = tpu.memref_slice %arg8[%run_scoped3A_890, %dma_start3A_913] : memref<160x125xi32, #tpu.memory_space<vmem>> -> memref<1x125xi32, #tpu.memory_space<vmem>>
      %dma_start3A_915 = tpu.memref_squeeze %dma_start3A_914 : memref<1x125xi32, #tpu.memory_space<vmem>> -> memref<125xi32, #tpu.memory_space<vmem>>
      %dma_start3A_916 = arith.constant 0 : i32
      %dma_start3A_917 = arith.constant 0 : i32
      %dma_start3A_918 = tpu.memref_slice %arg13[%dma_start3A_916, %dma_start3A_917] : memref<10240x64xf32, #tpu.memory_space<vmem_shared>> -> memref<10240x64xf32, #tpu.memory_space<vmem_shared>>
      tpu.enqueue_indirect_dma source(%arg11 : memref<125x64xf32, #tpu.memory_space<vmem>>) target(%dma_start3A_918 : memref<10240x64xf32, #tpu.memory_space<vmem_shared>>) offsets(%dma_start3A_915 : memref<125xi32, #tpu.memory_space<vmem>>) semaphore(%run_scoped3A_912 : memref<!tpu.dma_semaphore, #tpu.memory_space<semaphore_mem>>) {add = true}
      %dma_wait3A_919 = arith.constant 0 : i32
      %dma_wait3A_920 = tpu.memref_slice %arg8[%run_scoped3A_890, %dma_wait3A_919] : memref<160x125xi32, #tpu.memory_space<vmem>> -> memref<1x125xi32, #tpu.memory_space<vmem>>
      %dma_wait3A_921 = tpu.memref_squeeze %dma_wait3A_920 : memref<1x125xi32, #tpu.memory_space<vmem>> -> memref<125xi32, #tpu.memory_space<vmem>>
      %dma_wait3A_922 = arith.constant 0 : i32
      %dma_wait3A_923 = arith.constant 0 : i32
      %dma_wait3A_924 = tpu.memref_slice %arg13[%dma_wait3A_922, %dma_wait3A_923] : memref<10240x64xf32, #tpu.memory_space<vmem_shared>> -> memref<10240x64xf32, #tpu.memory_space<vmem_shared>>
      tpu.wait_indirect_dma semaphore(%run_scoped3A_912 : memref<!tpu.dma_semaphore, #tpu.memory_space<semaphore_mem>>) src(%arg11 : memref<125x64xf32, #tpu.memory_space<vmem>>) dst(%dma_wait3A_924 : memref<10240x64xf32, #tpu.memory_space<vmem_shared>>)
      tpu.yield
    }) : () -> ()
    %dma_wait3A_891 = arith.constant 0 : i32
    %dma_wait3A_892 = arith.constant 0 : i32
    %dma_wait3A_893 = tpu.memref_slice %arg2[%dma_wait3A_891, %dma_wait3A_892] : memref<20000x64xf32, #tpu.memory_space<hbm>> -> memref<125x64xf32, #tpu.memory_space<hbm>>
    %dma_wait3A_894 = arith.constant 0 : i32
    %dma_wait3A_895 = arith.constant 0 : i32
    %dma_wait3A_896 = tpu.memref_slice %arg2[%dma_wait3A_894, %dma_wait3A_895] : memref<20000x64xf32, #tpu.memory_space<hbm>> -> memref<125x64xf32, #tpu.memory_space<hbm>>
    tpu.wait_dma2 semaphore(%arg18 : memref<!tpu.dma_semaphore, #tpu.memory_space<semaphore_mem>>) src(%dma_wait3A_896 : memref<125x64xf32, #tpu.memory_space<hbm>>) dst(%arg12 : memref<125x64xf32, #tpu.memory_space<vmem>>)
    %eq3A_897 = arith.constant 1 : i32
    %eq3A_898 = arith.cmpi eq, %arg0, %eq3A_897 : i32
    %convert_element_type3A_899 = arith.extui %eq3A_898 : i1 to i32
    %cond3A_900 = arith.constant 0 : i32
    %cond3A_901 = arith.cmpi ne, %convert_element_type3A_899, %cond3A_900 : i32
    scf.if %cond3A_901 {
      %run_scoped3A_912 = arith.constant 159 : i32
      "tpu.region"() ({
        %run_scoped3A_913 = tpu.sem_alloc : memref<!tpu.dma_semaphore, #tpu.memory_space<semaphore_mem>>
        %dma_start3A_914 = arith.constant 0 : i32
        %dma_start3A_915 = tpu.memref_slice %arg8[%run_scoped3A_912, %dma_start3A_914] : memref<160x125xi32, #tpu.memory_space<vmem>> -> memref<1x125xi32, #tpu.memory_space<vmem>>
        %dma_start3A_916 = tpu.memref_squeeze %dma_start3A_915 : memref<1x125xi32, #tpu.memory_space<vmem>> -> memref<125xi32, #tpu.memory_space<vmem>>
        %dma_start3A_917 = arith.constant 0 : i32
        %dma_start3A_918 = arith.constant 0 : i32
        %dma_start3A_919 = tpu.memref_slice %arg21[%dma_start3A_917, %dma_start3A_918] : memref<10240x16xf32, #tpu.memory_space<vmem_shared>> -> memref<10240x16xf32, #tpu.memory_space<vmem_shared>>
        tpu.enqueue_indirect_dma source(%arg19 : memref<125x16xf32, #tpu.memory_space<vmem>>) target(%dma_start3A_919 : memref<10240x16xf32, #tpu.memory_space<vmem_shared>>) offsets(%dma_start3A_916 : memref<125xi32, #tpu.memory_space<vmem>>) semaphore(%run_scoped3A_913 : memref<!tpu.dma_semaphore, #tpu.memory_space<semaphore_mem>>) {add = true}
        %dma_wait3A_920 = arith.constant 0 : i32
        %dma_wait3A_921 = tpu.memref_slice %arg8[%run_scoped3A_912, %dma_wait3A_920] : memref<160x125xi32, #tpu.memory_space<vmem>> -> memref<1x125xi32, #tpu.memory_space<vmem>>
        %dma_wait3A_922 = tpu.memref_squeeze %dma_wait3A_921 : memref<1x125xi32, #tpu.memory_space<vmem>> -> memref<125xi32, #tpu.memory_space<vmem>>
        %dma_wait3A_923 = arith.constant 0 : i32
        %dma_wait3A_924 = arith.constant 0 : i32
        %dma_wait3A_925 = tpu.memref_slice %arg21[%dma_wait3A_923, %dma_wait3A_924] : memref<10240x16xf32, #tpu.memory_space<vmem_shared>> -> memref<10240x16xf32, #tpu.memory_space<vmem_shared>>
        tpu.wait_indirect_dma semaphore(%run_scoped3A_913 : memref<!tpu.dma_semaphore, #tpu.memory_space<semaphore_mem>>) src(%arg19 : memref<125x16xf32, #tpu.memory_space<vmem>>) dst(%dma_wait3A_925 : memref<10240x16xf32, #tpu.memory_space<vmem_shared>>)
        tpu.yield
      }) : () -> ()
    } else {
    }
    %run_scoped3A_902 = arith.constant 159 : i32
    "tpu.region"() ({
      %run_scoped3A_912 = tpu.sem_alloc : memref<!tpu.dma_semaphore, #tpu.memory_space<semaphore_mem>>
      %dma_start3A_913 = arith.constant 0 : i32
      %dma_start3A_914 = tpu.memref_slice %arg8[%run_scoped3A_902, %dma_start3A_913] : memref<160x125xi32, #tpu.memory_space<vmem>> -> memref<1x125xi32, #tpu.memory_space<vmem>>
      %dma_start3A_915 = tpu.memref_squeeze %dma_start3A_914 : memref<1x125xi32, #tpu.memory_space<vmem>> -> memref<125xi32, #tpu.memory_space<vmem>>
      %dma_start3A_916 = arith.constant 0 : i32
      %dma_start3A_917 = arith.constant 0 : i32
      %dma_start3A_918 = tpu.memref_slice %arg13[%dma_start3A_916, %dma_start3A_917] : memref<10240x64xf32, #tpu.memory_space<vmem_shared>> -> memref<10240x64xf32, #tpu.memory_space<vmem_shared>>
      tpu.enqueue_indirect_dma source(%arg12 : memref<125x64xf32, #tpu.memory_space<vmem>>) target(%dma_start3A_918 : memref<10240x64xf32, #tpu.memory_space<vmem_shared>>) offsets(%dma_start3A_915 : memref<125xi32, #tpu.memory_space<vmem>>) semaphore(%run_scoped3A_912 : memref<!tpu.dma_semaphore, #tpu.memory_space<semaphore_mem>>) {add = true}
      %dma_wait3A_919 = arith.constant 0 : i32
      %dma_wait3A_920 = tpu.memref_slice %arg8[%run_scoped3A_902, %dma_wait3A_919] : memref<160x125xi32, #tpu.memory_space<vmem>> -> memref<1x125xi32, #tpu.memory_space<vmem>>
      %dma_wait3A_921 = tpu.memref_squeeze %dma_wait3A_920 : memref<1x125xi32, #tpu.memory_space<vmem>> -> memref<125xi32, #tpu.memory_space<vmem>>
      %dma_wait3A_922 = arith.constant 0 : i32
      %dma_wait3A_923 = arith.constant 0 : i32
      %dma_wait3A_924 = tpu.memref_slice %arg13[%dma_wait3A_922, %dma_wait3A_923] : memref<10240x64xf32, #tpu.memory_space<vmem_shared>> -> memref<10240x64xf32, #tpu.memory_space<vmem_shared>>
      tpu.wait_indirect_dma semaphore(%run_scoped3A_912 : memref<!tpu.dma_semaphore, #tpu.memory_space<semaphore_mem>>) src(%arg12 : memref<125x64xf32, #tpu.memory_space<vmem>>) dst(%dma_wait3A_924 : memref<10240x64xf32, #tpu.memory_space<vmem_shared>>)
      tpu.yield
    }) : () -> ()
    %barrier3A_903 = arith.constant 0 : index
    tpu.barrier barrier_id(%barrier3A_903)
    %mul3A_904 = arith.constant 640 : i32
    %mul3A_905 = arith.muli %arg1, %mul3A_904 : i32
    %mul3A_906 = arith.constant 640 : i32
    %mul3A_907 = arith.muli %arg1, %mul3A_906 : i32
    "tpu.region"() ({
      %run_scoped3A_912 = tpu.sem_alloc : memref<!tpu.dma_semaphore, #tpu.memory_space<semaphore_mem>>
      %dma_start3A_913 = arith.constant 0 : i32
      %dma_start3A_914 = tpu.memref_slice %arg5[%arg0, %mul3A_907, %dma_start3A_913] : memref<2x10240x64xf32, #tpu.memory_space<hbm>> -> memref<1x640x64xf32, #tpu.memory_space<hbm>>
      %dma_start3A_915 = tpu.memref_squeeze %dma_start3A_914 : memref<1x640x64xf32, #tpu.memory_space<hbm>> -> memref<640x64xf32, #tpu.memory_space<hbm>>
      %dma_start3A_916 = arith.constant 0 : i32
      %dma_start3A_917 = tpu.memref_slice %arg13[%mul3A_905, %dma_start3A_916] : memref<10240x64xf32, #tpu.memory_space<vmem_shared>> -> memref<640x64xf32, #tpu.memory_space<vmem_shared>>
      tpu.enqueue_dma source(%dma_start3A_917 : memref<640x64xf32, #tpu.memory_space<vmem_shared>>) target(%dma_start3A_915 : memref<640x64xf32, #tpu.memory_space<hbm>>) target_semaphore(%run_scoped3A_912 : memref<!tpu.dma_semaphore, #tpu.memory_space<semaphore_mem>>)
      %dma_wait3A_918 = arith.constant 0 : i32
      %dma_wait3A_919 = tpu.memref_slice %arg5[%arg0, %mul3A_907, %dma_wait3A_918] : memref<2x10240x64xf32, #tpu.memory_space<hbm>> -> memref<1x640x64xf32, #tpu.memory_space<hbm>>
      %dma_wait3A_920 = tpu.memref_squeeze %dma_wait3A_919 : memref<1x640x64xf32, #tpu.memory_space<hbm>> -> memref<640x64xf32, #tpu.memory_space<hbm>>
      %dma_wait3A_921 = arith.constant 0 : i32
      %dma_wait3A_922 = tpu.memref_slice %arg13[%mul3A_905, %dma_wait3A_921] : memref<10240x64xf32, #tpu.memory_space<vmem_shared>> -> memref<640x64xf32, #tpu.memory_space<vmem_shared>>
      tpu.wait_dma2 semaphore(%run_scoped3A_912 : memref<!tpu.dma_semaphore, #tpu.memory_space<semaphore_mem>>) src(%dma_wait3A_922 : memref<640x64xf32, #tpu.memory_space<vmem_shared>>) dst(%dma_wait3A_920 : memref<640x64xf32, #tpu.memory_space<hbm>>)
      tpu.yield
    }) : () -> ()
    %mul3A_908 = arith.constant 640 : i32
    %mul3A_909 = arith.muli %arg1, %mul3A_908 : i32
    %mul3A_910 = arith.constant 640 : i32
    %mul3A_911 = arith.muli %arg1, %mul3A_910 : i32
    "tpu.region"() ({
      %run_scoped3A_912 = tpu.sem_alloc : memref<!tpu.dma_semaphore, #tpu.memory_space<semaphore_mem>>
      %dma_start3A_913 = arith.constant 0 : i32
      %dma_start3A_914 = tpu.memref_slice %arg6[%arg0, %mul3A_911, %dma_start3A_913] : memref<2x10240x16xf32, #tpu.memory_space<hbm>> -> memref<1x640x16xf32, #tpu.memory_space<hbm>>
      %dma_start3A_915 = tpu.memref_squeeze %dma_start3A_914 : memref<1x640x16xf32, #tpu.memory_space<hbm>> -> memref<640x16xf32, #tpu.memory_space<hbm>>
      %dma_start3A_916 = arith.constant 0 : i32
      %dma_start3A_917 = tpu.memref_slice %arg21[%mul3A_909, %dma_start3A_916] : memref<10240x16xf32, #tpu.memory_space<vmem_shared>> -> memref<640x16xf32, #tpu.memory_space<vmem_shared>>
      tpu.enqueue_dma source(%dma_start3A_917 : memref<640x16xf32, #tpu.memory_space<vmem_shared>>) target(%dma_start3A_915 : memref<640x16xf32, #tpu.memory_space<hbm>>) target_semaphore(%run_scoped3A_912 : memref<!tpu.dma_semaphore, #tpu.memory_space<semaphore_mem>>)
      %dma_wait3A_918 = arith.constant 0 : i32
      %dma_wait3A_919 = tpu.memref_slice %arg6[%arg0, %mul3A_911, %dma_wait3A_918] : memref<2x10240x16xf32, #tpu.memory_space<hbm>> -> memref<1x640x16xf32, #tpu.memory_space<hbm>>
      %dma_wait3A_920 = tpu.memref_squeeze %dma_wait3A_919 : memref<1x640x16xf32, #tpu.memory_space<hbm>> -> memref<640x16xf32, #tpu.memory_space<hbm>>
      %dma_wait3A_921 = arith.constant 0 : i32
      %dma_wait3A_922 = tpu.memref_slice %arg21[%mul3A_909, %dma_wait3A_921] : memref<10240x16xf32, #tpu.memory_space<vmem_shared>> -> memref<640x16xf32, #tpu.memory_space<vmem_shared>>
      tpu.wait_dma2 semaphore(%run_scoped3A_912 : memref<!tpu.dma_semaphore, #tpu.memory_space<semaphore_mem>>) src(%dma_wait3A_922 : memref<640x16xf32, #tpu.memory_space<vmem_shared>>) dst(%dma_wait3A_920 : memref<640x16xf32, #tpu.memory_space<hbm>>)
      tpu.yield
    }) : () -> ()
    return
  }
}

#map = affine_map<(d0, d1) -> (0, 0)>
#map1 = affine_map<(d0, d1) -> (0, 0, 0)>
module attributes {stable_mosaic.version = 14 : i64} {
  func.func @agg(%arg0: i32, %arg1: i32, %arg2: memref<20000x32xf32, #tpu.memory_space<hbm>>, %arg3: memref<2x2560x125xi32, #tpu.memory_space<hbm>>, %arg4: memref<2560x125xi32, #tpu.memory_space<hbm>>, %arg5: memref<2x10240x32xf32, #tpu.memory_space<hbm>>, %arg6: memref<160x125xi32, #tpu.memory_space<vmem>>, %arg7: memref<160x125xi32, #tpu.memory_space<vmem>>, %arg8: memref<125x32xf32, #tpu.memory_space<vmem>>, %arg9: memref<125x32xf32, #tpu.memory_space<vmem>>, %arg10: memref<125x32xf32, #tpu.memory_space<vmem>>, %arg11: memref<125x32xf32, #tpu.memory_space<vmem>>, %arg12: memref<10240x32xf32, #tpu.memory_space<vmem_shared>>, %arg13: memref<!tpu.dma_semaphore, #tpu.memory_space<semaphore_mem>>, %arg14: memref<!tpu.dma_semaphore, #tpu.memory_space<semaphore_mem>>, %arg15: memref<!tpu.dma_semaphore, #tpu.memory_space<semaphore_mem>>, %arg16: memref<!tpu.dma_semaphore, #tpu.memory_space<semaphore_mem>>, %arg17: memref<!tpu.dma_semaphore, #tpu.memory_space<semaphore_mem>>) attributes {dimension_semantics = [#tpu.dimension_semantics<core_parallel>, #tpu.dimension_semantics<subcore_parallel>], iteration_bounds = array<i64: 2, 16>, scalar_prefetch = 0 : i64, scratch_operands = 12 : i64, tpu.core_type = #tpu.core_type<sc_vector_subcore>, window_params = [{transform_indices = #map}, {transform_indices = #map1}, {transform_indices = #map}, {transform_indices = #map1}]} {
    %mul3A = arith.constant 160 : i32
    %mul3A_0 = arith.muli %arg1, %mul3A : i32
    %dma_start3A = arith.constant 0 : i32
    %dma_start3A_1 = tpu.memref_slice %arg3[%arg0, %mul3A_0, %dma_start3A] : memref<2x2560x125xi32, #tpu.memory_space<hbm>> -> memref<1x160x125xi32, #tpu.memory_space<hbm>>
    %dma_start3A_2 = tpu.memref_squeeze %dma_start3A_1 : memref<1x160x125xi32, #tpu.memory_space<hbm>> -> memref<160x125xi32, #tpu.memory_space<hbm>>
    %dma_start3A_3 = arith.constant 0 : i32
    %dma_start3A_4 = tpu.memref_slice %arg3[%arg0, %mul3A_0, %dma_start3A_3] : memref<2x2560x125xi32, #tpu.memory_space<hbm>> -> memref<1x160x125xi32, #tpu.memory_space<hbm>>
    %dma_start3A_5 = tpu.memref_squeeze %dma_start3A_4 : memref<1x160x125xi32, #tpu.memory_space<hbm>> -> memref<160x125xi32, #tpu.memory_space<hbm>>
    tpu.enqueue_dma source(%dma_start3A_5 : memref<160x125xi32, #tpu.memory_space<hbm>>) target(%arg6 : memref<160x125xi32, #tpu.memory_space<vmem>>) target_semaphore(%arg13 : memref<!tpu.dma_semaphore, #tpu.memory_space<semaphore_mem>>)
    %dma_start3A_6 = arith.constant 0 : i32
    %dma_start3A_7 = tpu.memref_slice %arg4[%mul3A_0, %dma_start3A_6] : memref<2560x125xi32, #tpu.memory_space<hbm>> -> memref<160x125xi32, #tpu.memory_space<hbm>>
    %dma_start3A_8 = arith.constant 0 : i32
    %dma_start3A_9 = tpu.memref_slice %arg4[%mul3A_0, %dma_start3A_8] : memref<2560x125xi32, #tpu.memory_space<hbm>> -> memref<160x125xi32, #tpu.memory_space<hbm>>
    tpu.enqueue_dma source(%dma_start3A_9 : memref<160x125xi32, #tpu.memory_space<hbm>>) target(%arg7 : memref<160x125xi32, #tpu.memory_space<vmem>>) target_semaphore(%arg13 : memref<!tpu.dma_semaphore, #tpu.memory_space<semaphore_mem>>)
    %broadcast_in_dim3A = arith.constant 0.000000e+00 : f32
    %broadcast_in_dim3A_10 = vector.broadcast %broadcast_in_dim3A : f32 to vector<16xf32>
    %scan3A = arith.constant 0 : i32
    %scan3A_11 = arith.constant 0 : i32
    %scan3A_12 = arith.constant 125 : i32
    %scan3A_13 = arith.addi %scan3A_11, %scan3A_12 : i32
    %scan3A_14 = arith.constant 1 : i32
    scf.for %scan3A_114 = %scan3A_11 to %scan3A_13 step %scan3A_14  : i32 {
      %swap3A = arith.index_cast %scan3A_114 : i32 to index
      %swap3A_115 = arith.constant 0 : index
      %swap3A_116 = tpu.vector_load %arg8[%swap3A, %swap3A_115] {strides = array<i32>} : memref<125x32xf32, #tpu.memory_space<vmem>>, vector<1x16xf32>,
      %swap3A_117 = vector.shape_cast %swap3A_116 : vector<1x16xf32> to vector<16xf32>
      %swap3A_118 = vector.shape_cast %broadcast_in_dim3A_10 : vector<16xf32> to vector<1x16xf32>
      tpu.vector_store %arg8[%swap3A, %swap3A_115], %swap3A_118 {strides = array<i32>} : memref<125x32xf32, #tpu.memory_space<vmem>>, vector<1x16xf32>,
      %swap3A_119 = arith.index_cast %scan3A_114 : i32 to index
      %swap3A_120 = arith.constant 16 : index
      %swap3A_121 = tpu.vector_load %arg8[%swap3A_119, %swap3A_120] {strides = array<i32>} : memref<125x32xf32, #tpu.memory_space<vmem>>, vector<1x16xf32>,
      %swap3A_122 = vector.shape_cast %swap3A_121 : vector<1x16xf32> to vector<16xf32>
      %swap3A_123 = vector.shape_cast %broadcast_in_dim3A_10 : vector<16xf32> to vector<1x16xf32>
      tpu.vector_store %arg8[%swap3A_119, %swap3A_120], %swap3A_123 {strides = array<i32>} : memref<125x32xf32, #tpu.memory_space<vmem>>, vector<1x16xf32>,
    }
    %scan3A_15 = arith.constant 125 : i32
    %mul3A_16 = arith.constant 640 : i32
    %mul3A_17 = arith.muli %arg1, %mul3A_16 : i32
    %add3A = arith.constant 0 : i32
    %add3A_18 = arith.addi %mul3A_17, %add3A : i32
    "tpu.region"() ({
      %run_scoped3A_114 = tpu.sem_alloc : memref<!tpu.dma_semaphore, #tpu.memory_space<semaphore_mem>>
      %dma_start3A_115 = arith.constant 0 : i32
      %dma_start3A_116 = tpu.memref_slice %arg12[%add3A_18, %dma_start3A_115] : memref<10240x32xf32, #tpu.memory_space<vmem_shared>> -> memref<125x32xf32, #tpu.memory_space<vmem_shared>>
      %dma_start3A_117 = arith.constant 0 : i32
      %dma_start3A_118 = tpu.memref_slice %arg12[%add3A_18, %dma_start3A_117] : memref<10240x32xf32, #tpu.memory_space<vmem_shared>> -> memref<125x32xf32, #tpu.memory_space<vmem_shared>>
      tpu.enqueue_dma source(%arg8 : memref<125x32xf32, #tpu.memory_space<vmem>>) target(%dma_start3A_118 : memref<125x32xf32, #tpu.memory_space<vmem_shared>>) target_semaphore(%run_scoped3A_114 : memref<!tpu.dma_semaphore, #tpu.memory_space<semaphore_mem>>)
      %dma_wait3A_119 = arith.constant 0 : i32
      %dma_wait3A_120 = tpu.memref_slice %arg12[%add3A_18, %dma_wait3A_119] : memref<10240x32xf32, #tpu.memory_space<vmem_shared>> -> memref<125x32xf32, #tpu.memory_space<vmem_shared>>
      %dma_wait3A_121 = arith.constant 0 : i32
      %dma_wait3A_122 = tpu.memref_slice %arg12[%add3A_18, %dma_wait3A_121] : memref<10240x32xf32, #tpu.memory_space<vmem_shared>> -> memref<125x32xf32, #tpu.memory_space<vmem_shared>>
      tpu.wait_dma2 semaphore(%run_scoped3A_114 : memref<!tpu.dma_semaphore, #tpu.memory_space<semaphore_mem>>) src(%arg8 : memref<125x32xf32, #tpu.memory_space<vmem>>) dst(%dma_wait3A_122 : memref<125x32xf32, #tpu.memory_space<vmem_shared>>)
      tpu.yield
    }) : () -> ()
    %mul3A_19 = arith.constant 640 : i32
    %mul3A_20 = arith.muli %arg1, %mul3A_19 : i32
    %add3A_21 = arith.constant 125 : i32
    %add3A_22 = arith.addi %mul3A_20, %add3A_21 : i32
    "tpu.region"() ({
      %run_scoped3A_114 = tpu.sem_alloc : memref<!tpu.dma_semaphore, #tpu.memory_space<semaphore_mem>>
      %dma_start3A_115 = arith.constant 0 : i32
      %dma_start3A_116 = tpu.memref_slice %arg12[%add3A_22, %dma_start3A_115] : memref<10240x32xf32, #tpu.memory_space<vmem_shared>> -> memref<125x32xf32, #tpu.memory_space<vmem_shared>>
      %dma_start3A_117 = arith.constant 0 : i32
      %dma_start3A_118 = tpu.memref_slice %arg12[%add3A_22, %dma_start3A_117] : memref<10240x32xf32, #tpu.memory_space<vmem_shared>> -> memref<125x32xf32, #tpu.memory_space<vmem_shared>>
      tpu.enqueue_dma source(%arg8 : memref<125x32xf32, #tpu.memory_space<vmem>>) target(%dma_start3A_118 : memref<125x32xf32, #tpu.memory_space<vmem_shared>>) target_semaphore(%run_scoped3A_114 : memref<!tpu.dma_semaphore, #tpu.memory_space<semaphore_mem>>)
      %dma_wait3A_119 = arith.constant 0 : i32
      %dma_wait3A_120 = tpu.memref_slice %arg12[%add3A_22, %dma_wait3A_119] : memref<10240x32xf32, #tpu.memory_space<vmem_shared>> -> memref<125x32xf32, #tpu.memory_space<vmem_shared>>
      %dma_wait3A_121 = arith.constant 0 : i32
      %dma_wait3A_122 = tpu.memref_slice %arg12[%add3A_22, %dma_wait3A_121] : memref<10240x32xf32, #tpu.memory_space<vmem_shared>> -> memref<125x32xf32, #tpu.memory_space<vmem_shared>>
      tpu.wait_dma2 semaphore(%run_scoped3A_114 : memref<!tpu.dma_semaphore, #tpu.memory_space<semaphore_mem>>) src(%arg8 : memref<125x32xf32, #tpu.memory_space<vmem>>) dst(%dma_wait3A_122 : memref<125x32xf32, #tpu.memory_space<vmem_shared>>)
      tpu.yield
    }) : () -> ()
    %mul3A_23 = arith.constant 640 : i32
    %mul3A_24 = arith.muli %arg1, %mul3A_23 : i32
    %add3A_25 = arith.constant 250 : i32
    %add3A_26 = arith.addi %mul3A_24, %add3A_25 : i32
    "tpu.region"() ({
      %run_scoped3A_114 = tpu.sem_alloc : memref<!tpu.dma_semaphore, #tpu.memory_space<semaphore_mem>>
      %dma_start3A_115 = arith.constant 0 : i32
      %dma_start3A_116 = tpu.memref_slice %arg12[%add3A_26, %dma_start3A_115] : memref<10240x32xf32, #tpu.memory_space<vmem_shared>> -> memref<125x32xf32, #tpu.memory_space<vmem_shared>>
      %dma_start3A_117 = arith.constant 0 : i32
      %dma_start3A_118 = tpu.memref_slice %arg12[%add3A_26, %dma_start3A_117] : memref<10240x32xf32, #tpu.memory_space<vmem_shared>> -> memref<125x32xf32, #tpu.memory_space<vmem_shared>>
      tpu.enqueue_dma source(%arg8 : memref<125x32xf32, #tpu.memory_space<vmem>>) target(%dma_start3A_118 : memref<125x32xf32, #tpu.memory_space<vmem_shared>>) target_semaphore(%run_scoped3A_114 : memref<!tpu.dma_semaphore, #tpu.memory_space<semaphore_mem>>)
      %dma_wait3A_119 = arith.constant 0 : i32
      %dma_wait3A_120 = tpu.memref_slice %arg12[%add3A_26, %dma_wait3A_119] : memref<10240x32xf32, #tpu.memory_space<vmem_shared>> -> memref<125x32xf32, #tpu.memory_space<vmem_shared>>
      %dma_wait3A_121 = arith.constant 0 : i32
      %dma_wait3A_122 = tpu.memref_slice %arg12[%add3A_26, %dma_wait3A_121] : memref<10240x32xf32, #tpu.memory_space<vmem_shared>> -> memref<125x32xf32, #tpu.memory_space<vmem_shared>>
      tpu.wait_dma2 semaphore(%run_scoped3A_114 : memref<!tpu.dma_semaphore, #tpu.memory_space<semaphore_mem>>) src(%arg8 : memref<125x32xf32, #tpu.memory_space<vmem>>) dst(%dma_wait3A_122 : memref<125x32xf32, #tpu.memory_space<vmem_shared>>)
      tpu.yield
    }) : () -> ()
    %mul3A_27 = arith.constant 640 : i32
    %mul3A_28 = arith.muli %arg1, %mul3A_27 : i32
    %add3A_29 = arith.constant 375 : i32
    %add3A_30 = arith.addi %mul3A_28, %add3A_29 : i32
    "tpu.region"() ({
      %run_scoped3A_114 = tpu.sem_alloc : memref<!tpu.dma_semaphore, #tpu.memory_space<semaphore_mem>>
      %dma_start3A_115 = arith.constant 0 : i32
      %dma_start3A_116 = tpu.memref_slice %arg12[%add3A_30, %dma_start3A_115] : memref<10240x32xf32, #tpu.memory_space<vmem_shared>> -> memref<125x32xf32, #tpu.memory_space<vmem_shared>>
      %dma_start3A_117 = arith.constant 0 : i32
      %dma_start3A_118 = tpu.memref_slice %arg12[%add3A_30, %dma_start3A_117] : memref<10240x32xf32, #tpu.memory_space<vmem_shared>> -> memref<125x32xf32, #tpu.memory_space<vmem_shared>>
      tpu.enqueue_dma source(%arg8 : memref<125x32xf32, #tpu.memory_space<vmem>>) target(%dma_start3A_118 : memref<125x32xf32, #tpu.memory_space<vmem_shared>>) target_semaphore(%run_scoped3A_114 : memref<!tpu.dma_semaphore, #tpu.memory_space<semaphore_mem>>)
      %dma_wait3A_119 = arith.constant 0 : i32
      %dma_wait3A_120 = tpu.memref_slice %arg12[%add3A_30, %dma_wait3A_119] : memref<10240x32xf32, #tpu.memory_space<vmem_shared>> -> memref<125x32xf32, #tpu.memory_space<vmem_shared>>
      %dma_wait3A_121 = arith.constant 0 : i32
      %dma_wait3A_122 = tpu.memref_slice %arg12[%add3A_30, %dma_wait3A_121] : memref<10240x32xf32, #tpu.memory_space<vmem_shared>> -> memref<125x32xf32, #tpu.memory_space<vmem_shared>>
      tpu.wait_dma2 semaphore(%run_scoped3A_114 : memref<!tpu.dma_semaphore, #tpu.memory_space<semaphore_mem>>) src(%arg8 : memref<125x32xf32, #tpu.memory_space<vmem>>) dst(%dma_wait3A_122 : memref<125x32xf32, #tpu.memory_space<vmem_shared>>)
      tpu.yield
    }) : () -> ()
    %mul3A_31 = arith.constant 640 : i32
    %mul3A_32 = arith.muli %arg1, %mul3A_31 : i32
    %add3A_33 = arith.constant 500 : i32
    %add3A_34 = arith.addi %mul3A_32, %add3A_33 : i32
    "tpu.region"() ({
      %run_scoped3A_114 = tpu.sem_alloc : memref<!tpu.dma_semaphore, #tpu.memory_space<semaphore_mem>>
      %dma_start3A_115 = arith.constant 0 : i32
      %dma_start3A_116 = tpu.memref_slice %arg12[%add3A_34, %dma_start3A_115] : memref<10240x32xf32, #tpu.memory_space<vmem_shared>> -> memref<125x32xf32, #tpu.memory_space<vmem_shared>>
      %dma_start3A_117 = arith.constant 0 : i32
      %dma_start3A_118 = tpu.memref_slice %arg12[%add3A_34, %dma_start3A_117] : memref<10240x32xf32, #tpu.memory_space<vmem_shared>> -> memref<125x32xf32, #tpu.memory_space<vmem_shared>>
      tpu.enqueue_dma source(%arg8 : memref<125x32xf32, #tpu.memory_space<vmem>>) target(%dma_start3A_118 : memref<125x32xf32, #tpu.memory_space<vmem_shared>>) target_semaphore(%run_scoped3A_114 : memref<!tpu.dma_semaphore, #tpu.memory_space<semaphore_mem>>)
      %dma_wait3A_119 = arith.constant 0 : i32
      %dma_wait3A_120 = tpu.memref_slice %arg12[%add3A_34, %dma_wait3A_119] : memref<10240x32xf32, #tpu.memory_space<vmem_shared>> -> memref<125x32xf32, #tpu.memory_space<vmem_shared>>
      %dma_wait3A_121 = arith.constant 0 : i32
      %dma_wait3A_122 = tpu.memref_slice %arg12[%add3A_34, %dma_wait3A_121] : memref<10240x32xf32, #tpu.memory_space<vmem_shared>> -> memref<125x32xf32, #tpu.memory_space<vmem_shared>>
      tpu.wait_dma2 semaphore(%run_scoped3A_114 : memref<!tpu.dma_semaphore, #tpu.memory_space<semaphore_mem>>) src(%arg8 : memref<125x32xf32, #tpu.memory_space<vmem>>) dst(%dma_wait3A_122 : memref<125x32xf32, #tpu.memory_space<vmem_shared>>)
      tpu.yield
    }) : () -> ()
    %mul3A_35 = arith.constant 640 : i32
    %mul3A_36 = arith.muli %arg1, %mul3A_35 : i32
    %add3A_37 = arith.constant 515 : i32
    %add3A_38 = arith.addi %mul3A_36, %add3A_37 : i32
    "tpu.region"() ({
      %run_scoped3A_114 = tpu.sem_alloc : memref<!tpu.dma_semaphore, #tpu.memory_space<semaphore_mem>>
      %dma_start3A_115 = arith.constant 0 : i32
      %dma_start3A_116 = tpu.memref_slice %arg12[%add3A_38, %dma_start3A_115] : memref<10240x32xf32, #tpu.memory_space<vmem_shared>> -> memref<125x32xf32, #tpu.memory_space<vmem_shared>>
      %dma_start3A_117 = arith.constant 0 : i32
      %dma_start3A_118 = tpu.memref_slice %arg12[%add3A_38, %dma_start3A_117] : memref<10240x32xf32, #tpu.memory_space<vmem_shared>> -> memref<125x32xf32, #tpu.memory_space<vmem_shared>>
      tpu.enqueue_dma source(%arg8 : memref<125x32xf32, #tpu.memory_space<vmem>>) target(%dma_start3A_118 : memref<125x32xf32, #tpu.memory_space<vmem_shared>>) target_semaphore(%run_scoped3A_114 : memref<!tpu.dma_semaphore, #tpu.memory_space<semaphore_mem>>)
      %dma_wait3A_119 = arith.constant 0 : i32
      %dma_wait3A_120 = tpu.memref_slice %arg12[%add3A_38, %dma_wait3A_119] : memref<10240x32xf32, #tpu.memory_space<vmem_shared>> -> memref<125x32xf32, #tpu.memory_space<vmem_shared>>
      %dma_wait3A_121 = arith.constant 0 : i32
      %dma_wait3A_122 = tpu.memref_slice %arg12[%add3A_38, %dma_wait3A_121] : memref<10240x32xf32, #tpu.memory_space<vmem_shared>> -> memref<125x32xf32, #tpu.memory_space<vmem_shared>>
      tpu.wait_dma2 semaphore(%run_scoped3A_114 : memref<!tpu.dma_semaphore, #tpu.memory_space<semaphore_mem>>) src(%arg8 : memref<125x32xf32, #tpu.memory_space<vmem>>) dst(%dma_wait3A_122 : memref<125x32xf32, #tpu.memory_space<vmem_shared>>)
      tpu.yield
    }) : () -> ()
    %dma_wait3A = arith.constant 0 : i32
    %dma_wait3A_39 = tpu.memref_slice %arg3[%arg0, %mul3A_0, %dma_wait3A] : memref<2x2560x125xi32, #tpu.memory_space<hbm>> -> memref<1x160x125xi32, #tpu.memory_space<hbm>>
    %dma_wait3A_40 = tpu.memref_squeeze %dma_wait3A_39 : memref<1x160x125xi32, #tpu.memory_space<hbm>> -> memref<160x125xi32, #tpu.memory_space<hbm>>
    %dma_wait3A_41 = arith.constant 0 : i32
    %dma_wait3A_42 = tpu.memref_slice %arg3[%arg0, %mul3A_0, %dma_wait3A_41] : memref<2x2560x125xi32, #tpu.memory_space<hbm>> -> memref<1x160x125xi32, #tpu.memory_space<hbm>>
    %dma_wait3A_43 = tpu.memref_squeeze %dma_wait3A_42 : memref<1x160x125xi32, #tpu.memory_space<hbm>> -> memref<160x125xi32, #tpu.memory_space<hbm>>
    tpu.wait_dma2 semaphore(%arg13 : memref<!tpu.dma_semaphore, #tpu.memory_space<semaphore_mem>>) src(%dma_wait3A_43 : memref<160x125xi32, #tpu.memory_space<hbm>>) dst(%arg6 : memref<160x125xi32, #tpu.memory_space<vmem>>)
    %dma_wait3A_44 = arith.constant 0 : i32
    %dma_wait3A_45 = tpu.memref_slice %arg4[%mul3A_0, %dma_wait3A_44] : memref<2560x125xi32, #tpu.memory_space<hbm>> -> memref<160x125xi32, #tpu.memory_space<hbm>>
    %dma_wait3A_46 = arith.constant 0 : i32
    %dma_wait3A_47 = tpu.memref_slice %arg4[%mul3A_0, %dma_wait3A_46] : memref<2560x125xi32, #tpu.memory_space<hbm>> -> memref<160x125xi32, #tpu.memory_space<hbm>>
    tpu.wait_dma2 semaphore(%arg13 : memref<!tpu.dma_semaphore, #tpu.memory_space<semaphore_mem>>) src(%dma_wait3A_47 : memref<160x125xi32, #tpu.memory_space<hbm>>) dst(%arg7 : memref<160x125xi32, #tpu.memory_space<vmem>>)
    %dma_start3A_48 = arith.constant 0 : i32
    %dma_start3A_49 = arith.constant 0 : i32
    %dma_start3A_50 = tpu.memref_slice %arg6[%dma_start3A_48, %dma_start3A_49] : memref<160x125xi32, #tpu.memory_space<vmem>> -> memref<1x125xi32, #tpu.memory_space<vmem>>
    %dma_start3A_51 = tpu.memref_squeeze %dma_start3A_50 : memref<1x125xi32, #tpu.memory_space<vmem>> -> memref<125xi32, #tpu.memory_space<vmem>>
    %dma_start3A_52 = arith.constant 0 : i32
    %dma_start3A_53 = arith.constant 0 : i32
    %dma_start3A_54 = tpu.memref_slice %arg2[%dma_start3A_52, %dma_start3A_53] : memref<20000x32xf32, #tpu.memory_space<hbm>> -> memref<20000x32xf32, #tpu.memory_space<hbm>>
    tpu.enqueue_indirect_dma source(%dma_start3A_54 : memref<20000x32xf32, #tpu.memory_space<hbm>>) target(%arg8 : memref<125x32xf32, #tpu.memory_space<vmem>>) offsets(%dma_start3A_51 : memref<125xi32, #tpu.memory_space<vmem>>) semaphore(%arg14 : memref<!tpu.dma_semaphore, #tpu.memory_space<semaphore_mem>>)
    %dma_start3A_55 = arith.constant 1 : i32
    %dma_start3A_56 = arith.constant 0 : i32
    %dma_start3A_57 = tpu.memref_slice %arg6[%dma_start3A_55, %dma_start3A_56] : memref<160x125xi32, #tpu.memory_space<vmem>> -> memref<1x125xi32, #tpu.memory_space<vmem>>
    %dma_start3A_58 = tpu.memref_squeeze %dma_start3A_57 : memref<1x125xi32, #tpu.memory_space<vmem>> -> memref<125xi32, #tpu.memory_space<vmem>>
    %dma_start3A_59 = arith.constant 0 : i32
    %dma_start3A_60 = arith.constant 0 : i32
    %dma_start3A_61 = tpu.memref_slice %arg2[%dma_start3A_59, %dma_start3A_60] : memref<20000x32xf32, #tpu.memory_space<hbm>> -> memref<20000x32xf32, #tpu.memory_space<hbm>>
    tpu.enqueue_indirect_dma source(%dma_start3A_61 : memref<20000x32xf32, #tpu.memory_space<hbm>>) target(%arg9 : memref<125x32xf32, #tpu.memory_space<vmem>>) offsets(%dma_start3A_58 : memref<125xi32, #tpu.memory_space<vmem>>) semaphore(%arg15 : memref<!tpu.dma_semaphore, #tpu.memory_space<semaphore_mem>>)
    %dma_start3A_62 = arith.constant 2 : i32
    %dma_start3A_63 = arith.constant 0 : i32
    %dma_start3A_64 = tpu.memref_slice %arg6[%dma_start3A_62, %dma_start3A_63] : memref<160x125xi32, #tpu.memory_space<vmem>> -> memref<1x125xi32, #tpu.memory_space<vmem>>
    %dma_start3A_65 = tpu.memref_squeeze %dma_start3A_64 : memref<1x125xi32, #tpu.memory_space<vmem>> -> memref<125xi32, #tpu.memory_space<vmem>>
    %dma_start3A_66 = arith.constant 0 : i32
    %dma_start3A_67 = arith.constant 0 : i32
    %dma_start3A_68 = tpu.memref_slice %arg2[%dma_start3A_66, %dma_start3A_67] : memref<20000x32xf32, #tpu.memory_space<hbm>> -> memref<20000x32xf32, #tpu.memory_space<hbm>>
    tpu.enqueue_indirect_dma source(%dma_start3A_68 : memref<20000x32xf32, #tpu.memory_space<hbm>>) target(%arg10 : memref<125x32xf32, #tpu.memory_space<vmem>>) offsets(%dma_start3A_65 : memref<125xi32, #tpu.memory_space<vmem>>) semaphore(%arg16 : memref<!tpu.dma_semaphore, #tpu.memory_space<semaphore_mem>>)
    %dma_start3A_69 = arith.constant 3 : i32
    %dma_start3A_70 = arith.constant 0 : i32
    %dma_start3A_71 = tpu.memref_slice %arg6[%dma_start3A_69, %dma_start3A_70] : memref<160x125xi32, #tpu.memory_space<vmem>> -> memref<1x125xi32, #tpu.memory_space<vmem>>
    %dma_start3A_72 = tpu.memref_squeeze %dma_start3A_71 : memref<1x125xi32, #tpu.memory_space<vmem>> -> memref<125xi32, #tpu.memory_space<vmem>>
    %dma_start3A_73 = arith.constant 0 : i32
    %dma_start3A_74 = arith.constant 0 : i32
    %dma_start3A_75 = tpu.memref_slice %arg2[%dma_start3A_73, %dma_start3A_74] : memref<20000x32xf32, #tpu.memory_space<hbm>> -> memref<20000x32xf32, #tpu.memory_space<hbm>>
    tpu.enqueue_indirect_dma source(%dma_start3A_75 : memref<20000x32xf32, #tpu.memory_space<hbm>>) target(%arg11 : memref<125x32xf32, #tpu.memory_space<vmem>>) offsets(%dma_start3A_72 : memref<125xi32, #tpu.memory_space<vmem>>) semaphore(%arg17 : memref<!tpu.dma_semaphore, #tpu.memory_space<semaphore_mem>>)
    %barrier3A = arith.constant 0 : index
    tpu.barrier barrier_id(%barrier3A)
    %scan3A_76 = arith.constant 0 : i32
    %scan3A_77 = arith.constant 0 : i32
    %scan3A_78 = arith.constant 39 : i32
    %scan3A_79 = arith.addi %scan3A_77, %scan3A_78 : i32
    %scan3A_80 = arith.constant 1 : i32
    scf.for %scan3A_114 = %scan3A_77 to %scan3A_79 step %scan3A_80  : i32 {
      %mul3A_115 = arith.constant 4 : i32
      %mul3A_116 = arith.muli %mul3A_115, %scan3A_114 : i32
      %add3A_117 = arith.constant 0 : i32
      %add3A_118 = arith.addi %mul3A_116, %add3A_117 : i32
      %dma_wait3A_119 = arith.constant 0 : i32
      %dma_wait3A_120 = arith.constant 0 : i32
      %dma_wait3A_121 = tpu.memref_slice %arg2[%dma_wait3A_119, %dma_wait3A_120] : memref<20000x32xf32, #tpu.memory_space<hbm>> -> memref<125x32xf32, #tpu.memory_space<hbm>>
      %dma_wait3A_122 = arith.constant 0 : i32
      %dma_wait3A_123 = arith.constant 0 : i32
      %dma_wait3A_124 = tpu.memref_slice %arg2[%dma_wait3A_122, %dma_wait3A_123] : memref<20000x32xf32, #tpu.memory_space<hbm>> -> memref<125x32xf32, #tpu.memory_space<hbm>>
      tpu.wait_dma2 semaphore(%arg14 : memref<!tpu.dma_semaphore, #tpu.memory_space<semaphore_mem>>) src(%dma_wait3A_124 : memref<125x32xf32, #tpu.memory_space<hbm>>) dst(%arg8 : memref<125x32xf32, #tpu.memory_space<vmem>>)
      "tpu.region"() ({
        %run_scoped3A_203 = tpu.sem_alloc : memref<!tpu.dma_semaphore, #tpu.memory_space<semaphore_mem>>
        %dma_start3A_204 = arith.constant 0 : i32
        %dma_start3A_205 = tpu.memref_slice %arg7[%add3A_118, %dma_start3A_204] : memref<160x125xi32, #tpu.memory_space<vmem>> -> memref<1x125xi32, #tpu.memory_space<vmem>>
        %dma_start3A_206 = tpu.memref_squeeze %dma_start3A_205 : memref<1x125xi32, #tpu.memory_space<vmem>> -> memref<125xi32, #tpu.memory_space<vmem>>
        %dma_start3A_207 = arith.constant 0 : i32
        %dma_start3A_208 = arith.constant 0 : i32
        %dma_start3A_209 = tpu.memref_slice %arg12[%dma_start3A_207, %dma_start3A_208] : memref<10240x32xf32, #tpu.memory_space<vmem_shared>> -> memref<10240x32xf32, #tpu.memory_space<vmem_shared>>
        tpu.enqueue_indirect_dma source(%arg8 : memref<125x32xf32, #tpu.memory_space<vmem>>) target(%dma_start3A_209 : memref<10240x32xf32, #tpu.memory_space<vmem_shared>>) offsets(%dma_start3A_206 : memref<125xi32, #tpu.memory_space<vmem>>) semaphore(%run_scoped3A_203 : memref<!tpu.dma_semaphore, #tpu.memory_space<semaphore_mem>>) {add = true}
        %dma_wait3A_210 = arith.constant 0 : i32
        %dma_wait3A_211 = tpu.memref_slice %arg7[%add3A_118, %dma_wait3A_210] : memref<160x125xi32, #tpu.memory_space<vmem>> -> memref<1x125xi32, #tpu.memory_space<vmem>>
        %dma_wait3A_212 = tpu.memref_squeeze %dma_wait3A_211 : memref<1x125xi32, #tpu.memory_space<vmem>> -> memref<125xi32, #tpu.memory_space<vmem>>
        %dma_wait3A_213 = arith.constant 0 : i32
        %dma_wait3A_214 = arith.constant 0 : i32
        %dma_wait3A_215 = tpu.memref_slice %arg12[%dma_wait3A_213, %dma_wait3A_214] : memref<10240x32xf32, #tpu.memory_space<vmem_shared>> -> memref<10240x32xf32, #tpu.memory_space<vmem_shared>>
        tpu.wait_indirect_dma semaphore(%run_scoped3A_203 : memref<!tpu.dma_semaphore, #tpu.memory_space<semaphore_mem>>) src(%arg8 : memref<125x32xf32, #tpu.memory_space<vmem>>) dst(%dma_wait3A_215 : memref<10240x32xf32, #tpu.memory_space<vmem_shared>>)
        tpu.yield
      }) : () -> ()
      %add3A_125 = arith.constant 1 : i32
      %add3A_126 = arith.addi %scan3A_114, %add3A_125 : i32
      %mul3A_127 = arith.constant 4 : i32
      %mul3A_128 = arith.muli %mul3A_127, %add3A_126 : i32
      %add3A_129 = arith.constant 0 : i32
      %add3A_130 = arith.addi %mul3A_128, %add3A_129 : i32
      %dma_start3A_131 = arith.constant 0 : i32
      %dma_start3A_132 = tpu.memref_slice %arg6[%add3A_130, %dma_start3A_131] : memref<160x125xi32, #tpu.memory_space<vmem>> -> memref<1x125xi32, #tpu.memory_space<vmem>>
      %dma_start3A_133 = tpu.memref_squeeze %dma_start3A_132 : memref<1x125xi32, #tpu.memory_space<vmem>> -> memref<125xi32, #tpu.memory_space<vmem>>
      %dma_start3A_134 = arith.constant 0 : i32
      %dma_start3A_135 = arith.constant 0 : i32
      %dma_start3A_136 = tpu.memref_slice %arg2[%dma_start3A_134, %dma_start3A_135] : memref<20000x32xf32, #tpu.memory_space<hbm>> -> memref<20000x32xf32, #tpu.memory_space<hbm>>
      tpu.enqueue_indirect_dma source(%dma_start3A_136 : memref<20000x32xf32, #tpu.memory_space<hbm>>) target(%arg8 : memref<125x32xf32, #tpu.memory_space<vmem>>) offsets(%dma_start3A_133 : memref<125xi32, #tpu.memory_space<vmem>>) semaphore(%arg14 : memref<!tpu.dma_semaphore, #tpu.memory_space<semaphore_mem>>)
      %mul3A_137 = arith.constant 4 : i32
      %mul3A_138 = arith.muli %mul3A_137, %scan3A_114 : i32
      %add3A_139 = arith.constant 1 : i32
      %add3A_140 = arith.addi %mul3A_138, %add3A_139 : i32
      %dma_wait3A_141 = arith.constant 0 : i32
      %dma_wait3A_142 = arith.constant 0 : i32
      %dma_wait3A_143 = tpu.memref_slice %arg2[%dma_wait3A_141, %dma_wait3A_142] : memref<20000x32xf32, #tpu.memory_space<hbm>> -> memref<125x32xf32, #tpu.memory_space<hbm>>
      %dma_wait3A_144 = arith.constant 0 : i32
      %dma_wait3A_145 = arith.constant 0 : i32
      %dma_wait3A_146 = tpu.memref_slice %arg2[%dma_wait3A_144, %dma_wait3A_145] : memref<20000x32xf32, #tpu.memory_space<hbm>> -> memref<125x32xf32, #tpu.memory_space<hbm>>
      tpu.wait_dma2 semaphore(%arg15 : memref<!tpu.dma_semaphore, #tpu.memory_space<semaphore_mem>>) src(%dma_wait3A_146 : memref<125x32xf32, #tpu.memory_space<hbm>>) dst(%arg9 : memref<125x32xf32, #tpu.memory_space<vmem>>)
      "tpu.region"() ({
        %run_scoped3A_203 = tpu.sem_alloc : memref<!tpu.dma_semaphore, #tpu.memory_space<semaphore_mem>>
        %dma_start3A_204 = arith.constant 0 : i32
        %dma_start3A_205 = tpu.memref_slice %arg7[%add3A_140, %dma_start3A_204] : memref<160x125xi32, #tpu.memory_space<vmem>> -> memref<1x125xi32, #tpu.memory_space<vmem>>
        %dma_start3A_206 = tpu.memref_squeeze %dma_start3A_205 : memref<1x125xi32, #tpu.memory_space<vmem>> -> memref<125xi32, #tpu.memory_space<vmem>>
        %dma_start3A_207 = arith.constant 0 : i32
        %dma_start3A_208 = arith.constant 0 : i32
        %dma_start3A_209 = tpu.memref_slice %arg12[%dma_start3A_207, %dma_start3A_208] : memref<10240x32xf32, #tpu.memory_space<vmem_shared>> -> memref<10240x32xf32, #tpu.memory_space<vmem_shared>>
        tpu.enqueue_indirect_dma source(%arg9 : memref<125x32xf32, #tpu.memory_space<vmem>>) target(%dma_start3A_209 : memref<10240x32xf32, #tpu.memory_space<vmem_shared>>) offsets(%dma_start3A_206 : memref<125xi32, #tpu.memory_space<vmem>>) semaphore(%run_scoped3A_203 : memref<!tpu.dma_semaphore, #tpu.memory_space<semaphore_mem>>) {add = true}
        %dma_wait3A_210 = arith.constant 0 : i32
        %dma_wait3A_211 = tpu.memref_slice %arg7[%add3A_140, %dma_wait3A_210] : memref<160x125xi32, #tpu.memory_space<vmem>> -> memref<1x125xi32, #tpu.memory_space<vmem>>
        %dma_wait3A_212 = tpu.memref_squeeze %dma_wait3A_211 : memref<1x125xi32, #tpu.memory_space<vmem>> -> memref<125xi32, #tpu.memory_space<vmem>>
        %dma_wait3A_213 = arith.constant 0 : i32
        %dma_wait3A_214 = arith.constant 0 : i32
        %dma_wait3A_215 = tpu.memref_slice %arg12[%dma_wait3A_213, %dma_wait3A_214] : memref<10240x32xf32, #tpu.memory_space<vmem_shared>> -> memref<10240x32xf32, #tpu.memory_space<vmem_shared>>
        tpu.wait_indirect_dma semaphore(%run_scoped3A_203 : memref<!tpu.dma_semaphore, #tpu.memory_space<semaphore_mem>>) src(%arg9 : memref<125x32xf32, #tpu.memory_space<vmem>>) dst(%dma_wait3A_215 : memref<10240x32xf32, #tpu.memory_space<vmem_shared>>)
        tpu.yield
      }) : () -> ()
      %add3A_147 = arith.constant 1 : i32
      %add3A_148 = arith.addi %scan3A_114, %add3A_147 : i32
      %mul3A_149 = arith.constant 4 : i32
      %mul3A_150 = arith.muli %mul3A_149, %add3A_148 : i32
      %add3A_151 = arith.constant 1 : i32
      %add3A_152 = arith.addi %mul3A_150, %add3A_151 : i32
      %dma_start3A_153 = arith.constant 0 : i32
      %dma_start3A_154 = tpu.memref_slice %arg6[%add3A_152, %dma_start3A_153] : memref<160x125xi32, #tpu.memory_space<vmem>> -> memref<1x125xi32, #tpu.memory_space<vmem>>
      %dma_start3A_155 = tpu.memref_squeeze %dma_start3A_154 : memref<1x125xi32, #tpu.memory_space<vmem>> -> memref<125xi32, #tpu.memory_space<vmem>>
      %dma_start3A_156 = arith.constant 0 : i32
      %dma_start3A_157 = arith.constant 0 : i32
      %dma_start3A_158 = tpu.memref_slice %arg2[%dma_start3A_156, %dma_start3A_157] : memref<20000x32xf32, #tpu.memory_space<hbm>> -> memref<20000x32xf32, #tpu.memory_space<hbm>>
      tpu.enqueue_indirect_dma source(%dma_start3A_158 : memref<20000x32xf32, #tpu.memory_space<hbm>>) target(%arg9 : memref<125x32xf32, #tpu.memory_space<vmem>>) offsets(%dma_start3A_155 : memref<125xi32, #tpu.memory_space<vmem>>) semaphore(%arg15 : memref<!tpu.dma_semaphore, #tpu.memory_space<semaphore_mem>>)
      %mul3A_159 = arith.constant 4 : i32
      %mul3A_160 = arith.muli %mul3A_159, %scan3A_114 : i32
      %add3A_161 = arith.constant 2 : i32
      %add3A_162 = arith.addi %mul3A_160, %add3A_161 : i32
      %dma_wait3A_163 = arith.constant 0 : i32
      %dma_wait3A_164 = arith.constant 0 : i32
      %dma_wait3A_165 = tpu.memref_slice %arg2[%dma_wait3A_163, %dma_wait3A_164] : memref<20000x32xf32, #tpu.memory_space<hbm>> -> memref<125x32xf32, #tpu.memory_space<hbm>>
      %dma_wait3A_166 = arith.constant 0 : i32
      %dma_wait3A_167 = arith.constant 0 : i32
      %dma_wait3A_168 = tpu.memref_slice %arg2[%dma_wait3A_166, %dma_wait3A_167] : memref<20000x32xf32, #tpu.memory_space<hbm>> -> memref<125x32xf32, #tpu.memory_space<hbm>>
      tpu.wait_dma2 semaphore(%arg16 : memref<!tpu.dma_semaphore, #tpu.memory_space<semaphore_mem>>) src(%dma_wait3A_168 : memref<125x32xf32, #tpu.memory_space<hbm>>) dst(%arg10 : memref<125x32xf32, #tpu.memory_space<vmem>>)
      "tpu.region"() ({
        %run_scoped3A_203 = tpu.sem_alloc : memref<!tpu.dma_semaphore, #tpu.memory_space<semaphore_mem>>
        %dma_start3A_204 = arith.constant 0 : i32
        %dma_start3A_205 = tpu.memref_slice %arg7[%add3A_162, %dma_start3A_204] : memref<160x125xi32, #tpu.memory_space<vmem>> -> memref<1x125xi32, #tpu.memory_space<vmem>>
        %dma_start3A_206 = tpu.memref_squeeze %dma_start3A_205 : memref<1x125xi32, #tpu.memory_space<vmem>> -> memref<125xi32, #tpu.memory_space<vmem>>
        %dma_start3A_207 = arith.constant 0 : i32
        %dma_start3A_208 = arith.constant 0 : i32
        %dma_start3A_209 = tpu.memref_slice %arg12[%dma_start3A_207, %dma_start3A_208] : memref<10240x32xf32, #tpu.memory_space<vmem_shared>> -> memref<10240x32xf32, #tpu.memory_space<vmem_shared>>
        tpu.enqueue_indirect_dma source(%arg10 : memref<125x32xf32, #tpu.memory_space<vmem>>) target(%dma_start3A_209 : memref<10240x32xf32, #tpu.memory_space<vmem_shared>>) offsets(%dma_start3A_206 : memref<125xi32, #tpu.memory_space<vmem>>) semaphore(%run_scoped3A_203 : memref<!tpu.dma_semaphore, #tpu.memory_space<semaphore_mem>>) {add = true}
        %dma_wait3A_210 = arith.constant 0 : i32
        %dma_wait3A_211 = tpu.memref_slice %arg7[%add3A_162, %dma_wait3A_210] : memref<160x125xi32, #tpu.memory_space<vmem>> -> memref<1x125xi32, #tpu.memory_space<vmem>>
        %dma_wait3A_212 = tpu.memref_squeeze %dma_wait3A_211 : memref<1x125xi32, #tpu.memory_space<vmem>> -> memref<125xi32, #tpu.memory_space<vmem>>
        %dma_wait3A_213 = arith.constant 0 : i32
        %dma_wait3A_214 = arith.constant 0 : i32
        %dma_wait3A_215 = tpu.memref_slice %arg12[%dma_wait3A_213, %dma_wait3A_214] : memref<10240x32xf32, #tpu.memory_space<vmem_shared>> -> memref<10240x32xf32, #tpu.memory_space<vmem_shared>>
        tpu.wait_indirect_dma semaphore(%run_scoped3A_203 : memref<!tpu.dma_semaphore, #tpu.memory_space<semaphore_mem>>) src(%arg10 : memref<125x32xf32, #tpu.memory_space<vmem>>) dst(%dma_wait3A_215 : memref<10240x32xf32, #tpu.memory_space<vmem_shared>>)
        tpu.yield
      }) : () -> ()
      %add3A_169 = arith.constant 1 : i32
      %add3A_170 = arith.addi %scan3A_114, %add3A_169 : i32
      %mul3A_171 = arith.constant 4 : i32
      %mul3A_172 = arith.muli %mul3A_171, %add3A_170 : i32
      %add3A_173 = arith.constant 2 : i32
      %add3A_174 = arith.addi %mul3A_172, %add3A_173 : i32
      %dma_start3A_175 = arith.constant 0 : i32
      %dma_start3A_176 = tpu.memref_slice %arg6[%add3A_174, %dma_start3A_175] : memref<160x125xi32, #tpu.memory_space<vmem>> -> memref<1x125xi32, #tpu.memory_space<vmem>>
      %dma_start3A_177 = tpu.memref_squeeze %dma_start3A_176 : memref<1x125xi32, #tpu.memory_space<vmem>> -> memref<125xi32, #tpu.memory_space<vmem>>
      %dma_start3A_178 = arith.constant 0 : i32
      %dma_start3A_179 = arith.constant 0 : i32
      %dma_start3A_180 = tpu.memref_slice %arg2[%dma_start3A_178, %dma_start3A_179] : memref<20000x32xf32, #tpu.memory_space<hbm>> -> memref<20000x32xf32, #tpu.memory_space<hbm>>
      tpu.enqueue_indirect_dma source(%dma_start3A_180 : memref<20000x32xf32, #tpu.memory_space<hbm>>) target(%arg10 : memref<125x32xf32, #tpu.memory_space<vmem>>) offsets(%dma_start3A_177 : memref<125xi32, #tpu.memory_space<vmem>>) semaphore(%arg16 : memref<!tpu.dma_semaphore, #tpu.memory_space<semaphore_mem>>)
      %mul3A_181 = arith.constant 4 : i32
      %mul3A_182 = arith.muli %mul3A_181, %scan3A_114 : i32
      %add3A_183 = arith.constant 3 : i32
      %add3A_184 = arith.addi %mul3A_182, %add3A_183 : i32
      %dma_wait3A_185 = arith.constant 0 : i32
      %dma_wait3A_186 = arith.constant 0 : i32
      %dma_wait3A_187 = tpu.memref_slice %arg2[%dma_wait3A_185, %dma_wait3A_186] : memref<20000x32xf32, #tpu.memory_space<hbm>> -> memref<125x32xf32, #tpu.memory_space<hbm>>
      %dma_wait3A_188 = arith.constant 0 : i32
      %dma_wait3A_189 = arith.constant 0 : i32
      %dma_wait3A_190 = tpu.memref_slice %arg2[%dma_wait3A_188, %dma_wait3A_189] : memref<20000x32xf32, #tpu.memory_space<hbm>> -> memref<125x32xf32, #tpu.memory_space<hbm>>
      tpu.wait_dma2 semaphore(%arg17 : memref<!tpu.dma_semaphore, #tpu.memory_space<semaphore_mem>>) src(%dma_wait3A_190 : memref<125x32xf32, #tpu.memory_space<hbm>>) dst(%arg11 : memref<125x32xf32, #tpu.memory_space<vmem>>)
      "tpu.region"() ({
        %run_scoped3A_203 = tpu.sem_alloc : memref<!tpu.dma_semaphore, #tpu.memory_space<semaphore_mem>>
        %dma_start3A_204 = arith.constant 0 : i32
        %dma_start3A_205 = tpu.memref_slice %arg7[%add3A_184, %dma_start3A_204] : memref<160x125xi32, #tpu.memory_space<vmem>> -> memref<1x125xi32, #tpu.memory_space<vmem>>
        %dma_start3A_206 = tpu.memref_squeeze %dma_start3A_205 : memref<1x125xi32, #tpu.memory_space<vmem>> -> memref<125xi32, #tpu.memory_space<vmem>>
        %dma_start3A_207 = arith.constant 0 : i32
        %dma_start3A_208 = arith.constant 0 : i32
        %dma_start3A_209 = tpu.memref_slice %arg12[%dma_start3A_207, %dma_start3A_208] : memref<10240x32xf32, #tpu.memory_space<vmem_shared>> -> memref<10240x32xf32, #tpu.memory_space<vmem_shared>>
        tpu.enqueue_indirect_dma source(%arg11 : memref<125x32xf32, #tpu.memory_space<vmem>>) target(%dma_start3A_209 : memref<10240x32xf32, #tpu.memory_space<vmem_shared>>) offsets(%dma_start3A_206 : memref<125xi32, #tpu.memory_space<vmem>>) semaphore(%run_scoped3A_203 : memref<!tpu.dma_semaphore, #tpu.memory_space<semaphore_mem>>) {add = true}
        %dma_wait3A_210 = arith.constant 0 : i32
        %dma_wait3A_211 = tpu.memref_slice %arg7[%add3A_184, %dma_wait3A_210] : memref<160x125xi32, #tpu.memory_space<vmem>> -> memref<1x125xi32, #tpu.memory_space<vmem>>
        %dma_wait3A_212 = tpu.memref_squeeze %dma_wait3A_211 : memref<1x125xi32, #tpu.memory_space<vmem>> -> memref<125xi32, #tpu.memory_space<vmem>>
        %dma_wait3A_213 = arith.constant 0 : i32
        %dma_wait3A_214 = arith.constant 0 : i32
        %dma_wait3A_215 = tpu.memref_slice %arg12[%dma_wait3A_213, %dma_wait3A_214] : memref<10240x32xf32, #tpu.memory_space<vmem_shared>> -> memref<10240x32xf32, #tpu.memory_space<vmem_shared>>
        tpu.wait_indirect_dma semaphore(%run_scoped3A_203 : memref<!tpu.dma_semaphore, #tpu.memory_space<semaphore_mem>>) src(%arg11 : memref<125x32xf32, #tpu.memory_space<vmem>>) dst(%dma_wait3A_215 : memref<10240x32xf32, #tpu.memory_space<vmem_shared>>)
        tpu.yield
      }) : () -> ()
      %add3A_191 = arith.constant 1 : i32
      %add3A_192 = arith.addi %scan3A_114, %add3A_191 : i32
      %mul3A_193 = arith.constant 4 : i32
      %mul3A_194 = arith.muli %mul3A_193, %add3A_192 : i32
      %add3A_195 = arith.constant 3 : i32
      %add3A_196 = arith.addi %mul3A_194, %add3A_195 : i32
      %dma_start3A_197 = arith.constant 0 : i32
      %dma_start3A_198 = tpu.memref_slice %arg6[%add3A_196, %dma_start3A_197] : memref<160x125xi32, #tpu.memory_space<vmem>> -> memref<1x125xi32, #tpu.memory_space<vmem>>
      %dma_start3A_199 = tpu.memref_squeeze %dma_start3A_198 : memref<1x125xi32, #tpu.memory_space<vmem>> -> memref<125xi32, #tpu.memory_space<vmem>>
      %dma_start3A_200 = arith.constant 0 : i32
      %dma_start3A_201 = arith.constant 0 : i32
      %dma_start3A_202 = tpu.memref_slice %arg2[%dma_start3A_200, %dma_start3A_201] : memref<20000x32xf32, #tpu.memory_space<hbm>> -> memref<20000x32xf32, #tpu.memory_space<hbm>>
      tpu.enqueue_indirect_dma source(%dma_start3A_202 : memref<20000x32xf32, #tpu.memory_space<hbm>>) target(%arg11 : memref<125x32xf32, #tpu.memory_space<vmem>>) offsets(%dma_start3A_199 : memref<125xi32, #tpu.memory_space<vmem>>) semaphore(%arg17 : memref<!tpu.dma_semaphore, #tpu.memory_space<semaphore_mem>>)
    }
    %scan3A_81 = arith.constant 39 : i32
    %dma_wait3A_82 = arith.constant 0 : i32
    %dma_wait3A_83 = arith.constant 0 : i32
    %dma_wait3A_84 = tpu.memref_slice %arg2[%dma_wait3A_82, %dma_wait3A_83] : memref<20000x32xf32, #tpu.memory_space<hbm>> -> memref<125x32xf32, #tpu.memory_space<hbm>>
    %dma_wait3A_85 = arith.constant 0 : i32
    %dma_wait3A_86 = arith.constant 0 : i32
    %dma_wait3A_87 = tpu.memref_slice %arg2[%dma_wait3A_85, %dma_wait3A_86] : memref<20000x32xf32, #tpu.memory_space<hbm>> -> memref<125x32xf32, #tpu.memory_space<hbm>>
    tpu.wait_dma2 semaphore(%arg14 : memref<!tpu.dma_semaphore, #tpu.memory_space<semaphore_mem>>) src(%dma_wait3A_87 : memref<125x32xf32, #tpu.memory_space<hbm>>) dst(%arg8 : memref<125x32xf32, #tpu.memory_space<vmem>>)
    %run_scoped3A = arith.constant 156 : i32
    "tpu.region"() ({
      %run_scoped3A_114 = tpu.sem_alloc : memref<!tpu.dma_semaphore, #tpu.memory_space<semaphore_mem>>
      %dma_start3A_115 = arith.constant 0 : i32
      %dma_start3A_116 = tpu.memref_slice %arg7[%run_scoped3A, %dma_start3A_115] : memref<160x125xi32, #tpu.memory_space<vmem>> -> memref<1x125xi32, #tpu.memory_space<vmem>>
      %dma_start3A_117 = tpu.memref_squeeze %dma_start3A_116 : memref<1x125xi32, #tpu.memory_space<vmem>> -> memref<125xi32, #tpu.memory_space<vmem>>
      %dma_start3A_118 = arith.constant 0 : i32
      %dma_start3A_119 = arith.constant 0 : i32
      %dma_start3A_120 = tpu.memref_slice %arg12[%dma_start3A_118, %dma_start3A_119] : memref<10240x32xf32, #tpu.memory_space<vmem_shared>> -> memref<10240x32xf32, #tpu.memory_space<vmem_shared>>
      tpu.enqueue_indirect_dma source(%arg8 : memref<125x32xf32, #tpu.memory_space<vmem>>) target(%dma_start3A_120 : memref<10240x32xf32, #tpu.memory_space<vmem_shared>>) offsets(%dma_start3A_117 : memref<125xi32, #tpu.memory_space<vmem>>) semaphore(%run_scoped3A_114 : memref<!tpu.dma_semaphore, #tpu.memory_space<semaphore_mem>>) {add = true}
      %dma_wait3A_121 = arith.constant 0 : i32
      %dma_wait3A_122 = tpu.memref_slice %arg7[%run_scoped3A, %dma_wait3A_121] : memref<160x125xi32, #tpu.memory_space<vmem>> -> memref<1x125xi32, #tpu.memory_space<vmem>>
      %dma_wait3A_123 = tpu.memref_squeeze %dma_wait3A_122 : memref<1x125xi32, #tpu.memory_space<vmem>> -> memref<125xi32, #tpu.memory_space<vmem>>
      %dma_wait3A_124 = arith.constant 0 : i32
      %dma_wait3A_125 = arith.constant 0 : i32
      %dma_wait3A_126 = tpu.memref_slice %arg12[%dma_wait3A_124, %dma_wait3A_125] : memref<10240x32xf32, #tpu.memory_space<vmem_shared>> -> memref<10240x32xf32, #tpu.memory_space<vmem_shared>>
      tpu.wait_indirect_dma semaphore(%run_scoped3A_114 : memref<!tpu.dma_semaphore, #tpu.memory_space<semaphore_mem>>) src(%arg8 : memref<125x32xf32, #tpu.memory_space<vmem>>) dst(%dma_wait3A_126 : memref<10240x32xf32, #tpu.memory_space<vmem_shared>>)
      tpu.yield
    }) : () -> ()
    %dma_wait3A_88 = arith.constant 0 : i32
    %dma_wait3A_89 = arith.constant 0 : i32
    %dma_wait3A_90 = tpu.memref_slice %arg2[%dma_wait3A_88, %dma_wait3A_89] : memref<20000x32xf32, #tpu.memory_space<hbm>> -> memref<125x32xf32, #tpu.memory_space<hbm>>
    %dma_wait3A_91 = arith.constant 0 : i32
    %dma_wait3A_92 = arith.constant 0 : i32
    %dma_wait3A_93 = tpu.memref_slice %arg2[%dma_wait3A_91, %dma_wait3A_92] : memref<20000x32xf32, #tpu.memory_space<hbm>> -> memref<125x32xf32, #tpu.memory_space<hbm>>
    tpu.wait_dma2 semaphore(%arg15 : memref<!tpu.dma_semaphore, #tpu.memory_space<semaphore_mem>>) src(%dma_wait3A_93 : memref<125x32xf32, #tpu.memory_space<hbm>>) dst(%arg9 : memref<125x32xf32, #tpu.memory_space<vmem>>)
    %run_scoped3A_94 = arith.constant 157 : i32
    "tpu.region"() ({
      %run_scoped3A_114 = tpu.sem_alloc : memref<!tpu.dma_semaphore, #tpu.memory_space<semaphore_mem>>
      %dma_start3A_115 = arith.constant 0 : i32
      %dma_start3A_116 = tpu.memref_slice %arg7[%run_scoped3A_94, %dma_start3A_115] : memref<160x125xi32, #tpu.memory_space<vmem>> -> memref<1x125xi32, #tpu.memory_space<vmem>>
      %dma_start3A_117 = tpu.memref_squeeze %dma_start3A_116 : memref<1x125xi32, #tpu.memory_space<vmem>> -> memref<125xi32, #tpu.memory_space<vmem>>
      %dma_start3A_118 = arith.constant 0 : i32
      %dma_start3A_119 = arith.constant 0 : i32
      %dma_start3A_120 = tpu.memref_slice %arg12[%dma_start3A_118, %dma_start3A_119] : memref<10240x32xf32, #tpu.memory_space<vmem_shared>> -> memref<10240x32xf32, #tpu.memory_space<vmem_shared>>
      tpu.enqueue_indirect_dma source(%arg9 : memref<125x32xf32, #tpu.memory_space<vmem>>) target(%dma_start3A_120 : memref<10240x32xf32, #tpu.memory_space<vmem_shared>>) offsets(%dma_start3A_117 : memref<125xi32, #tpu.memory_space<vmem>>) semaphore(%run_scoped3A_114 : memref<!tpu.dma_semaphore, #tpu.memory_space<semaphore_mem>>) {add = true}
      %dma_wait3A_121 = arith.constant 0 : i32
      %dma_wait3A_122 = tpu.memref_slice %arg7[%run_scoped3A_94, %dma_wait3A_121] : memref<160x125xi32, #tpu.memory_space<vmem>> -> memref<1x125xi32, #tpu.memory_space<vmem>>
      %dma_wait3A_123 = tpu.memref_squeeze %dma_wait3A_122 : memref<1x125xi32, #tpu.memory_space<vmem>> -> memref<125xi32, #tpu.memory_space<vmem>>
      %dma_wait3A_124 = arith.constant 0 : i32
      %dma_wait3A_125 = arith.constant 0 : i32
      %dma_wait3A_126 = tpu.memref_slice %arg12[%dma_wait3A_124, %dma_wait3A_125] : memref<10240x32xf32, #tpu.memory_space<vmem_shared>> -> memref<10240x32xf32, #tpu.memory_space<vmem_shared>>
      tpu.wait_indirect_dma semaphore(%run_scoped3A_114 : memref<!tpu.dma_semaphore, #tpu.memory_space<semaphore_mem>>) src(%arg9 : memref<125x32xf32, #tpu.memory_space<vmem>>) dst(%dma_wait3A_126 : memref<10240x32xf32, #tpu.memory_space<vmem_shared>>)
      tpu.yield
    }) : () -> ()
    %dma_wait3A_95 = arith.constant 0 : i32
    %dma_wait3A_96 = arith.constant 0 : i32
    %dma_wait3A_97 = tpu.memref_slice %arg2[%dma_wait3A_95, %dma_wait3A_96] : memref<20000x32xf32, #tpu.memory_space<hbm>> -> memref<125x32xf32, #tpu.memory_space<hbm>>
    %dma_wait3A_98 = arith.constant 0 : i32
    %dma_wait3A_99 = arith.constant 0 : i32
    %dma_wait3A_100 = tpu.memref_slice %arg2[%dma_wait3A_98, %dma_wait3A_99] : memref<20000x32xf32, #tpu.memory_space<hbm>> -> memref<125x32xf32, #tpu.memory_space<hbm>>
    tpu.wait_dma2 semaphore(%arg16 : memref<!tpu.dma_semaphore, #tpu.memory_space<semaphore_mem>>) src(%dma_wait3A_100 : memref<125x32xf32, #tpu.memory_space<hbm>>) dst(%arg10 : memref<125x32xf32, #tpu.memory_space<vmem>>)
    %run_scoped3A_101 = arith.constant 158 : i32
    "tpu.region"() ({
      %run_scoped3A_114 = tpu.sem_alloc : memref<!tpu.dma_semaphore, #tpu.memory_space<semaphore_mem>>
      %dma_start3A_115 = arith.constant 0 : i32
      %dma_start3A_116 = tpu.memref_slice %arg7[%run_scoped3A_101, %dma_start3A_115] : memref<160x125xi32, #tpu.memory_space<vmem>> -> memref<1x125xi32, #tpu.memory_space<vmem>>
      %dma_start3A_117 = tpu.memref_squeeze %dma_start3A_116 : memref<1x125xi32, #tpu.memory_space<vmem>> -> memref<125xi32, #tpu.memory_space<vmem>>
      %dma_start3A_118 = arith.constant 0 : i32
      %dma_start3A_119 = arith.constant 0 : i32
      %dma_start3A_120 = tpu.memref_slice %arg12[%dma_start3A_118, %dma_start3A_119] : memref<10240x32xf32, #tpu.memory_space<vmem_shared>> -> memref<10240x32xf32, #tpu.memory_space<vmem_shared>>
      tpu.enqueue_indirect_dma source(%arg10 : memref<125x32xf32, #tpu.memory_space<vmem>>) target(%dma_start3A_120 : memref<10240x32xf32, #tpu.memory_space<vmem_shared>>) offsets(%dma_start3A_117 : memref<125xi32, #tpu.memory_space<vmem>>) semaphore(%run_scoped3A_114 : memref<!tpu.dma_semaphore, #tpu.memory_space<semaphore_mem>>) {add = true}
      %dma_wait3A_121 = arith.constant 0 : i32
      %dma_wait3A_122 = tpu.memref_slice %arg7[%run_scoped3A_101, %dma_wait3A_121] : memref<160x125xi32, #tpu.memory_space<vmem>> -> memref<1x125xi32, #tpu.memory_space<vmem>>
      %dma_wait3A_123 = tpu.memref_squeeze %dma_wait3A_122 : memref<1x125xi32, #tpu.memory_space<vmem>> -> memref<125xi32, #tpu.memory_space<vmem>>
      %dma_wait3A_124 = arith.constant 0 : i32
      %dma_wait3A_125 = arith.constant 0 : i32
      %dma_wait3A_126 = tpu.memref_slice %arg12[%dma_wait3A_124, %dma_wait3A_125] : memref<10240x32xf32, #tpu.memory_space<vmem_shared>> -> memref<10240x32xf32, #tpu.memory_space<vmem_shared>>
      tpu.wait_indirect_dma semaphore(%run_scoped3A_114 : memref<!tpu.dma_semaphore, #tpu.memory_space<semaphore_mem>>) src(%arg10 : memref<125x32xf32, #tpu.memory_space<vmem>>) dst(%dma_wait3A_126 : memref<10240x32xf32, #tpu.memory_space<vmem_shared>>)
      tpu.yield
    }) : () -> ()
    %dma_wait3A_102 = arith.constant 0 : i32
    %dma_wait3A_103 = arith.constant 0 : i32
    %dma_wait3A_104 = tpu.memref_slice %arg2[%dma_wait3A_102, %dma_wait3A_103] : memref<20000x32xf32, #tpu.memory_space<hbm>> -> memref<125x32xf32, #tpu.memory_space<hbm>>
    %dma_wait3A_105 = arith.constant 0 : i32
    %dma_wait3A_106 = arith.constant 0 : i32
    %dma_wait3A_107 = tpu.memref_slice %arg2[%dma_wait3A_105, %dma_wait3A_106] : memref<20000x32xf32, #tpu.memory_space<hbm>> -> memref<125x32xf32, #tpu.memory_space<hbm>>
    tpu.wait_dma2 semaphore(%arg17 : memref<!tpu.dma_semaphore, #tpu.memory_space<semaphore_mem>>) src(%dma_wait3A_107 : memref<125x32xf32, #tpu.memory_space<hbm>>) dst(%arg11 : memref<125x32xf32, #tpu.memory_space<vmem>>)
    %run_scoped3A_108 = arith.constant 159 : i32
    "tpu.region"() ({
      %run_scoped3A_114 = tpu.sem_alloc : memref<!tpu.dma_semaphore, #tpu.memory_space<semaphore_mem>>
      %dma_start3A_115 = arith.constant 0 : i32
      %dma_start3A_116 = tpu.memref_slice %arg7[%run_scoped3A_108, %dma_start3A_115] : memref<160x125xi32, #tpu.memory_space<vmem>> -> memref<1x125xi32, #tpu.memory_space<vmem>>
      %dma_start3A_117 = tpu.memref_squeeze %dma_start3A_116 : memref<1x125xi32, #tpu.memory_space<vmem>> -> memref<125xi32, #tpu.memory_space<vmem>>
      %dma_start3A_118 = arith.constant 0 : i32
      %dma_start3A_119 = arith.constant 0 : i32
      %dma_start3A_120 = tpu.memref_slice %arg12[%dma_start3A_118, %dma_start3A_119] : memref<10240x32xf32, #tpu.memory_space<vmem_shared>> -> memref<10240x32xf32, #tpu.memory_space<vmem_shared>>
      tpu.enqueue_indirect_dma source(%arg11 : memref<125x32xf32, #tpu.memory_space<vmem>>) target(%dma_start3A_120 : memref<10240x32xf32, #tpu.memory_space<vmem_shared>>) offsets(%dma_start3A_117 : memref<125xi32, #tpu.memory_space<vmem>>) semaphore(%run_scoped3A_114 : memref<!tpu.dma_semaphore, #tpu.memory_space<semaphore_mem>>) {add = true}
      %dma_wait3A_121 = arith.constant 0 : i32
      %dma_wait3A_122 = tpu.memref_slice %arg7[%run_scoped3A_108, %dma_wait3A_121] : memref<160x125xi32, #tpu.memory_space<vmem>> -> memref<1x125xi32, #tpu.memory_space<vmem>>
      %dma_wait3A_123 = tpu.memref_squeeze %dma_wait3A_122 : memref<1x125xi32, #tpu.memory_space<vmem>> -> memref<125xi32, #tpu.memory_space<vmem>>
      %dma_wait3A_124 = arith.constant 0 : i32
      %dma_wait3A_125 = arith.constant 0 : i32
      %dma_wait3A_126 = tpu.memref_slice %arg12[%dma_wait3A_124, %dma_wait3A_125] : memref<10240x32xf32, #tpu.memory_space<vmem_shared>> -> memref<10240x32xf32, #tpu.memory_space<vmem_shared>>
      tpu.wait_indirect_dma semaphore(%run_scoped3A_114 : memref<!tpu.dma_semaphore, #tpu.memory_space<semaphore_mem>>) src(%arg11 : memref<125x32xf32, #tpu.memory_space<vmem>>) dst(%dma_wait3A_126 : memref<10240x32xf32, #tpu.memory_space<vmem_shared>>)
      tpu.yield
    }) : () -> ()
    %barrier3A_109 = arith.constant 0 : index
    tpu.barrier barrier_id(%barrier3A_109)
    %mul3A_110 = arith.constant 640 : i32
    %mul3A_111 = arith.muli %arg1, %mul3A_110 : i32
    %mul3A_112 = arith.constant 640 : i32
    %mul3A_113 = arith.muli %arg1, %mul3A_112 : i32
    "tpu.region"() ({
      %run_scoped3A_114 = tpu.sem_alloc : memref<!tpu.dma_semaphore, #tpu.memory_space<semaphore_mem>>
      %dma_start3A_115 = arith.constant 0 : i32
      %dma_start3A_116 = tpu.memref_slice %arg5[%arg0, %mul3A_113, %dma_start3A_115] : memref<2x10240x32xf32, #tpu.memory_space<hbm>> -> memref<1x640x32xf32, #tpu.memory_space<hbm>>
      %dma_start3A_117 = tpu.memref_squeeze %dma_start3A_116 : memref<1x640x32xf32, #tpu.memory_space<hbm>> -> memref<640x32xf32, #tpu.memory_space<hbm>>
      %dma_start3A_118 = arith.constant 0 : i32
      %dma_start3A_119 = tpu.memref_slice %arg12[%mul3A_111, %dma_start3A_118] : memref<10240x32xf32, #tpu.memory_space<vmem_shared>> -> memref<640x32xf32, #tpu.memory_space<vmem_shared>>
      tpu.enqueue_dma source(%dma_start3A_119 : memref<640x32xf32, #tpu.memory_space<vmem_shared>>) target(%dma_start3A_117 : memref<640x32xf32, #tpu.memory_space<hbm>>) target_semaphore(%run_scoped3A_114 : memref<!tpu.dma_semaphore, #tpu.memory_space<semaphore_mem>>)
      %dma_wait3A_120 = arith.constant 0 : i32
      %dma_wait3A_121 = tpu.memref_slice %arg5[%arg0, %mul3A_113, %dma_wait3A_120] : memref<2x10240x32xf32, #tpu.memory_space<hbm>> -> memref<1x640x32xf32, #tpu.memory_space<hbm>>
      %dma_wait3A_122 = tpu.memref_squeeze %dma_wait3A_121 : memref<1x640x32xf32, #tpu.memory_space<hbm>> -> memref<640x32xf32, #tpu.memory_space<hbm>>
      %dma_wait3A_123 = arith.constant 0 : i32
      %dma_wait3A_124 = tpu.memref_slice %arg12[%mul3A_111, %dma_wait3A_123] : memref<10240x32xf32, #tpu.memory_space<vmem_shared>> -> memref<640x32xf32, #tpu.memory_space<vmem_shared>>
      tpu.wait_dma2 semaphore(%run_scoped3A_114 : memref<!tpu.dma_semaphore, #tpu.memory_space<semaphore_mem>>) src(%dma_wait3A_124 : memref<640x32xf32, #tpu.memory_space<vmem_shared>>) dst(%dma_wait3A_122 : memref<640x32xf32, #tpu.memory_space<hbm>>)
      tpu.yield
    }) : () -> ()
    return
  }
}

#map = affine_map<(d0, d1) -> (0, 0)>
#map1 = affine_map<(d0, d1) -> (0, 0, 0)>
module attributes {stable_mosaic.version = 14 : i64} {
  func.func @agg(%arg0: i32, %arg1: i32, %arg2: memref<20000x64xf32, #tpu.memory_space<hbm>>, %arg3: memref<2x2560x125xi32, #tpu.memory_space<hbm>>, %arg4: memref<2560x125xi32, #tpu.memory_space<hbm>>, %arg5: memref<2x10240x64xf32, #tpu.memory_space<hbm>>, %arg6: memref<160x125xi32, #tpu.memory_space<vmem>>, %arg7: memref<160x125xi32, #tpu.memory_space<vmem>>, %arg8: memref<125x64xf32, #tpu.memory_space<vmem>>, %arg9: memref<125x64xf32, #tpu.memory_space<vmem>>, %arg10: memref<125x64xf32, #tpu.memory_space<vmem>>, %arg11: memref<125x64xf32, #tpu.memory_space<vmem>>, %arg12: memref<10240x64xf32, #tpu.memory_space<vmem_shared>>, %arg13: memref<!tpu.dma_semaphore, #tpu.memory_space<semaphore_mem>>, %arg14: memref<!tpu.dma_semaphore, #tpu.memory_space<semaphore_mem>>, %arg15: memref<!tpu.dma_semaphore, #tpu.memory_space<semaphore_mem>>, %arg16: memref<!tpu.dma_semaphore, #tpu.memory_space<semaphore_mem>>, %arg17: memref<!tpu.dma_semaphore, #tpu.memory_space<semaphore_mem>>) attributes {dimension_semantics = [#tpu.dimension_semantics<core_parallel>, #tpu.dimension_semantics<subcore_parallel>], iteration_bounds = array<i64: 2, 16>, scalar_prefetch = 0 : i64, scratch_operands = 12 : i64, tpu.core_type = #tpu.core_type<sc_vector_subcore>, window_params = [{transform_indices = #map}, {transform_indices = #map1}, {transform_indices = #map}, {transform_indices = #map1}]} {
    %mul3A = arith.constant 160 : i32
    %mul3A_0 = arith.muli %arg1, %mul3A : i32
    %dma_start3A = arith.constant 0 : i32
    %dma_start3A_1 = tpu.memref_slice %arg3[%arg0, %mul3A_0, %dma_start3A] : memref<2x2560x125xi32, #tpu.memory_space<hbm>> -> memref<1x160x125xi32, #tpu.memory_space<hbm>>
    %dma_start3A_2 = tpu.memref_squeeze %dma_start3A_1 : memref<1x160x125xi32, #tpu.memory_space<hbm>> -> memref<160x125xi32, #tpu.memory_space<hbm>>
    %dma_start3A_3 = arith.constant 0 : i32
    %dma_start3A_4 = tpu.memref_slice %arg3[%arg0, %mul3A_0, %dma_start3A_3] : memref<2x2560x125xi32, #tpu.memory_space<hbm>> -> memref<1x160x125xi32, #tpu.memory_space<hbm>>
    %dma_start3A_5 = tpu.memref_squeeze %dma_start3A_4 : memref<1x160x125xi32, #tpu.memory_space<hbm>> -> memref<160x125xi32, #tpu.memory_space<hbm>>
    tpu.enqueue_dma source(%dma_start3A_5 : memref<160x125xi32, #tpu.memory_space<hbm>>) target(%arg6 : memref<160x125xi32, #tpu.memory_space<vmem>>) target_semaphore(%arg13 : memref<!tpu.dma_semaphore, #tpu.memory_space<semaphore_mem>>)
    %dma_start3A_6 = arith.constant 0 : i32
    %dma_start3A_7 = tpu.memref_slice %arg4[%mul3A_0, %dma_start3A_6] : memref<2560x125xi32, #tpu.memory_space<hbm>> -> memref<160x125xi32, #tpu.memory_space<hbm>>
    %dma_start3A_8 = arith.constant 0 : i32
    %dma_start3A_9 = tpu.memref_slice %arg4[%mul3A_0, %dma_start3A_8] : memref<2560x125xi32, #tpu.memory_space<hbm>> -> memref<160x125xi32, #tpu.memory_space<hbm>>
    tpu.enqueue_dma source(%dma_start3A_9 : memref<160x125xi32, #tpu.memory_space<hbm>>) target(%arg7 : memref<160x125xi32, #tpu.memory_space<vmem>>) target_semaphore(%arg13 : memref<!tpu.dma_semaphore, #tpu.memory_space<semaphore_mem>>)
    %broadcast_in_dim3A = arith.constant 0.000000e+00 : f32
    %broadcast_in_dim3A_10 = vector.broadcast %broadcast_in_dim3A : f32 to vector<16xf32>
    %scan3A = arith.constant 0 : i32
    %scan3A_11 = arith.constant 0 : i32
    %scan3A_12 = arith.constant 125 : i32
    %scan3A_13 = arith.addi %scan3A_11, %scan3A_12 : i32
    %scan3A_14 = arith.constant 1 : i32
    scf.for %scan3A_114 = %scan3A_11 to %scan3A_13 step %scan3A_14  : i32 {
      %swap3A = arith.index_cast %scan3A_114 : i32 to index
      %swap3A_115 = arith.constant 0 : index
      %swap3A_116 = tpu.vector_load %arg8[%swap3A, %swap3A_115] {strides = array<i32>} : memref<125x64xf32, #tpu.memory_space<vmem>>, vector<1x16xf32>,
      %swap3A_117 = vector.shape_cast %swap3A_116 : vector<1x16xf32> to vector<16xf32>
      %swap3A_118 = vector.shape_cast %broadcast_in_dim3A_10 : vector<16xf32> to vector<1x16xf32>
      tpu.vector_store %arg8[%swap3A, %swap3A_115], %swap3A_118 {strides = array<i32>} : memref<125x64xf32, #tpu.memory_space<vmem>>, vector<1x16xf32>,
      %swap3A_119 = arith.index_cast %scan3A_114 : i32 to index
      %swap3A_120 = arith.constant 16 : index
      %swap3A_121 = tpu.vector_load %arg8[%swap3A_119, %swap3A_120] {strides = array<i32>} : memref<125x64xf32, #tpu.memory_space<vmem>>, vector<1x16xf32>,
      %swap3A_122 = vector.shape_cast %swap3A_121 : vector<1x16xf32> to vector<16xf32>
      %swap3A_123 = vector.shape_cast %broadcast_in_dim3A_10 : vector<16xf32> to vector<1x16xf32>
      tpu.vector_store %arg8[%swap3A_119, %swap3A_120], %swap3A_123 {strides = array<i32>} : memref<125x64xf32, #tpu.memory_space<vmem>>, vector<1x16xf32>,
      %swap3A_124 = arith.index_cast %scan3A_114 : i32 to index
      %swap3A_125 = arith.constant 32 : index
      %swap3A_126 = tpu.vector_load %arg8[%swap3A_124, %swap3A_125] {strides = array<i32>} : memref<125x64xf32, #tpu.memory_space<vmem>>, vector<1x16xf32>,
      %swap3A_127 = vector.shape_cast %swap3A_126 : vector<1x16xf32> to vector<16xf32>
      %swap3A_128 = vector.shape_cast %broadcast_in_dim3A_10 : vector<16xf32> to vector<1x16xf32>
      tpu.vector_store %arg8[%swap3A_124, %swap3A_125], %swap3A_128 {strides = array<i32>} : memref<125x64xf32, #tpu.memory_space<vmem>>, vector<1x16xf32>,
      %swap3A_129 = arith.index_cast %scan3A_114 : i32 to index
      %swap3A_130 = arith.constant 48 : index
      %swap3A_131 = tpu.vector_load %arg8[%swap3A_129, %swap3A_130] {strides = array<i32>} : memref<125x64xf32, #tpu.memory_space<vmem>>, vector<1x16xf32>,
      %swap3A_132 = vector.shape_cast %swap3A_131 : vector<1x16xf32> to vector<16xf32>
      %swap3A_133 = vector.shape_cast %broadcast_in_dim3A_10 : vector<16xf32> to vector<1x16xf32>
      tpu.vector_store %arg8[%swap3A_129, %swap3A_130], %swap3A_133 {strides = array<i32>} : memref<125x64xf32, #tpu.memory_space<vmem>>, vector<1x16xf32>,
    }
    %scan3A_15 = arith.constant 125 : i32
    %mul3A_16 = arith.constant 640 : i32
    %mul3A_17 = arith.muli %arg1, %mul3A_16 : i32
    %add3A = arith.constant 0 : i32
    %add3A_18 = arith.addi %mul3A_17, %add3A : i32
    "tpu.region"() ({
      %run_scoped3A_114 = tpu.sem_alloc : memref<!tpu.dma_semaphore, #tpu.memory_space<semaphore_mem>>
      %dma_start3A_115 = arith.constant 0 : i32
      %dma_start3A_116 = tpu.memref_slice %arg12[%add3A_18, %dma_start3A_115] : memref<10240x64xf32, #tpu.memory_space<vmem_shared>> -> memref<125x64xf32, #tpu.memory_space<vmem_shared>>
      %dma_start3A_117 = arith.constant 0 : i32
      %dma_start3A_118 = tpu.memref_slice %arg12[%add3A_18, %dma_start3A_117] : memref<10240x64xf32, #tpu.memory_space<vmem_shared>> -> memref<125x64xf32, #tpu.memory_space<vmem_shared>>
      tpu.enqueue_dma source(%arg8 : memref<125x64xf32, #tpu.memory_space<vmem>>) target(%dma_start3A_118 : memref<125x64xf32, #tpu.memory_space<vmem_shared>>) target_semaphore(%run_scoped3A_114 : memref<!tpu.dma_semaphore, #tpu.memory_space<semaphore_mem>>)
      %dma_wait3A_119 = arith.constant 0 : i32
      %dma_wait3A_120 = tpu.memref_slice %arg12[%add3A_18, %dma_wait3A_119] : memref<10240x64xf32, #tpu.memory_space<vmem_shared>> -> memref<125x64xf32, #tpu.memory_space<vmem_shared>>
      %dma_wait3A_121 = arith.constant 0 : i32
      %dma_wait3A_122 = tpu.memref_slice %arg12[%add3A_18, %dma_wait3A_121] : memref<10240x64xf32, #tpu.memory_space<vmem_shared>> -> memref<125x64xf32, #tpu.memory_space<vmem_shared>>
      tpu.wait_dma2 semaphore(%run_scoped3A_114 : memref<!tpu.dma_semaphore, #tpu.memory_space<semaphore_mem>>) src(%arg8 : memref<125x64xf32, #tpu.memory_space<vmem>>) dst(%dma_wait3A_122 : memref<125x64xf32, #tpu.memory_space<vmem_shared>>)
      tpu.yield
    }) : () -> ()
    %mul3A_19 = arith.constant 640 : i32
    %mul3A_20 = arith.muli %arg1, %mul3A_19 : i32
    %add3A_21 = arith.constant 125 : i32
    %add3A_22 = arith.addi %mul3A_20, %add3A_21 : i32
    "tpu.region"() ({
      %run_scoped3A_114 = tpu.sem_alloc : memref<!tpu.dma_semaphore, #tpu.memory_space<semaphore_mem>>
      %dma_start3A_115 = arith.constant 0 : i32
      %dma_start3A_116 = tpu.memref_slice %arg12[%add3A_22, %dma_start3A_115] : memref<10240x64xf32, #tpu.memory_space<vmem_shared>> -> memref<125x64xf32, #tpu.memory_space<vmem_shared>>
      %dma_start3A_117 = arith.constant 0 : i32
      %dma_start3A_118 = tpu.memref_slice %arg12[%add3A_22, %dma_start3A_117] : memref<10240x64xf32, #tpu.memory_space<vmem_shared>> -> memref<125x64xf32, #tpu.memory_space<vmem_shared>>
      tpu.enqueue_dma source(%arg8 : memref<125x64xf32, #tpu.memory_space<vmem>>) target(%dma_start3A_118 : memref<125x64xf32, #tpu.memory_space<vmem_shared>>) target_semaphore(%run_scoped3A_114 : memref<!tpu.dma_semaphore, #tpu.memory_space<semaphore_mem>>)
      %dma_wait3A_119 = arith.constant 0 : i32
      %dma_wait3A_120 = tpu.memref_slice %arg12[%add3A_22, %dma_wait3A_119] : memref<10240x64xf32, #tpu.memory_space<vmem_shared>> -> memref<125x64xf32, #tpu.memory_space<vmem_shared>>
      %dma_wait3A_121 = arith.constant 0 : i32
      %dma_wait3A_122 = tpu.memref_slice %arg12[%add3A_22, %dma_wait3A_121] : memref<10240x64xf32, #tpu.memory_space<vmem_shared>> -> memref<125x64xf32, #tpu.memory_space<vmem_shared>>
      tpu.wait_dma2 semaphore(%run_scoped3A_114 : memref<!tpu.dma_semaphore, #tpu.memory_space<semaphore_mem>>) src(%arg8 : memref<125x64xf32, #tpu.memory_space<vmem>>) dst(%dma_wait3A_122 : memref<125x64xf32, #tpu.memory_space<vmem_shared>>)
      tpu.yield
    }) : () -> ()
    %mul3A_23 = arith.constant 640 : i32
    %mul3A_24 = arith.muli %arg1, %mul3A_23 : i32
    %add3A_25 = arith.constant 250 : i32
    %add3A_26 = arith.addi %mul3A_24, %add3A_25 : i32
    "tpu.region"() ({
      %run_scoped3A_114 = tpu.sem_alloc : memref<!tpu.dma_semaphore, #tpu.memory_space<semaphore_mem>>
      %dma_start3A_115 = arith.constant 0 : i32
      %dma_start3A_116 = tpu.memref_slice %arg12[%add3A_26, %dma_start3A_115] : memref<10240x64xf32, #tpu.memory_space<vmem_shared>> -> memref<125x64xf32, #tpu.memory_space<vmem_shared>>
      %dma_start3A_117 = arith.constant 0 : i32
      %dma_start3A_118 = tpu.memref_slice %arg12[%add3A_26, %dma_start3A_117] : memref<10240x64xf32, #tpu.memory_space<vmem_shared>> -> memref<125x64xf32, #tpu.memory_space<vmem_shared>>
      tpu.enqueue_dma source(%arg8 : memref<125x64xf32, #tpu.memory_space<vmem>>) target(%dma_start3A_118 : memref<125x64xf32, #tpu.memory_space<vmem_shared>>) target_semaphore(%run_scoped3A_114 : memref<!tpu.dma_semaphore, #tpu.memory_space<semaphore_mem>>)
      %dma_wait3A_119 = arith.constant 0 : i32
      %dma_wait3A_120 = tpu.memref_slice %arg12[%add3A_26, %dma_wait3A_119] : memref<10240x64xf32, #tpu.memory_space<vmem_shared>> -> memref<125x64xf32, #tpu.memory_space<vmem_shared>>
      %dma_wait3A_121 = arith.constant 0 : i32
      %dma_wait3A_122 = tpu.memref_slice %arg12[%add3A_26, %dma_wait3A_121] : memref<10240x64xf32, #tpu.memory_space<vmem_shared>> -> memref<125x64xf32, #tpu.memory_space<vmem_shared>>
      tpu.wait_dma2 semaphore(%run_scoped3A_114 : memref<!tpu.dma_semaphore, #tpu.memory_space<semaphore_mem>>) src(%arg8 : memref<125x64xf32, #tpu.memory_space<vmem>>) dst(%dma_wait3A_122 : memref<125x64xf32, #tpu.memory_space<vmem_shared>>)
      tpu.yield
    }) : () -> ()
    %mul3A_27 = arith.constant 640 : i32
    %mul3A_28 = arith.muli %arg1, %mul3A_27 : i32
    %add3A_29 = arith.constant 375 : i32
    %add3A_30 = arith.addi %mul3A_28, %add3A_29 : i32
    "tpu.region"() ({
      %run_scoped3A_114 = tpu.sem_alloc : memref<!tpu.dma_semaphore, #tpu.memory_space<semaphore_mem>>
      %dma_start3A_115 = arith.constant 0 : i32
      %dma_start3A_116 = tpu.memref_slice %arg12[%add3A_30, %dma_start3A_115] : memref<10240x64xf32, #tpu.memory_space<vmem_shared>> -> memref<125x64xf32, #tpu.memory_space<vmem_shared>>
      %dma_start3A_117 = arith.constant 0 : i32
      %dma_start3A_118 = tpu.memref_slice %arg12[%add3A_30, %dma_start3A_117] : memref<10240x64xf32, #tpu.memory_space<vmem_shared>> -> memref<125x64xf32, #tpu.memory_space<vmem_shared>>
      tpu.enqueue_dma source(%arg8 : memref<125x64xf32, #tpu.memory_space<vmem>>) target(%dma_start3A_118 : memref<125x64xf32, #tpu.memory_space<vmem_shared>>) target_semaphore(%run_scoped3A_114 : memref<!tpu.dma_semaphore, #tpu.memory_space<semaphore_mem>>)
      %dma_wait3A_119 = arith.constant 0 : i32
      %dma_wait3A_120 = tpu.memref_slice %arg12[%add3A_30, %dma_wait3A_119] : memref<10240x64xf32, #tpu.memory_space<vmem_shared>> -> memref<125x64xf32, #tpu.memory_space<vmem_shared>>
      %dma_wait3A_121 = arith.constant 0 : i32
      %dma_wait3A_122 = tpu.memref_slice %arg12[%add3A_30, %dma_wait3A_121] : memref<10240x64xf32, #tpu.memory_space<vmem_shared>> -> memref<125x64xf32, #tpu.memory_space<vmem_shared>>
      tpu.wait_dma2 semaphore(%run_scoped3A_114 : memref<!tpu.dma_semaphore, #tpu.memory_space<semaphore_mem>>) src(%arg8 : memref<125x64xf32, #tpu.memory_space<vmem>>) dst(%dma_wait3A_122 : memref<125x64xf32, #tpu.memory_space<vmem_shared>>)
      tpu.yield
    }) : () -> ()
    %mul3A_31 = arith.constant 640 : i32
    %mul3A_32 = arith.muli %arg1, %mul3A_31 : i32
    %add3A_33 = arith.constant 500 : i32
    %add3A_34 = arith.addi %mul3A_32, %add3A_33 : i32
    "tpu.region"() ({
      %run_scoped3A_114 = tpu.sem_alloc : memref<!tpu.dma_semaphore, #tpu.memory_space<semaphore_mem>>
      %dma_start3A_115 = arith.constant 0 : i32
      %dma_start3A_116 = tpu.memref_slice %arg12[%add3A_34, %dma_start3A_115] : memref<10240x64xf32, #tpu.memory_space<vmem_shared>> -> memref<125x64xf32, #tpu.memory_space<vmem_shared>>
      %dma_start3A_117 = arith.constant 0 : i32
      %dma_start3A_118 = tpu.memref_slice %arg12[%add3A_34, %dma_start3A_117] : memref<10240x64xf32, #tpu.memory_space<vmem_shared>> -> memref<125x64xf32, #tpu.memory_space<vmem_shared>>
      tpu.enqueue_dma source(%arg8 : memref<125x64xf32, #tpu.memory_space<vmem>>) target(%dma_start3A_118 : memref<125x64xf32, #tpu.memory_space<vmem_shared>>) target_semaphore(%run_scoped3A_114 : memref<!tpu.dma_semaphore, #tpu.memory_space<semaphore_mem>>)
      %dma_wait3A_119 = arith.constant 0 : i32
      %dma_wait3A_120 = tpu.memref_slice %arg12[%add3A_34, %dma_wait3A_119] : memref<10240x64xf32, #tpu.memory_space<vmem_shared>> -> memref<125x64xf32, #tpu.memory_space<vmem_shared>>
      %dma_wait3A_121 = arith.constant 0 : i32
      %dma_wait3A_122 = tpu.memref_slice %arg12[%add3A_34, %dma_wait3A_121] : memref<10240x64xf32, #tpu.memory_space<vmem_shared>> -> memref<125x64xf32, #tpu.memory_space<vmem_shared>>
      tpu.wait_dma2 semaphore(%run_scoped3A_114 : memref<!tpu.dma_semaphore, #tpu.memory_space<semaphore_mem>>) src(%arg8 : memref<125x64xf32, #tpu.memory_space<vmem>>) dst(%dma_wait3A_122 : memref<125x64xf32, #tpu.memory_space<vmem_shared>>)
      tpu.yield
    }) : () -> ()
    %mul3A_35 = arith.constant 640 : i32
    %mul3A_36 = arith.muli %arg1, %mul3A_35 : i32
    %add3A_37 = arith.constant 515 : i32
    %add3A_38 = arith.addi %mul3A_36, %add3A_37 : i32
    "tpu.region"() ({
      %run_scoped3A_114 = tpu.sem_alloc : memref<!tpu.dma_semaphore, #tpu.memory_space<semaphore_mem>>
      %dma_start3A_115 = arith.constant 0 : i32
      %dma_start3A_116 = tpu.memref_slice %arg12[%add3A_38, %dma_start3A_115] : memref<10240x64xf32, #tpu.memory_space<vmem_shared>> -> memref<125x64xf32, #tpu.memory_space<vmem_shared>>
      %dma_start3A_117 = arith.constant 0 : i32
      %dma_start3A_118 = tpu.memref_slice %arg12[%add3A_38, %dma_start3A_117] : memref<10240x64xf32, #tpu.memory_space<vmem_shared>> -> memref<125x64xf32, #tpu.memory_space<vmem_shared>>
      tpu.enqueue_dma source(%arg8 : memref<125x64xf32, #tpu.memory_space<vmem>>) target(%dma_start3A_118 : memref<125x64xf32, #tpu.memory_space<vmem_shared>>) target_semaphore(%run_scoped3A_114 : memref<!tpu.dma_semaphore, #tpu.memory_space<semaphore_mem>>)
      %dma_wait3A_119 = arith.constant 0 : i32
      %dma_wait3A_120 = tpu.memref_slice %arg12[%add3A_38, %dma_wait3A_119] : memref<10240x64xf32, #tpu.memory_space<vmem_shared>> -> memref<125x64xf32, #tpu.memory_space<vmem_shared>>
      %dma_wait3A_121 = arith.constant 0 : i32
      %dma_wait3A_122 = tpu.memref_slice %arg12[%add3A_38, %dma_wait3A_121] : memref<10240x64xf32, #tpu.memory_space<vmem_shared>> -> memref<125x64xf32, #tpu.memory_space<vmem_shared>>
      tpu.wait_dma2 semaphore(%run_scoped3A_114 : memref<!tpu.dma_semaphore, #tpu.memory_space<semaphore_mem>>) src(%arg8 : memref<125x64xf32, #tpu.memory_space<vmem>>) dst(%dma_wait3A_122 : memref<125x64xf32, #tpu.memory_space<vmem_shared>>)
      tpu.yield
    }) : () -> ()
    %dma_wait3A = arith.constant 0 : i32
    %dma_wait3A_39 = tpu.memref_slice %arg3[%arg0, %mul3A_0, %dma_wait3A] : memref<2x2560x125xi32, #tpu.memory_space<hbm>> -> memref<1x160x125xi32, #tpu.memory_space<hbm>>
    %dma_wait3A_40 = tpu.memref_squeeze %dma_wait3A_39 : memref<1x160x125xi32, #tpu.memory_space<hbm>> -> memref<160x125xi32, #tpu.memory_space<hbm>>
    %dma_wait3A_41 = arith.constant 0 : i32
    %dma_wait3A_42 = tpu.memref_slice %arg3[%arg0, %mul3A_0, %dma_wait3A_41] : memref<2x2560x125xi32, #tpu.memory_space<hbm>> -> memref<1x160x125xi32, #tpu.memory_space<hbm>>
    %dma_wait3A_43 = tpu.memref_squeeze %dma_wait3A_42 : memref<1x160x125xi32, #tpu.memory_space<hbm>> -> memref<160x125xi32, #tpu.memory_space<hbm>>
    tpu.wait_dma2 semaphore(%arg13 : memref<!tpu.dma_semaphore, #tpu.memory_space<semaphore_mem>>) src(%dma_wait3A_43 : memref<160x125xi32, #tpu.memory_space<hbm>>) dst(%arg6 : memref<160x125xi32, #tpu.memory_space<vmem>>)
    %dma_wait3A_44 = arith.constant 0 : i32
    %dma_wait3A_45 = tpu.memref_slice %arg4[%mul3A_0, %dma_wait3A_44] : memref<2560x125xi32, #tpu.memory_space<hbm>> -> memref<160x125xi32, #tpu.memory_space<hbm>>
    %dma_wait3A_46 = arith.constant 0 : i32
    %dma_wait3A_47 = tpu.memref_slice %arg4[%mul3A_0, %dma_wait3A_46] : memref<2560x125xi32, #tpu.memory_space<hbm>> -> memref<160x125xi32, #tpu.memory_space<hbm>>
    tpu.wait_dma2 semaphore(%arg13 : memref<!tpu.dma_semaphore, #tpu.memory_space<semaphore_mem>>) src(%dma_wait3A_47 : memref<160x125xi32, #tpu.memory_space<hbm>>) dst(%arg7 : memref<160x125xi32, #tpu.memory_space<vmem>>)
    %dma_start3A_48 = arith.constant 0 : i32
    %dma_start3A_49 = arith.constant 0 : i32
    %dma_start3A_50 = tpu.memref_slice %arg6[%dma_start3A_48, %dma_start3A_49] : memref<160x125xi32, #tpu.memory_space<vmem>> -> memref<1x125xi32, #tpu.memory_space<vmem>>
    %dma_start3A_51 = tpu.memref_squeeze %dma_start3A_50 : memref<1x125xi32, #tpu.memory_space<vmem>> -> memref<125xi32, #tpu.memory_space<vmem>>
    %dma_start3A_52 = arith.constant 0 : i32
    %dma_start3A_53 = arith.constant 0 : i32
    %dma_start3A_54 = tpu.memref_slice %arg2[%dma_start3A_52, %dma_start3A_53] : memref<20000x64xf32, #tpu.memory_space<hbm>> -> memref<20000x64xf32, #tpu.memory_space<hbm>>
    tpu.enqueue_indirect_dma source(%dma_start3A_54 : memref<20000x64xf32, #tpu.memory_space<hbm>>) target(%arg8 : memref<125x64xf32, #tpu.memory_space<vmem>>) offsets(%dma_start3A_51 : memref<125xi32, #tpu.memory_space<vmem>>) semaphore(%arg14 : memref<!tpu.dma_semaphore, #tpu.memory_space<semaphore_mem>>)
    %dma_start3A_55 = arith.constant 1 : i32
    %dma_start3A_56 = arith.constant 0 : i32
    %dma_start3A_57 = tpu.memref_slice %arg6[%dma_start3A_55, %dma_start3A_56] : memref<160x125xi32, #tpu.memory_space<vmem>> -> memref<1x125xi32, #tpu.memory_space<vmem>>
    %dma_start3A_58 = tpu.memref_squeeze %dma_start3A_57 : memref<1x125xi32, #tpu.memory_space<vmem>> -> memref<125xi32, #tpu.memory_space<vmem>>
    %dma_start3A_59 = arith.constant 0 : i32
    %dma_start3A_60 = arith.constant 0 : i32
    %dma_start3A_61 = tpu.memref_slice %arg2[%dma_start3A_59, %dma_start3A_60] : memref<20000x64xf32, #tpu.memory_space<hbm>> -> memref<20000x64xf32, #tpu.memory_space<hbm>>
    tpu.enqueue_indirect_dma source(%dma_start3A_61 : memref<20000x64xf32, #tpu.memory_space<hbm>>) target(%arg9 : memref<125x64xf32, #tpu.memory_space<vmem>>) offsets(%dma_start3A_58 : memref<125xi32, #tpu.memory_space<vmem>>) semaphore(%arg15 : memref<!tpu.dma_semaphore, #tpu.memory_space<semaphore_mem>>)
    %dma_start3A_62 = arith.constant 2 : i32
    %dma_start3A_63 = arith.constant 0 : i32
    %dma_start3A_64 = tpu.memref_slice %arg6[%dma_start3A_62, %dma_start3A_63] : memref<160x125xi32, #tpu.memory_space<vmem>> -> memref<1x125xi32, #tpu.memory_space<vmem>>
    %dma_start3A_65 = tpu.memref_squeeze %dma_start3A_64 : memref<1x125xi32, #tpu.memory_space<vmem>> -> memref<125xi32, #tpu.memory_space<vmem>>
    %dma_start3A_66 = arith.constant 0 : i32
    %dma_start3A_67 = arith.constant 0 : i32
    %dma_start3A_68 = tpu.memref_slice %arg2[%dma_start3A_66, %dma_start3A_67] : memref<20000x64xf32, #tpu.memory_space<hbm>> -> memref<20000x64xf32, #tpu.memory_space<hbm>>
    tpu.enqueue_indirect_dma source(%dma_start3A_68 : memref<20000x64xf32, #tpu.memory_space<hbm>>) target(%arg10 : memref<125x64xf32, #tpu.memory_space<vmem>>) offsets(%dma_start3A_65 : memref<125xi32, #tpu.memory_space<vmem>>) semaphore(%arg16 : memref<!tpu.dma_semaphore, #tpu.memory_space<semaphore_mem>>)
    %dma_start3A_69 = arith.constant 3 : i32
    %dma_start3A_70 = arith.constant 0 : i32
    %dma_start3A_71 = tpu.memref_slice %arg6[%dma_start3A_69, %dma_start3A_70] : memref<160x125xi32, #tpu.memory_space<vmem>> -> memref<1x125xi32, #tpu.memory_space<vmem>>
    %dma_start3A_72 = tpu.memref_squeeze %dma_start3A_71 : memref<1x125xi32, #tpu.memory_space<vmem>> -> memref<125xi32, #tpu.memory_space<vmem>>
    %dma_start3A_73 = arith.constant 0 : i32
    %dma_start3A_74 = arith.constant 0 : i32
    %dma_start3A_75 = tpu.memref_slice %arg2[%dma_start3A_73, %dma_start3A_74] : memref<20000x64xf32, #tpu.memory_space<hbm>> -> memref<20000x64xf32, #tpu.memory_space<hbm>>
    tpu.enqueue_indirect_dma source(%dma_start3A_75 : memref<20000x64xf32, #tpu.memory_space<hbm>>) target(%arg11 : memref<125x64xf32, #tpu.memory_space<vmem>>) offsets(%dma_start3A_72 : memref<125xi32, #tpu.memory_space<vmem>>) semaphore(%arg17 : memref<!tpu.dma_semaphore, #tpu.memory_space<semaphore_mem>>)
    %barrier3A = arith.constant 0 : index
    tpu.barrier barrier_id(%barrier3A)
    %scan3A_76 = arith.constant 0 : i32
    %scan3A_77 = arith.constant 0 : i32
    %scan3A_78 = arith.constant 39 : i32
    %scan3A_79 = arith.addi %scan3A_77, %scan3A_78 : i32
    %scan3A_80 = arith.constant 1 : i32
    scf.for %scan3A_114 = %scan3A_77 to %scan3A_79 step %scan3A_80  : i32 {
      %mul3A_115 = arith.constant 4 : i32
      %mul3A_116 = arith.muli %mul3A_115, %scan3A_114 : i32
      %add3A_117 = arith.constant 0 : i32
      %add3A_118 = arith.addi %mul3A_116, %add3A_117 : i32
      %dma_wait3A_119 = arith.constant 0 : i32
      %dma_wait3A_120 = arith.constant 0 : i32
      %dma_wait3A_121 = tpu.memref_slice %arg2[%dma_wait3A_119, %dma_wait3A_120] : memref<20000x64xf32, #tpu.memory_space<hbm>> -> memref<125x64xf32, #tpu.memory_space<hbm>>
      %dma_wait3A_122 = arith.constant 0 : i32
      %dma_wait3A_123 = arith.constant 0 : i32
      %dma_wait3A_124 = tpu.memref_slice %arg2[%dma_wait3A_122, %dma_wait3A_123] : memref<20000x64xf32, #tpu.memory_space<hbm>> -> memref<125x64xf32, #tpu.memory_space<hbm>>
      tpu.wait_dma2 semaphore(%arg14 : memref<!tpu.dma_semaphore, #tpu.memory_space<semaphore_mem>>) src(%dma_wait3A_124 : memref<125x64xf32, #tpu.memory_space<hbm>>) dst(%arg8 : memref<125x64xf32, #tpu.memory_space<vmem>>)
      "tpu.region"() ({
        %run_scoped3A_203 = tpu.sem_alloc : memref<!tpu.dma_semaphore, #tpu.memory_space<semaphore_mem>>
        %dma_start3A_204 = arith.constant 0 : i32
        %dma_start3A_205 = tpu.memref_slice %arg7[%add3A_118, %dma_start3A_204] : memref<160x125xi32, #tpu.memory_space<vmem>> -> memref<1x125xi32, #tpu.memory_space<vmem>>
        %dma_start3A_206 = tpu.memref_squeeze %dma_start3A_205 : memref<1x125xi32, #tpu.memory_space<vmem>> -> memref<125xi32, #tpu.memory_space<vmem>>
        %dma_start3A_207 = arith.constant 0 : i32
        %dma_start3A_208 = arith.constant 0 : i32
        %dma_start3A_209 = tpu.memref_slice %arg12[%dma_start3A_207, %dma_start3A_208] : memref<10240x64xf32, #tpu.memory_space<vmem_shared>> -> memref<10240x64xf32, #tpu.memory_space<vmem_shared>>
        tpu.enqueue_indirect_dma source(%arg8 : memref<125x64xf32, #tpu.memory_space<vmem>>) target(%dma_start3A_209 : memref<10240x64xf32, #tpu.memory_space<vmem_shared>>) offsets(%dma_start3A_206 : memref<125xi32, #tpu.memory_space<vmem>>) semaphore(%run_scoped3A_203 : memref<!tpu.dma_semaphore, #tpu.memory_space<semaphore_mem>>) {add = true}
        %dma_wait3A_210 = arith.constant 0 : i32
        %dma_wait3A_211 = tpu.memref_slice %arg7[%add3A_118, %dma_wait3A_210] : memref<160x125xi32, #tpu.memory_space<vmem>> -> memref<1x125xi32, #tpu.memory_space<vmem>>
        %dma_wait3A_212 = tpu.memref_squeeze %dma_wait3A_211 : memref<1x125xi32, #tpu.memory_space<vmem>> -> memref<125xi32, #tpu.memory_space<vmem>>
        %dma_wait3A_213 = arith.constant 0 : i32
        %dma_wait3A_214 = arith.constant 0 : i32
        %dma_wait3A_215 = tpu.memref_slice %arg12[%dma_wait3A_213, %dma_wait3A_214] : memref<10240x64xf32, #tpu.memory_space<vmem_shared>> -> memref<10240x64xf32, #tpu.memory_space<vmem_shared>>
        tpu.wait_indirect_dma semaphore(%run_scoped3A_203 : memref<!tpu.dma_semaphore, #tpu.memory_space<semaphore_mem>>) src(%arg8 : memref<125x64xf32, #tpu.memory_space<vmem>>) dst(%dma_wait3A_215 : memref<10240x64xf32, #tpu.memory_space<vmem_shared>>)
        tpu.yield
      }) : () -> ()
      %add3A_125 = arith.constant 1 : i32
      %add3A_126 = arith.addi %scan3A_114, %add3A_125 : i32
      %mul3A_127 = arith.constant 4 : i32
      %mul3A_128 = arith.muli %mul3A_127, %add3A_126 : i32
      %add3A_129 = arith.constant 0 : i32
      %add3A_130 = arith.addi %mul3A_128, %add3A_129 : i32
      %dma_start3A_131 = arith.constant 0 : i32
      %dma_start3A_132 = tpu.memref_slice %arg6[%add3A_130, %dma_start3A_131] : memref<160x125xi32, #tpu.memory_space<vmem>> -> memref<1x125xi32, #tpu.memory_space<vmem>>
      %dma_start3A_133 = tpu.memref_squeeze %dma_start3A_132 : memref<1x125xi32, #tpu.memory_space<vmem>> -> memref<125xi32, #tpu.memory_space<vmem>>
      %dma_start3A_134 = arith.constant 0 : i32
      %dma_start3A_135 = arith.constant 0 : i32
      %dma_start3A_136 = tpu.memref_slice %arg2[%dma_start3A_134, %dma_start3A_135] : memref<20000x64xf32, #tpu.memory_space<hbm>> -> memref<20000x64xf32, #tpu.memory_space<hbm>>
      tpu.enqueue_indirect_dma source(%dma_start3A_136 : memref<20000x64xf32, #tpu.memory_space<hbm>>) target(%arg8 : memref<125x64xf32, #tpu.memory_space<vmem>>) offsets(%dma_start3A_133 : memref<125xi32, #tpu.memory_space<vmem>>) semaphore(%arg14 : memref<!tpu.dma_semaphore, #tpu.memory_space<semaphore_mem>>)
      %mul3A_137 = arith.constant 4 : i32
      %mul3A_138 = arith.muli %mul3A_137, %scan3A_114 : i32
      %add3A_139 = arith.constant 1 : i32
      %add3A_140 = arith.addi %mul3A_138, %add3A_139 : i32
      %dma_wait3A_141 = arith.constant 0 : i32
      %dma_wait3A_142 = arith.constant 0 : i32
      %dma_wait3A_143 = tpu.memref_slice %arg2[%dma_wait3A_141, %dma_wait3A_142] : memref<20000x64xf32, #tpu.memory_space<hbm>> -> memref<125x64xf32, #tpu.memory_space<hbm>>
      %dma_wait3A_144 = arith.constant 0 : i32
      %dma_wait3A_145 = arith.constant 0 : i32
      %dma_wait3A_146 = tpu.memref_slice %arg2[%dma_wait3A_144, %dma_wait3A_145] : memref<20000x64xf32, #tpu.memory_space<hbm>> -> memref<125x64xf32, #tpu.memory_space<hbm>>
      tpu.wait_dma2 semaphore(%arg15 : memref<!tpu.dma_semaphore, #tpu.memory_space<semaphore_mem>>) src(%dma_wait3A_146 : memref<125x64xf32, #tpu.memory_space<hbm>>) dst(%arg9 : memref<125x64xf32, #tpu.memory_space<vmem>>)
      "tpu.region"() ({
        %run_scoped3A_203 = tpu.sem_alloc : memref<!tpu.dma_semaphore, #tpu.memory_space<semaphore_mem>>
        %dma_start3A_204 = arith.constant 0 : i32
        %dma_start3A_205 = tpu.memref_slice %arg7[%add3A_140, %dma_start3A_204] : memref<160x125xi32, #tpu.memory_space<vmem>> -> memref<1x125xi32, #tpu.memory_space<vmem>>
        %dma_start3A_206 = tpu.memref_squeeze %dma_start3A_205 : memref<1x125xi32, #tpu.memory_space<vmem>> -> memref<125xi32, #tpu.memory_space<vmem>>
        %dma_start3A_207 = arith.constant 0 : i32
        %dma_start3A_208 = arith.constant 0 : i32
        %dma_start3A_209 = tpu.memref_slice %arg12[%dma_start3A_207, %dma_start3A_208] : memref<10240x64xf32, #tpu.memory_space<vmem_shared>> -> memref<10240x64xf32, #tpu.memory_space<vmem_shared>>
        tpu.enqueue_indirect_dma source(%arg9 : memref<125x64xf32, #tpu.memory_space<vmem>>) target(%dma_start3A_209 : memref<10240x64xf32, #tpu.memory_space<vmem_shared>>) offsets(%dma_start3A_206 : memref<125xi32, #tpu.memory_space<vmem>>) semaphore(%run_scoped3A_203 : memref<!tpu.dma_semaphore, #tpu.memory_space<semaphore_mem>>) {add = true}
        %dma_wait3A_210 = arith.constant 0 : i32
        %dma_wait3A_211 = tpu.memref_slice %arg7[%add3A_140, %dma_wait3A_210] : memref<160x125xi32, #tpu.memory_space<vmem>> -> memref<1x125xi32, #tpu.memory_space<vmem>>
        %dma_wait3A_212 = tpu.memref_squeeze %dma_wait3A_211 : memref<1x125xi32, #tpu.memory_space<vmem>> -> memref<125xi32, #tpu.memory_space<vmem>>
        %dma_wait3A_213 = arith.constant 0 : i32
        %dma_wait3A_214 = arith.constant 0 : i32
        %dma_wait3A_215 = tpu.memref_slice %arg12[%dma_wait3A_213, %dma_wait3A_214] : memref<10240x64xf32, #tpu.memory_space<vmem_shared>> -> memref<10240x64xf32, #tpu.memory_space<vmem_shared>>
        tpu.wait_indirect_dma semaphore(%run_scoped3A_203 : memref<!tpu.dma_semaphore, #tpu.memory_space<semaphore_mem>>) src(%arg9 : memref<125x64xf32, #tpu.memory_space<vmem>>) dst(%dma_wait3A_215 : memref<10240x64xf32, #tpu.memory_space<vmem_shared>>)
        tpu.yield
      }) : () -> ()
      %add3A_147 = arith.constant 1 : i32
      %add3A_148 = arith.addi %scan3A_114, %add3A_147 : i32
      %mul3A_149 = arith.constant 4 : i32
      %mul3A_150 = arith.muli %mul3A_149, %add3A_148 : i32
      %add3A_151 = arith.constant 1 : i32
      %add3A_152 = arith.addi %mul3A_150, %add3A_151 : i32
      %dma_start3A_153 = arith.constant 0 : i32
      %dma_start3A_154 = tpu.memref_slice %arg6[%add3A_152, %dma_start3A_153] : memref<160x125xi32, #tpu.memory_space<vmem>> -> memref<1x125xi32, #tpu.memory_space<vmem>>
      %dma_start3A_155 = tpu.memref_squeeze %dma_start3A_154 : memref<1x125xi32, #tpu.memory_space<vmem>> -> memref<125xi32, #tpu.memory_space<vmem>>
      %dma_start3A_156 = arith.constant 0 : i32
      %dma_start3A_157 = arith.constant 0 : i32
      %dma_start3A_158 = tpu.memref_slice %arg2[%dma_start3A_156, %dma_start3A_157] : memref<20000x64xf32, #tpu.memory_space<hbm>> -> memref<20000x64xf32, #tpu.memory_space<hbm>>
      tpu.enqueue_indirect_dma source(%dma_start3A_158 : memref<20000x64xf32, #tpu.memory_space<hbm>>) target(%arg9 : memref<125x64xf32, #tpu.memory_space<vmem>>) offsets(%dma_start3A_155 : memref<125xi32, #tpu.memory_space<vmem>>) semaphore(%arg15 : memref<!tpu.dma_semaphore, #tpu.memory_space<semaphore_mem>>)
      %mul3A_159 = arith.constant 4 : i32
      %mul3A_160 = arith.muli %mul3A_159, %scan3A_114 : i32
      %add3A_161 = arith.constant 2 : i32
      %add3A_162 = arith.addi %mul3A_160, %add3A_161 : i32
      %dma_wait3A_163 = arith.constant 0 : i32
      %dma_wait3A_164 = arith.constant 0 : i32
      %dma_wait3A_165 = tpu.memref_slice %arg2[%dma_wait3A_163, %dma_wait3A_164] : memref<20000x64xf32, #tpu.memory_space<hbm>> -> memref<125x64xf32, #tpu.memory_space<hbm>>
      %dma_wait3A_166 = arith.constant 0 : i32
      %dma_wait3A_167 = arith.constant 0 : i32
      %dma_wait3A_168 = tpu.memref_slice %arg2[%dma_wait3A_166, %dma_wait3A_167] : memref<20000x64xf32, #tpu.memory_space<hbm>> -> memref<125x64xf32, #tpu.memory_space<hbm>>
      tpu.wait_dma2 semaphore(%arg16 : memref<!tpu.dma_semaphore, #tpu.memory_space<semaphore_mem>>) src(%dma_wait3A_168 : memref<125x64xf32, #tpu.memory_space<hbm>>) dst(%arg10 : memref<125x64xf32, #tpu.memory_space<vmem>>)
      "tpu.region"() ({
        %run_scoped3A_203 = tpu.sem_alloc : memref<!tpu.dma_semaphore, #tpu.memory_space<semaphore_mem>>
        %dma_start3A_204 = arith.constant 0 : i32
        %dma_start3A_205 = tpu.memref_slice %arg7[%add3A_162, %dma_start3A_204] : memref<160x125xi32, #tpu.memory_space<vmem>> -> memref<1x125xi32, #tpu.memory_space<vmem>>
        %dma_start3A_206 = tpu.memref_squeeze %dma_start3A_205 : memref<1x125xi32, #tpu.memory_space<vmem>> -> memref<125xi32, #tpu.memory_space<vmem>>
        %dma_start3A_207 = arith.constant 0 : i32
        %dma_start3A_208 = arith.constant 0 : i32
        %dma_start3A_209 = tpu.memref_slice %arg12[%dma_start3A_207, %dma_start3A_208] : memref<10240x64xf32, #tpu.memory_space<vmem_shared>> -> memref<10240x64xf32, #tpu.memory_space<vmem_shared>>
        tpu.enqueue_indirect_dma source(%arg10 : memref<125x64xf32, #tpu.memory_space<vmem>>) target(%dma_start3A_209 : memref<10240x64xf32, #tpu.memory_space<vmem_shared>>) offsets(%dma_start3A_206 : memref<125xi32, #tpu.memory_space<vmem>>) semaphore(%run_scoped3A_203 : memref<!tpu.dma_semaphore, #tpu.memory_space<semaphore_mem>>) {add = true}
        %dma_wait3A_210 = arith.constant 0 : i32
        %dma_wait3A_211 = tpu.memref_slice %arg7[%add3A_162, %dma_wait3A_210] : memref<160x125xi32, #tpu.memory_space<vmem>> -> memref<1x125xi32, #tpu.memory_space<vmem>>
        %dma_wait3A_212 = tpu.memref_squeeze %dma_wait3A_211 : memref<1x125xi32, #tpu.memory_space<vmem>> -> memref<125xi32, #tpu.memory_space<vmem>>
        %dma_wait3A_213 = arith.constant 0 : i32
        %dma_wait3A_214 = arith.constant 0 : i32
        %dma_wait3A_215 = tpu.memref_slice %arg12[%dma_wait3A_213, %dma_wait3A_214] : memref<10240x64xf32, #tpu.memory_space<vmem_shared>> -> memref<10240x64xf32, #tpu.memory_space<vmem_shared>>
        tpu.wait_indirect_dma semaphore(%run_scoped3A_203 : memref<!tpu.dma_semaphore, #tpu.memory_space<semaphore_mem>>) src(%arg10 : memref<125x64xf32, #tpu.memory_space<vmem>>) dst(%dma_wait3A_215 : memref<10240x64xf32, #tpu.memory_space<vmem_shared>>)
        tpu.yield
      }) : () -> ()
      %add3A_169 = arith.constant 1 : i32
      %add3A_170 = arith.addi %scan3A_114, %add3A_169 : i32
      %mul3A_171 = arith.constant 4 : i32
      %mul3A_172 = arith.muli %mul3A_171, %add3A_170 : i32
      %add3A_173 = arith.constant 2 : i32
      %add3A_174 = arith.addi %mul3A_172, %add3A_173 : i32
      %dma_start3A_175 = arith.constant 0 : i32
      %dma_start3A_176 = tpu.memref_slice %arg6[%add3A_174, %dma_start3A_175] : memref<160x125xi32, #tpu.memory_space<vmem>> -> memref<1x125xi32, #tpu.memory_space<vmem>>
      %dma_start3A_177 = tpu.memref_squeeze %dma_start3A_176 : memref<1x125xi32, #tpu.memory_space<vmem>> -> memref<125xi32, #tpu.memory_space<vmem>>
      %dma_start3A_178 = arith.constant 0 : i32
      %dma_start3A_179 = arith.constant 0 : i32
      %dma_start3A_180 = tpu.memref_slice %arg2[%dma_start3A_178, %dma_start3A_179] : memref<20000x64xf32, #tpu.memory_space<hbm>> -> memref<20000x64xf32, #tpu.memory_space<hbm>>
      tpu.enqueue_indirect_dma source(%dma_start3A_180 : memref<20000x64xf32, #tpu.memory_space<hbm>>) target(%arg10 : memref<125x64xf32, #tpu.memory_space<vmem>>) offsets(%dma_start3A_177 : memref<125xi32, #tpu.memory_space<vmem>>) semaphore(%arg16 : memref<!tpu.dma_semaphore, #tpu.memory_space<semaphore_mem>>)
      %mul3A_181 = arith.constant 4 : i32
      %mul3A_182 = arith.muli %mul3A_181, %scan3A_114 : i32
      %add3A_183 = arith.constant 3 : i32
      %add3A_184 = arith.addi %mul3A_182, %add3A_183 : i32
      %dma_wait3A_185 = arith.constant 0 : i32
      %dma_wait3A_186 = arith.constant 0 : i32
      %dma_wait3A_187 = tpu.memref_slice %arg2[%dma_wait3A_185, %dma_wait3A_186] : memref<20000x64xf32, #tpu.memory_space<hbm>> -> memref<125x64xf32, #tpu.memory_space<hbm>>
      %dma_wait3A_188 = arith.constant 0 : i32
      %dma_wait3A_189 = arith.constant 0 : i32
      %dma_wait3A_190 = tpu.memref_slice %arg2[%dma_wait3A_188, %dma_wait3A_189] : memref<20000x64xf32, #tpu.memory_space<hbm>> -> memref<125x64xf32, #tpu.memory_space<hbm>>
      tpu.wait_dma2 semaphore(%arg17 : memref<!tpu.dma_semaphore, #tpu.memory_space<semaphore_mem>>) src(%dma_wait3A_190 : memref<125x64xf32, #tpu.memory_space<hbm>>) dst(%arg11 : memref<125x64xf32, #tpu.memory_space<vmem>>)
      "tpu.region"() ({
        %run_scoped3A_203 = tpu.sem_alloc : memref<!tpu.dma_semaphore, #tpu.memory_space<semaphore_mem>>
        %dma_start3A_204 = arith.constant 0 : i32
        %dma_start3A_205 = tpu.memref_slice %arg7[%add3A_184, %dma_start3A_204] : memref<160x125xi32, #tpu.memory_space<vmem>> -> memref<1x125xi32, #tpu.memory_space<vmem>>
        %dma_start3A_206 = tpu.memref_squeeze %dma_start3A_205 : memref<1x125xi32, #tpu.memory_space<vmem>> -> memref<125xi32, #tpu.memory_space<vmem>>
        %dma_start3A_207 = arith.constant 0 : i32
        %dma_start3A_208 = arith.constant 0 : i32
        %dma_start3A_209 = tpu.memref_slice %arg12[%dma_start3A_207, %dma_start3A_208] : memref<10240x64xf32, #tpu.memory_space<vmem_shared>> -> memref<10240x64xf32, #tpu.memory_space<vmem_shared>>
        tpu.enqueue_indirect_dma source(%arg11 : memref<125x64xf32, #tpu.memory_space<vmem>>) target(%dma_start3A_209 : memref<10240x64xf32, #tpu.memory_space<vmem_shared>>) offsets(%dma_start3A_206 : memref<125xi32, #tpu.memory_space<vmem>>) semaphore(%run_scoped3A_203 : memref<!tpu.dma_semaphore, #tpu.memory_space<semaphore_mem>>) {add = true}
        %dma_wait3A_210 = arith.constant 0 : i32
        %dma_wait3A_211 = tpu.memref_slice %arg7[%add3A_184, %dma_wait3A_210] : memref<160x125xi32, #tpu.memory_space<vmem>> -> memref<1x125xi32, #tpu.memory_space<vmem>>
        %dma_wait3A_212 = tpu.memref_squeeze %dma_wait3A_211 : memref<1x125xi32, #tpu.memory_space<vmem>> -> memref<125xi32, #tpu.memory_space<vmem>>
        %dma_wait3A_213 = arith.constant 0 : i32
        %dma_wait3A_214 = arith.constant 0 : i32
        %dma_wait3A_215 = tpu.memref_slice %arg12[%dma_wait3A_213, %dma_wait3A_214] : memref<10240x64xf32, #tpu.memory_space<vmem_shared>> -> memref<10240x64xf32, #tpu.memory_space<vmem_shared>>
        tpu.wait_indirect_dma semaphore(%run_scoped3A_203 : memref<!tpu.dma_semaphore, #tpu.memory_space<semaphore_mem>>) src(%arg11 : memref<125x64xf32, #tpu.memory_space<vmem>>) dst(%dma_wait3A_215 : memref<10240x64xf32, #tpu.memory_space<vmem_shared>>)
        tpu.yield
      }) : () -> ()
      %add3A_191 = arith.constant 1 : i32
      %add3A_192 = arith.addi %scan3A_114, %add3A_191 : i32
      %mul3A_193 = arith.constant 4 : i32
      %mul3A_194 = arith.muli %mul3A_193, %add3A_192 : i32
      %add3A_195 = arith.constant 3 : i32
      %add3A_196 = arith.addi %mul3A_194, %add3A_195 : i32
      %dma_start3A_197 = arith.constant 0 : i32
      %dma_start3A_198 = tpu.memref_slice %arg6[%add3A_196, %dma_start3A_197] : memref<160x125xi32, #tpu.memory_space<vmem>> -> memref<1x125xi32, #tpu.memory_space<vmem>>
      %dma_start3A_199 = tpu.memref_squeeze %dma_start3A_198 : memref<1x125xi32, #tpu.memory_space<vmem>> -> memref<125xi32, #tpu.memory_space<vmem>>
      %dma_start3A_200 = arith.constant 0 : i32
      %dma_start3A_201 = arith.constant 0 : i32
      %dma_start3A_202 = tpu.memref_slice %arg2[%dma_start3A_200, %dma_start3A_201] : memref<20000x64xf32, #tpu.memory_space<hbm>> -> memref<20000x64xf32, #tpu.memory_space<hbm>>
      tpu.enqueue_indirect_dma source(%dma_start3A_202 : memref<20000x64xf32, #tpu.memory_space<hbm>>) target(%arg11 : memref<125x64xf32, #tpu.memory_space<vmem>>) offsets(%dma_start3A_199 : memref<125xi32, #tpu.memory_space<vmem>>) semaphore(%arg17 : memref<!tpu.dma_semaphore, #tpu.memory_space<semaphore_mem>>)
    }
    %scan3A_81 = arith.constant 39 : i32
    %dma_wait3A_82 = arith.constant 0 : i32
    %dma_wait3A_83 = arith.constant 0 : i32
    %dma_wait3A_84 = tpu.memref_slice %arg2[%dma_wait3A_82, %dma_wait3A_83] : memref<20000x64xf32, #tpu.memory_space<hbm>> -> memref<125x64xf32, #tpu.memory_space<hbm>>
    %dma_wait3A_85 = arith.constant 0 : i32
    %dma_wait3A_86 = arith.constant 0 : i32
    %dma_wait3A_87 = tpu.memref_slice %arg2[%dma_wait3A_85, %dma_wait3A_86] : memref<20000x64xf32, #tpu.memory_space<hbm>> -> memref<125x64xf32, #tpu.memory_space<hbm>>
    tpu.wait_dma2 semaphore(%arg14 : memref<!tpu.dma_semaphore, #tpu.memory_space<semaphore_mem>>) src(%dma_wait3A_87 : memref<125x64xf32, #tpu.memory_space<hbm>>) dst(%arg8 : memref<125x64xf32, #tpu.memory_space<vmem>>)
    %run_scoped3A = arith.constant 156 : i32
    "tpu.region"() ({
      %run_scoped3A_114 = tpu.sem_alloc : memref<!tpu.dma_semaphore, #tpu.memory_space<semaphore_mem>>
      %dma_start3A_115 = arith.constant 0 : i32
      %dma_start3A_116 = tpu.memref_slice %arg7[%run_scoped3A, %dma_start3A_115] : memref<160x125xi32, #tpu.memory_space<vmem>> -> memref<1x125xi32, #tpu.memory_space<vmem>>
      %dma_start3A_117 = tpu.memref_squeeze %dma_start3A_116 : memref<1x125xi32, #tpu.memory_space<vmem>> -> memref<125xi32, #tpu.memory_space<vmem>>
      %dma_start3A_118 = arith.constant 0 : i32
      %dma_start3A_119 = arith.constant 0 : i32
      %dma_start3A_120 = tpu.memref_slice %arg12[%dma_start3A_118, %dma_start3A_119] : memref<10240x64xf32, #tpu.memory_space<vmem_shared>> -> memref<10240x64xf32, #tpu.memory_space<vmem_shared>>
      tpu.enqueue_indirect_dma source(%arg8 : memref<125x64xf32, #tpu.memory_space<vmem>>) target(%dma_start3A_120 : memref<10240x64xf32, #tpu.memory_space<vmem_shared>>) offsets(%dma_start3A_117 : memref<125xi32, #tpu.memory_space<vmem>>) semaphore(%run_scoped3A_114 : memref<!tpu.dma_semaphore, #tpu.memory_space<semaphore_mem>>) {add = true}
      %dma_wait3A_121 = arith.constant 0 : i32
      %dma_wait3A_122 = tpu.memref_slice %arg7[%run_scoped3A, %dma_wait3A_121] : memref<160x125xi32, #tpu.memory_space<vmem>> -> memref<1x125xi32, #tpu.memory_space<vmem>>
      %dma_wait3A_123 = tpu.memref_squeeze %dma_wait3A_122 : memref<1x125xi32, #tpu.memory_space<vmem>> -> memref<125xi32, #tpu.memory_space<vmem>>
      %dma_wait3A_124 = arith.constant 0 : i32
      %dma_wait3A_125 = arith.constant 0 : i32
      %dma_wait3A_126 = tpu.memref_slice %arg12[%dma_wait3A_124, %dma_wait3A_125] : memref<10240x64xf32, #tpu.memory_space<vmem_shared>> -> memref<10240x64xf32, #tpu.memory_space<vmem_shared>>
      tpu.wait_indirect_dma semaphore(%run_scoped3A_114 : memref<!tpu.dma_semaphore, #tpu.memory_space<semaphore_mem>>) src(%arg8 : memref<125x64xf32, #tpu.memory_space<vmem>>) dst(%dma_wait3A_126 : memref<10240x64xf32, #tpu.memory_space<vmem_shared>>)
      tpu.yield
    }) : () -> ()
    %dma_wait3A_88 = arith.constant 0 : i32
    %dma_wait3A_89 = arith.constant 0 : i32
    %dma_wait3A_90 = tpu.memref_slice %arg2[%dma_wait3A_88, %dma_wait3A_89] : memref<20000x64xf32, #tpu.memory_space<hbm>> -> memref<125x64xf32, #tpu.memory_space<hbm>>
    %dma_wait3A_91 = arith.constant 0 : i32
    %dma_wait3A_92 = arith.constant 0 : i32
    %dma_wait3A_93 = tpu.memref_slice %arg2[%dma_wait3A_91, %dma_wait3A_92] : memref<20000x64xf32, #tpu.memory_space<hbm>> -> memref<125x64xf32, #tpu.memory_space<hbm>>
    tpu.wait_dma2 semaphore(%arg15 : memref<!tpu.dma_semaphore, #tpu.memory_space<semaphore_mem>>) src(%dma_wait3A_93 : memref<125x64xf32, #tpu.memory_space<hbm>>) dst(%arg9 : memref<125x64xf32, #tpu.memory_space<vmem>>)
    %run_scoped3A_94 = arith.constant 157 : i32
    "tpu.region"() ({
      %run_scoped3A_114 = tpu.sem_alloc : memref<!tpu.dma_semaphore, #tpu.memory_space<semaphore_mem>>
      %dma_start3A_115 = arith.constant 0 : i32
      %dma_start3A_116 = tpu.memref_slice %arg7[%run_scoped3A_94, %dma_start3A_115] : memref<160x125xi32, #tpu.memory_space<vmem>> -> memref<1x125xi32, #tpu.memory_space<vmem>>
      %dma_start3A_117 = tpu.memref_squeeze %dma_start3A_116 : memref<1x125xi32, #tpu.memory_space<vmem>> -> memref<125xi32, #tpu.memory_space<vmem>>
      %dma_start3A_118 = arith.constant 0 : i32
      %dma_start3A_119 = arith.constant 0 : i32
      %dma_start3A_120 = tpu.memref_slice %arg12[%dma_start3A_118, %dma_start3A_119] : memref<10240x64xf32, #tpu.memory_space<vmem_shared>> -> memref<10240x64xf32, #tpu.memory_space<vmem_shared>>
      tpu.enqueue_indirect_dma source(%arg9 : memref<125x64xf32, #tpu.memory_space<vmem>>) target(%dma_start3A_120 : memref<10240x64xf32, #tpu.memory_space<vmem_shared>>) offsets(%dma_start3A_117 : memref<125xi32, #tpu.memory_space<vmem>>) semaphore(%run_scoped3A_114 : memref<!tpu.dma_semaphore, #tpu.memory_space<semaphore_mem>>) {add = true}
      %dma_wait3A_121 = arith.constant 0 : i32
      %dma_wait3A_122 = tpu.memref_slice %arg7[%run_scoped3A_94, %dma_wait3A_121] : memref<160x125xi32, #tpu.memory_space<vmem>> -> memref<1x125xi32, #tpu.memory_space<vmem>>
      %dma_wait3A_123 = tpu.memref_squeeze %dma_wait3A_122 : memref<1x125xi32, #tpu.memory_space<vmem>> -> memref<125xi32, #tpu.memory_space<vmem>>
      %dma_wait3A_124 = arith.constant 0 : i32
      %dma_wait3A_125 = arith.constant 0 : i32
      %dma_wait3A_126 = tpu.memref_slice %arg12[%dma_wait3A_124, %dma_wait3A_125] : memref<10240x64xf32, #tpu.memory_space<vmem_shared>> -> memref<10240x64xf32, #tpu.memory_space<vmem_shared>>
      tpu.wait_indirect_dma semaphore(%run_scoped3A_114 : memref<!tpu.dma_semaphore, #tpu.memory_space<semaphore_mem>>) src(%arg9 : memref<125x64xf32, #tpu.memory_space<vmem>>) dst(%dma_wait3A_126 : memref<10240x64xf32, #tpu.memory_space<vmem_shared>>)
      tpu.yield
    }) : () -> ()
    %dma_wait3A_95 = arith.constant 0 : i32
    %dma_wait3A_96 = arith.constant 0 : i32
    %dma_wait3A_97 = tpu.memref_slice %arg2[%dma_wait3A_95, %dma_wait3A_96] : memref<20000x64xf32, #tpu.memory_space<hbm>> -> memref<125x64xf32, #tpu.memory_space<hbm>>
    %dma_wait3A_98 = arith.constant 0 : i32
    %dma_wait3A_99 = arith.constant 0 : i32
    %dma_wait3A_100 = tpu.memref_slice %arg2[%dma_wait3A_98, %dma_wait3A_99] : memref<20000x64xf32, #tpu.memory_space<hbm>> -> memref<125x64xf32, #tpu.memory_space<hbm>>
    tpu.wait_dma2 semaphore(%arg16 : memref<!tpu.dma_semaphore, #tpu.memory_space<semaphore_mem>>) src(%dma_wait3A_100 : memref<125x64xf32, #tpu.memory_space<hbm>>) dst(%arg10 : memref<125x64xf32, #tpu.memory_space<vmem>>)
    %run_scoped3A_101 = arith.constant 158 : i32
    "tpu.region"() ({
      %run_scoped3A_114 = tpu.sem_alloc : memref<!tpu.dma_semaphore, #tpu.memory_space<semaphore_mem>>
      %dma_start3A_115 = arith.constant 0 : i32
      %dma_start3A_116 = tpu.memref_slice %arg7[%run_scoped3A_101, %dma_start3A_115] : memref<160x125xi32, #tpu.memory_space<vmem>> -> memref<1x125xi32, #tpu.memory_space<vmem>>
      %dma_start3A_117 = tpu.memref_squeeze %dma_start3A_116 : memref<1x125xi32, #tpu.memory_space<vmem>> -> memref<125xi32, #tpu.memory_space<vmem>>
      %dma_start3A_118 = arith.constant 0 : i32
      %dma_start3A_119 = arith.constant 0 : i32
      %dma_start3A_120 = tpu.memref_slice %arg12[%dma_start3A_118, %dma_start3A_119] : memref<10240x64xf32, #tpu.memory_space<vmem_shared>> -> memref<10240x64xf32, #tpu.memory_space<vmem_shared>>
      tpu.enqueue_indirect_dma source(%arg10 : memref<125x64xf32, #tpu.memory_space<vmem>>) target(%dma_start3A_120 : memref<10240x64xf32, #tpu.memory_space<vmem_shared>>) offsets(%dma_start3A_117 : memref<125xi32, #tpu.memory_space<vmem>>) semaphore(%run_scoped3A_114 : memref<!tpu.dma_semaphore, #tpu.memory_space<semaphore_mem>>) {add = true}
      %dma_wait3A_121 = arith.constant 0 : i32
      %dma_wait3A_122 = tpu.memref_slice %arg7[%run_scoped3A_101, %dma_wait3A_121] : memref<160x125xi32, #tpu.memory_space<vmem>> -> memref<1x125xi32, #tpu.memory_space<vmem>>
      %dma_wait3A_123 = tpu.memref_squeeze %dma_wait3A_122 : memref<1x125xi32, #tpu.memory_space<vmem>> -> memref<125xi32, #tpu.memory_space<vmem>>
      %dma_wait3A_124 = arith.constant 0 : i32
      %dma_wait3A_125 = arith.constant 0 : i32
      %dma_wait3A_126 = tpu.memref_slice %arg12[%dma_wait3A_124, %dma_wait3A_125] : memref<10240x64xf32, #tpu.memory_space<vmem_shared>> -> memref<10240x64xf32, #tpu.memory_space<vmem_shared>>
      tpu.wait_indirect_dma semaphore(%run_scoped3A_114 : memref<!tpu.dma_semaphore, #tpu.memory_space<semaphore_mem>>) src(%arg10 : memref<125x64xf32, #tpu.memory_space<vmem>>) dst(%dma_wait3A_126 : memref<10240x64xf32, #tpu.memory_space<vmem_shared>>)
      tpu.yield
    }) : () -> ()
    %dma_wait3A_102 = arith.constant 0 : i32
    %dma_wait3A_103 = arith.constant 0 : i32
    %dma_wait3A_104 = tpu.memref_slice %arg2[%dma_wait3A_102, %dma_wait3A_103] : memref<20000x64xf32, #tpu.memory_space<hbm>> -> memref<125x64xf32, #tpu.memory_space<hbm>>
    %dma_wait3A_105 = arith.constant 0 : i32
    %dma_wait3A_106 = arith.constant 0 : i32
    %dma_wait3A_107 = tpu.memref_slice %arg2[%dma_wait3A_105, %dma_wait3A_106] : memref<20000x64xf32, #tpu.memory_space<hbm>> -> memref<125x64xf32, #tpu.memory_space<hbm>>
    tpu.wait_dma2 semaphore(%arg17 : memref<!tpu.dma_semaphore, #tpu.memory_space<semaphore_mem>>) src(%dma_wait3A_107 : memref<125x64xf32, #tpu.memory_space<hbm>>) dst(%arg11 : memref<125x64xf32, #tpu.memory_space<vmem>>)
    %run_scoped3A_108 = arith.constant 159 : i32
    "tpu.region"() ({
      %run_scoped3A_114 = tpu.sem_alloc : memref<!tpu.dma_semaphore, #tpu.memory_space<semaphore_mem>>
      %dma_start3A_115 = arith.constant 0 : i32
      %dma_start3A_116 = tpu.memref_slice %arg7[%run_scoped3A_108, %dma_start3A_115] : memref<160x125xi32, #tpu.memory_space<vmem>> -> memref<1x125xi32, #tpu.memory_space<vmem>>
      %dma_start3A_117 = tpu.memref_squeeze %dma_start3A_116 : memref<1x125xi32, #tpu.memory_space<vmem>> -> memref<125xi32, #tpu.memory_space<vmem>>
      %dma_start3A_118 = arith.constant 0 : i32
      %dma_start3A_119 = arith.constant 0 : i32
      %dma_start3A_120 = tpu.memref_slice %arg12[%dma_start3A_118, %dma_start3A_119] : memref<10240x64xf32, #tpu.memory_space<vmem_shared>> -> memref<10240x64xf32, #tpu.memory_space<vmem_shared>>
      tpu.enqueue_indirect_dma source(%arg11 : memref<125x64xf32, #tpu.memory_space<vmem>>) target(%dma_start3A_120 : memref<10240x64xf32, #tpu.memory_space<vmem_shared>>) offsets(%dma_start3A_117 : memref<125xi32, #tpu.memory_space<vmem>>) semaphore(%run_scoped3A_114 : memref<!tpu.dma_semaphore, #tpu.memory_space<semaphore_mem>>) {add = true}
      %dma_wait3A_121 = arith.constant 0 : i32
      %dma_wait3A_122 = tpu.memref_slice %arg7[%run_scoped3A_108, %dma_wait3A_121] : memref<160x125xi32, #tpu.memory_space<vmem>> -> memref<1x125xi32, #tpu.memory_space<vmem>>
      %dma_wait3A_123 = tpu.memref_squeeze %dma_wait3A_122 : memref<1x125xi32, #tpu.memory_space<vmem>> -> memref<125xi32, #tpu.memory_space<vmem>>
      %dma_wait3A_124 = arith.constant 0 : i32
      %dma_wait3A_125 = arith.constant 0 : i32
      %dma_wait3A_126 = tpu.memref_slice %arg12[%dma_wait3A_124, %dma_wait3A_125] : memref<10240x64xf32, #tpu.memory_space<vmem_shared>> -> memref<10240x64xf32, #tpu.memory_space<vmem_shared>>
      tpu.wait_indirect_dma semaphore(%run_scoped3A_114 : memref<!tpu.dma_semaphore, #tpu.memory_space<semaphore_mem>>) src(%arg11 : memref<125x64xf32, #tpu.memory_space<vmem>>) dst(%dma_wait3A_126 : memref<10240x64xf32, #tpu.memory_space<vmem_shared>>)
      tpu.yield
    }) : () -> ()
    %barrier3A_109 = arith.constant 0 : index
    tpu.barrier barrier_id(%barrier3A_109)
    %mul3A_110 = arith.constant 640 : i32
    %mul3A_111 = arith.muli %arg1, %mul3A_110 : i32
    %mul3A_112 = arith.constant 640 : i32
    %mul3A_113 = arith.muli %arg1, %mul3A_112 : i32
    "tpu.region"() ({
      %run_scoped3A_114 = tpu.sem_alloc : memref<!tpu.dma_semaphore, #tpu.memory_space<semaphore_mem>>
      %dma_start3A_115 = arith.constant 0 : i32
      %dma_start3A_116 = tpu.memref_slice %arg5[%arg0, %mul3A_113, %dma_start3A_115] : memref<2x10240x64xf32, #tpu.memory_space<hbm>> -> memref<1x640x64xf32, #tpu.memory_space<hbm>>
      %dma_start3A_117 = tpu.memref_squeeze %dma_start3A_116 : memref<1x640x64xf32, #tpu.memory_space<hbm>> -> memref<640x64xf32, #tpu.memory_space<hbm>>
      %dma_start3A_118 = arith.constant 0 : i32
      %dma_start3A_119 = tpu.memref_slice %arg12[%mul3A_111, %dma_start3A_118] : memref<10240x64xf32, #tpu.memory_space<vmem_shared>> -> memref<640x64xf32, #tpu.memory_space<vmem_shared>>
      tpu.enqueue_dma source(%dma_start3A_119 : memref<640x64xf32, #tpu.memory_space<vmem_shared>>) target(%dma_start3A_117 : memref<640x64xf32, #tpu.memory_space<hbm>>) target_semaphore(%run_scoped3A_114 : memref<!tpu.dma_semaphore, #tpu.memory_space<semaphore_mem>>)
      %dma_wait3A_120 = arith.constant 0 : i32
      %dma_wait3A_121 = tpu.memref_slice %arg5[%arg0, %mul3A_113, %dma_wait3A_120] : memref<2x10240x64xf32, #tpu.memory_space<hbm>> -> memref<1x640x64xf32, #tpu.memory_space<hbm>>
      %dma_wait3A_122 = tpu.memref_squeeze %dma_wait3A_121 : memref<1x640x64xf32, #tpu.memory_space<hbm>> -> memref<640x64xf32, #tpu.memory_space<hbm>>
      %dma_wait3A_123 = arith.constant 0 : i32
      %dma_wait3A_124 = tpu.memref_slice %arg12[%mul3A_111, %dma_wait3A_123] : memref<10240x64xf32, #tpu.memory_space<vmem_shared>> -> memref<640x64xf32, #tpu.memory_space<vmem_shared>>
      tpu.wait_dma2 semaphore(%run_scoped3A_114 : memref<!tpu.dma_semaphore, #tpu.memory_space<semaphore_mem>>) src(%dma_wait3A_124 : memref<640x64xf32, #tpu.memory_space<vmem_shared>>) dst(%dma_wait3A_122 : memref<640x64xf32, #tpu.memory_space<hbm>>)
      tpu.yield
    }) : () -> ()
    return
  }
}

module attributes {stable_mosaic.version = 14 : i64} {
  func.func @_tc_pre_body(%arg0: i32, %arg1: memref<2048x128xf32, #tpu.memory_space<vmem>>, %arg2: memref<128x128xf32, #tpu.memory_space<vmem>>, %arg3: memref<128x128xf32, #tpu.memory_space<vmem>>, %arg4: memref<128xf32, #tpu.memory_space<vmem>>, %arg5: memref<2048x128xf32, #tpu.memory_space<vmem>>, %arg6: memref<2048x128xf32, #tpu.memory_space<vmem>>) attributes {dimension_semantics = [#tpu.dimension_semantics<arbitrary>], iteration_bounds = array<i64: 5>, scalar_prefetch = 0 : i64, scratch_operands = 0 : i64, tpu.core_type = #tpu.core_type<tc>, window_params = [{transform_indices = @transform_0, window_bounds = array<i64: 2048, 128>}, {pipeline_mode = #tpu.pipeline_mode<synchronous>, transform_indices = @transform_1, window_bounds = array<i64: 128, 128>}, {pipeline_mode = #tpu.pipeline_mode<synchronous>, transform_indices = @transform_2, window_bounds = array<i64: 128, 128>}, {pipeline_mode = #tpu.pipeline_mode<synchronous>, transform_indices = @transform_3, window_bounds = array<i64: 128>}, {transform_indices = @transform_4, window_bounds = array<i64: 2048, 128>}, {transform_indices = @transform_5, window_bounds = array<i64: 2048, 128>}]} {
    %get3A = arith.constant 0 : index
    %get3A_0 = arith.constant 0 : index
    %get3A_1 = vector.load %arg1[%get3A, %get3A_0] : memref<2048x128xf32, #tpu.memory_space<vmem>>, vector<2048x128xf32>
    %get3A_2 = arith.constant 0 : index
    %get3A_3 = arith.constant 0 : index
    %get3A_4 = vector.load %arg2[%get3A_2, %get3A_3] : memref<128x128xf32, #tpu.memory_space<vmem>>, vector<128x128xf32>
    %dot_general3A = arith.constant dense<0.000000e+00> : vector<2048x128xf32>
    %dot_general3A_5 = tpu.matmul %get3A_1, %get3A_4, %dot_general3A {dimension_numbers = #tpu.dot_dimension_numbers<[1], [1], [0], [0], [0, 0, 1, 0], [], []>, transpose_lhs_hint = false} : vector<2048x128xf32>, vector<128x128xf32>, vector<2048x128xf32> -> vector<2048x128xf32>
    %swap3A = arith.constant 0 : index
    %swap3A_6 = arith.constant 0 : index
    %swap3A_7 = vector.load %arg5[%swap3A, %swap3A_6] : memref<2048x128xf32, #tpu.memory_space<vmem>>, vector<2048x128xf32>
    tpu.vector_store %arg5[%swap3A, %swap3A_6], %dot_general3A_5 {strides = array<i32>} : memref<2048x128xf32, #tpu.memory_space<vmem>>, vector<2048x128xf32>,
    %get3A_8 = arith.constant 0 : index
    %get3A_9 = arith.constant 0 : index
    %get3A_10 = vector.load %arg3[%get3A_8, %get3A_9] : memref<128x128xf32, #tpu.memory_space<vmem>>, vector<128x128xf32>
    %dot_general3A_11 = arith.constant dense<0.000000e+00> : vector<2048x128xf32>
    %dot_general3A_12 = tpu.matmul %get3A_1, %get3A_10, %dot_general3A_11 {dimension_numbers = #tpu.dot_dimension_numbers<[1], [1], [0], [0], [0, 0, 1, 0], [], []>, transpose_lhs_hint = false} : vector<2048x128xf32>, vector<128x128xf32>, vector<2048x128xf32> -> vector<2048x128xf32>
    %get3A_13 = arith.constant 0 : index
    %get3A_14 = vector.load %arg4[%get3A_13] : memref<128xf32, #tpu.memory_space<vmem>>, vector<128xf32>
    %broadcast_in_dim3A = vector.shape_cast %get3A_14 : vector<128xf32> to vector<1x128xf32>
    %add3A = vector.broadcast %broadcast_in_dim3A : vector<1x128xf32> to vector<2048x128xf32>
    %add3A_15 = arith.addf %dot_general3A_12, %add3A : vector<2048x128xf32>
    %swap3A_16 = arith.constant 0 : index
    %swap3A_17 = arith.constant 0 : index
    %swap3A_18 = vector.load %arg6[%swap3A_16, %swap3A_17] : memref<2048x128xf32, #tpu.memory_space<vmem>>, vector<2048x128xf32>
    tpu.vector_store %arg6[%swap3A_16, %swap3A_17], %add3A_15 {strides = array<i32>} : memref<2048x128xf32, #tpu.memory_space<vmem>>, vector<2048x128xf32>,
    return
  }
  func.func @transform_0(%arg0: i32) -> (i32, i32) {
    %c0_i32 = arith.constant 0 : i32
    %c0_i32_0 = arith.constant 0 : i32
    return %arg0, %c0_i32 : i32, i32
  }
  func.func @transform_1(%arg0: i32) -> (i32, i32) {
    %c0_i32 = arith.constant 0 : i32
    %c0_i32_0 = arith.constant 0 : i32
    %c0_i32_1 = arith.constant 0 : i32
    return %c0_i32, %c0_i32_0 : i32, i32
  }
  func.func @transform_2(%arg0: i32) -> (i32, i32) {
    %c0_i32 = arith.constant 0 : i32
    %c0_i32_0 = arith.constant 0 : i32
    %c0_i32_1 = arith.constant 0 : i32
    return %c0_i32, %c0_i32_0 : i32, i32
  }
  func.func @transform_3(%arg0: i32) -> i32 {
    %c0_i32 = arith.constant 0 : i32
    %c0_i32_0 = arith.constant 0 : i32
    return %c0_i32 : i32
  }
  func.func @transform_4(%arg0: i32) -> (i32, i32) {
    %c0_i32 = arith.constant 0 : i32
    %c0_i32_0 = arith.constant 0 : i32
    return %arg0, %c0_i32 : i32, i32
  }
  func.func @transform_5(%arg0: i32) -> (i32, i32) {
    %c0_i32 = arith.constant 0 : i32
    %c0_i32_0 = arith.constant 0 : i32
    return %arg0, %c0_i32 : i32, i32
  }
}

module attributes {stable_mosaic.version = 14 : i64} {
  func.func @_tc_mid1_body(%arg0: i32, %arg1: memref<2x1024x128xf32, #tpu.memory_space<vmem>>, %arg2: memref<2x256x128xf32, #tpu.memory_space<vmem>>, %arg3: memref<2048x128xf32, #tpu.memory_space<vmem>>, %arg4: memref<128xf32, #tpu.memory_space<vmem>>, %arg5: memref<128xf32, #tpu.memory_space<vmem>>, %arg6: memref<128x128xf32, #tpu.memory_space<vmem>>, %arg7: memref<128x128xf32, #tpu.memory_space<vmem>>, %arg8: memref<128xf32, #tpu.memory_space<vmem>>, %arg9: memref<2048x128xf32, #tpu.memory_space<vmem>>, %arg10: memref<2048x128xf32, #tpu.memory_space<vmem>>, %arg11: memref<2048x1xf32, #tpu.memory_space<vmem>>) attributes {dimension_semantics = [#tpu.dimension_semantics<arbitrary>], iteration_bounds = array<i64: 5>, scalar_prefetch = 0 : i64, scratch_operands = 0 : i64, tpu.core_type = #tpu.core_type<tc>, window_params = [{transform_indices = @transform_0, window_bounds = array<i64: 2, 1024, 128>}, {transform_indices = @transform_1, window_bounds = array<i64: 2, 256, 128>}, {transform_indices = @transform_2, window_bounds = array<i64: 2048, 128>}, {pipeline_mode = #tpu.pipeline_mode<synchronous>, transform_indices = @transform_3, window_bounds = array<i64: 128>}, {pipeline_mode = #tpu.pipeline_mode<synchronous>, transform_indices = @transform_4, window_bounds = array<i64: 128>}, {pipeline_mode = #tpu.pipeline_mode<synchronous>, transform_indices = @transform_5, window_bounds = array<i64: 128, 128>}, {pipeline_mode = #tpu.pipeline_mode<synchronous>, transform_indices = @transform_6, window_bounds = array<i64: 128, 128>}, {pipeline_mode = #tpu.pipeline_mode<synchronous>, transform_indices = @transform_7, window_bounds = array<i64: 128>}, {transform_indices = @transform_8, window_bounds = array<i64: 2048, 128>}, {transform_indices = @transform_9, window_bounds = array<i64: 2048, 128>}, {transform_indices = @transform_10, window_bounds = array<i64: 2048, 1>}]} {
    %get3A = arith.constant 0 : index
    %get3A_0 = arith.constant 0 : index
    %get3A_1 = arith.constant 0 : index
    %get3A_2 = vector.load %arg1[%get3A, %get3A_0, %get3A_1] : memref<2x1024x128xf32, #tpu.memory_space<vmem>>, vector<1x1024x128xf32>
    %get3A_3 = vector.shape_cast %get3A_2 : vector<1x1024x128xf32> to vector<1024x128xf32>
    %slice3A = vector.extract_strided_slice %get3A_3 {offsets = [0, 0], sizes = [1024, 64], strides = [1, 1]} : vector<1024x128xf32> to vector<1024x64xf32>
    %slice3A_4 = vector.extract_strided_slice %get3A_3 {offsets = [0, 64], sizes = [1024, 64], strides = [1, 1]} : vector<1024x128xf32> to vector<1024x64xf32>
    %stack3A = vector.shape_cast %slice3A : vector<1024x64xf32> to vector<1024x1x64xf32>
    %stack3A_5 = vector.shape_cast %slice3A_4 : vector<1024x64xf32> to vector<1024x1x64xf32>
    %stack3A_6 = tpu.concatenate %stack3A, %stack3A_5 in 1 : vector<1024x1x64xf32>, vector<1024x1x64xf32> -> vector<1024x2x64xf32>
    %reshape3A = vector.shape_cast %stack3A_6 : vector<1024x2x64xf32> to vector<2048x64xf32>
    %get3A_7 = arith.constant 1 : index
    %get3A_8 = arith.constant 0 : index
    %get3A_9 = arith.constant 0 : index
    %get3A_10 = vector.load %arg1[%get3A_7, %get3A_8, %get3A_9] : memref<2x1024x128xf32, #tpu.memory_space<vmem>>, vector<1x1024x128xf32>
    %get3A_11 = vector.shape_cast %get3A_10 : vector<1x1024x128xf32> to vector<1024x128xf32>
    %slice3A_12 = vector.extract_strided_slice %get3A_11 {offsets = [0, 0], sizes = [1024, 64], strides = [1, 1]} : vector<1024x128xf32> to vector<1024x64xf32>
    %slice3A_13 = vector.extract_strided_slice %get3A_11 {offsets = [0, 64], sizes = [1024, 64], strides = [1, 1]} : vector<1024x128xf32> to vector<1024x64xf32>
    %stack3A_14 = vector.shape_cast %slice3A_12 : vector<1024x64xf32> to vector<1024x1x64xf32>
    %stack3A_15 = vector.shape_cast %slice3A_13 : vector<1024x64xf32> to vector<1024x1x64xf32>
    %stack3A_16 = tpu.concatenate %stack3A_14, %stack3A_15 in 1 : vector<1024x1x64xf32>, vector<1024x1x64xf32> -> vector<1024x2x64xf32>
    %reshape3A_17 = vector.shape_cast %stack3A_16 : vector<1024x2x64xf32> to vector<2048x64xf32>
    %concatenate3A = tpu.concatenate %reshape3A, %reshape3A_17 in 1 : vector<2048x64xf32>, vector<2048x64xf32> -> vector<2048x128xf32>
    %get3A_18 = arith.constant 0 : index
    %get3A_19 = arith.constant 0 : index
    %get3A_20 = arith.constant 0 : index
    %get3A_21 = vector.load %arg2[%get3A_18, %get3A_19, %get3A_20] : memref<2x256x128xf32, #tpu.memory_space<vmem>>, vector<1x256x128xf32>
    %get3A_22 = vector.shape_cast %get3A_21 : vector<1x256x128xf32> to vector<256x128xf32>
    %get3A_23 = arith.constant 1 : index
    %get3A_24 = arith.constant 0 : index
    %get3A_25 = arith.constant 0 : index
    %get3A_26 = vector.load %arg2[%get3A_23, %get3A_24, %get3A_25] : memref<2x256x128xf32, #tpu.memory_space<vmem>>, vector<1x256x128xf32>
    %get3A_27 = vector.shape_cast %get3A_26 : vector<1x256x128xf32> to vector<256x128xf32>
    %add3A = arith.addf %get3A_22, %get3A_27 : vector<256x128xf32>
    %slice3A_28 = vector.extract_strided_slice %add3A {offsets = [0, 0], sizes = [256, 16], strides = [1, 1]} : vector<256x128xf32> to vector<256x16xf32>
    %slice3A_29 = vector.extract_strided_slice %add3A {offsets = [0, 16], sizes = [256, 16], strides = [1, 1]} : vector<256x128xf32> to vector<256x16xf32>
    %slice3A_30 = vector.extract_strided_slice %add3A {offsets = [0, 32], sizes = [256, 16], strides = [1, 1]} : vector<256x128xf32> to vector<256x16xf32>
    %slice3A_31 = vector.extract_strided_slice %add3A {offsets = [0, 48], sizes = [256, 16], strides = [1, 1]} : vector<256x128xf32> to vector<256x16xf32>
    %slice3A_32 = vector.extract_strided_slice %add3A {offsets = [0, 64], sizes = [256, 16], strides = [1, 1]} : vector<256x128xf32> to vector<256x16xf32>
    %slice3A_33 = vector.extract_strided_slice %add3A {offsets = [0, 80], sizes = [256, 16], strides = [1, 1]} : vector<256x128xf32> to vector<256x16xf32>
    %slice3A_34 = vector.extract_strided_slice %add3A {offsets = [0, 96], sizes = [256, 16], strides = [1, 1]} : vector<256x128xf32> to vector<256x16xf32>
    %slice3A_35 = vector.extract_strided_slice %add3A {offsets = [0, 112], sizes = [256, 16], strides = [1, 1]} : vector<256x128xf32> to vector<256x16xf32>
    %stack3A_36 = vector.shape_cast %slice3A_28 : vector<256x16xf32> to vector<256x1x16xf32>
    %stack3A_37 = vector.shape_cast %slice3A_29 : vector<256x16xf32> to vector<256x1x16xf32>
    %stack3A_38 = vector.shape_cast %slice3A_30 : vector<256x16xf32> to vector<256x1x16xf32>
    %stack3A_39 = vector.shape_cast %slice3A_31 : vector<256x16xf32> to vector<256x1x16xf32>
    %stack3A_40 = vector.shape_cast %slice3A_32 : vector<256x16xf32> to vector<256x1x16xf32>
    %stack3A_41 = vector.shape_cast %slice3A_33 : vector<256x16xf32> to vector<256x1x16xf32>
    %stack3A_42 = vector.shape_cast %slice3A_34 : vector<256x16xf32> to vector<256x1x16xf32>
    %stack3A_43 = vector.shape_cast %slice3A_35 : vector<256x16xf32> to vector<256x1x16xf32>
    %stack3A_44 = tpu.concatenate %stack3A_36, %stack3A_37, %stack3A_38, %stack3A_39, %stack3A_40, %stack3A_41, %stack3A_42, %stack3A_43 in 1 : vector<256x1x16xf32>, vector<256x1x16xf32>, vector<256x1x16xf32>, vector<256x1x16xf32>, vector<256x1x16xf32>, vector<256x1x16xf32>, vector<256x1x16xf32>, vector<256x1x16xf32> -> vector<256x8x16xf32>
    %reshape3A_45 = vector.shape_cast %stack3A_44 : vector<256x8x16xf32> to vector<2048x16xf32>
    %slice3A_46 = vector.extract_strided_slice %reshape3A_45 {offsets = [0, 0], sizes = [2048, 1], strides = [1, 1]} : vector<2048x16xf32> to vector<2048x1xf32>
    %max3A = arith.constant 1.000000e+00 : f32
    %max3A_47 = vector.broadcast %max3A : f32 to vector<2048x1xf32>
    %max3A_48 = arith.maximumf %slice3A_46, %max3A_47 : vector<2048x1xf32>
    %div3A = arith.constant 1.000000e+00 : f32
    %div3A_49 = vector.broadcast %div3A : f32 to vector<2048x1xf32>
    %div3A_50 = arith.divf %div3A_49, %max3A_48 : vector<2048x1xf32>
    %mul3A = vector.broadcast %div3A_50 : vector<2048x1xf32> to vector<2048x128xf32>
    %mul3A_51 = arith.mulf %concatenate3A, %mul3A : vector<2048x128xf32>
    %get3A_52 = arith.constant 0 : index
    %get3A_53 = arith.constant 0 : index
    %get3A_54 = vector.load %arg3[%get3A_52, %get3A_53] : memref<2048x128xf32, #tpu.memory_space<vmem>>, vector<2048x128xf32>
    %add3A_55 = arith.addf %mul3A_51, %get3A_54 : vector<2048x128xf32>
    %get3A_56 = arith.constant 0 : index
    %get3A_57 = vector.load %arg4[%get3A_56] : memref<128xf32, #tpu.memory_space<vmem>>, vector<128xf32>
    %mul3A_58 = arith.constant 0.999994993 : f32
    %mul3A_59 = vector.broadcast %mul3A_58 : f32 to vector<128xf32>
    %mul3A_60 = arith.mulf %mul3A_59, %get3A_57 : vector<128xf32>
    %broadcast_in_dim3A = vector.shape_cast %mul3A_60 : vector<128xf32> to vector<1x128xf32>
    %mul3A_61 = vector.broadcast %broadcast_in_dim3A : vector<1x128xf32> to vector<2048x128xf32>
    %mul3A_62 = arith.mulf %add3A_55, %mul3A_61 : vector<2048x128xf32>
    %get3A_63 = arith.constant 0 : index
    %get3A_64 = vector.load %arg5[%get3A_63] : memref<128xf32, #tpu.memory_space<vmem>>, vector<128xf32>
    %broadcast_in_dim3A_65 = vector.shape_cast %get3A_64 : vector<128xf32> to vector<1x128xf32>
    %add3A_66 = vector.broadcast %broadcast_in_dim3A_65 : vector<1x128xf32> to vector<2048x128xf32>
    %add3A_67 = arith.addf %mul3A_62, %add3A_66 : vector<2048x128xf32>
    %max3A_68 = arith.constant 0.000000e+00 : f32
    %max3A_69 = vector.broadcast %max3A_68 : f32 to vector<2048x128xf32>
    %max3A_70 = arith.maximumf %add3A_67, %max3A_69 : vector<2048x128xf32>
    %get3A_71 = arith.constant 0 : index
    %get3A_72 = arith.constant 0 : index
    %get3A_73 = vector.load %arg6[%get3A_71, %get3A_72] : memref<128x128xf32, #tpu.memory_space<vmem>>, vector<128x128xf32>
    %dot_general3A = arith.constant dense<0.000000e+00> : vector<2048x128xf32>
    %dot_general3A_74 = tpu.matmul %max3A_70, %get3A_73, %dot_general3A {dimension_numbers = #tpu.dot_dimension_numbers<[1], [1], [0], [0], [0, 0, 1, 0], [], []>, transpose_lhs_hint = false} : vector<2048x128xf32>, vector<128x128xf32>, vector<2048x128xf32> -> vector<2048x128xf32>
    %swap3A = arith.constant 0 : index
    %swap3A_75 = arith.constant 0 : index
    %swap3A_76 = vector.load %arg9[%swap3A, %swap3A_75] : memref<2048x128xf32, #tpu.memory_space<vmem>>, vector<2048x128xf32>
    tpu.vector_store %arg9[%swap3A, %swap3A_75], %dot_general3A_74 {strides = array<i32>} : memref<2048x128xf32, #tpu.memory_space<vmem>>, vector<2048x128xf32>,
    %get3A_77 = arith.constant 0 : index
    %get3A_78 = arith.constant 0 : index
    %get3A_79 = vector.load %arg7[%get3A_77, %get3A_78] : memref<128x128xf32, #tpu.memory_space<vmem>>, vector<128x128xf32>
    %dot_general3A_80 = arith.constant dense<0.000000e+00> : vector<2048x128xf32>
    %dot_general3A_81 = tpu.matmul %max3A_70, %get3A_79, %dot_general3A_80 {dimension_numbers = #tpu.dot_dimension_numbers<[1], [1], [0], [0], [0, 0, 1, 0], [], []>, transpose_lhs_hint = false} : vector<2048x128xf32>, vector<128x128xf32>, vector<2048x128xf32> -> vector<2048x128xf32>
    %get3A_82 = arith.constant 0 : index
    %get3A_83 = vector.load %arg8[%get3A_82] : memref<128xf32, #tpu.memory_space<vmem>>, vector<128xf32>
    %broadcast_in_dim3A_84 = vector.shape_cast %get3A_83 : vector<128xf32> to vector<1x128xf32>
    %add3A_85 = vector.broadcast %broadcast_in_dim3A_84 : vector<1x128xf32> to vector<2048x128xf32>
    %add3A_86 = arith.addf %dot_general3A_81, %add3A_85 : vector<2048x128xf32>
    %swap3A_87 = arith.constant 0 : index
    %swap3A_88 = arith.constant 0 : index
    %swap3A_89 = vector.load %arg10[%swap3A_87, %swap3A_88] : memref<2048x128xf32, #tpu.memory_space<vmem>>, vector<2048x128xf32>
    tpu.vector_store %arg10[%swap3A_87, %swap3A_88], %add3A_86 {strides = array<i32>} : memref<2048x128xf32, #tpu.memory_space<vmem>>, vector<2048x128xf32>,
    %swap3A_90 = arith.constant 0 : index
    %swap3A_91 = arith.constant 0 : index
    %swap3A_92 = vector.load %arg11[%swap3A_90, %swap3A_91] : memref<2048x1xf32, #tpu.memory_space<vmem>>, vector<2048x1xf32>
    tpu.vector_store %arg11[%swap3A_90, %swap3A_91], %div3A_50 {strides = array<i32>} : memref<2048x1xf32, #tpu.memory_space<vmem>>, vector<2048x1xf32>,
    return
  }
  func.func @transform_0(%arg0: i32) -> (i32, i32, i32) {
    %c0_i32 = arith.constant 0 : i32
    %c0_i32_0 = arith.constant 0 : i32
    %c0_i32_1 = arith.constant 0 : i32
    return %c0_i32, %arg0, %c0_i32_0 : i32, i32, i32
  }
  func.func @transform_1(%arg0: i32) -> (i32, i32, i32) {
    %c0_i32 = arith.constant 0 : i32
    %c0_i32_0 = arith.constant 0 : i32
    %c0_i32_1 = arith.constant 0 : i32
    return %c0_i32, %arg0, %c0_i32_0 : i32, i32, i32
  }
  func.func @transform_2(%arg0: i32) -> (i32, i32) {
    %c0_i32 = arith.constant 0 : i32
    %c0_i32_0 = arith.constant 0 : i32
    return %arg0, %c0_i32 : i32, i32
  }
  func.func @transform_3(%arg0: i32) -> i32 {
    %c0_i32 = arith.constant 0 : i32
    %c0_i32_0 = arith.constant 0 : i32
    return %c0_i32 : i32
  }
  func.func @transform_4(%arg0: i32) -> i32 {
    %c0_i32 = arith.constant 0 : i32
    %c0_i32_0 = arith.constant 0 : i32
    return %c0_i32 : i32
  }
  func.func @transform_5(%arg0: i32) -> (i32, i32) {
    %c0_i32 = arith.constant 0 : i32
    %c0_i32_0 = arith.constant 0 : i32
    %c0_i32_1 = arith.constant 0 : i32
    return %c0_i32, %c0_i32_0 : i32, i32
  }
  func.func @transform_6(%arg0: i32) -> (i32, i32) {
    %c0_i32 = arith.constant 0 : i32
    %c0_i32_0 = arith.constant 0 : i32
    %c0_i32_1 = arith.constant 0 : i32
    return %c0_i32, %c0_i32_0 : i32, i32
  }
  func.func @transform_7(%arg0: i32) -> i32 {
    %c0_i32 = arith.constant 0 : i32
    %c0_i32_0 = arith.constant 0 : i32
    return %c0_i32 : i32
  }
  func.func @transform_8(%arg0: i32) -> (i32, i32) {
    %c0_i32 = arith.constant 0 : i32
    %c0_i32_0 = arith.constant 0 : i32
    return %arg0, %c0_i32 : i32, i32
  }
  func.func @transform_9(%arg0: i32) -> (i32, i32) {
    %c0_i32 = arith.constant 0 : i32
    %c0_i32_0 = arith.constant 0 : i32
    return %arg0, %c0_i32 : i32, i32
  }
  func.func @transform_10(%arg0: i32) -> (i32, i32) {
    %c0_i32 = arith.constant 0 : i32
    %c0_i32_0 = arith.constant 0 : i32
    return %arg0, %c0_i32 : i32, i32
  }
}

module attributes {stable_mosaic.version = 14 : i64} {
  func.func @_tc_mid2_body(%arg0: i32, %arg1: memref<2x1024x128xf32, #tpu.memory_space<vmem>>, %arg2: memref<2048x128xf32, #tpu.memory_space<vmem>>, %arg3: memref<2048x1xf32, #tpu.memory_space<vmem>>, %arg4: memref<128xf32, #tpu.memory_space<vmem>>, %arg5: memref<128xf32, #tpu.memory_space<vmem>>, %arg6: memref<64x128xf32, #tpu.memory_space<vmem>>, %arg7: memref<64x128xf32, #tpu.memory_space<vmem>>, %arg8: memref<64xf32, #tpu.memory_space<vmem>>, %arg9: memref<2048x64xf32, #tpu.memory_space<vmem>>, %arg10: memref<2048x64xf32, #tpu.memory_space<vmem>>) attributes {dimension_semantics = [#tpu.dimension_semantics<arbitrary>], iteration_bounds = array<i64: 5>, scalar_prefetch = 0 : i64, scratch_operands = 0 : i64, tpu.core_type = #tpu.core_type<tc>, window_params = [{transform_indices = @transform_0, window_bounds = array<i64: 2, 1024, 128>}, {transform_indices = @transform_1, window_bounds = array<i64: 2048, 128>}, {transform_indices = @transform_2, window_bounds = array<i64: 2048, 1>}, {pipeline_mode = #tpu.pipeline_mode<synchronous>, transform_indices = @transform_3, window_bounds = array<i64: 128>}, {pipeline_mode = #tpu.pipeline_mode<synchronous>, transform_indices = @transform_4, window_bounds = array<i64: 128>}, {pipeline_mode = #tpu.pipeline_mode<synchronous>, transform_indices = @transform_5, window_bounds = array<i64: 64, 128>}, {pipeline_mode = #tpu.pipeline_mode<synchronous>, transform_indices = @transform_6, window_bounds = array<i64: 64, 128>}, {pipeline_mode = #tpu.pipeline_mode<synchronous>, transform_indices = @transform_7, window_bounds = array<i64: 64>}, {transform_indices = @transform_8, window_bounds = array<i64: 2048, 64>}, {transform_indices = @transform_9, window_bounds = array<i64: 2048, 64>}]} {
    %get3A = arith.constant 0 : index
    %get3A_0 = arith.constant 0 : index
    %get3A_1 = arith.constant 0 : index
    %get3A_2 = vector.load %arg1[%get3A, %get3A_0, %get3A_1] : memref<2x1024x128xf32, #tpu.memory_space<vmem>>, vector<1x1024x128xf32>
    %get3A_3 = vector.shape_cast %get3A_2 : vector<1x1024x128xf32> to vector<1024x128xf32>
    %slice3A = vector.extract_strided_slice %get3A_3 {offsets = [0, 0], sizes = [1024, 64], strides = [1, 1]} : vector<1024x128xf32> to vector<1024x64xf32>
    %slice3A_4 = vector.extract_strided_slice %get3A_3 {offsets = [0, 64], sizes = [1024, 64], strides = [1, 1]} : vector<1024x128xf32> to vector<1024x64xf32>
    %stack3A = vector.shape_cast %slice3A : vector<1024x64xf32> to vector<1024x1x64xf32>
    %stack3A_5 = vector.shape_cast %slice3A_4 : vector<1024x64xf32> to vector<1024x1x64xf32>
    %stack3A_6 = tpu.concatenate %stack3A, %stack3A_5 in 1 : vector<1024x1x64xf32>, vector<1024x1x64xf32> -> vector<1024x2x64xf32>
    %reshape3A = vector.shape_cast %stack3A_6 : vector<1024x2x64xf32> to vector<2048x64xf32>
    %get3A_7 = arith.constant 1 : index
    %get3A_8 = arith.constant 0 : index
    %get3A_9 = arith.constant 0 : index
    %get3A_10 = vector.load %arg1[%get3A_7, %get3A_8, %get3A_9] : memref<2x1024x128xf32, #tpu.memory_space<vmem>>, vector<1x1024x128xf32>
    %get3A_11 = vector.shape_cast %get3A_10 : vector<1x1024x128xf32> to vector<1024x128xf32>
    %slice3A_12 = vector.extract_strided_slice %get3A_11 {offsets = [0, 0], sizes = [1024, 64], strides = [1, 1]} : vector<1024x128xf32> to vector<1024x64xf32>
    %slice3A_13 = vector.extract_strided_slice %get3A_11 {offsets = [0, 64], sizes = [1024, 64], strides = [1, 1]} : vector<1024x128xf32> to vector<1024x64xf32>
    %stack3A_14 = vector.shape_cast %slice3A_12 : vector<1024x64xf32> to vector<1024x1x64xf32>
    %stack3A_15 = vector.shape_cast %slice3A_13 : vector<1024x64xf32> to vector<1024x1x64xf32>
    %stack3A_16 = tpu.concatenate %stack3A_14, %stack3A_15 in 1 : vector<1024x1x64xf32>, vector<1024x1x64xf32> -> vector<1024x2x64xf32>
    %reshape3A_17 = vector.shape_cast %stack3A_16 : vector<1024x2x64xf32> to vector<2048x64xf32>
    %concatenate3A = tpu.concatenate %reshape3A, %reshape3A_17 in 1 : vector<2048x64xf32>, vector<2048x64xf32> -> vector<2048x128xf32>
    %get3A_18 = arith.constant 0 : index
    %get3A_19 = arith.constant 0 : index
    %get3A_20 = vector.load %arg3[%get3A_18, %get3A_19] : memref<2048x1xf32, #tpu.memory_space<vmem>>, vector<2048x1xf32>
    %mul3A = vector.broadcast %get3A_20 : vector<2048x1xf32> to vector<2048x128xf32>
    %mul3A_21 = arith.mulf %concatenate3A, %mul3A : vector<2048x128xf32>
    %get3A_22 = arith.constant 0 : index
    %get3A_23 = arith.constant 0 : index
    %get3A_24 = vector.load %arg2[%get3A_22, %get3A_23] : memref<2048x128xf32, #tpu.memory_space<vmem>>, vector<2048x128xf32>
    %add3A = arith.addf %mul3A_21, %get3A_24 : vector<2048x128xf32>
    %get3A_25 = arith.constant 0 : index
    %get3A_26 = vector.load %arg4[%get3A_25] : memref<128xf32, #tpu.memory_space<vmem>>, vector<128xf32>
    %mul3A_27 = arith.constant 0.999994993 : f32
    %mul3A_28 = vector.broadcast %mul3A_27 : f32 to vector<128xf32>
    %mul3A_29 = arith.mulf %mul3A_28, %get3A_26 : vector<128xf32>
    %broadcast_in_dim3A = vector.shape_cast %mul3A_29 : vector<128xf32> to vector<1x128xf32>
    %mul3A_30 = vector.broadcast %broadcast_in_dim3A : vector<1x128xf32> to vector<2048x128xf32>
    %mul3A_31 = arith.mulf %add3A, %mul3A_30 : vector<2048x128xf32>
    %get3A_32 = arith.constant 0 : index
    %get3A_33 = vector.load %arg5[%get3A_32] : memref<128xf32, #tpu.memory_space<vmem>>, vector<128xf32>
    %broadcast_in_dim3A_34 = vector.shape_cast %get3A_33 : vector<128xf32> to vector<1x128xf32>
    %add3A_35 = vector.broadcast %broadcast_in_dim3A_34 : vector<1x128xf32> to vector<2048x128xf32>
    %add3A_36 = arith.addf %mul3A_31, %add3A_35 : vector<2048x128xf32>
    %max3A = arith.constant 0.000000e+00 : f32
    %max3A_37 = vector.broadcast %max3A : f32 to vector<2048x128xf32>
    %max3A_38 = arith.maximumf %add3A_36, %max3A_37 : vector<2048x128xf32>
    %get3A_39 = arith.constant 0 : index
    %get3A_40 = arith.constant 0 : index
    %get3A_41 = vector.load %arg6[%get3A_39, %get3A_40] : memref<64x128xf32, #tpu.memory_space<vmem>>, vector<64x128xf32>
    %dot_general3A = arith.constant dense<0.000000e+00> : vector<2048x64xf32>
    %dot_general3A_42 = tpu.matmul %max3A_38, %get3A_41, %dot_general3A {dimension_numbers = #tpu.dot_dimension_numbers<[1], [1], [0], [0], [0, 0, 1, 0], [], []>, transpose_lhs_hint = false} : vector<2048x128xf32>, vector<64x128xf32>, vector<2048x64xf32> -> vector<2048x64xf32>
    %swap3A = arith.constant 0 : index
    %swap3A_43 = arith.constant 0 : index
    %swap3A_44 = vector.load %arg9[%swap3A, %swap3A_43] : memref<2048x64xf32, #tpu.memory_space<vmem>>, vector<2048x64xf32>
    tpu.vector_store %arg9[%swap3A, %swap3A_43], %dot_general3A_42 {strides = array<i32>} : memref<2048x64xf32, #tpu.memory_space<vmem>>, vector<2048x64xf32>,
    %get3A_45 = arith.constant 0 : index
    %get3A_46 = arith.constant 0 : index
    %get3A_47 = vector.load %arg7[%get3A_45, %get3A_46] : memref<64x128xf32, #tpu.memory_space<vmem>>, vector<64x128xf32>
    %dot_general3A_48 = arith.constant dense<0.000000e+00> : vector<2048x64xf32>
    %dot_general3A_49 = tpu.matmul %max3A_38, %get3A_47, %dot_general3A_48 {dimension_numbers = #tpu.dot_dimension_numbers<[1], [1], [0], [0], [0, 0, 1, 0], [], []>, transpose_lhs_hint = false} : vector<2048x128xf32>, vector<64x128xf32>, vector<2048x64xf32> -> vector<2048x64xf32>
    %get3A_50 = arith.constant 0 : index
    %get3A_51 = vector.load %arg8[%get3A_50] : memref<64xf32, #tpu.memory_space<vmem>>, vector<64xf32>
    %broadcast_in_dim3A_52 = vector.shape_cast %get3A_51 : vector<64xf32> to vector<1x64xf32>
    %add3A_53 = vector.broadcast %broadcast_in_dim3A_52 : vector<1x64xf32> to vector<2048x64xf32>
    %add3A_54 = arith.addf %dot_general3A_49, %add3A_53 : vector<2048x64xf32>
    %swap3A_55 = arith.constant 0 : index
    %swap3A_56 = arith.constant 0 : index
    %swap3A_57 = vector.load %arg10[%swap3A_55, %swap3A_56] : memref<2048x64xf32, #tpu.memory_space<vmem>>, vector<2048x64xf32>
    tpu.vector_store %arg10[%swap3A_55, %swap3A_56], %add3A_54 {strides = array<i32>} : memref<2048x64xf32, #tpu.memory_space<vmem>>, vector<2048x64xf32>,
    return
  }
  func.func @transform_0(%arg0: i32) -> (i32, i32, i32) {
    %c0_i32 = arith.constant 0 : i32
    %c0_i32_0 = arith.constant 0 : i32
    %c0_i32_1 = arith.constant 0 : i32
    return %c0_i32, %arg0, %c0_i32_0 : i32, i32, i32
  }
  func.func @transform_1(%arg0: i32) -> (i32, i32) {
    %c0_i32 = arith.constant 0 : i32
    %c0_i32_0 = arith.constant 0 : i32
    return %arg0, %c0_i32 : i32, i32
  }
  func.func @transform_2(%arg0: i32) -> (i32, i32) {
    %c0_i32 = arith.constant 0 : i32
    %c0_i32_0 = arith.constant 0 : i32
    return %arg0, %c0_i32 : i32, i32
  }
  func.func @transform_3(%arg0: i32) -> i32 {
    %c0_i32 = arith.constant 0 : i32
    %c0_i32_0 = arith.constant 0 : i32
    return %c0_i32 : i32
  }
  func.func @transform_4(%arg0: i32) -> i32 {
    %c0_i32 = arith.constant 0 : i32
    %c0_i32_0 = arith.constant 0 : i32
    return %c0_i32 : i32
  }
  func.func @transform_5(%arg0: i32) -> (i32, i32) {
    %c0_i32 = arith.constant 0 : i32
    %c0_i32_0 = arith.constant 0 : i32
    %c0_i32_1 = arith.constant 0 : i32
    return %c0_i32, %c0_i32_0 : i32, i32
  }
  func.func @transform_6(%arg0: i32) -> (i32, i32) {
    %c0_i32 = arith.constant 0 : i32
    %c0_i32_0 = arith.constant 0 : i32
    %c0_i32_1 = arith.constant 0 : i32
    return %c0_i32, %c0_i32_0 : i32, i32
  }
  func.func @transform_7(%arg0: i32) -> i32 {
    %c0_i32 = arith.constant 0 : i32
    %c0_i32_0 = arith.constant 0 : i32
    return %c0_i32 : i32
  }
  func.func @transform_8(%arg0: i32) -> (i32, i32) {
    %c0_i32 = arith.constant 0 : i32
    %c0_i32_0 = arith.constant 0 : i32
    return %arg0, %c0_i32 : i32, i32
  }
  func.func @transform_9(%arg0: i32) -> (i32, i32) {
    %c0_i32 = arith.constant 0 : i32
    %c0_i32_0 = arith.constant 0 : i32
    return %arg0, %c0_i32 : i32, i32
  }
}

module attributes {stable_mosaic.version = 14 : i64} {
  func.func @_tc_fin_body(%arg0: i32, %arg1: memref<2x512x128xf32, #tpu.memory_space<vmem>>, %arg2: memref<2048x64xf32, #tpu.memory_space<vmem>>, %arg3: memref<2048x1xf32, #tpu.memory_space<vmem>>, %arg4: memref<2048x64xf32, #tpu.memory_space<vmem>>) attributes {dimension_semantics = [#tpu.dimension_semantics<arbitrary>], iteration_bounds = array<i64: 5>, scalar_prefetch = 0 : i64, scratch_operands = 0 : i64, tpu.core_type = #tpu.core_type<tc>, window_params = [{transform_indices = @transform_0, window_bounds = array<i64: 2, 512, 128>}, {transform_indices = @transform_1, window_bounds = array<i64: 2048, 64>}, {transform_indices = @transform_2, window_bounds = array<i64: 2048, 1>}, {transform_indices = @transform_3, window_bounds = array<i64: 2048, 64>}]} {
    %get3A = arith.constant 0 : index
    %get3A_0 = arith.constant 0 : index
    %get3A_1 = arith.constant 0 : index
    %get3A_2 = vector.load %arg1[%get3A, %get3A_0, %get3A_1] : memref<2x512x128xf32, #tpu.memory_space<vmem>>, vector<1x512x128xf32>
    %get3A_3 = vector.shape_cast %get3A_2 : vector<1x512x128xf32> to vector<512x128xf32>
    %slice3A = vector.extract_strided_slice %get3A_3 {offsets = [0, 0], sizes = [512, 32], strides = [1, 1]} : vector<512x128xf32> to vector<512x32xf32>
    %slice3A_4 = vector.extract_strided_slice %get3A_3 {offsets = [0, 32], sizes = [512, 32], strides = [1, 1]} : vector<512x128xf32> to vector<512x32xf32>
    %slice3A_5 = vector.extract_strided_slice %get3A_3 {offsets = [0, 64], sizes = [512, 32], strides = [1, 1]} : vector<512x128xf32> to vector<512x32xf32>
    %slice3A_6 = vector.extract_strided_slice %get3A_3 {offsets = [0, 96], sizes = [512, 32], strides = [1, 1]} : vector<512x128xf32> to vector<512x32xf32>
    %stack3A = vector.shape_cast %slice3A : vector<512x32xf32> to vector<512x1x32xf32>
    %stack3A_7 = vector.shape_cast %slice3A_4 : vector<512x32xf32> to vector<512x1x32xf32>
    %stack3A_8 = vector.shape_cast %slice3A_5 : vector<512x32xf32> to vector<512x1x32xf32>
    %stack3A_9 = vector.shape_cast %slice3A_6 : vector<512x32xf32> to vector<512x1x32xf32>
    %stack3A_10 = tpu.concatenate %stack3A, %stack3A_7, %stack3A_8, %stack3A_9 in 1 : vector<512x1x32xf32>, vector<512x1x32xf32>, vector<512x1x32xf32>, vector<512x1x32xf32> -> vector<512x4x32xf32>
    %reshape3A = vector.shape_cast %stack3A_10 : vector<512x4x32xf32> to vector<2048x32xf32>
    %get3A_11 = arith.constant 1 : index
    %get3A_12 = arith.constant 0 : index
    %get3A_13 = arith.constant 0 : index
    %get3A_14 = vector.load %arg1[%get3A_11, %get3A_12, %get3A_13] : memref<2x512x128xf32, #tpu.memory_space<vmem>>, vector<1x512x128xf32>
    %get3A_15 = vector.shape_cast %get3A_14 : vector<1x512x128xf32> to vector<512x128xf32>
    %slice3A_16 = vector.extract_strided_slice %get3A_15 {offsets = [0, 0], sizes = [512, 32], strides = [1, 1]} : vector<512x128xf32> to vector<512x32xf32>
    %slice3A_17 = vector.extract_strided_slice %get3A_15 {offsets = [0, 32], sizes = [512, 32], strides = [1, 1]} : vector<512x128xf32> to vector<512x32xf32>
    %slice3A_18 = vector.extract_strided_slice %get3A_15 {offsets = [0, 64], sizes = [512, 32], strides = [1, 1]} : vector<512x128xf32> to vector<512x32xf32>
    %slice3A_19 = vector.extract_strided_slice %get3A_15 {offsets = [0, 96], sizes = [512, 32], strides = [1, 1]} : vector<512x128xf32> to vector<512x32xf32>
    %stack3A_20 = vector.shape_cast %slice3A_16 : vector<512x32xf32> to vector<512x1x32xf32>
    %stack3A_21 = vector.shape_cast %slice3A_17 : vector<512x32xf32> to vector<512x1x32xf32>
    %stack3A_22 = vector.shape_cast %slice3A_18 : vector<512x32xf32> to vector<512x1x32xf32>
    %stack3A_23 = vector.shape_cast %slice3A_19 : vector<512x32xf32> to vector<512x1x32xf32>
    %stack3A_24 = tpu.concatenate %stack3A_20, %stack3A_21, %stack3A_22, %stack3A_23 in 1 : vector<512x1x32xf32>, vector<512x1x32xf32>, vector<512x1x32xf32>, vector<512x1x32xf32> -> vector<512x4x32xf32>
    %reshape3A_25 = vector.shape_cast %stack3A_24 : vector<512x4x32xf32> to vector<2048x32xf32>
    %concatenate3A = tpu.concatenate %reshape3A, %reshape3A_25 in 1 : vector<2048x32xf32>, vector<2048x32xf32> -> vector<2048x64xf32>
    %get3A_26 = arith.constant 0 : index
    %get3A_27 = arith.constant 0 : index
    %get3A_28 = vector.load %arg3[%get3A_26, %get3A_27] : memref<2048x1xf32, #tpu.memory_space<vmem>>, vector<2048x1xf32>
    %mul3A = vector.broadcast %get3A_28 : vector<2048x1xf32> to vector<2048x64xf32>
    %mul3A_29 = arith.mulf %concatenate3A, %mul3A : vector<2048x64xf32>
    %get3A_30 = arith.constant 0 : index
    %get3A_31 = arith.constant 0 : index
    %get3A_32 = vector.load %arg2[%get3A_30, %get3A_31] : memref<2048x64xf32, #tpu.memory_space<vmem>>, vector<2048x64xf32>
    %add3A = arith.addf %mul3A_29, %get3A_32 : vector<2048x64xf32>
    %reduce_max3A = arith.constant dense<0xFF800000> : vector<2048xf32>
    %reduce_max3A_33 = vector.multi_reduction <maximumf>, %add3A, %reduce_max3A [1] : vector<2048x64xf32> to vector<2048xf32>
    %broadcast_in_dim3A = vector.shape_cast %reduce_max3A_33 : vector<2048xf32> to vector<2048x1xf32>
    %sub3A = vector.broadcast %broadcast_in_dim3A : vector<2048x1xf32> to vector<2048x64xf32>
    %sub3A_34 = arith.subf %add3A, %sub3A : vector<2048x64xf32>
    %exp3A = math.exp %sub3A_34 : vector<2048x64xf32>
    %reduce_sum3A = arith.constant dense<0.000000e+00> : vector<2048xf32>
    %reduce_sum3A_35 = vector.multi_reduction <add>, %exp3A, %reduce_sum3A [1] : vector<2048x64xf32> to vector<2048xf32>
    %broadcast_in_dim3A_36 = vector.shape_cast %reduce_sum3A_35 : vector<2048xf32> to vector<2048x1xf32>
    %div3A = vector.broadcast %broadcast_in_dim3A_36 : vector<2048x1xf32> to vector<2048x64xf32>
    %div3A_37 = arith.divf %exp3A, %div3A : vector<2048x64xf32>
    %swap3A = arith.constant 0 : index
    %swap3A_38 = arith.constant 0 : index
    %swap3A_39 = vector.load %arg4[%swap3A, %swap3A_38] : memref<2048x64xf32, #tpu.memory_space<vmem>>, vector<2048x64xf32>
    tpu.vector_store %arg4[%swap3A, %swap3A_38], %div3A_37 {strides = array<i32>} : memref<2048x64xf32, #tpu.memory_space<vmem>>, vector<2048x64xf32>,
    return
  }
  func.func @transform_0(%arg0: i32) -> (i32, i32, i32) {
    %c0_i32 = arith.constant 0 : i32
    %c0_i32_0 = arith.constant 0 : i32
    %c0_i32_1 = arith.constant 0 : i32
    return %c0_i32, %arg0, %c0_i32_0 : i32, i32, i32
  }
  func.func @transform_1(%arg0: i32) -> (i32, i32) {
    %c0_i32 = arith.constant 0 : i32
    %c0_i32_0 = arith.constant 0 : i32
    return %arg0, %c0_i32 : i32, i32
  }
  func.func @transform_2(%arg0: i32) -> (i32, i32) {
    %c0_i32 = arith.constant 0 : i32
    %c0_i32_0 = arith.constant 0 : i32
    return %arg0, %c0_i32 : i32, i32
  }
  func.func @transform_3(%arg0: i32) -> (i32, i32) {
    %c0_i32 = arith.constant 0 : i32
    %c0_i32_0 = arith.constant 0 : i32
    return %arg0, %c0_i32 : i32, i32
  }
}

</mosaic_0001>

<sc_bundles>
// kernel: kernel.12.cloned.1.call-start
scs
__scs_entry_jumppad:
0x0: {  	(pc) =	sbr.rel $0x88, $3  }
0x1: {  	(tag) =	ssettag $0x0;
	lr =	simm.s32 $0x1  }
0x2: {  	[smem:$0x3F92] =	sst lr;
	_ =	strace $0xD0000000  }
0x3: {  	_ = 	snop  }
0x4: {  	_ = 	snop  }
0x5: {  	_ = 	snop  }
0x6: {  	_ = 	snop  }
0x7: {  	_ = 	snop  }
__scs_overlays_trampoline_lowered:
0x8: {  	[smem:$0x3FA1] =	sst s0  }
0x9: {  	[smem:$0x3FA2] =	sst s1  }
0xa: {  	[smem:$0x3FA3] =	sst s2  }
0xb: {  	[smem:$0x3FA4] =	sst s3  }
0xc: {  	[smem:$0x3FA5] =	sst s4  }
0xd: {  	[smem:$0x3FA6] =	sst s5  }
0xe: {  	[smem:$0x3FA7] =	sst s6  }
0xf: {  	[smem:$0x3FA8] =	sst s7  }
0x10: {  	[smem:$0x3FA9] =	sst s8  }
0x11: {  	[smem:$0x3FAA] =	sst s9;
	s0 =	simm.s32 @!p0 $0x0  }
0x12: {  	s1 =	sld [smem:$0x3F90];
	s0 =	simm.s32 @p0 $0x1  }
0x13: {  	[smem:$0x3FAB] =	sst s0;
	s0 =	simm.s32 @!p1 $0x0  }
0x14: {  	s2 =	sld [smem:$0x3F8F];
	s0 =	simm.s32 @p1 $0x1  }
0x15: {  	[smem:$0x3FAC] =	sst s0;
	s0 =	simm.s32 @!p2 $0x0  }
0x16: {  	s3 =	sld [smem:$0x3FDB];
	s0 =	simm.s32 @p2 $0x1  }
0x17: {  	s4 =	simm.s32 $0x1BF5;
	[smem:$0x3FAE] =	sst s0  }
0x18: {  	s0 =	sld [smem:$0x3F91];
	_ =	swait.ge [sflag:s4], $0x0  }
0x19: {  	s7 =	sld [smem:$0x3F92]  }
0x1a: {  	s8 =	sadd.s32 $0xFFFFE003, lr  }
0x1b: {  	s9 =	sadd.s32 $0xFFFFFEF7, lr;
	s5 =	simm.s32 $0xFFFFFFFF;
	p2 =	slt.u32 s8, $0xFFFFF086  }
0x1c: {  	p1 =	slt.u32 s9, $0xF7A;
	s5 =	simm.s32 @!p2 $0x0  }
0x1d: {  	s5 =	simm.s32 @p1 $0x1;
	p0 =	seq.s32 s7, s2  }
0x1e: {  	s7 =	smul.u32 @!p0 $0xF7A, s2;
	p2 =	seq.s32 @!p0 s5, $0x0  }
0x1f: {  	s9 =	smul.u32 $0xF7A, s1;
	s8 =	simm.s32 @!p0 $0x1BF5;
	p2 =	por !p2, p0  }
0x20: {  	[sflag:s8] =	ssyncset.s32 @!p0 $0xFFFFF086;
	s6 =	sadd.s32 @!p0 s3, s7;
	s7 =	simm.s32 @!p0 $0x108  }
0x21: {  	s3 =	sadd.s32 s3, s9;
	s6 =	sadd.s32 @!p0 $0x88, s6;
	s7 =	simm.s32 @p2 $0x1082  }
0x22: {  	[simem:s7], [sflag:s8] =	dma.local @!p0 [hbm:s6], $0xF7A  }
0x23: {  	s9 =	sor.u32 $0xD0000000, s2;
	s6 =	simm.s32 $0x108;
	_ =	swait.ge @!p0 [sflag:s8], $0x0  }
0x24: {  	s3 =	sadd.s32 $0x88, s3;
	s6 =	simm.s32 @!p1 $0x1082;
	[sflag:s4] =	ssyncset.s32 $0xFFFFF086  }
0x25: {  	[simem:s6], [sflag:s4] =	dma.local [hbm:s3], $0xF7A  }
0x26: {  	[smem:$0x3F92] =	sst s1;
	(tag) =	ssettag s2;
	_ =	strace s9  }
0x27: {  	s1 =	sld [smem:$0x3FA2]  }
0x28: {  	s2 =	sld [smem:$0x3FA3]  }
0x29: {  	s4 =	sld [smem:$0x3FA5]  }
0x2a: {  	p0 =	seq.s32 s5, $0x0;
	s5 =	sld [smem:$0x3FA6]  }
0x2b: {  	s6 =	sld [smem:$0x3FA7]  }
0x2c: {  	s7 =	sld [smem:$0x3FA8]  }
0x2d: {  	s3 =	simm.s32 $0x108;
	s8 =	sld [smem:$0x3FA9]  }
0x2e: {  	s3 =	simm.s32 @!p0 $0x1082;
	s9 =	sld [smem:$0x3FAA]  }
0x2f: {  	lr =	sadd.s32 s0, s3;
	s0 =	sld [smem:$0x3FA1]  }
0x30: {  	s3 =	sld [smem:$0x3FA4]  }
0x31: {  	[smem:$0x3FAD] =	sst s10  }
0x32: {  	s10 =	sld [smem:$0x3FAB];
	_ =	sdelay $0x3  }
0x33: {  	p0 =	seq.s32 s10, $0x1;
	s10 =	sld [smem:$0x3FAD];
	_ =	sdelay $0x3  }
0x34: {  	[smem:$0x3FAD] =	sst s10  }
0x35: {  	s10 =	sld [smem:$0x3FAC];
	_ =	sdelay $0x3  }
0x36: {  	p1 =	seq.s32 s10, $0x1;
	s10 =	sld [smem:$0x3FAD];
	_ =	sdelay $0x3  }
0x37: {  	[smem:$0x3FAD] =	sst s10  }
0x38: {  	s10 =	sld [smem:$0x3FAE]  }
0x39: {  	_ = 	snop;
	(pc) =	sbr.ind lr, $3  }
0x3a: {  	_ = 	snop  }
0x3b: {  	_ = 	snop  }
0x3c: {  	p2 =	seq.s32 s10, $0x1;
	s10 =	sld [smem:$0x3FAD]  }
0x3d: {  	_ =	shalt  }
0x3e: {  	_ =	shalt  }
0x3f: {  	_ =	shalt  }
0x40: {  	_ =	shalt  }
0x41: {  	_ =	shalt  }
0x42: {  	_ =	shalt  }
0x43: {  	_ =	shalt  }
0x44: {  	_ =	shalt  }
0x45: {  	_ =	shalt  }
0x46: {  	_ =	shalt  }
0x47: {  	_ =	shalt  }
0x48: {  	_ =	shalt  }
0x49: {  	_ =	shalt  }
0x4a: {  	_ =	shalt  }
0x4b: {  	_ =	shalt  }
0x4c: {  	_ =	shalt  }
0x4d: {  	_ =	shalt  }
0x4e: {  	_ =	shalt  }
0x4f: {  	_ =	shalt  }
0x50: {  	_ =	shalt  }
0x51: {  	_ =	shalt  }
0x52: {  	_ =	shalt  }
0x53: {  	_ =	shalt  }
0x54: {  	_ =	shalt  }
0x55: {  	_ =	shalt  }
0x56: {  	_ =	shalt  }
0x57: {  	_ =	shalt  }
0x58: {  	_ =	shalt  }
0x59: {  	_ =	shalt  }
0x5a: {  	_ =	shalt  }
0x5b: {  	_ =	shalt  }
0x5c: {  	_ =	shalt  }
0x5d: {  	_ =	shalt  }
0x5e: {  	_ =	shalt  }
0x5f: {  	_ =	shalt  }
0x60: {  	_ =	shalt  }
0x61: {  	_ =	shalt  }
0x62: {  	_ =	shalt  }
0x63: {  	_ =	shalt  }
0x64: {  	_ =	shalt  }
0x65: {  	_ =	shalt  }
0x66: {  	_ =	shalt  }
0x67: {  	_ =	shalt  }
0x68: {  	_ =	shalt  }
0x69: {  	_ =	shalt  }
0x6a: {  	_ =	shalt  }
0x6b: {  	_ =	shalt  }
0x6c: {  	_ =	shalt  }
0x6d: {  	_ =	shalt  }
0x6e: {  	_ =	shalt  }
0x6f: {  	_ =	shalt  }
0x70: {  	_ =	shalt  }
0x71: {  	_ =	shalt  }
0x72: {  	_ =	shalt  }
0x73: {  	_ =	shalt  }
0x74: {  	_ =	shalt  }
0x75: {  	_ =	shalt  }
0x76: {  	_ =	shalt  }
0x77: {  	_ =	shalt  }
0x78: {  	_ =	shalt  }
0x79: {  	_ =	shalt  }
0x7a: {  	_ =	shalt  }
0x7b: {  	_ =	shalt  }
0x7c: {  	_ =	shalt  }
0x7d: {  	_ =	shalt  }
0x7e: {  	_ =	shalt  }
0x7f: {  	_ =	shalt  }
0x80: {  	_ =	shalt  }
0x81: {  	_ =	shalt  }
0x82: {  	_ =	shalt  }
0x83: {  	_ =	shalt  }
0x84: {  	_ =	shalt  }
0x85: {  	_ =	shalt  }
0x86: {  	_ =	shalt  }
0x87: {  	_ =	shalt  }
.Lfunc_end0:
.L_simem_size_0:
called_computation.1_lowered:
.L_overlay_start_0:
0x88: {  	s2 =	sld [smem:$0x3FD9]  }
0x89: {  	s3 =	sld [smem:$0x3FFE];
	_ =	sdelay $0x1  }
0x8a: {  	s1 =	srdreg.scid  }
0x8b: {  	s0 =	sand.u32 $0x1, s1  }
0x8c: {  	s16 =	sshll.u32 s0, $0xA;
	s2 =	sadd.s32 s3, s2  }
0x8d: {  	s2 =	sadd.s32 s2, s16  }
0x8e: {  	[smem:$0x3FB9] =	sst s2  }
0x8f: {  	_ = 	snop  }
0x90: {  	(tm) =	ssettm $0x1  }
0x91: {  	s17 =	sld [smem:$0x3FFB];
	_ =	sdelay $0x3  }
0x92: {  	_ =	strace s17  }
0x93: {  	s2 =	sld [smem:$0x3FFC];
	_ =	sdelay $0x3  }
0x94: {  	_ =	strace s2  }
0x95: {  	s2 =	sld [smem:$0x3FFD];
	_ =	sdelay $0x3  }
0x96: {  	_ =	strace s2  }
0x97: {  	_ =	strace $0x8FFFFFFF  }
0x98: {  	s18 =	sld [smem:$0x3FDB];
	_ =	sdelay $0x1  }
0x99: {  	s19 =	simm.s32 $_scs_section_size  }
0x9a: {  	s4 =	simm.s32 $_size__tile_overlayer_lowered;
	s5 =	simm.s32 $_tile_overlayer_lowered  }
0x9b: {  	s22 =	simm.s32 $0x1BFF;
	s21 =	sshll.u32 s5, $0x1;
	s2 =	sadd.s32 s19, s18  }
0x9c: {  	s6 =	simm.s32 $0x0;
	s20 =	sshll.u32 s4, $0x1;
	s4 =	sadd.s32 s21, s2  }
0x9d: {  	[timem:s6], [sflag:s22] =	dma.local [hbm:s4], s20  }
0x9e: {  	_ =	swait.ge [sflag:s22], s20  }
0x9f: {  	s3 =	ssub.s32 $0x0, s20;
	[sflag:s22] =	ssyncset.done $0x0  }
0xa0: {  	[sflag:s22] =	ssyncadd.s32 s3;
	_ =	sdelay $0x1  }
0xa1: {  	s23 =	simm.s32 $0x1B8B  }
0xa2: {  	_ =	swait.ge [sflag:s23], $0x1  }
0xa3: {  	[sflag:s23] =	ssyncset.done $0x0  }
0xa4: {  	s25 =	simm.s32 $0x1B8E;
	s24 =	sld [smem:$0x3FFE];
	[sflag:s23] =	ssyncadd.s32 $0xFFFFFFFF  }
0xa5: {  	s26 =	simm.s32 $execute0_lowered;
	[smem:$0x3FD2] =	sst s25  }
0xa6: {  	s4 =	sshll.u32 s26, $0x1;
	_ =	strace $0x80000049;
	[dreg:$0x1] =	wrdreg $0xFFFFFFFF  }
0xa7: {  	s28 =	simm.s32 $_size_execute0_lowered;
	s2 =	sadd.s32 s2, s4;
	[dreg:$0x0] =	wrdreg $0x0  }
0xa8: {  	s4 =	sshll.u32 s28, $0x1;
	[dreg:$0x2] =	wrdreg s2  }
0xa9: {  	[dreg:$0x3] =	wrdreg s4  }
0xaa: {  	[dreg:$0x4] =	wrdreg $0xC0  }
0xab: {  	_ =	task [dreg:s6], $0x5FFFF  }
0xac: {  	[dreg:$0x1] =	wrdreg $0xFFFFFFFF  }
0xad: {  	[dreg:$0x0] =	wrdreg $0x60  }
0xae: {  	[dreg:$0x2] =	wrdreg s24  }
0xaf: {  	[dreg:$0x3] =	wrdreg $0x11D000  }
0xb0: {  	[dreg:$0x4] =	wrdreg $0x9  }
0xb1: {  	_ =	task.clear_ibuf [dreg:s6], $0x5FFFF;
	_ =	strace $0x90000049  }
0xb2: {  	s29 =	simm.s32 $0x9;
	_ =	strace $0x8000004B  }
0xb3: {  	_ =	swait.ge [sflag:s29], $0x1  }
0xb4: {  	[sflag:s29] =	ssyncadd.s32 $0xFFFFFFFF  }
0xb5: {  	_ =	strace $0x9000004B  }
0xb6: {  	_ =	sfence  }
0xb7: {  	s30 =	sld [smem:$0x0];
	_ =	sdelay $0x2  }
0xb8: {  	s31 =	sshll.u32 s1, $0xD;
	s1 =	sshrl.u32 s1, $0x2  }
0xb9: {  	s3 =	sand.u32 $0x4000, s31;
	s1 =	sadd.s32 s1, s30  }
0xba: {  	s0 =	sor.u32 s3, s0;
	s1 =	sshll.u32 s1, $0x11  }
0xbb: {  	s0 =	sor.u32 s1, s0  }
0xbc: {  	s0 =	sadd.s32 $0x8F2B, s0  }
0xbd: {  	[sflag:s0] =	ssyncadd.remote.s32 $0x1  }
0xbe: {  	_ =	sfence.sel $0xFFFF  }
0xbf: {  	[dreg:$0x0] =	wrdreg $0xFFFFFFFF;
	(pc) =	sbr.abs _section_cstart, $3  }
0xc0: {  	[dreg:$0x1] =	wrdreg $0xFFFFFFFF  }
0xc1: {  	_ =	task.clear_ibuf [dreg:s6], $0x2FFFF;
	_ =	strace $0x9FFFFFFF  }
0xc2: {  	(tm) =	ssettm $0x7FFFFFFF  }
0xc3: {  	_ =	shalt  }
tec
execute0_lowered:
.L_overlay_start_1:
0x0: {  	(tag) =	ssettag $0x1  }
0x1: {  	s0 =	srdreg.scid;
	s1 =	rddreg [dreg:$0x0]  }
0x2: {  	s9 =	stileid.u32;
	s2 =	rddreg [dreg:$0x1]  }
0x3: {  	s3 =	simm.s32 $0x0;
	s16 =	simm.s32 $0xA000;
	s17 =	simm.s32 $0x6  }
0x4: {  	s18 =	simm.s32 $0x1;
	s19 =	simm.s32 $0x7D;
	s21 =	simm.s32 $0xBF40  }
0x5: {  	s23 =	simm.s32 $0xDE80;
	s25 =	simm.s32 $0xFDC0;
	s5 =	smul.u32 $0x5000, s9  }
0x6: {  	s28 =	simm.s32 $0x3;
	s29 =	simm.s32 $0x4;
	s7 =	smul.u32 $0xA000, s9  }
0x7: {  	s30 =	simm.s32 $0x5;
	s0 =	sand.u32 $0x1, s0;
	s9 =	smul.u32 $0x28000, s9  }
0x8: {  	s15 =	simm.s32 $0x9F80;
	s20 =	simm.s32 $0x0;
	s4 =	smul.u32 $0x50000, s0  }
0x9: {  	[smem:$0x7FF] =	sst s3;
	s8 =	smul.u32 $0xA0000, s0;
	s0 =	ssub.s32 $0x2, s0  }
0xa: {  	_ =	strace $0x8000004A;
	s26 =	sshrl.u32 s0, $0x1;
	s31 =	sshrl.u32 s9, $0x2  }
0xb: {  	s6 =	sadd.s32 s5, s4;
	s4 =	sadd.s32 $0x21200, s1;
	s5 =	sshrl.u32 s5, $0x3  }
0xc: {  	s8 =	sadd.s32 s7, s8;
	s0 =	ssub.s32 s0, s26;
	s7 =	sadd.s32 s7, s2  }
0xd: {  	s12 =	sadd.s32 s31, s2;
	s26 =	simm.s32 $0x2;
	s6 =	sshrl.u32 s6, $0x3  }
0xe: {  	s8 =	sshrl.u32 s8, $0x3;
	s10 =	sadd.s32 s5, s1;
	s9 =	sadd.s32 $0x3E80, s12  }
0xf: {  	s11 =	sadd.s32 $0x7D00, s12;
	s14 =	smax.u32 s0, $0x1;
	s0 =	simm.s32 $0x9F00  }
0x10: {  	s6 =	sadd.s32 s6, s1;
	s1 =	sadd.s32 s8, s1;
	s8 =	sadd.s32 $0x1F40, s12  }
0x11: {  	s5 =	sadd.s32 $0xD200, s6;
	s6 =	sadd.s32 $0x3200, s10;
	s10 =	sadd.s32 $0x5DC0, s12  }
0x12: {  	v0 =	vimm.f32 $0.0e+00;
	s12 =	sadd.s32 $0x80C0, s12;
	s13 =	sadd.s32 $0x48400, s1;
	s1 =	simm.s32 $0x9E80  }
.LBB2_1:
0x13: {  	[tilespmem:s3], [sflag:$0x1] =	stream.linear.gather [hbm4b:s5+s3], $0x5000, $0x38;
	[tilespmem:$0x1BD00] =	vst v63  }
0x14: {  	s22 =	simm.s32 $0x5000  }
0x15: {  	[tilespmem:s22], [sflag:$0x1] =	stream.linear.gather [hbm4b:s6+s3], $0x5000, $0x38;
	[tilespmem:$0x1BD00] =	vst v63  }
0x16: {  	s24 =	simm.s32 $0x100;
	s22 =	simm.s32 $0x0  }
.LBB2_2:
0x17: {  	p0 =	sne.s32 s24, $0x7C00;
	[tilespmem:s22+$0xA030] =	vst v0;
	s31 =	smov.u32 s24;
	s24 =	sadd.s32 $0x100, s24  }
.Ltmp0:
0x18: {  	[tilespmem:s22+$0xA020] =	vst v0;
	(pc) =	sbr.rel @p0 .LBB2_2-.Ltmp0, $3  }
0x19: {  	[tilespmem:s22+$0xA000] =	vst v0  }
0x1a: {  	[tilespmem:s22+$0xA010] =	vst v0;
	_ =	sdelay $0x1  }
0x1b: {  	s22 =	sshra.s32 s31, $0x2  }
0x1c: {  	[tilespmem:s22+$0xA030] =	vst v0  }
0x1d: {  	[tilespmem:s22+$0xA020] =	vst v0  }
0x1e: {  	[tilespmem:s22+$0xA000] =	vst v0  }
0x1f: {  	[tilespmem:s22+$0xA010] =	vst v0  }
0x20: {  	[spmem:s7] =	stream.linear.scatter [tilespmem:s16], [sflag:$0x6], $0x1F40, $0x38;
	[tilespmem:$0x1BD00] =	vst v63  }
0x21: {  	_ =	swait.ge [sflag:s17], $0x1F40  }
0x22: {  	[sflag:s17] =	ssyncset.done $0x0  }
0x23: {  	[sflag:s17] =	ssyncadd.s32 $0xFFFFE0C0  }
0x24: {  	[spmem:s8] =	stream.linear.scatter [tilespmem:s16], [sflag:$0x6], $0x1F40, $0x38;
	[tilespmem:$0x1BD00] =	vst v63  }
0x25: {  	_ =	swait.ge [sflag:s17], $0x1F40  }
0x26: {  	[sflag:s17] =	ssyncset.done $0x0  }
0x27: {  	[sflag:s17] =	ssyncadd.s32 $0xFFFFE0C0  }
0x28: {  	[spmem:s9] =	stream.linear.scatter [tilespmem:s16], [sflag:$0x6], $0x1F40, $0x38;
	[tilespmem:$0x1BD00] =	vst v63  }
0x29: {  	_ =	swait.ge [sflag:s17], $0x1F40  }
0x2a: {  	[sflag:s17] =	ssyncset.done $0x0  }
0x2b: {  	[sflag:s17] =	ssyncadd.s32 $0xFFFFE0C0  }
0x2c: {  	[spmem:s10] =	stream.linear.scatter [tilespmem:s16], [sflag:$0x6], $0x1F40, $0x38;
	[tilespmem:$0x1BD00] =	vst v63  }
0x2d: {  	_ =	swait.ge [sflag:s17], $0x1F40  }
0x2e: {  	[sflag:s17] =	ssyncset.done $0x0  }
0x2f: {  	[sflag:s17] =	ssyncadd.s32 $0xFFFFE0C0  }
0x30: {  	[spmem:s11] =	stream.linear.scatter [tilespmem:s16], [sflag:$0x6], $0x1F40, $0x38;
	[tilespmem:$0x1BD00] =	vst v63  }
0x31: {  	_ =	swait.ge [sflag:s17], $0x1F40  }
0x32: {  	[sflag:s17] =	ssyncset.done $0x0  }
0x33: {  	[sflag:s17] =	ssyncadd.s32 $0xFFFFE0C0  }
0x34: {  	[spmem:s12] =	stream.linear.scatter [tilespmem:s16], [sflag:$0x6], $0x1F40, $0x38;
	[tilespmem:$0x1BD00] =	vst v63  }
0x35: {  	_ =	swait.ge [sflag:s17], $0x1F40  }
0x36: {  	[sflag:s17] =	ssyncset.done $0x0  }
0x37: {  	[sflag:s17] =	ssyncadd.s32 $0xFFFFE0C0  }
0x38: {  	_ =	swait.ge [sflag:s18], $0x5000  }
0x39: {  	[sflag:s18] =	ssyncset.done $0x0  }
0x3a: {  	[sflag:s18] =	ssyncadd.s32 $0xFFFFB000  }
0x3b: {  	_ =	swait.ge [sflag:s18], $0x5000  }
0x3c: {  	[sflag:s18] =	ssyncset.done $0x0  }
0x3d: {  	s31 =	simm.s32 $0x0;
	[sflag:s18] =	ssyncadd.s32 $0xFFFFB000  }
0x3e: {  	[tilespmem:s16], [sflag:$0x2] =	stream.indirect.gather [hbm4b:s4+s19], $0x40, s31, s19, $0xb8;
	[tilespmem:$0x1BD00] =	vst v63  }
0x3f: {  	s24 =	simm.s32 $0x80  }
0x40: {  	[tilespmem:s21], [sflag:$0x3] =	stream.indirect.gather [hbm4b:s4+s19], $0x40, s24, s19, $0xb8;
	[tilespmem:$0x1BD00] =	vst v63  }
0x41: {  	s31 =	simm.s32 $0x100  }
0x42: {  	[tilespmem:s23], [sflag:$0x4] =	stream.indirect.gather [hbm4b:s4+s19], $0x40, s31, s19, $0xb8;
	[tilespmem:$0x1BD00] =	vst v63  }
0x43: {  	s24 =	simm.s32 $0x180  }
0x44: {  	[tilespmem:s25], [sflag:$0x5] =	stream.indirect.gather [hbm4b:s4+s19], $0x40, s24, s19, $0xb8;
	[tilespmem:$0x1BD00] =	vst v63  }
0x45: {  	[bflag:$0x0] =	sbarrier.arrive $0xFFFF  }
0x46: {  	_ =	swait.ge [sflag:s26], $0x1F40  }
0x47: {  	[sflag:s26] =	ssyncset.done $0x0  }
0x48: {  	s31 =	simm.s32 $0x5000;
	[sflag:s26] =	ssyncadd.s32 $0xFFFFE0C0  }
0x49: {  	[spmem:s2] =	stream.indirect.scatter.add.f32 [tilespmem:s16], [sflag:$0x6], $0x40, s31, s19, $0xb8;
	[tilespmem:$0x1BD00] =	vst v63  }
0x4a: {  	_ =	swait.ge [sflag:s17], $0x1F40  }
0x4b: {  	[sflag:s17] =	ssyncset.done $0x0  }
0x4c: {  	s24 =	simm.s32 $0x200;
	[sflag:s17] =	ssyncadd.s32 $0xFFFFE0C0  }
0x4d: {  	[tilespmem:s16], [sflag:$0x2] =	stream.indirect.gather [hbm4b:s4+s19], $0x40, s24, s19, $0xb8;
	[tilespmem:$0x1BD00] =	vst v63  }
0x4e: {  	_ =	swait.ge [sflag:s28], $0x1F40  }
0x4f: {  	[sflag:s28] =	ssyncset.done $0x0  }
0x50: {  	s31 =	simm.s32 $0x5080;
	[sflag:s28] =	ssyncadd.s32 $0xFFFFE0C0  }
0x51: {  	[spmem:s2] =	stream.indirect.scatter.add.f32 [tilespmem:s21], [sflag:$0x6], $0x40, s31, s19, $0xb8;
	[tilespmem:$0x1BD00] =	vst v63  }
0x52: {  	_ =	swait.ge [sflag:s17], $0x1F40  }
0x53: {  	[sflag:s17] =	ssyncset.done $0x0  }
0x54: {  	s24 =	simm.s32 $0x280;
	[sflag:s17] =	ssyncadd.s32 $0xFFFFE0C0  }
0x55: {  	[tilespmem:s21], [sflag:$0x3] =	stream.indirect.gather [hbm4b:s4+s19], $0x40, s24, s19, $0xb8;
	[tilespmem:$0x1BD00] =	vst v63  }
0x56: {  	_ =	swait.ge [sflag:s29], $0x1F40  }
0x57: {  	[sflag:s29] =	ssyncset.done $0x0  }
0x58: {  	s31 =	simm.s32 $0x5100;
	[sflag:s29] =	ssyncadd.s32 $0xFFFFE0C0  }
0x59: {  	[spmem:s2] =	stream.indirect.scatter.add.f32 [tilespmem:s23], [sflag:$0x6], $0x40, s31, s19, $0xb8;
	[tilespmem:$0x1BD00] =	vst v63  }
0x5a: {  	_ =	swait.ge [sflag:s17], $0x1F40  }
0x5b: {  	[sflag:s17] =	ssyncset.done $0x0  }
0x5c: {  	s24 =	simm.s32 $0x300;
	[sflag:s17] =	ssyncadd.s32 $0xFFFFE0C0  }
0x5d: {  	[tilespmem:s23], [sflag:$0x4] =	stream.indirect.gather [hbm4b:s4+s19], $0x40, s24, s19, $0xb8;
	[tilespmem:$0x1BD00] =	vst v63  }
0x5e: {  	_ =	swait.ge [sflag:s30], $0x1F40  }
0x5f: {  	[sflag:s30] =	ssyncset.done $0x0  }
0x60: {  	s31 =	simm.s32 $0x5180;
	[sflag:s30] =	ssyncadd.s32 $0xFFFFE0C0  }
0x61: {  	[spmem:s2] =	stream.indirect.scatter.add.f32 [tilespmem:s25], [sflag:$0x6], $0x40, s31, s19, $0xb8;
	[tilespmem:$0x1BD00] =	vst v63  }
0x62: {  	_ =	swait.ge [sflag:s17], $0x1F40  }
0x63: {  	[sflag:s17] =	ssyncset.done $0x0  }
0x64: {  	s22 =	simm.s32 $0x800;
	s24 =	simm.s32 $0x380;
	[sflag:s17] =	ssyncadd.s32 $0xFFFFE0C0  }
.LBB2_4:
0x65: {  	[tilespmem:s25], [sflag:$0x5] =	stream.indirect.gather [hbm4b:s4+s19], $0x40, s24, s19, $0xb8;
	[tilespmem:$0x1BD00] =	vst v63  }
0x66: {  	s24 =	smov.u32 s22  }
0x67: {  	p0 =	sne.s32 s22, $0x13000;
	s22 =	sadd.s32 $0x800, s22;
	_ =	swait.ge [sflag:s26], $0x1F40  }
0x68: {  	s24 =	sshra.s32 s24, $0x2;
	[sflag:s26] =	ssyncset.done $0x0  }
0x69: {  	s31 =	sadd.s32 $0x5000, s24;
	[sflag:s26] =	ssyncadd.s32 $0xFFFFE0C0  }
0x6a: {  	[spmem:s2] =	stream.indirect.scatter.add.f32 [tilespmem:s16], [sflag:$0x6], $0x40, s31, s19, $0xb8;
	[tilespmem:$0x1BD00] =	vst v63  }
0x6b: {  	_ =	swait.ge [sflag:s17], $0x1F40  }
0x6c: {  	[sflag:s17] =	ssyncset.done $0x0  }
0x6d: {  	s31 =	sadd.s32 $0x200, s24;
	[sflag:s17] =	ssyncadd.s32 $0xFFFFE0C0  }
0x6e: {  	[tilespmem:s16], [sflag:$0x2] =	stream.indirect.gather [hbm4b:s4+s19], $0x40, s31, s19, $0xb8;
	[tilespmem:$0x1BD00] =	vst v63  }
0x6f: {  	_ =	swait.ge [sflag:s28], $0x1F40  }
0x70: {  	[sflag:s28] =	ssyncset.done $0x0  }
0x71: {  	s31 =	sadd.s32 $0x5080, s24;
	[sflag:s28] =	ssyncadd.s32 $0xFFFFE0C0  }
0x72: {  	[spmem:s2] =	stream.indirect.scatter.add.f32 [tilespmem:s21], [sflag:$0x6], $0x40, s31, s19, $0xb8;
	[tilespmem:$0x1BD00] =	vst v63  }
0x73: {  	_ =	swait.ge [sflag:s17], $0x1F40  }
0x74: {  	[sflag:s17] =	ssyncset.done $0x0  }
0x75: {  	s31 =	sadd.s32 $0x280, s24;
	[sflag:s17] =	ssyncadd.s32 $0xFFFFE0C0  }
0x76: {  	[tilespmem:s21], [sflag:$0x3] =	stream.indirect.gather [hbm4b:s4+s19], $0x40, s31, s19, $0xb8;
	[tilespmem:$0x1BD00] =	vst v63  }
0x77: {  	_ =	swait.ge [sflag:s29], $0x1F40  }
0x78: {  	[sflag:s29] =	ssyncset.done $0x0  }
0x79: {  	s31 =	sadd.s32 $0x5100, s24;
	[sflag:s29] =	ssyncadd.s32 $0xFFFFE0C0  }
0x7a: {  	[spmem:s2] =	stream.indirect.scatter.add.f32 [tilespmem:s23], [sflag:$0x6], $0x40, s31, s19, $0xb8;
	[tilespmem:$0x1BD00] =	vst v63  }
0x7b: {  	_ =	swait.ge [sflag:s17], $0x1F40  }
0x7c: {  	[sflag:s17] =	ssyncset.done $0x0  }
0x7d: {  	s31 =	sadd.s32 $0x300, s24;
	[sflag:s17] =	ssyncadd.s32 $0xFFFFE0C0  }
0x7e: {  	[tilespmem:s23], [sflag:$0x4] =	stream.indirect.gather [hbm4b:s4+s19], $0x40, s31, s19, $0xb8;
	[tilespmem:$0x1BD00] =	vst v63  }
0x7f: {  	_ =	swait.ge [sflag:s30], $0x1F40  }
0x80: {  	[sflag:s30] =	ssyncset.done $0x0  }
.Ltmp1:
0x81: {  	s31 =	sadd.s32 $0x5180, s24;
	[sflag:s30] =	ssyncadd.s32 $0xFFFFE0C0;
	(pc) =	sbr.rel @p0 .LBB2_4-.Ltmp1, $4  }
0x82: {  	[spmem:s2] =	stream.indirect.scatter.add.f32 [tilespmem:s25], [sflag:$0x6], $0x40, s31, s19, $0xb8;
	[tilespmem:$0x1BD00] =	vst v63  }
0x83: {  	_ =	swait.ge [sflag:s17], $0x1F40  }
0x84: {  	[sflag:s17] =	ssyncset.done $0x0  }
0x85: {  	s24 =	sadd.s32 $0x380, s24;
	[sflag:s17] =	ssyncadd.s32 $0xFFFFE0C0  }
0x86: {  	[tilespmem:s25], [sflag:$0x5] =	stream.indirect.gather [hbm4b:s4+s19], $0x40, s24, s19, $0xb8;
	[tilespmem:$0x1BD00] =	vst v63  }
0x87: {  	_ =	swait.ge [sflag:s26], $0x1F40  }
0x88: {  	[sflag:s26] =	ssyncset.done $0x0  }
0x89: {  	s22 =	simm.s32 $0x9E00;
	[sflag:s26] =	ssyncadd.s32 $0xFFFFE0C0  }
0x8a: {  	[spmem:s2] =	stream.indirect.scatter.add.f32 [tilespmem:s16], [sflag:$0x6], $0x40, s22, s19, $0xb8;
	[tilespmem:$0x1BD00] =	vst v63  }
0x8b: {  	_ =	swait.ge [sflag:s17], $0x1F40  }
0x8c: {  	[sflag:s17] =	ssyncset.done $0x0  }
0x8d: {  	[sflag:s17] =	ssyncadd.s32 $0xFFFFE0C0  }
0x8e: {  	_ =	swait.ge [sflag:s28], $0x1F40  }
0x8f: {  	[sflag:s28] =	ssyncset.done $0x0  }
0x90: {  	[sflag:s28] =	ssyncadd.s32 $0xFFFFE0C0  }
0x91: {  	[spmem:s2] =	stream.indirect.scatter.add.f32 [tilespmem:s21], [sflag:$0x6], $0x40, s1, s19, $0xb8;
	[tilespmem:$0x1BD00] =	vst v63  }
0x92: {  	_ =	swait.ge [sflag:s17], $0x1F40  }
0x93: {  	[sflag:s17] =	ssyncset.done $0x0  }
0x94: {  	[sflag:s17] =	ssyncadd.s32 $0xFFFFE0C0  }
0x95: {  	_ =	swait.ge [sflag:s29], $0x1F40  }
0x96: {  	[sflag:s29] =	ssyncset.done $0x0  }
0x97: {  	[sflag:s29] =	ssyncadd.s32 $0xFFFFE0C0  }
0x98: {  	[spmem:s2] =	stream.indirect.scatter.add.f32 [tilespmem:s23], [sflag:$0x6], $0x40, s0, s19, $0xb8;
	[tilespmem:$0x1BD00] =	vst v63  }
0x99: {  	_ =	swait.ge [sflag:s17], $0x1F40  }
0x9a: {  	[sflag:s17] =	ssyncset.done $0x0  }
0x9b: {  	[sflag:s17] =	ssyncadd.s32 $0xFFFFE0C0  }
0x9c: {  	_ =	swait.ge [sflag:s30], $0x1F40  }
0x9d: {  	[sflag:s30] =	ssyncset.done $0x0  }
0x9e: {  	[sflag:s30] =	ssyncadd.s32 $0xFFFFE0C0  }
0x9f: {  	[spmem:s2] =	stream.indirect.scatter.add.f32 [tilespmem:s25], [sflag:$0x6], $0x40, s15, s19, $0xb8;
	[tilespmem:$0x1BD00] =	vst v63  }
0xa0: {  	s24 =	stileid.u32;
	_ =	swait.ge [sflag:s17], $0x1F40  }
0xa1: {  	s31 =	sshrl.u32 s7, $0x3;
	s20 =	sadd.s32 $0x1, s20;
	[sflag:s17] =	ssyncset.done $0x0  }
0xa2: {  	p0 =	sne.s32 s20, s14;
	s22 =	sshll.u32 s24, $0x6;
	[sflag:s17] =	ssyncadd.s32 $0xFFFFE0C0  }
.Ltmp2:
0xa3: {  	s22 =	sor.u32 $0x1C06, s22;
	[bflag:$0x0] =	sbarrier.arrive $0xFFFF;
	(pc) =	sbr.rel @p0 .LBB2_1-.Ltmp2, $4  }
0xa4: {  	[hbm:s13], [sflag:s22] =	dma.local [spmem:s31], $0x1400  }
0xa5: {  	_ =	swait.ge [sflag:s17], $0x1400  }
0xa6: {  	[sflag:s17] =	ssyncset.done $0x0  }
0xa7: {  	[sflag:s17] =	ssyncadd.s32 $0xFFFFEC00  }
0xa8: {  	_ =	sfence.sel $0x180000  }
0xa9: {  	[bflag:$0x0] =	sbarrier.arrive $0xFFFF  }
0xaa: {  	_ =	strace $0x9000004A  }
0xab: {  	s0 =	stileid.u32;
	[bflag:$0x2] =	sbarrier.arrive $0xFFFF  }
0xac: {  	p0 =	sne.s32 s0, $0x0;
	s0 =	rddreg [dreg:$0x2]  }
0xad: {  	s0 =	sadd.s32 @!p0 $0x100000, s0  }
0xae: {  	[sflag:s0] =	ssyncadd.tile.s32 @!p0 $0x1;
	_ =	shalt  }
.Lfunc_end2:
_tile_overlayer_lowered:
.L_overlay_start_2:
0xaf: {  	(tag) =	ssettag $0x2  }
0xb0: {  	s0 =	rddreg [dreg:$0x0];
	s2 =	stileid.u32  }
0xb1: {  	s1 =	rddreg [dreg:$0x1];
	p0 =	sne.s32 s2, $0x0  }
0xb2: {  	s3 =	rddreg [dreg:$0x2];
	[bflag:$0x3] =	sbarrier.arrive $0xFFFF;
	s2 =	simm.s32 @!p0 $0x1C06  }
0xb3: {  	[timem:s3], [sflag:s2] =	dma.local @!p0 [hbm:s0], s1  }
0xb4: {  	s0 =	simm.s32 @!p0 $0x6  }
0xb5: {  	_ =	swait.ge @!p0 [sflag:s0], s1  }
0xb6: {  	s1 =	ssub.s32 @!p0 $0x0, s1;
	[sflag:s0] =	ssyncset.done @!p0 $0x0  }
0xb7: {  	[sflag:s0] =	ssyncadd.s32 @!p0 s1  }
0xb8: {  	[bflag:$0x3] =	sbarrier.arrive $0xFFFF  }
0xb9: {  	_ =	shalt  }

// kernel: kernel.15.cloned.1.call-start
scs
__scs_entry_jumppad:
0x0: {  	(pc) =	sbr.rel $0x88, $3  }
0x1: {  	(tag) =	ssettag $0x0;
	lr =	simm.s32 $0x1  }
0x2: {  	[smem:$0x3F92] =	sst lr;
	_ =	strace $0xD0000000  }
0x3: {  	_ = 	snop  }
0x4: {  	_ = 	snop  }
0x5: {  	_ = 	snop  }
0x6: {  	_ = 	snop  }
0x7: {  	_ = 	snop  }
__scs_overlays_trampoline_lowered:
0x8: {  	[smem:$0x3FA1] =	sst s0  }
0x9: {  	[smem:$0x3FA2] =	sst s1  }
0xa: {  	[smem:$0x3FA3] =	sst s2  }
0xb: {  	[smem:$0x3FA4] =	sst s3  }
0xc: {  	[smem:$0x3FA5] =	sst s4  }
0xd: {  	[smem:$0x3FA6] =	sst s5  }
0xe: {  	[smem:$0x3FA7] =	sst s6  }
0xf: {  	[smem:$0x3FA8] =	sst s7  }
0x10: {  	[smem:$0x3FA9] =	sst s8  }
0x11: {  	[smem:$0x3FAA] =	sst s9;
	s0 =	simm.s32 @!p0 $0x0  }
0x12: {  	s1 =	sld [smem:$0x3F90];
	s0 =	simm.s32 @p0 $0x1  }
0x13: {  	[smem:$0x3FAB] =	sst s0;
	s0 =	simm.s32 @!p1 $0x0  }
0x14: {  	s2 =	sld [smem:$0x3F8F];
	s0 =	simm.s32 @p1 $0x1  }
0x15: {  	[smem:$0x3FAC] =	sst s0;
	s0 =	simm.s32 @!p2 $0x0  }
0x16: {  	s3 =	sld [smem:$0x3FDB];
	s0 =	simm.s32 @p2 $0x1  }
0x17: {  	s4 =	simm.s32 $0x1BF5;
	[smem:$0x3FAE] =	sst s0  }
0x18: {  	s0 =	sld [smem:$0x3F91];
	_ =	swait.ge [sflag:s4], $0x0  }
0x19: {  	s7 =	sld [smem:$0x3F92]  }
0x1a: {  	s8 =	sadd.s32 $0xFFFFE003, lr  }
0x1b: {  	s9 =	sadd.s32 $0xFFFFFEF7, lr;
	s5 =	simm.s32 $0xFFFFFFFF;
	p2 =	slt.u32 s8, $0xFFFFF086  }
0x1c: {  	p1 =	slt.u32 s9, $0xF7A;
	s5 =	simm.s32 @!p2 $0x0  }
0x1d: {  	s5 =	simm.s32 @p1 $0x1;
	p0 =	seq.s32 s7, s2  }
0x1e: {  	s7 =	smul.u32 @!p0 $0xF7A, s2;
	p2 =	seq.s32 @!p0 s5, $0x0  }
0x1f: {  	s9 =	smul.u32 $0xF7A, s1;
	s8 =	simm.s32 @!p0 $0x1BF5;
	p2 =	por !p2, p0  }
0x20: {  	[sflag:s8] =	ssyncset.s32 @!p0 $0xFFFFF086;
	s6 =	sadd.s32 @!p0 s3, s7;
	s7 =	simm.s32 @!p0 $0x108  }
0x21: {  	s3 =	sadd.s32 s3, s9;
	s6 =	sadd.s32 @!p0 $0x88, s6;
	s7 =	simm.s32 @p2 $0x1082  }
0x22: {  	[simem:s7], [sflag:s8] =	dma.local @!p0 [hbm:s6], $0xF7A  }
0x23: {  	s9 =	sor.u32 $0xD0000000, s2;
	s6 =	simm.s32 $0x108;
	_ =	swait.ge @!p0 [sflag:s8], $0x0  }
0x24: {  	s3 =	sadd.s32 $0x88, s3;
	s6 =	simm.s32 @!p1 $0x1082;
	[sflag:s4] =	ssyncset.s32 $0xFFFFF086  }
0x25: {  	[simem:s6], [sflag:s4] =	dma.local [hbm:s3], $0xF7A  }
0x26: {  	[smem:$0x3F92] =	sst s1;
	(tag) =	ssettag s2;
	_ =	strace s9  }
0x27: {  	s1 =	sld [smem:$0x3FA2]  }
0x28: {  	s2 =	sld [smem:$0x3FA3]  }
0x29: {  	s4 =	sld [smem:$0x3FA5]  }
0x2a: {  	p0 =	seq.s32 s5, $0x0;
	s5 =	sld [smem:$0x3FA6]  }
0x2b: {  	s6 =	sld [smem:$0x3FA7]  }
0x2c: {  	s7 =	sld [smem:$0x3FA8]  }
0x2d: {  	s3 =	simm.s32 $0x108;
	s8 =	sld [smem:$0x3FA9]  }
0x2e: {  	s3 =	simm.s32 @!p0 $0x1082;
	s9 =	sld [smem:$0x3FAA]  }
0x2f: {  	lr =	sadd.s32 s0, s3;
	s0 =	sld [smem:$0x3FA1]  }
0x30: {  	s3 =	sld [smem:$0x3FA4]  }
0x31: {  	[smem:$0x3FAD] =	sst s10  }
0x32: {  	s10 =	sld [smem:$0x3FAB];
	_ =	sdelay $0x3  }
0x33: {  	p0 =	seq.s32 s10, $0x1;
	s10 =	sld [smem:$0x3FAD];
	_ =	sdelay $0x3  }
0x34: {  	[smem:$0x3FAD] =	sst s10  }
0x35: {  	s10 =	sld [smem:$0x3FAC];
	_ =	sdelay $0x3  }
0x36: {  	p1 =	seq.s32 s10, $0x1;
	s10 =	sld [smem:$0x3FAD];
	_ =	sdelay $0x3  }
0x37: {  	[smem:$0x3FAD] =	sst s10  }
0x38: {  	s10 =	sld [smem:$0x3FAE]  }
0x39: {  	_ = 	snop;
	(pc) =	sbr.ind lr, $3  }
0x3a: {  	_ = 	snop  }
0x3b: {  	_ = 	snop  }
0x3c: {  	p2 =	seq.s32 s10, $0x1;
	s10 =	sld [smem:$0x3FAD]  }
0x3d: {  	_ =	shalt  }
0x3e: {  	_ =	shalt  }
0x3f: {  	_ =	shalt  }
0x40: {  	_ =	shalt  }
0x41: {  	_ =	shalt  }
0x42: {  	_ =	shalt  }
0x43: {  	_ =	shalt  }
0x44: {  	_ =	shalt  }
0x45: {  	_ =	shalt  }
0x46: {  	_ =	shalt  }
0x47: {  	_ =	shalt  }
0x48: {  	_ =	shalt  }
0x49: {  	_ =	shalt  }
0x4a: {  	_ =	shalt  }
0x4b: {  	_ =	shalt  }
0x4c: {  	_ =	shalt  }
0x4d: {  	_ =	shalt  }
0x4e: {  	_ =	shalt  }
0x4f: {  	_ =	shalt  }
0x50: {  	_ =	shalt  }
0x51: {  	_ =	shalt  }
0x52: {  	_ =	shalt  }
0x53: {  	_ =	shalt  }
0x54: {  	_ =	shalt  }
0x55: {  	_ =	shalt  }
0x56: {  	_ =	shalt  }
0x57: {  	_ =	shalt  }
0x58: {  	_ =	shalt  }
0x59: {  	_ =	shalt  }
0x5a: {  	_ =	shalt  }
0x5b: {  	_ =	shalt  }
0x5c: {  	_ =	shalt  }
0x5d: {  	_ =	shalt  }
0x5e: {  	_ =	shalt  }
0x5f: {  	_ =	shalt  }
0x60: {  	_ =	shalt  }
0x61: {  	_ =	shalt  }
0x62: {  	_ =	shalt  }
0x63: {  	_ =	shalt  }
0x64: {  	_ =	shalt  }
0x65: {  	_ =	shalt  }
0x66: {  	_ =	shalt  }
0x67: {  	_ =	shalt  }
0x68: {  	_ =	shalt  }
0x69: {  	_ =	shalt  }
0x6a: {  	_ =	shalt  }
0x6b: {  	_ =	shalt  }
0x6c: {  	_ =	shalt  }
0x6d: {  	_ =	shalt  }
0x6e: {  	_ =	shalt  }
0x6f: {  	_ =	shalt  }
0x70: {  	_ =	shalt  }
0x71: {  	_ =	shalt  }
0x72: {  	_ =	shalt  }
0x73: {  	_ =	shalt  }
0x74: {  	_ =	shalt  }
0x75: {  	_ =	shalt  }
0x76: {  	_ =	shalt  }
0x77: {  	_ =	shalt  }
0x78: {  	_ =	shalt  }
0x79: {  	_ =	shalt  }
0x7a: {  	_ =	shalt  }
0x7b: {  	_ =	shalt  }
0x7c: {  	_ =	shalt  }
0x7d: {  	_ =	shalt  }
0x7e: {  	_ =	shalt  }
0x7f: {  	_ =	shalt  }
0x80: {  	_ =	shalt  }
0x81: {  	_ =	shalt  }
0x82: {  	_ =	shalt  }
0x83: {  	_ =	shalt  }
0x84: {  	_ =	shalt  }
0x85: {  	_ =	shalt  }
0x86: {  	_ =	shalt  }
0x87: {  	_ =	shalt  }
.Lfunc_end0:
.L_simem_size_0:
called_computation.2_lowered:
.L_overlay_start_0:
0x88: {  	s2 =	sld [smem:$0x3FD9]  }
0x89: {  	s3 =	sld [smem:$0x3FFE];
	_ =	sdelay $0x1  }
0x8a: {  	s1 =	srdreg.scid  }
0x8b: {  	s0 =	sand.u32 $0x1, s1  }
0x8c: {  	s17 =	sshll.u32 s0, $0xA;
	s2 =	sadd.s32 s3, s2  }
0x8d: {  	s2 =	sadd.s32 s2, s17  }
0x8e: {  	[smem:$0x3FB9] =	sst s2  }
0x8f: {  	_ = 	snop  }
0x90: {  	s2 =	sld [smem:$0x3FD0];
	(tm) =	ssettm $0x1  }
0x91: {  	s18 =	sld [smem:$0x3FFB];
	_ =	sdelay $0x3  }
0x92: {  	_ =	strace s18  }
0x93: {  	s3 =	sld [smem:$0x3FFC];
	_ =	sdelay $0x3  }
0x94: {  	_ =	strace s3  }
0x95: {  	s3 =	sld [smem:$0x3FFD];
	_ =	sdelay $0x3  }
0x96: {  	_ =	strace s3  }
0x97: {  	_ =	strace $0x8FFFFFFF  }
0x98: {  	s19 =	sld [smem:$0x3FDB];
	_ =	sdelay $0x1  }
0x99: {  	s4 =	simm.s32 $_scs_section_size  }
0x9a: {  	s5 =	simm.s32 $_size__tile_overlayer_lowered;
	s6 =	simm.s32 $_tile_overlayer_lowered  }
0x9b: {  	s22 =	simm.s32 $0x1BFF;
	s21 =	sshll.u32 s6, $0x1;
	s3 =	sadd.s32 s4, s19  }
0x9c: {  	s7 =	simm.s32 $0x0;
	s20 =	sshll.u32 s5, $0x1;
	s5 =	sadd.s32 s21, s3  }
0x9d: {  	[timem:s7], [sflag:s22] =	dma.local [hbm:s5], s20  }
0x9e: {  	_ =	swait.ge [sflag:s22], s20  }
0x9f: {  	s4 =	ssub.s32 $0x0, s20;
	[sflag:s22] =	ssyncset.done $0x0  }
0xa0: {  	[sflag:s22] =	ssyncadd.s32 s4;
	_ =	sdelay $0x1  }
0xa1: {  	s23 =	simm.s32 $0x1B8B  }
0xa2: {  	_ =	swait.ge [sflag:s23], $0x1  }
0xa3: {  	[sflag:s23] =	ssyncset.done $0x0  }
0xa4: {  	s25 =	simm.s32 $0x1B8E;
	s24 =	sld [smem:$0x3FFE];
	[sflag:s23] =	ssyncadd.s32 $0xFFFFFFFF  }
0xa5: {  	s26 =	simm.s32 $execute0_lowered;
	[smem:$0x3FD2] =	sst s25  }
0xa6: {  	s5 =	sshll.u32 s26, $0x1;
	_ =	strace $0x8000004C;
	[dreg:$0x1] =	wrdreg $0xFFFFFFFF  }
0xa7: {  	s28 =	simm.s32 $_size_execute0_lowered;
	s3 =	sadd.s32 s3, s5;
	[dreg:$0x0] =	wrdreg $0x0  }
0xa8: {  	s5 =	sshll.u32 s28, $0x1;
	[dreg:$0x2] =	wrdreg s3  }
0xa9: {  	[dreg:$0x3] =	wrdreg s5  }
0xaa: {  	[dreg:$0x4] =	wrdreg $0xC0  }
0xab: {  	_ =	task [dreg:s7], $0x5FFFF  }
0xac: {  	[dreg:$0x1] =	wrdreg $0xFFFFFFFF  }
0xad: {  	[dreg:$0x0] =	wrdreg $0x60  }
0xae: {  	[dreg:$0x2] =	wrdreg s2  }
0xaf: {  	[dreg:$0x3] =	wrdreg s24  }
0xb0: {  	[dreg:$0x4] =	wrdreg $0xDE800  }
0xb1: {  	[dreg:$0x5] =	wrdreg $0x9  }
0xb2: {  	_ =	task.clear_ibuf [dreg:s7], $0x6FFFF;
	_ =	strace $0x9000004C  }
0xb3: {  	s29 =	simm.s32 $0x9;
	_ =	strace $0x8000004E  }
0xb4: {  	_ =	swait.ge [sflag:s29], $0x1  }
0xb5: {  	[sflag:s29] =	ssyncadd.s32 $0xFFFFFFFF  }
0xb6: {  	_ =	strace $0x9000004E  }
0xb7: {  	_ =	sfence  }
0xb8: {  	s30 =	sld [smem:$0x0];
	_ =	sdelay $0x2  }
0xb9: {  	s31 =	sshll.u32 s1, $0xD;
	s1 =	sshrl.u32 s1, $0x2  }
0xba: {  	s3 =	sand.u32 $0x4000, s31;
	s1 =	sadd.s32 s1, s30  }
0xbb: {  	s0 =	sor.u32 s3, s0;
	s1 =	sshll.u32 s1, $0x11  }
0xbc: {  	s0 =	sor.u32 s1, s0  }
0xbd: {  	s0 =	sadd.s32 $0x8F2B, s0  }
0xbe: {  	[sflag:s0] =	ssyncadd.remote.s32 $0x1  }
0xbf: {  	_ =	sfence.sel $0xFFFF  }
0xc0: {  	[dreg:$0x0] =	wrdreg $0xFFFFFFFF;
	(pc) =	sbr.abs _section_cstart, $3  }
0xc1: {  	[dreg:$0x1] =	wrdreg $0xFFFFFFFF  }
0xc2: {  	_ =	task.clear_ibuf [dreg:s7], $0x2FFFF;
	_ =	strace $0x9FFFFFFF  }
0xc3: {  	(tm) =	ssettm $0x7FFFFFFF  }
tec
execute0_lowered:
.L_overlay_start_1:
0x0: {  	(tag) =	ssettag $0x1  }
0x1: {  	s1 =	rddreg [dreg:$0x0]  }
0x2: {  	s0 =	rddreg [dreg:$0x1];
	s8 =	stileid.u32  }
0x3: {  	s2 =	srdreg.scid;
	s3 =	rddreg [dreg:$0x2]  }
0x4: {  	s4 =	simm.s32 $0x0;
	s16 =	simm.s32 $0xA000;
	s17 =	simm.s32 $0x6  }
0x5: {  	s18 =	simm.s32 $0x1;
	s19 =	simm.s32 $0x7D;
	s21 =	simm.s32 $0xAFA0  }
0x6: {  	s23 =	simm.s32 $0xBF40;
	s25 =	simm.s32 $0xCEE0;
	s26 =	simm.s32 $0x2  }
0x7: {  	s28 =	simm.s32 $0x3;
	s29 =	simm.s32 $0x4;
	s30 =	simm.s32 $0x5  }
0x8: {  	s15 =	simm.s32 $0x9F80;
	s20 =	simm.s32 $0x0;
	s7 =	smul.u32 $0x5000, s8  }
0x9: {  	s2 =	sand.u32 $0x1, s2;
	[smem:$0x7FF] =	sst s4;
	s8 =	smul.u32 $0x14000, s8  }
0xa: {  	s5 =	smul.u32 $0x50000, s2;
	_ =	strace $0x8000004D;
	s2 =	ssub.s32 $0x2, s2  }
0xb: {  	s6 =	sshrl.u32 s7, $0x3;
	s31 =	sshrl.u32 s2, $0x1;
	s8 =	sshrl.u32 s8, $0x2  }
0xc: {  	s5 =	sadd.s32 s7, s5;
	s6 =	sadd.s32 s6, s0;
	s2 =	ssub.s32 s2, s31  }
0xd: {  	s7 =	sadd.s32 s7, s3;
	s12 =	sadd.s32 s8, s3;
	s5 =	sshrl.u32 s5, $0x3  }
0xe: {  	s6 =	sadd.s32 $0x3200, s6;
	s8 =	sadd.s32 $0xFA0, s12;
	s9 =	sadd.s32 $0x1F40, s12  }
0xf: {  	s10 =	sadd.s32 $0x2EE0, s12;
	s11 =	sadd.s32 $0x3E80, s12;
	s12 =	sadd.s32 $0x4060, s12  }
0x10: {  	s14 =	smax.u32 s2, $0x1;
	s2 =	simm.s32 $0x9E80;
	s0 =	sadd.s32 s5, s0  }
0x11: {  	v0 =	vimm.f32 $0.0e+00;
	s5 =	sadd.s32 $0xD200, s0;
	s13 =	sadd.s32 $0x21200, s0;
	s0 =	simm.s32 $0x9F00  }
.LBB2_1:
0x12: {  	[tilespmem:s4], [sflag:$0x1] =	stream.linear.gather [hbm4b:s5+s4], $0x5000, $0x38;
	[tilespmem:$0x12E80] =	vst v63  }
0x13: {  	s22 =	simm.s32 $0x5000  }
0x14: {  	[tilespmem:s22], [sflag:$0x1] =	stream.linear.gather [hbm4b:s6+s4], $0x5000, $0x38;
	[tilespmem:$0x12E80] =	vst v63  }
0x15: {  	s24 =	simm.s32 $0x0;
	s22 =	simm.s32 $0x80  }
.LBB2_2:
0x16: {  	p0 =	sne.s32 s22, $0x3E00;
	[tilespmem:s24+$0xA000] =	vst v0;
	s31 =	smov.u32 s22;
	s22 =	sadd.s32 $0x80, s22  }
.Ltmp0:
0x17: {  	[tilespmem:s24+$0xA010] =	vst v0;
	(pc) =	sbr.rel @p0 .LBB2_2-.Ltmp0, $2  }
0x18: {  	_ =	sdelay $0x2  }
0x19: {  	s24 =	sshra.s32 s31, $0x2  }
0x1a: {  	[tilespmem:s24+$0xA000] =	vst v0  }
0x1b: {  	[tilespmem:s24+$0xA010] =	vst v0  }
0x1c: {  	[spmem:s7] =	stream.linear.scatter [tilespmem:s16], [sflag:$0x6], $0xFA0, $0x38;
	[tilespmem:$0x12E80] =	vst v63  }
0x1d: {  	_ =	swait.ge [sflag:s17], $0xFA0  }
0x1e: {  	[sflag:s17] =	ssyncset.done $0x0  }
0x1f: {  	[sflag:s17] =	ssyncadd.s32 $0xFFFFF060  }
0x20: {  	[spmem:s8] =	stream.linear.scatter [tilespmem:s16], [sflag:$0x6], $0xFA0, $0x38;
	[tilespmem:$0x12E80] =	vst v63  }
0x21: {  	_ =	swait.ge [sflag:s17], $0xFA0  }
0x22: {  	[sflag:s17] =	ssyncset.done $0x0  }
0x23: {  	[sflag:s17] =	ssyncadd.s32 $0xFFFFF060  }
0x24: {  	[spmem:s9] =	stream.linear.scatter [tilespmem:s16], [sflag:$0x6], $0xFA0, $0x38;
	[tilespmem:$0x12E80] =	vst v63  }
0x25: {  	_ =	swait.ge [sflag:s17], $0xFA0  }
0x26: {  	[sflag:s17] =	ssyncset.done $0x0  }
0x27: {  	[sflag:s17] =	ssyncadd.s32 $0xFFFFF060  }
0x28: {  	[spmem:s10] =	stream.linear.scatter [tilespmem:s16], [sflag:$0x6], $0xFA0, $0x38;
	[tilespmem:$0x12E80] =	vst v63  }
0x29: {  	_ =	swait.ge [sflag:s17], $0xFA0  }
0x2a: {  	[sflag:s17] =	ssyncset.done $0x0  }
0x2b: {  	[sflag:s17] =	ssyncadd.s32 $0xFFFFF060  }
0x2c: {  	[spmem:s11] =	stream.linear.scatter [tilespmem:s16], [sflag:$0x6], $0xFA0, $0x38;
	[tilespmem:$0x12E80] =	vst v63  }
0x2d: {  	_ =	swait.ge [sflag:s17], $0xFA0  }
0x2e: {  	[sflag:s17] =	ssyncset.done $0x0  }
0x2f: {  	[sflag:s17] =	ssyncadd.s32 $0xFFFFF060  }
0x30: {  	[spmem:s12] =	stream.linear.scatter [tilespmem:s16], [sflag:$0x6], $0xFA0, $0x38;
	[tilespmem:$0x12E80] =	vst v63  }
0x31: {  	_ =	swait.ge [sflag:s17], $0xFA0  }
0x32: {  	[sflag:s17] =	ssyncset.done $0x0  }
0x33: {  	[sflag:s17] =	ssyncadd.s32 $0xFFFFF060  }
0x34: {  	_ =	swait.ge [sflag:s18], $0x5000  }
0x35: {  	[sflag:s18] =	ssyncset.done $0x0  }
0x36: {  	[sflag:s18] =	ssyncadd.s32 $0xFFFFB000  }
0x37: {  	_ =	swait.ge [sflag:s18], $0x5000  }
0x38: {  	[sflag:s18] =	ssyncset.done $0x0  }
0x39: {  	s22 =	simm.s32 $0x0;
	[sflag:s18] =	ssyncadd.s32 $0xFFFFB000  }
0x3a: {  	[tilespmem:s16], [sflag:$0x2] =	stream.indirect.gather [hbm4b:s1+s19], $0x20, s22, s19, $0xb8;
	[tilespmem:$0x12E80] =	vst v63  }
0x3b: {  	s24 =	simm.s32 $0x80  }
0x3c: {  	[tilespmem:s21], [sflag:$0x3] =	stream.indirect.gather [hbm4b:s1+s19], $0x20, s24, s19, $0xb8;
	[tilespmem:$0x12E80] =	vst v63  }
0x3d: {  	s31 =	simm.s32 $0x100  }
0x3e: {  	[tilespmem:s23], [sflag:$0x4] =	stream.indirect.gather [hbm4b:s1+s19], $0x20, s31, s19, $0xb8;
	[tilespmem:$0x12E80] =	vst v63  }
0x3f: {  	s24 =	simm.s32 $0x180  }
0x40: {  	[tilespmem:s25], [sflag:$0x5] =	stream.indirect.gather [hbm4b:s1+s19], $0x20, s24, s19, $0xb8;
	[tilespmem:$0x12E80] =	vst v63  }
0x41: {  	[bflag:$0x0] =	sbarrier.arrive $0xFFFF  }
0x42: {  	_ =	swait.ge [sflag:s26], $0xFA0  }
0x43: {  	[sflag:s26] =	ssyncset.done $0x0  }
0x44: {  	s31 =	simm.s32 $0x5000;
	[sflag:s26] =	ssyncadd.s32 $0xFFFFF060  }
0x45: {  	[spmem:s3] =	stream.indirect.scatter.add.f32 [tilespmem:s16], [sflag:$0x6], $0x20, s31, s19, $0xb8;
	[tilespmem:$0x12E80] =	vst v63  }
0x46: {  	_ =	swait.ge [sflag:s17], $0xFA0  }
0x47: {  	[sflag:s17] =	ssyncset.done $0x0  }
0x48: {  	s24 =	simm.s32 $0x200;
	[sflag:s17] =	ssyncadd.s32 $0xFFFFF060  }
0x49: {  	[tilespmem:s16], [sflag:$0x2] =	stream.indirect.gather [hbm4b:s1+s19], $0x20, s24, s19, $0xb8;
	[tilespmem:$0x12E80] =	vst v63  }
0x4a: {  	_ =	swait.ge [sflag:s28], $0xFA0  }
0x4b: {  	[sflag:s28] =	ssyncset.done $0x0  }
0x4c: {  	s31 =	simm.s32 $0x5080;
	[sflag:s28] =	ssyncadd.s32 $0xFFFFF060  }
0x4d: {  	[spmem:s3] =	stream.indirect.scatter.add.f32 [tilespmem:s21], [sflag:$0x6], $0x20, s31, s19, $0xb8;
	[tilespmem:$0x12E80] =	vst v63  }
0x4e: {  	_ =	swait.ge [sflag:s17], $0xFA0  }
0x4f: {  	[sflag:s17] =	ssyncset.done $0x0  }
0x50: {  	s24 =	simm.s32 $0x280;
	[sflag:s17] =	ssyncadd.s32 $0xFFFFF060  }
0x51: {  	[tilespmem:s21], [sflag:$0x3] =	stream.indirect.gather [hbm4b:s1+s19], $0x20, s24, s19, $0xb8;
	[tilespmem:$0x12E80] =	vst v63  }
0x52: {  	_ =	swait.ge [sflag:s29], $0xFA0  }
0x53: {  	[sflag:s29] =	ssyncset.done $0x0  }
0x54: {  	s31 =	simm.s32 $0x5100;
	[sflag:s29] =	ssyncadd.s32 $0xFFFFF060  }
0x55: {  	[spmem:s3] =	stream.indirect.scatter.add.f32 [tilespmem:s23], [sflag:$0x6], $0x20, s31, s19, $0xb8;
	[tilespmem:$0x12E80] =	vst v63  }
0x56: {  	_ =	swait.ge [sflag:s17], $0xFA0  }
0x57: {  	[sflag:s17] =	ssyncset.done $0x0  }
0x58: {  	s24 =	simm.s32 $0x300;
	[sflag:s17] =	ssyncadd.s32 $0xFFFFF060  }
0x59: {  	[tilespmem:s23], [sflag:$0x4] =	stream.indirect.gather [hbm4b:s1+s19], $0x20, s24, s19, $0xb8;
	[tilespmem:$0x12E80] =	vst v63  }
0x5a: {  	_ =	swait.ge [sflag:s30], $0xFA0  }
0x5b: {  	[sflag:s30] =	ssyncset.done $0x0  }
0x5c: {  	s31 =	simm.s32 $0x5180;
	[sflag:s30] =	ssyncadd.s32 $0xFFFFF060  }
0x5d: {  	[spmem:s3] =	stream.indirect.scatter.add.f32 [tilespmem:s25], [sflag:$0x6], $0x20, s31, s19, $0xb8;
	[tilespmem:$0x12E80] =	vst v63  }
0x5e: {  	_ =	swait.ge [sflag:s17], $0xFA0  }
0x5f: {  	[sflag:s17] =	ssyncset.done $0x0  }
0x60: {  	s22 =	simm.s32 $0x800;
	s24 =	simm.s32 $0x380;
	[sflag:s17] =	ssyncadd.s32 $0xFFFFF060  }
.LBB2_4:
0x61: {  	[tilespmem:s25], [sflag:$0x5] =	stream.indirect.gather [hbm4b:s1+s19], $0x20, s24, s19, $0xb8;
	[tilespmem:$0x12E80] =	vst v63  }
0x62: {  	s24 =	smov.u32 s22  }
0x63: {  	p0 =	sne.s32 s22, $0x13000;
	s22 =	sadd.s32 $0x800, s22;
	_ =	swait.ge [sflag:s26], $0xFA0  }
0x64: {  	s24 =	sshra.s32 s24, $0x2;
	[sflag:s26] =	ssyncset.done $0x0  }
0x65: {  	s31 =	sadd.s32 $0x5000, s24;
	[sflag:s26] =	ssyncadd.s32 $0xFFFFF060  }
0x66: {  	[spmem:s3] =	stream.indirect.scatter.add.f32 [tilespmem:s16], [sflag:$0x6], $0x20, s31, s19, $0xb8;
	[tilespmem:$0x12E80] =	vst v63  }
0x67: {  	_ =	swait.ge [sflag:s17], $0xFA0  }
0x68: {  	[sflag:s17] =	ssyncset.done $0x0  }
0x69: {  	s31 =	sadd.s32 $0x200, s24;
	[sflag:s17] =	ssyncadd.s32 $0xFFFFF060  }
0x6a: {  	[tilespmem:s16], [sflag:$0x2] =	stream.indirect.gather [hbm4b:s1+s19], $0x20, s31, s19, $0xb8;
	[tilespmem:$0x12E80] =	vst v63  }
0x6b: {  	_ =	swait.ge [sflag:s28], $0xFA0  }
0x6c: {  	[sflag:s28] =	ssyncset.done $0x0  }
0x6d: {  	s31 =	sadd.s32 $0x5080, s24;
	[sflag:s28] =	ssyncadd.s32 $0xFFFFF060  }
0x6e: {  	[spmem:s3] =	stream.indirect.scatter.add.f32 [tilespmem:s21], [sflag:$0x6], $0x20, s31, s19, $0xb8;
	[tilespmem:$0x12E80] =	vst v63  }
0x6f: {  	_ =	swait.ge [sflag:s17], $0xFA0  }
0x70: {  	[sflag:s17] =	ssyncset.done $0x0  }
0x71: {  	s31 =	sadd.s32 $0x280, s24;
	[sflag:s17] =	ssyncadd.s32 $0xFFFFF060  }
0x72: {  	[tilespmem:s21], [sflag:$0x3] =	stream.indirect.gather [hbm4b:s1+s19], $0x20, s31, s19, $0xb8;
	[tilespmem:$0x12E80] =	vst v63  }
0x73: {  	_ =	swait.ge [sflag:s29], $0xFA0  }
0x74: {  	[sflag:s29] =	ssyncset.done $0x0  }
0x75: {  	s31 =	sadd.s32 $0x5100, s24;
	[sflag:s29] =	ssyncadd.s32 $0xFFFFF060  }
0x76: {  	[spmem:s3] =	stream.indirect.scatter.add.f32 [tilespmem:s23], [sflag:$0x6], $0x20, s31, s19, $0xb8;
	[tilespmem:$0x12E80] =	vst v63  }
0x77: {  	_ =	swait.ge [sflag:s17], $0xFA0  }
0x78: {  	[sflag:s17] =	ssyncset.done $0x0  }
0x79: {  	s31 =	sadd.s32 $0x300, s24;
	[sflag:s17] =	ssyncadd.s32 $0xFFFFF060  }
0x7a: {  	[tilespmem:s23], [sflag:$0x4] =	stream.indirect.gather [hbm4b:s1+s19], $0x20, s31, s19, $0xb8;
	[tilespmem:$0x12E80] =	vst v63  }
0x7b: {  	_ =	swait.ge [sflag:s30], $0xFA0  }
0x7c: {  	[sflag:s30] =	ssyncset.done $0x0  }
.Ltmp1:
0x7d: {  	s31 =	sadd.s32 $0x5180, s24;
	[sflag:s30] =	ssyncadd.s32 $0xFFFFF060;
	(pc) =	sbr.rel @p0 .LBB2_4-.Ltmp1, $4  }
0x7e: {  	[spmem:s3] =	stream.indirect.scatter.add.f32 [tilespmem:s25], [sflag:$0x6], $0x20, s31, s19, $0xb8;
	[tilespmem:$0x12E80] =	vst v63  }
0x7f: {  	_ =	swait.ge [sflag:s17], $0xFA0  }
0x80: {  	[sflag:s17] =	ssyncset.done $0x0  }
0x81: {  	s24 =	sadd.s32 $0x380, s24;
	[sflag:s17] =	ssyncadd.s32 $0xFFFFF060  }
0x82: {  	[tilespmem:s25], [sflag:$0x5] =	stream.indirect.gather [hbm4b:s1+s19], $0x20, s24, s19, $0xb8;
	[tilespmem:$0x12E80] =	vst v63  }
0x83: {  	_ =	swait.ge [sflag:s26], $0xFA0  }
0x84: {  	[sflag:s26] =	ssyncset.done $0x0  }
0x85: {  	s22 =	simm.s32 $0x9E00;
	[sflag:s26] =	ssyncadd.s32 $0xFFFFF060  }
0x86: {  	[spmem:s3] =	stream.indirect.scatter.add.f32 [tilespmem:s16], [sflag:$0x6], $0x20, s22, s19, $0xb8;
	[tilespmem:$0x12E80] =	vst v63  }
0x87: {  	_ =	swait.ge [sflag:s17], $0xFA0  }
0x88: {  	[sflag:s17] =	ssyncset.done $0x0  }
0x89: {  	[sflag:s17] =	ssyncadd.s32 $0xFFFFF060  }
0x8a: {  	_ =	swait.ge [sflag:s28], $0xFA0  }
0x8b: {  	[sflag:s28] =	ssyncset.done $0x0  }
0x8c: {  	[sflag:s28] =	ssyncadd.s32 $0xFFFFF060  }
0x8d: {  	[spmem:s3] =	stream.indirect.scatter.add.f32 [tilespmem:s21], [sflag:$0x6], $0x20, s2, s19, $0xb8;
	[tilespmem:$0x12E80] =	vst v63  }
0x8e: {  	_ =	swait.ge [sflag:s17], $0xFA0  }
0x8f: {  	[sflag:s17] =	ssyncset.done $0x0  }
0x90: {  	[sflag:s17] =	ssyncadd.s32 $0xFFFFF060  }
0x91: {  	_ =	swait.ge [sflag:s29], $0xFA0  }
0x92: {  	[sflag:s29] =	ssyncset.done $0x0  }
0x93: {  	[sflag:s29] =	ssyncadd.s32 $0xFFFFF060  }
0x94: {  	[spmem:s3] =	stream.indirect.scatter.add.f32 [tilespmem:s23], [sflag:$0x6], $0x20, s0, s19, $0xb8;
	[tilespmem:$0x12E80] =	vst v63  }
0x95: {  	_ =	swait.ge [sflag:s17], $0xFA0  }
0x96: {  	[sflag:s17] =	ssyncset.done $0x0  }
0x97: {  	[sflag:s17] =	ssyncadd.s32 $0xFFFFF060  }
0x98: {  	_ =	swait.ge [sflag:s30], $0xFA0  }
0x99: {  	[sflag:s30] =	ssyncset.done $0x0  }
0x9a: {  	[sflag:s30] =	ssyncadd.s32 $0xFFFFF060  }
0x9b: {  	[spmem:s3] =	stream.indirect.scatter.add.f32 [tilespmem:s25], [sflag:$0x6], $0x20, s15, s19, $0xb8;
	[tilespmem:$0x12E80] =	vst v63  }
0x9c: {  	s24 =	stileid.u32;
	_ =	swait.ge [sflag:s17], $0xFA0  }
0x9d: {  	s31 =	sshrl.u32 s7, $0x3;
	s20 =	sadd.s32 $0x1, s20;
	[sflag:s17] =	ssyncset.done $0x0  }
0x9e: {  	p0 =	sne.s32 s20, s14;
	s22 =	sshll.u32 s24, $0x6;
	[sflag:s17] =	ssyncadd.s32 $0xFFFFF060  }
.Ltmp2:
0x9f: {  	s22 =	sor.u32 $0x1C06, s22;
	[bflag:$0x0] =	sbarrier.arrive $0xFFFF;
	(pc) =	sbr.rel @p0 .LBB2_1-.Ltmp2, $4  }
0xa0: {  	[hbm:s13], [sflag:s22] =	dma.local [spmem:s31], $0xA00  }
0xa1: {  	_ =	swait.ge [sflag:s17], $0xA00  }
0xa2: {  	[sflag:s17] =	ssyncset.done $0x0  }
0xa3: {  	[sflag:s17] =	ssyncadd.s32 $0xFFFFF600  }
0xa4: {  	_ =	sfence.sel $0x180000  }
0xa5: {  	[bflag:$0x0] =	sbarrier.arrive $0xFFFF  }
0xa6: {  	_ =	strace $0x9000004D  }
0xa7: {  	s0 =	stileid.u32;
	[bflag:$0x2] =	sbarrier.arrive $0xFFFF  }
0xa8: {  	p0 =	sne.s32 s0, $0x0;
	s0 =	rddreg [dreg:$0x3]  }
0xa9: {  	s0 =	sadd.s32 @!p0 $0x100000, s0  }
0xaa: {  	[sflag:s0] =	ssyncadd.tile.s32 @!p0 $0x1;
	_ =	shalt  }
.Lfunc_end2:
_tile_overlayer_lowered:
.L_overlay_start_2:
0xab: {  	(tag) =	ssettag $0x2  }
0xac: {  	s0 =	rddreg [dreg:$0x0];
	s2 =	stileid.u32  }
0xad: {  	s1 =	rddreg [dreg:$0x1];
	p0 =	sne.s32 s2, $0x0  }
0xae: {  	s3 =	rddreg [dreg:$0x2];
	[bflag:$0x3] =	sbarrier.arrive $0xFFFF;
	s2 =	simm.s32 @!p0 $0x1C06  }
0xaf: {  	[timem:s3], [sflag:s2] =	dma.local @!p0 [hbm:s0], s1  }
0xb0: {  	s0 =	simm.s32 @!p0 $0x6  }
0xb1: {  	_ =	swait.ge @!p0 [sflag:s0], s1  }
0xb2: {  	s1 =	ssub.s32 @!p0 $0x0, s1;
	[sflag:s0] =	ssyncset.done @!p0 $0x0  }
0xb3: {  	[sflag:s0] =	ssyncadd.s32 @!p0 s1  }
0xb4: {  	[bflag:$0x3] =	sbarrier.arrive $0xFFFF  }
0xb5: {  	_ =	shalt  }

// kernel: kernel.9.cloned.1.call-start
scs
__scs_entry_jumppad:
0x0: {  	(pc) =	sbr.rel $0x88, $3  }
0x1: {  	(tag) =	ssettag $0x0;
	lr =	simm.s32 $0x1  }
0x2: {  	[smem:$0x3F92] =	sst lr;
	_ =	strace $0xD0000000  }
0x3: {  	_ = 	snop  }
0x4: {  	_ = 	snop  }
0x5: {  	_ = 	snop  }
0x6: {  	_ = 	snop  }
0x7: {  	_ = 	snop  }
__scs_overlays_trampoline_lowered:
0x8: {  	[smem:$0x3FA1] =	sst s0  }
0x9: {  	[smem:$0x3FA2] =	sst s1  }
0xa: {  	[smem:$0x3FA3] =	sst s2  }
0xb: {  	[smem:$0x3FA4] =	sst s3  }
0xc: {  	[smem:$0x3FA5] =	sst s4  }
0xd: {  	[smem:$0x3FA6] =	sst s5  }
0xe: {  	[smem:$0x3FA7] =	sst s6  }
0xf: {  	[smem:$0x3FA8] =	sst s7  }
0x10: {  	[smem:$0x3FA9] =	sst s8  }
0x11: {  	[smem:$0x3FAA] =	sst s9;
	s0 =	simm.s32 @!p0 $0x0  }
0x12: {  	s1 =	sld [smem:$0x3F90];
	s0 =	simm.s32 @p0 $0x1  }
0x13: {  	[smem:$0x3FAB] =	sst s0;
	s0 =	simm.s32 @!p1 $0x0  }
0x14: {  	s2 =	sld [smem:$0x3F8F];
	s0 =	simm.s32 @p1 $0x1  }
0x15: {  	[smem:$0x3FAC] =	sst s0;
	s0 =	simm.s32 @!p2 $0x0  }
0x16: {  	s3 =	sld [smem:$0x3FDB];
	s0 =	simm.s32 @p2 $0x1  }
0x17: {  	s4 =	simm.s32 $0x1BF5;
	[smem:$0x3FAE] =	sst s0  }
0x18: {  	s0 =	sld [smem:$0x3F91];
	_ =	swait.ge [sflag:s4], $0x0  }
0x19: {  	s7 =	sld [smem:$0x3F92]  }
0x1a: {  	s8 =	sadd.s32 $0xFFFFE003, lr  }
0x1b: {  	s9 =	sadd.s32 $0xFFFFFEF7, lr;
	s5 =	simm.s32 $0xFFFFFFFF;
	p2 =	slt.u32 s8, $0xFFFFF086  }
0x1c: {  	p1 =	slt.u32 s9, $0xF7A;
	s5 =	simm.s32 @!p2 $0x0  }
0x1d: {  	s5 =	simm.s32 @p1 $0x1;
	p0 =	seq.s32 s7, s2  }
0x1e: {  	s7 =	smul.u32 @!p0 $0xF7A, s2;
	p2 =	seq.s32 @!p0 s5, $0x0  }
0x1f: {  	s9 =	smul.u32 $0xF7A, s1;
	s8 =	simm.s32 @!p0 $0x1BF5;
	p2 =	por !p2, p0  }
0x20: {  	[sflag:s8] =	ssyncset.s32 @!p0 $0xFFFFF086;
	s6 =	sadd.s32 @!p0 s3, s7;
	s7 =	simm.s32 @!p0 $0x108  }
0x21: {  	s3 =	sadd.s32 s3, s9;
	s6 =	sadd.s32 @!p0 $0x88, s6;
	s7 =	simm.s32 @p2 $0x1082  }
0x22: {  	[simem:s7], [sflag:s8] =	dma.local @!p0 [hbm:s6], $0xF7A  }
0x23: {  	s9 =	sor.u32 $0xD0000000, s2;
	s6 =	simm.s32 $0x108;
	_ =	swait.ge @!p0 [sflag:s8], $0x0  }
0x24: {  	s3 =	sadd.s32 $0x88, s3;
	s6 =	simm.s32 @!p1 $0x1082;
	[sflag:s4] =	ssyncset.s32 $0xFFFFF086  }
0x25: {  	[simem:s6], [sflag:s4] =	dma.local [hbm:s3], $0xF7A  }
0x26: {  	[smem:$0x3F92] =	sst s1;
	(tag) =	ssettag s2;
	_ =	strace s9  }
0x27: {  	s1 =	sld [smem:$0x3FA2]  }
0x28: {  	s2 =	sld [smem:$0x3FA3]  }
0x29: {  	s4 =	sld [smem:$0x3FA5]  }
0x2a: {  	p0 =	seq.s32 s5, $0x0;
	s5 =	sld [smem:$0x3FA6]  }
0x2b: {  	s6 =	sld [smem:$0x3FA7]  }
0x2c: {  	s7 =	sld [smem:$0x3FA8]  }
0x2d: {  	s3 =	simm.s32 $0x108;
	s8 =	sld [smem:$0x3FA9]  }
0x2e: {  	s3 =	simm.s32 @!p0 $0x1082;
	s9 =	sld [smem:$0x3FAA]  }
0x2f: {  	lr =	sadd.s32 s0, s3;
	s0 =	sld [smem:$0x3FA1]  }
0x30: {  	s3 =	sld [smem:$0x3FA4]  }
0x31: {  	[smem:$0x3FAD] =	sst s10  }
0x32: {  	s10 =	sld [smem:$0x3FAB];
	_ =	sdelay $0x3  }
0x33: {  	p0 =	seq.s32 s10, $0x1;
	s10 =	sld [smem:$0x3FAD];
	_ =	sdelay $0x3  }
0x34: {  	[smem:$0x3FAD] =	sst s10  }
0x35: {  	s10 =	sld [smem:$0x3FAC];
	_ =	sdelay $0x3  }
0x36: {  	p1 =	seq.s32 s10, $0x1;
	s10 =	sld [smem:$0x3FAD];
	_ =	sdelay $0x3  }
0x37: {  	[smem:$0x3FAD] =	sst s10  }
0x38: {  	s10 =	sld [smem:$0x3FAE]  }
0x39: {  	_ = 	snop;
	(pc) =	sbr.ind lr, $3  }
0x3a: {  	_ = 	snop  }
0x3b: {  	_ = 	snop  }
0x3c: {  	p2 =	seq.s32 s10, $0x1;
	s10 =	sld [smem:$0x3FAD]  }
0x3d: {  	_ =	shalt  }
0x3e: {  	_ =	shalt  }
0x3f: {  	_ =	shalt  }
0x40: {  	_ =	shalt  }
0x41: {  	_ =	shalt  }
0x42: {  	_ =	shalt  }
0x43: {  	_ =	shalt  }
0x44: {  	_ =	shalt  }
0x45: {  	_ =	shalt  }
0x46: {  	_ =	shalt  }
0x47: {  	_ =	shalt  }
0x48: {  	_ =	shalt  }
0x49: {  	_ =	shalt  }
0x4a: {  	_ =	shalt  }
0x4b: {  	_ =	shalt  }
0x4c: {  	_ =	shalt  }
0x4d: {  	_ =	shalt  }
0x4e: {  	_ =	shalt  }
0x4f: {  	_ =	shalt  }
0x50: {  	_ =	shalt  }
0x51: {  	_ =	shalt  }
0x52: {  	_ =	shalt  }
0x53: {  	_ =	shalt  }
0x54: {  	_ =	shalt  }
0x55: {  	_ =	shalt  }
0x56: {  	_ =	shalt  }
0x57: {  	_ =	shalt  }
0x58: {  	_ =	shalt  }
0x59: {  	_ =	shalt  }
0x5a: {  	_ =	shalt  }
0x5b: {  	_ =	shalt  }
0x5c: {  	_ =	shalt  }
0x5d: {  	_ =	shalt  }
0x5e: {  	_ =	shalt  }
0x5f: {  	_ =	shalt  }
0x60: {  	_ =	shalt  }
0x61: {  	_ =	shalt  }
0x62: {  	_ =	shalt  }
0x63: {  	_ =	shalt  }
0x64: {  	_ =	shalt  }
0x65: {  	_ =	shalt  }
0x66: {  	_ =	shalt  }
0x67: {  	_ =	shalt  }
0x68: {  	_ =	shalt  }
0x69: {  	_ =	shalt  }
0x6a: {  	_ =	shalt  }
0x6b: {  	_ =	shalt  }
0x6c: {  	_ =	shalt  }
0x6d: {  	_ =	shalt  }
0x6e: {  	_ =	shalt  }
0x6f: {  	_ =	shalt  }
0x70: {  	_ =	shalt  }
0x71: {  	_ =	shalt  }
0x72: {  	_ =	shalt  }
0x73: {  	_ =	shalt  }
0x74: {  	_ =	shalt  }
0x75: {  	_ =	shalt  }
0x76: {  	_ =	shalt  }
0x77: {  	_ =	shalt  }
0x78: {  	_ =	shalt  }
0x79: {  	_ =	shalt  }
0x7a: {  	_ =	shalt  }
0x7b: {  	_ =	shalt  }
0x7c: {  	_ =	shalt  }
0x7d: {  	_ =	shalt  }
0x7e: {  	_ =	shalt  }
0x7f: {  	_ =	shalt  }
0x80: {  	_ =	shalt  }
0x81: {  	_ =	shalt  }
0x82: {  	_ =	shalt  }
0x83: {  	_ =	shalt  }
0x84: {  	_ =	shalt  }
0x85: {  	_ =	shalt  }
0x86: {  	_ =	shalt  }
0x87: {  	_ =	shalt  }
.Lfunc_end0:
.L_simem_size_0:
called_computation_lowered:
.L_overlay_start_0:
0x88: {  	s2 =	sld [smem:$0x3FD9]  }
0x89: {  	s3 =	sld [smem:$0x3FFE];
	_ =	sdelay $0x1  }
0x8a: {  	s1 =	srdreg.scid  }
0x8b: {  	s0 =	sand.u32 $0x1, s1  }
0x8c: {  	s17 =	sshll.u32 s0, $0xA;
	s2 =	sadd.s32 s3, s2  }
0x8d: {  	s2 =	sadd.s32 s2, s17  }
0x8e: {  	[smem:$0x3FB9] =	sst s2  }
0x8f: {  	_ = 	snop  }
0x90: {  	s2 =	sld [smem:$0x3FD0];
	(tm) =	ssettm $0x1  }
0x91: {  	s18 =	sld [smem:$0x3FFB];
	_ =	sdelay $0x3  }
0x92: {  	_ =	strace s18  }
0x93: {  	s3 =	sld [smem:$0x3FFC];
	_ =	sdelay $0x3  }
0x94: {  	_ =	strace s3  }
0x95: {  	s3 =	sld [smem:$0x3FFD];
	_ =	sdelay $0x3  }
0x96: {  	_ =	strace s3  }
0x97: {  	_ =	strace $0x8FFFFFFF  }
0x98: {  	s19 =	sld [smem:$0x3FDB];
	_ =	sdelay $0x1  }
0x99: {  	s4 =	simm.s32 $_scs_section_size  }
0x9a: {  	s5 =	simm.s32 $_size__tile_overlayer_lowered;
	s6 =	simm.s32 $_tile_overlayer_lowered  }
0x9b: {  	s22 =	simm.s32 $0x1BFF;
	s21 =	sshll.u32 s6, $0x1;
	s3 =	sadd.s32 s4, s19  }
0x9c: {  	s7 =	simm.s32 $0x0;
	s20 =	sshll.u32 s5, $0x1;
	s5 =	sadd.s32 s21, s3  }
0x9d: {  	[timem:s7], [sflag:s22] =	dma.local [hbm:s5], s20  }
0x9e: {  	_ =	swait.ge [sflag:s22], s20  }
0x9f: {  	s4 =	ssub.s32 $0x0, s20;
	[sflag:s22] =	ssyncset.done $0x0  }
0xa0: {  	[sflag:s22] =	ssyncadd.s32 s4;
	_ =	sdelay $0x1  }
0xa1: {  	s23 =	simm.s32 $0x1B8B  }
0xa2: {  	_ =	swait.ge [sflag:s23], $0x1  }
0xa3: {  	[sflag:s23] =	ssyncset.done $0x0  }
0xa4: {  	s25 =	simm.s32 $0x1B8E;
	s24 =	sld [smem:$0x3FFE];
	[sflag:s23] =	ssyncadd.s32 $0xFFFFFFFF  }
0xa5: {  	s26 =	simm.s32 $execute0_lowered;
	[smem:$0x3FD2] =	sst s25  }
0xa6: {  	s5 =	sshll.u32 s26, $0x1;
	_ =	strace $0x80000046;
	[dreg:$0x1] =	wrdreg $0xFFFFFFFF  }
0xa7: {  	s28 =	simm.s32 $_size_execute0_lowered;
	s3 =	sadd.s32 s3, s5;
	[dreg:$0x0] =	wrdreg $0x0  }
0xa8: {  	s5 =	sshll.u32 s28, $0x1;
	[dreg:$0x2] =	wrdreg s3  }
0xa9: {  	[dreg:$0x3] =	wrdreg s5  }
0xaa: {  	[dreg:$0x4] =	wrdreg $0xC0  }
0xab: {  	_ =	task [dreg:s7], $0x5FFFF  }
0xac: {  	[dreg:$0x1] =	wrdreg $0xFFFFFFFF  }
0xad: {  	[dreg:$0x0] =	wrdreg $0x60  }
0xae: {  	[dreg:$0x2] =	wrdreg s24  }
0xaf: {  	[dreg:$0x3] =	wrdreg s2  }
0xb0: {  	[dreg:$0x4] =	wrdreg $0x11D000  }
0xb1: {  	[dreg:$0x5] =	wrdreg $0x1CCD00  }
0xb2: {  	[dreg:$0x6] =	wrdreg $0x9  }
0xb3: {  	_ =	task.clear_ibuf [dreg:s7], $0x7FFFF;
	_ =	strace $0x90000046  }
0xb4: {  	s29 =	simm.s32 $0x9;
	_ =	strace $0x80000048  }
0xb5: {  	_ =	swait.ge [sflag:s29], $0x1  }
0xb6: {  	[sflag:s29] =	ssyncadd.s32 $0xFFFFFFFF  }
0xb7: {  	_ =	strace $0x90000048  }
0xb8: {  	_ =	sfence  }
0xb9: {  	s30 =	sld [smem:$0x0];
	_ =	sdelay $0x2  }
0xba: {  	s31 =	sshll.u32 s1, $0xD;
	s1 =	sshrl.u32 s1, $0x2  }
0xbb: {  	s3 =	sand.u32 $0x4000, s31;
	s1 =	sadd.s32 s1, s30  }
0xbc: {  	s0 =	sor.u32 s3, s0;
	s1 =	sshll.u32 s1, $0x11  }
0xbd: {  	s0 =	sor.u32 s1, s0  }
0xbe: {  	s0 =	sadd.s32 $0x8F2B, s0  }
0xbf: {  	[sflag:s0] =	ssyncadd.remote.s32 $0x1  }
0xc0: {  	_ =	sfence.sel $0xFFFF  }
0xc1: {  	[dreg:$0x0] =	wrdreg $0xFFFFFFFF;
	(pc) =	sbr.abs _section_cstart, $3  }
0xc2: {  	[dreg:$0x1] =	wrdreg $0xFFFFFFFF  }
0xc3: {  	_ =	task.clear_ibuf [dreg:s7], $0x2FFFF;
	_ =	strace $0x9FFFFFFF  }
0xc4: {  	(tm) =	ssettm $0x7FFFFFFF  }
0xc5: {  	_ =	shalt  }
tec
execute0_lowered:
.L_overlay_start_1:
0x0: {  	(tag) =	ssettag $0x1  }
0x1: {  	s0 =	rddreg [dreg:$0x0]  }
0x2: {  	s1 =	rddreg [dreg:$0x1]  }
0x3: {  	s3 =	srdreg.scid;
	s12 =	stileid.u32  }
0x4: {  	s2 =	rddreg [dreg:$0x2];
	s6 =	smul.u32 $0x5000, s12  }
0x5: {  	s8 =	simm.s32 $0x0;
	s28 =	simm.s32 $0x7D;
	s7 =	smul.u32 $0xA000, s12  }
0x6: {  	s30 =	simm.s32 $0xBF40;
	s29 =	simm.s32 $0xFDC0;
	s11 =	smul.u32 $0x28000, s12  }
0x7: {  	s4 =	sand.u32 $0x1, s3;
	s3 =	rddreg [dreg:$0x3];
	s19 =	smul.u32 $0x2800, s12  }
0x8: {  	s31 =	simm.s32 $0x2;
	[smem:$0x7FF] =	sst s8;
	s5 =	smul.u32 $0x50000, s4  }
0x9: {  	s9 =	smul.u32 $0xA0000, s4;
	_ =	strace $0x80000047;
	s10 =	ssub.s32 $0x2, s4  }
0xa: {  	s21 =	smul.u32 $0x28000, s4;
	p0 =	sne.s32 s4, $0x0;
	p1 =	seq.s32 s4, $0x0  }
0xb: {  	s4 =	simm.s32 $0x5;
	s15 =	sshrl.u32 s10, $0x1;
	s16 =	sshrl.u32 s11, $0x2  }
0xc: {  	s14 =	sadd.s32 s6, s5;
	s5 =	sadd.s32 $0x21200, s0;
	s6 =	sshrl.u32 s6, $0x3  }
0xd: {  	s9 =	sadd.s32 s7, s9;
	s17 =	sadd.s32 s16, s2;
	s24 =	sadd.s32 s19, s21  }
0xe: {  	s8 =	sshrl.u32 s14, $0x3;
	s9 =	sshrl.u32 s9, $0x3;
	s18 =	sadd.s32 $0x3E80, s17  }
0xf: {  	s6 =	sadd.s32 s6, s0;
	s20 =	sadd.s32 $0x5DC0, s17;
	[dreg:$0x8] =	wrdreg s18  }
0x10: {  	s22 =	sadd.s32 $0x7D00, s17;
	s8 =	sadd.s32 s8, s0;
	[dreg:$0x9] =	wrdreg s20  }
0x11: {  	s0 =	sadd.s32 s9, s0;
	s6 =	sadd.s32 $0x3200, s6;
	[dreg:$0xa] =	wrdreg s22  }
0x12: {  	s9 =	ssub.s32 s10, s15;
	s10 =	sadd.s32 $0x1F40, s17;
	[dreg:$0x6] =	wrdreg s6  }
0x13: {  	s8 =	sadd.s32 $0xD200, s8;
	[dreg:$0x7] =	wrdreg s10;
	s6 =	sadd.s32 $0x80C0, s17  }
0x14: {  	[dreg:$0x5] =	wrdreg s8;
	s8 =	sadd.s32 s7, s2;
	s7 =	sshrl.u32 s7, $0x2  }
0x15: {  	s0 =	sadd.s32 $0x48400, s0;
	[dreg:$0xb] =	wrdreg s6;
	s23 =	sadd.s32 s7, s3  }
0x16: {  	s14 =	sadd.s32 s19, s3;
	[dreg:$0x10] =	wrdreg s0;
	s7 =	sadd.s32 $0x800, s23  }
0x17: {  	s22 =	simm.s32 $0x3;
	s25 =	sadd.s32 $0x1000, s23;
	[dreg:$0xc] =	wrdreg s7  }
0x18: {  	s21 =	smax.u32 s9, $0x1;
	s26 =	sadd.s32 $0x1800, s23;
	[dreg:$0xd] =	wrdreg s25  }
0x19: {  	s0 =	simm.s32 $0x4;
	s6 =	sadd.s32 $0x2000, s23;
	[dreg:$0xe] =	wrdreg s26  }
0x1a: {  	s23 =	simm.s32 $0xA000;
	s7 =	sshrl.u32 s24, $0x3;
	[dreg:$0xf] =	wrdreg s6  }
0x1b: {  	s24 =	simm.s32 $0x6;
	s25 =	simm.s32 $0x1C4D0;
	s26 =	simm.s32 $0x1  }
0x1c: {  	v0 =	vimm.f32 $0.0e+00;
	v1 =	vimm.f32 $1.000000000e+00;
	s6 =	simm.s32 $0x0;
	s20 =	sadd.s32 s1, s7;
	s1 =	simm.s32 $0xDE80  }
.LBB2_1:
0x1d: {  	s7 =	simm.s32 $0x0;
	s9 =	rddreg [dreg:$0x5]  }
0x1e: {  	[tilespmem:s7], [sflag:$0x1] =	stream.linear.gather [hbm4b:s9+s7], $0x5000, $0x38;
	[tilespmem:$0x1F4D0] =	vst v63  }
0x1f: {  	s19 =	rddreg [dreg:$0x6];
	s10 =	simm.s32 $0x5000  }
0x20: {  	[tilespmem:s10], [sflag:$0x1] =	stream.linear.gather [hbm4b:s19+s7], $0x5000, $0x38;
	[tilespmem:$0x1F4D0] =	vst v63  }
0x21: {  	s9 =	simm.s32 $0x100;
	s7 =	simm.s32 $0x0  }
.LBB2_2:
0x22: {  	p2 =	sne.s32 s9, $0x7C00;
	[tilespmem:s7+$0xA030] =	vst v0;
	s10 =	smov.u32 s9;
	s9 =	sadd.s32 $0x100, s9  }
.Ltmp0:
0x23: {  	[tilespmem:s7+$0xA020] =	vst v0;
	(pc) =	sbr.rel @p2 .LBB2_2-.Ltmp0, $3  }
0x24: {  	[tilespmem:s7+$0xA000] =	vst v0  }
0x25: {  	[tilespmem:s7+$0xA010] =	vst v0;
	_ =	sdelay $0x1  }
0x26: {  	s7 =	sshra.s32 s10, $0x2  }
0x27: {  	[tilespmem:s7+$0xA030] =	vst v0  }
0x28: {  	[tilespmem:s7+$0xA020] =	vst v0  }
0x29: {  	[tilespmem:s7+$0xA000] =	vst v0  }
0x2a: {  	[tilespmem:s7+$0xA010] =	vst v0  }
0x2b: {  	[spmem:s8] =	stream.linear.scatter [tilespmem:s23], [sflag:$0x6], $0x1F40, $0x38;
	[tilespmem:$0x1F4D0] =	vst v63  }
0x2c: {  	_ =	swait.ge [sflag:s24], $0x1F40  }
0x2d: {  	[sflag:s24] =	ssyncset.done $0x0  }
0x2e: {  	s15 =	rddreg [dreg:$0x7];
	[sflag:s24] =	ssyncadd.s32 $0xFFFFE0C0  }
0x2f: {  	[spmem:s15] =	stream.linear.scatter [tilespmem:s23], [sflag:$0x6], $0x1F40, $0x38;
	[tilespmem:$0x1F4D0] =	vst v63  }
0x30: {  	_ =	swait.ge [sflag:s24], $0x1F40  }
0x31: {  	[sflag:s24] =	ssyncset.done $0x0  }
0x32: {  	s16 =	rddreg [dreg:$0x8];
	[sflag:s24] =	ssyncadd.s32 $0xFFFFE0C0  }
0x33: {  	[spmem:s16] =	stream.linear.scatter [tilespmem:s23], [sflag:$0x6], $0x1F40, $0x38;
	[tilespmem:$0x1F4D0] =	vst v63  }
0x34: {  	_ =	swait.ge [sflag:s24], $0x1F40  }
0x35: {  	[sflag:s24] =	ssyncset.done $0x0  }
0x36: {  	s17 =	rddreg [dreg:$0x9];
	[sflag:s24] =	ssyncadd.s32 $0xFFFFE0C0  }
0x37: {  	[spmem:s17] =	stream.linear.scatter [tilespmem:s23], [sflag:$0x6], $0x1F40, $0x38;
	[tilespmem:$0x1F4D0] =	vst v63  }
0x38: {  	_ =	swait.ge [sflag:s24], $0x1F40  }
0x39: {  	[sflag:s24] =	ssyncset.done $0x0  }
0x3a: {  	s18 =	rddreg [dreg:$0xa];
	[sflag:s24] =	ssyncadd.s32 $0xFFFFE0C0  }
0x3b: {  	[spmem:s18] =	stream.linear.scatter [tilespmem:s23], [sflag:$0x6], $0x1F40, $0x38;
	[tilespmem:$0x1F4D0] =	vst v63  }
0x3c: {  	_ =	swait.ge [sflag:s24], $0x1F40  }
0x3d: {  	[sflag:s24] =	ssyncset.done $0x0  }
0x3e: {  	s19 =	rddreg [dreg:$0xb];
	[sflag:s24] =	ssyncadd.s32 $0xFFFFE0C0  }
0x3f: {  	[spmem:s19] =	stream.linear.scatter [tilespmem:s23], [sflag:$0x6], $0x1F40, $0x38;
	[tilespmem:$0x1F4D0] =	vst v63  }
0x40: {  	_ =	swait.ge [sflag:s24], $0x1F40  }
0x41: {  	[sflag:s24] =	ssyncset.done $0x0  }
0x42: {  	s7 =	simm.s32 $0x40;
	s9 =	simm.s32 $0x0;
	[sflag:s24] =	ssyncadd.s32 $0xFFFFE0C0  }
.LBB2_4:
0x43: {  	p2 =	sne.s32 s7, $0x1FC0;
	[tilespmem:s9+$0x1C4D0] =	vst v0;
	s9 =	smov.u32 s7;
	s7 =	sadd.s32 $0x40, s7  }
.Ltmp1:
0x44: {  	(pc) =	sbr.rel @p2 .LBB2_4-.Ltmp1, $2  }
0x45: {  	_ =	sdelay $0x2  }
0x46: {  	s9 =	sshra.s32 s9, $0x2  }
0x47: {  	[tilespmem:s9+$0x1C4D0] =	vst v0  }
0x48: {  	[spmem:s14] =	stream.linear.scatter [tilespmem:s25], [sflag:$0x6], $0x800, $0x38;
	[tilespmem:$0x1F4D0] =	vst v63  }
0x49: {  	_ =	swait.ge [sflag:s24], $0x800  }
0x4a: {  	[sflag:s24] =	ssyncset.done $0x0  }
0x4b: {  	s7 =	rddreg [dreg:$0xc];
	[sflag:s24] =	ssyncadd.s32 $0xFFFFF800  }
0x4c: {  	[spmem:s7] =	stream.linear.scatter [tilespmem:s25], [sflag:$0x6], $0x800, $0x38;
	[tilespmem:$0x1F4D0] =	vst v63  }
0x4d: {  	_ =	swait.ge [sflag:s24], $0x800  }
0x4e: {  	[sflag:s24] =	ssyncset.done $0x0  }
0x4f: {  	s9 =	rddreg [dreg:$0xd];
	[sflag:s24] =	ssyncadd.s32 $0xFFFFF800  }
0x50: {  	[spmem:s9] =	stream.linear.scatter [tilespmem:s25], [sflag:$0x6], $0x800, $0x38;
	[tilespmem:$0x1F4D0] =	vst v63  }
0x51: {  	_ =	swait.ge [sflag:s24], $0x800  }
0x52: {  	[sflag:s24] =	ssyncset.done $0x0  }
0x53: {  	s10 =	rddreg [dreg:$0xe];
	[sflag:s24] =	ssyncadd.s32 $0xFFFFF800  }
0x54: {  	[spmem:s10] =	stream.linear.scatter [tilespmem:s25], [sflag:$0x6], $0x800, $0x38;
	[tilespmem:$0x1F4D0] =	vst v63  }
0x55: {  	_ =	swait.ge [sflag:s24], $0x800  }
0x56: {  	[sflag:s24] =	ssyncset.done $0x0  }
0x57: {  	s11 =	rddreg [dreg:$0xf];
	[sflag:s24] =	ssyncadd.s32 $0xFFFFF800  }
0x58: {  	[spmem:s11] =	stream.linear.scatter [tilespmem:s25], [sflag:$0x6], $0x800, $0x38;
	[tilespmem:$0x1F4D0] =	vst v63  }
0x59: {  	_ =	swait.ge [sflag:s24], $0x800  }
0x5a: {  	[sflag:s24] =	ssyncset.done $0x0  }
0x5b: {  	[sflag:s24] =	ssyncadd.s32 $0xFFFFF800  }
0x5c: {  	[tilespmem:$0x1BD00] =	vst v1  }
0x5d: {  	[tilespmem:$0x1BD10] =	vst v1  }
0x5e: {  	[tilespmem:$0x1BD20] =	vst v1  }
0x5f: {  	[tilespmem:$0x1BD30] =	vst v1  }
0x60: {  	[tilespmem:$0x1BD40] =	vst v1  }
0x61: {  	[tilespmem:$0x1BD50] =	vst v1  }
0x62: {  	[tilespmem:$0x1BD60] =	vst v1  }
0x63: {  	[tilespmem:$0x1BD70] =	vst v1  }
0x64: {  	[tilespmem:$0x1BD80] =	vst v1  }
0x65: {  	[tilespmem:$0x1BD90] =	vst v1  }
0x66: {  	[tilespmem:$0x1BDA0] =	vst v1  }
0x67: {  	[tilespmem:$0x1BDB0] =	vst v1  }
0x68: {  	[tilespmem:$0x1BDC0] =	vst v1  }
0x69: {  	[tilespmem:$0x1BDD0] =	vst v1  }
0x6a: {  	[tilespmem:$0x1BDE0] =	vst v1  }
0x6b: {  	[tilespmem:$0x1BDF0] =	vst v1  }
0x6c: {  	[tilespmem:$0x1BE00] =	vst v1  }
0x6d: {  	[tilespmem:$0x1BE10] =	vst v1  }
0x6e: {  	[tilespmem:$0x1BE20] =	vst v1  }
0x6f: {  	[tilespmem:$0x1BE30] =	vst v1  }
0x70: {  	[tilespmem:$0x1BE40] =	vst v1  }
0x71: {  	[tilespmem:$0x1BE50] =	vst v1  }
0x72: {  	[tilespmem:$0x1BE60] =	vst v1  }
0x73: {  	[tilespmem:$0x1BE70] =	vst v1  }
0x74: {  	[tilespmem:$0x1BE80] =	vst v1  }
0x75: {  	[tilespmem:$0x1BE90] =	vst v1  }
0x76: {  	[tilespmem:$0x1BEA0] =	vst v1  }
0x77: {  	[tilespmem:$0x1BEB0] =	vst v1  }
0x78: {  	[tilespmem:$0x1BEC0] =	vst v1  }
0x79: {  	[tilespmem:$0x1BED0] =	vst v1  }
0x7a: {  	[tilespmem:$0x1BEE0] =	vst v1  }
0x7b: {  	[tilespmem:$0x1BEF0] =	vst v1  }
0x7c: {  	[tilespmem:$0x1BF00] =	vst v1  }
0x7d: {  	[tilespmem:$0x1BF10] =	vst v1  }
0x7e: {  	[tilespmem:$0x1BF20] =	vst v1  }
0x7f: {  	[tilespmem:$0x1BF30] =	vst v1  }
0x80: {  	[tilespmem:$0x1BF40] =	vst v1  }
0x81: {  	[tilespmem:$0x1BF50] =	vst v1  }
0x82: {  	[tilespmem:$0x1BF60] =	vst v1  }
0x83: {  	[tilespmem:$0x1BF70] =	vst v1  }
0x84: {  	[tilespmem:$0x1BF80] =	vst v1  }
0x85: {  	[tilespmem:$0x1BF90] =	vst v1  }
0x86: {  	[tilespmem:$0x1BFA0] =	vst v1  }
0x87: {  	[tilespmem:$0x1BFB0] =	vst v1  }
0x88: {  	[tilespmem:$0x1BFC0] =	vst v1  }
0x89: {  	[tilespmem:$0x1BFD0] =	vst v1  }
0x8a: {  	[tilespmem:$0x1BFE0] =	vst v1  }
0x8b: {  	[tilespmem:$0x1BFF0] =	vst v1  }
0x8c: {  	[tilespmem:$0x1C000] =	vst v1  }
0x8d: {  	[tilespmem:$0x1C010] =	vst v1  }
0x8e: {  	[tilespmem:$0x1C020] =	vst v1  }
0x8f: {  	[tilespmem:$0x1C030] =	vst v1  }
0x90: {  	[tilespmem:$0x1C040] =	vst v1  }
0x91: {  	[tilespmem:$0x1C050] =	vst v1  }
0x92: {  	[tilespmem:$0x1C060] =	vst v1  }
0x93: {  	[tilespmem:$0x1C070] =	vst v1  }
0x94: {  	[tilespmem:$0x1C080] =	vst v1  }
0x95: {  	[tilespmem:$0x1C090] =	vst v1  }
0x96: {  	[tilespmem:$0x1C0A0] =	vst v1  }
0x97: {  	[tilespmem:$0x1C0B0] =	vst v1  }
0x98: {  	[tilespmem:$0x1C0C0] =	vst v1  }
0x99: {  	[tilespmem:$0x1C0D0] =	vst v1  }
0x9a: {  	[tilespmem:$0x1C0E0] =	vst v1  }
0x9b: {  	[tilespmem:$0x1C0F0] =	vst v1  }
0x9c: {  	[tilespmem:$0x1C100] =	vst v1  }
0x9d: {  	[tilespmem:$0x1C110] =	vst v1  }
0x9e: {  	[tilespmem:$0x1C120] =	vst v1  }
0x9f: {  	[tilespmem:$0x1C130] =	vst v1  }
0xa0: {  	[tilespmem:$0x1C140] =	vst v1  }
0xa1: {  	[tilespmem:$0x1C150] =	vst v1  }
0xa2: {  	[tilespmem:$0x1C160] =	vst v1  }
0xa3: {  	[tilespmem:$0x1C170] =	vst v1  }
0xa4: {  	[tilespmem:$0x1C180] =	vst v1  }
0xa5: {  	[tilespmem:$0x1C190] =	vst v1  }
0xa6: {  	[tilespmem:$0x1C1A0] =	vst v1  }
0xa7: {  	[tilespmem:$0x1C1B0] =	vst v1  }
0xa8: {  	[tilespmem:$0x1C1C0] =	vst v1  }
0xa9: {  	[tilespmem:$0x1C1D0] =	vst v1  }
0xaa: {  	[tilespmem:$0x1C1E0] =	vst v1  }
0xab: {  	[tilespmem:$0x1C1F0] =	vst v1  }
0xac: {  	[tilespmem:$0x1C200] =	vst v1  }
0xad: {  	[tilespmem:$0x1C210] =	vst v1  }
0xae: {  	[tilespmem:$0x1C220] =	vst v1  }
0xaf: {  	[tilespmem:$0x1C230] =	vst v1  }
0xb0: {  	[tilespmem:$0x1C240] =	vst v1  }
0xb1: {  	[tilespmem:$0x1C250] =	vst v1  }
0xb2: {  	[tilespmem:$0x1C260] =	vst v1  }
0xb3: {  	[tilespmem:$0x1C270] =	vst v1  }
0xb4: {  	[tilespmem:$0x1C280] =	vst v1  }
0xb5: {  	[tilespmem:$0x1C290] =	vst v1  }
0xb6: {  	[tilespmem:$0x1C2A0] =	vst v1  }
0xb7: {  	[tilespmem:$0x1C2B0] =	vst v1  }
0xb8: {  	[tilespmem:$0x1C2C0] =	vst v1  }
0xb9: {  	[tilespmem:$0x1C2D0] =	vst v1  }
0xba: {  	[tilespmem:$0x1C2E0] =	vst v1  }
0xbb: {  	[tilespmem:$0x1C2F0] =	vst v1  }
0xbc: {  	[tilespmem:$0x1C300] =	vst v1  }
0xbd: {  	[tilespmem:$0x1C310] =	vst v1  }
0xbe: {  	[tilespmem:$0x1C320] =	vst v1  }
0xbf: {  	[tilespmem:$0x1C330] =	vst v1  }
0xc0: {  	[tilespmem:$0x1C340] =	vst v1  }
0xc1: {  	[tilespmem:$0x1C350] =	vst v1  }
0xc2: {  	[tilespmem:$0x1C360] =	vst v1  }
0xc3: {  	[tilespmem:$0x1C370] =	vst v1  }
0xc4: {  	[tilespmem:$0x1C380] =	vst v1  }
0xc5: {  	[tilespmem:$0x1C390] =	vst v1  }
0xc6: {  	[tilespmem:$0x1C3A0] =	vst v1  }
0xc7: {  	[tilespmem:$0x1C3B0] =	vst v1  }
0xc8: {  	[tilespmem:$0x1C3C0] =	vst v1  }
0xc9: {  	[tilespmem:$0x1C3D0] =	vst v1  }
0xca: {  	[tilespmem:$0x1C3E0] =	vst v1  }
0xcb: {  	[tilespmem:$0x1C3F0] =	vst v1  }
0xcc: {  	[tilespmem:$0x1C400] =	vst v1  }
0xcd: {  	[tilespmem:$0x1C410] =	vst v1  }
0xce: {  	[tilespmem:$0x1C420] =	vst v1  }
0xcf: {  	[tilespmem:$0x1C430] =	vst v1  }
0xd0: {  	[tilespmem:$0x1C440] =	vst v1  }
0xd1: {  	[tilespmem:$0x1C450] =	vst v1  }
0xd2: {  	[tilespmem:$0x1C460] =	vst v1  }
0xd3: {  	[tilespmem:$0x1C470] =	vst v1  }
0xd4: {  	[tilespmem:$0x1C480] =	vst v1  }
0xd5: {  	[tilespmem:$0x1C490] =	vst v1  }
0xd6: {  	[tilespmem:$0x1C4A0] =	vst v1  }
0xd7: {  	[tilespmem:$0x1C4B0] =	vst v1  }
0xd8: {  	[tilespmem:$0x1C4C0] =	vst v1  }
0xd9: {  	_ =	swait.ge [sflag:s26], $0x5000  }
0xda: {  	[sflag:s26] =	ssyncset.done $0x0  }
0xdb: {  	[sflag:s26] =	ssyncadd.s32 $0xFFFFB000  }
0xdc: {  	_ =	swait.ge [sflag:s26], $0x5000  }
0xdd: {  	[sflag:s26] =	ssyncset.done $0x0  }
0xde: {  	s12 =	simm.s32 $0x0;
	[sflag:s26] =	ssyncadd.s32 $0xFFFFB000  }
0xdf: {  	[tilespmem:s23], [sflag:$0x2] =	stream.indirect.gather [hbm4b:s5+s28], $0x40, s12, s28, $0xb8;
	[tilespmem:$0x1F4D0] =	vst v63  }
0xe0: {  	s13 =	simm.s32 $0x80  }
0xe1: {  	[tilespmem:s30], [sflag:$0x3] =	stream.indirect.gather [hbm4b:s5+s28], $0x40, s13, s28, $0xb8;
	[tilespmem:$0x1F4D0] =	vst v63  }
0xe2: {  	s15 =	simm.s32 $0x100  }
0xe3: {  	[tilespmem:s1], [sflag:$0x4] =	stream.indirect.gather [hbm4b:s5+s28], $0x40, s15, s28, $0xb8;
	[tilespmem:$0x1F4D0] =	vst v63  }
0xe4: {  	s16 =	simm.s32 $0x180  }
0xe5: {  	[tilespmem:s29], [sflag:$0x5] =	stream.indirect.gather [hbm4b:s5+s28], $0x40, s16, s28, $0xb8;
	[tilespmem:$0x1F4D0] =	vst v63  }
0xe6: {  	[bflag:$0x0] =	sbarrier.arrive $0xFFFF  }
0xe7: {  	_ =	swait.ge [sflag:s31], $0x1F40  }
0xe8: {  	s7 =	simm.s32 @!p0 $0x6;
	s9 =	simm.s32 @!p0 $0x7D;
	[sflag:s31] =	ssyncset.done $0x0  }
0xe9: {  	s10 =	simm.s32 @!p0 $0x1BD00;
	s11 =	simm.s32 @!p0 $0x5000;
	[sflag:s31] =	ssyncadd.s32 $0xFFFFE0C0  }
0xea: {  	[spmem:s3] =	stream.indirect.scatter.add.f32 @!p0 [tilespmem:s10], [sflag:$0x6], $0x10, s11, s9, $0xb8;
	[tilespmem:$0x1F4D0] =	vst v63  }
0xeb: {  	_ =	swait.ge @!p0 [sflag:s7], $0x7D0  }
0xec: {  	[sflag:s7] =	ssyncset.done @!p0 $0x0  }
0xed: {  	s17 =	simm.s32 $0x5000;
	[sflag:s7] =	ssyncadd.s32 @!p0 $0xFFFFF830  }
0xee: {  	[spmem:s2] =	stream.indirect.scatter.add.f32 [tilespmem:s23], [sflag:$0x6], $0x40, s17, s28, $0xb8;
	[tilespmem:$0x1F4D0] =	vst v63  }
0xef: {  	_ =	swait.ge [sflag:s24], $0x1F40  }
0xf0: {  	[sflag:s24] =	ssyncset.done $0x0  }
0xf1: {  	s18 =	simm.s32 $0x200;
	[sflag:s24] =	ssyncadd.s32 $0xFFFFE0C0  }
0xf2: {  	[tilespmem:s23], [sflag:$0x2] =	stream.indirect.gather [hbm4b:s5+s28], $0x40, s18, s28, $0xb8;
	[tilespmem:$0x1F4D0] =	vst v63  }
0xf3: {  	_ =	swait.ge [sflag:s22], $0x1F40  }
0xf4: {  	s12 =	simm.s32 @!p1 $0x1BD00;
	s13 =	simm.s32 @!p1 $0x7D;
	[sflag:s22] =	ssyncset.done $0x0  }
0xf5: {  	s15 =	simm.s32 @!p1 $0x5080;
	s11 =	simm.s32 @!p1 $0x6;
	[sflag:s22] =	ssyncadd.s32 $0xFFFFE0C0  }
0xf6: {  	[spmem:s3] =	stream.indirect.scatter.add.f32 @!p1 [tilespmem:s12], [sflag:$0x6], $0x10, s15, s13, $0xb8;
	[tilespmem:$0x1F4D0] =	vst v63  }
0xf7: {  	_ =	swait.ge @!p1 [sflag:s11], $0x7D0  }
0xf8: {  	[sflag:s11] =	ssyncset.done @!p1 $0x0  }
0xf9: {  	s19 =	simm.s32 $0x5080;
	[sflag:s11] =	ssyncadd.s32 @!p1 $0xFFFFF830  }
0xfa: {  	[spmem:s2] =	stream.indirect.scatter.add.f32 [tilespmem:s30], [sflag:$0x6], $0x40, s19, s28, $0xb8;
	[tilespmem:$0x1F4D0] =	vst v63  }
0xfb: {  	_ =	swait.ge [sflag:s24], $0x1F40  }
0xfc: {  	[sflag:s24] =	ssyncset.done $0x0  }
0xfd: {  	s16 =	simm.s32 $0x280;
	[sflag:s24] =	ssyncadd.s32 $0xFFFFE0C0  }
0xfe: {  	[tilespmem:s30], [sflag:$0x3] =	stream.indirect.gather [hbm4b:s5+s28], $0x40, s16, s28, $0xb8;
	[tilespmem:$0x1F4D0] =	vst v63  }
0xff: {  	_ =	swait.ge [sflag:s0], $0x1F40  }
0x100: {  	[sflag:s0] =	ssyncset.done $0x0  }
0x101: {  	s15 =	simm.s32 @!p0 $0x5100;
	[sflag:s0] =	ssyncadd.s32 $0xFFFFE0C0  }
0x102: {  	[spmem:s3] =	stream.indirect.scatter.add.f32 @!p0 [tilespmem:s10], [sflag:$0x6], $0x10, s15, s9, $0xb8;
	[tilespmem:$0x1F4D0] =	vst v63  }
0x103: {  	_ =	swait.ge @!p0 [sflag:s7], $0x7D0  }
0x104: {  	[sflag:s7] =	ssyncset.done @!p0 $0x0  }
0x105: {  	s17 =	simm.s32 $0x5100;
	[sflag:s7] =	ssyncadd.s32 @!p0 $0xFFFFF830  }
0x106: {  	[spmem:s2] =	stream.indirect.scatter.add.f32 [tilespmem:s1], [sflag:$0x6], $0x40, s17, s28, $0xb8;
	[tilespmem:$0x1F4D0] =	vst v63  }
0x107: {  	_ =	swait.ge [sflag:s24], $0x1F40  }
0x108: {  	[sflag:s24] =	ssyncset.done $0x0  }
0x109: {  	s18 =	simm.s32 $0x300;
	[sflag:s24] =	ssyncadd.s32 $0xFFFFE0C0  }
0x10a: {  	[tilespmem:s1], [sflag:$0x4] =	stream.indirect.gather [hbm4b:s5+s28], $0x40, s18, s28, $0xb8;
	[tilespmem:$0x1F4D0] =	vst v63  }
0x10b: {  	_ =	swait.ge [sflag:s4], $0x1F40  }
0x10c: {  	[sflag:s4] =	ssyncset.done $0x0  }
0x10d: {  	s15 =	simm.s32 @!p1 $0x5180;
	[sflag:s4] =	ssyncadd.s32 $0xFFFFE0C0  }
0x10e: {  	[spmem:s3] =	stream.indirect.scatter.add.f32 @!p1 [tilespmem:s12], [sflag:$0x6], $0x10, s15, s13, $0xb8;
	[tilespmem:$0x1F4D0] =	vst v63  }
0x10f: {  	_ =	swait.ge @!p1 [sflag:s11], $0x7D0  }
0x110: {  	[sflag:s11] =	ssyncset.done @!p1 $0x0  }
0x111: {  	s19 =	simm.s32 $0x5180;
	[sflag:s11] =	ssyncadd.s32 @!p1 $0xFFFFF830  }
0x112: {  	[spmem:s2] =	stream.indirect.scatter.add.f32 [tilespmem:s29], [sflag:$0x6], $0x40, s19, s28, $0xb8;
	[tilespmem:$0x1F4D0] =	vst v63  }
0x113: {  	_ =	swait.ge [sflag:s24], $0x1F40  }
0x114: {  	[sflag:s24] =	ssyncset.done $0x0  }
0x115: {  	s16 =	simm.s32 $0x380;
	s15 =	simm.s32 $0x800;
	[sflag:s24] =	ssyncadd.s32 $0xFFFFE0C0  }
.LBB2_6:
0x116: {  	[tilespmem:s29], [sflag:$0x5] =	stream.indirect.gather [hbm4b:s5+s28], $0x40, s16, s28, $0xb8;
	[tilespmem:$0x1F4D0] =	vst v63  }
0x117: {  	s17 =	smov.u32 s15  }
0x118: {  	s15 =	sadd.s32 $0x800, s15;
	_ =	swait.ge [sflag:s31], $0x1F40  }
0x119: {  	s18 =	sshra.s32 @!p0 s17, $0x2;
	[sflag:s31] =	ssyncset.done $0x0  }
0x11a: {  	s16 =	sadd.s32 @!p0 $0x5000, s18;
	[sflag:s31] =	ssyncadd.s32 $0xFFFFE0C0  }
0x11b: {  	[spmem:s3] =	stream.indirect.scatter.add.f32 @!p0 [tilespmem:s10], [sflag:$0x6], $0x10, s16, s9, $0xb8;
	[tilespmem:$0x1F4D0] =	vst v63  }
0x11c: {  	p2 =	sne.s32 s15, $0x13800;
	_ =	swait.ge @!p0 [sflag:s7], $0x7D0  }
0x11d: {  	s16 =	sshra.s32 s17, $0x2;
	[sflag:s7] =	ssyncset.done @!p0 $0x0  }
0x11e: {  	s19 =	sadd.s32 $0x5000, s16;
	[sflag:s7] =	ssyncadd.s32 @!p0 $0xFFFFF830  }
0x11f: {  	[spmem:s2] =	stream.indirect.scatter.add.f32 [tilespmem:s23], [sflag:$0x6], $0x40, s19, s28, $0xb8;
	[tilespmem:$0x1F4D0] =	vst v63  }
0x120: {  	_ =	swait.ge [sflag:s24], $0x1F40  }
0x121: {  	[sflag:s24] =	ssyncset.done $0x0  }
0x122: {  	s19 =	sadd.s32 $0x200, s16;
	[sflag:s24] =	ssyncadd.s32 $0xFFFFE0C0  }
0x123: {  	[tilespmem:s23], [sflag:$0x2] =	stream.indirect.gather [hbm4b:s5+s28], $0x40, s19, s28, $0xb8;
	[tilespmem:$0x1F4D0] =	vst v63  }
0x124: {  	_ =	swait.ge [sflag:s22], $0x1F40  }
0x125: {  	s17 =	sshra.s32 @!p1 s17, $0x2;
	[sflag:s22] =	ssyncset.done $0x0  }
0x126: {  	s19 =	sadd.s32 @!p1 $0x5080, s17;
	[sflag:s22] =	ssyncadd.s32 $0xFFFFE0C0  }
0x127: {  	[spmem:s3] =	stream.indirect.scatter.add.f32 @!p1 [tilespmem:s12], [sflag:$0x6], $0x10, s19, s13, $0xb8;
	[tilespmem:$0x1F4D0] =	vst v63  }
0x128: {  	_ =	swait.ge @!p1 [sflag:s11], $0x7D0  }
0x129: {  	[sflag:s11] =	ssyncset.done @!p1 $0x0  }
0x12a: {  	s19 =	sadd.s32 $0x5080, s16;
	[sflag:s11] =	ssyncadd.s32 @!p1 $0xFFFFF830  }
0x12b: {  	[spmem:s2] =	stream.indirect.scatter.add.f32 [tilespmem:s30], [sflag:$0x6], $0x40, s19, s28, $0xb8;
	[tilespmem:$0x1F4D0] =	vst v63  }
0x12c: {  	_ =	swait.ge [sflag:s24], $0x1F40  }
0x12d: {  	[sflag:s24] =	ssyncset.done $0x0  }
0x12e: {  	s19 =	sadd.s32 $0x280, s16;
	[sflag:s24] =	ssyncadd.s32 $0xFFFFE0C0  }
0x12f: {  	[tilespmem:s30], [sflag:$0x3] =	stream.indirect.gather [hbm4b:s5+s28], $0x40, s19, s28, $0xb8;
	[tilespmem:$0x1F4D0] =	vst v63  }
0x130: {  	_ =	swait.ge [sflag:s0], $0x1F40  }
0x131: {  	[sflag:s0] =	ssyncset.done $0x0  }
0x132: {  	s18 =	sadd.s32 @!p0 $0x5100, s18;
	[sflag:s0] =	ssyncadd.s32 $0xFFFFE0C0  }
0x133: {  	[spmem:s3] =	stream.indirect.scatter.add.f32 @!p0 [tilespmem:s10], [sflag:$0x6], $0x10, s18, s9, $0xb8;
	[tilespmem:$0x1F4D0] =	vst v63  }
0x134: {  	_ =	swait.ge @!p0 [sflag:s7], $0x7D0  }
0x135: {  	[sflag:s7] =	ssyncset.done @!p0 $0x0  }
0x136: {  	s18 =	sadd.s32 $0x5100, s16;
	[sflag:s7] =	ssyncadd.s32 @!p0 $0xFFFFF830  }
0x137: {  	[spmem:s2] =	stream.indirect.scatter.add.f32 [tilespmem:s1], [sflag:$0x6], $0x40, s18, s28, $0xb8;
	[tilespmem:$0x1F4D0] =	vst v63  }
0x138: {  	_ =	swait.ge [sflag:s24], $0x1F40  }
0x139: {  	[sflag:s24] =	ssyncset.done $0x0  }
0x13a: {  	s18 =	sadd.s32 $0x300, s16;
	[sflag:s24] =	ssyncadd.s32 $0xFFFFE0C0  }
0x13b: {  	[tilespmem:s1], [sflag:$0x4] =	stream.indirect.gather [hbm4b:s5+s28], $0x40, s18, s28, $0xb8;
	[tilespmem:$0x1F4D0] =	vst v63  }
0x13c: {  	_ =	swait.ge [sflag:s4], $0x1F40  }
0x13d: {  	[sflag:s4] =	ssyncset.done $0x0  }
0x13e: {  	s17 =	sadd.s32 @!p1 $0x5180, s17;
	[sflag:s4] =	ssyncadd.s32 $0xFFFFE0C0  }
0x13f: {  	[spmem:s3] =	stream.indirect.scatter.add.f32 @!p1 [tilespmem:s12], [sflag:$0x6], $0x10, s17, s13, $0xb8;
	[tilespmem:$0x1F4D0] =	vst v63  }
0x140: {  	_ =	swait.ge @!p1 [sflag:s11], $0x7D0  }
0x141: {  	[sflag:s11] =	ssyncset.done @!p1 $0x0  }
.Ltmp2:
0x142: {  	s17 =	sadd.s32 $0x5180, s16;
	[sflag:s11] =	ssyncadd.s32 @!p1 $0xFFFFF830;
	(pc) =	sbr.rel @p2 .LBB2_6-.Ltmp2, $4  }
0x143: {  	[spmem:s2] =	stream.indirect.scatter.add.f32 [tilespmem:s29], [sflag:$0x6], $0x40, s17, s28, $0xb8;
	[tilespmem:$0x1F4D0] =	vst v63  }
0x144: {  	_ =	swait.ge [sflag:s24], $0x1F40  }
0x145: {  	[sflag:s24] =	ssyncset.done $0x0  }
0x146: {  	s16 =	sadd.s32 $0x380, s16;
	[sflag:s24] =	ssyncadd.s32 $0xFFFFE0C0  }
0x147: {  	[tilespmem:s29], [sflag:$0x5] =	stream.indirect.gather [hbm4b:s5+s28], $0x40, s16, s28, $0xb8;
	[tilespmem:$0x1F4D0] =	vst v63  }
0x148: {  	_ =	swait.ge [sflag:s31], $0x1F40  }
0x149: {  	s11 =	simm.s32 @p0 $0x7D;
	[sflag:s31] =	ssyncset.done $0x0  }
0x14a: {  	s12 =	simm.s32 @p0 $0x9E00;
	s13 =	simm.s32 @p0 $0xA000;
	[sflag:s31] =	ssyncadd.s32 $0xFFFFE0C0  }
0x14b: {  	[spmem:s2] =	stream.indirect.scatter.add.f32 @p0 [tilespmem:s13], [sflag:$0x6], $0x40, s12, s11, $0xb8;
	[tilespmem:$0x1F4D0] =	vst v63  }
0x14c: {  	s12 =	simm.s32 @p0 $0x6  }
0x14d: {  	_ =	swait.ge @p0 [sflag:s12], $0x1F40  }
0x14e: {  	[sflag:s12] =	ssyncset.done @p0 $0x0  }
0x14f: {  	s13 =	simm.s32 @p0 $0x3;
	[sflag:s12] =	ssyncadd.s32 @p0 $0xFFFFE0C0  }
0x150: {  	_ =	swait.ge @p0 [sflag:s13], $0x1F40  }
0x151: {  	[sflag:s13] =	ssyncset.done @p0 $0x0  }
0x152: {  	s15 =	simm.s32 @p0 $0x1BD00;
	[sflag:s13] =	ssyncadd.s32 @p0 $0xFFFFE0C0;
	s13 =	simm.s32 @p0 $0x9E80  }
0x153: {  	[spmem:s3] =	stream.indirect.scatter.add.f32 @p0 [tilespmem:s15], [sflag:$0x6], $0x10, s13, s11, $0xb8;
	[tilespmem:$0x1F4D0] =	vst v63  }
0x154: {  	_ =	swait.ge @p0 [sflag:s12], $0x7D0  }
0x155: {  	[sflag:s12] =	ssyncset.done @p0 $0x0  }
0x156: {  	s16 =	simm.s32 @p0 $0xBF40;
	[sflag:s12] =	ssyncadd.s32 @p0 $0xFFFFF830  }
0x157: {  	[spmem:s2] =	stream.indirect.scatter.add.f32 @p0 [tilespmem:s16], [sflag:$0x6], $0x40, s13, s11, $0xb8;
	[tilespmem:$0x1F4D0] =	vst v63  }
0x158: {  	_ =	swait.ge @p0 [sflag:s12], $0x1F40  }
0x159: {  	[sflag:s12] =	ssyncset.done @p0 $0x0  }
0x15a: {  	s13 =	simm.s32 @p0 $0x4;
	[sflag:s12] =	ssyncadd.s32 @p0 $0xFFFFE0C0  }
0x15b: {  	_ =	swait.ge @p0 [sflag:s13], $0x1F40  }
0x15c: {  	[sflag:s13] =	ssyncset.done @p0 $0x0  }
0x15d: {  	s16 =	simm.s32 @p0 $0xDE80;
	[sflag:s13] =	ssyncadd.s32 @p0 $0xFFFFE0C0;
	s13 =	simm.s32 @p0 $0x9F00  }
0x15e: {  	[spmem:s2] =	stream.indirect.scatter.add.f32 @p0 [tilespmem:s16], [sflag:$0x6], $0x40, s13, s11, $0xb8;
	[tilespmem:$0x1F4D0] =	vst v63  }
0x15f: {  	_ =	swait.ge @p0 [sflag:s12], $0x1F40  }
0x160: {  	[sflag:s12] =	ssyncset.done @p0 $0x0  }
0x161: {  	s13 =	simm.s32 @p0 $0x5;
	[sflag:s12] =	ssyncadd.s32 @p0 $0xFFFFE0C0  }
0x162: {  	_ =	swait.ge @p0 [sflag:s13], $0x1F40  }
0x163: {  	[sflag:s13] =	ssyncset.done @p0 $0x0  }
0x164: {  	[sflag:s13] =	ssyncadd.s32 @p0 $0xFFFFE0C0;
	s13 =	simm.s32 @p0 $0x9F80  }
0x165: {  	[spmem:s3] =	stream.indirect.scatter.add.f32 @p0 [tilespmem:s15], [sflag:$0x6], $0x10, s13, s11, $0xb8;
	[tilespmem:$0x1F4D0] =	vst v63  }
0x166: {  	_ =	swait.ge @p0 [sflag:s12], $0x7D0  }
0x167: {  	[sflag:s12] =	ssyncset.done @p0 $0x0  }
0x168: {  	s11 =	simm.s32 @!p0 $0x9E00;
	[sflag:s12] =	ssyncadd.s32 @p0 $0xFFFFF830  }
0x169: {  	[spmem:s3] =	stream.indirect.scatter.add.f32 @!p0 [tilespmem:s10], [sflag:$0x6], $0x10, s11, s9, $0xb8;
	[tilespmem:$0x1F4D0] =	vst v63  }
0x16a: {  	_ =	swait.ge @!p0 [sflag:s7], $0x7D0  }
0x16b: {  	[sflag:s7] =	ssyncset.done @!p0 $0x0  }
0x16c: {  	s12 =	simm.s32 @!p0 $0xA000;
	[sflag:s7] =	ssyncadd.s32 @!p0 $0xFFFFF830  }
0x16d: {  	[spmem:s2] =	stream.indirect.scatter.add.f32 @!p0 [tilespmem:s12], [sflag:$0x6], $0x40, s11, s9, $0xb8;
	[tilespmem:$0x1F4D0] =	vst v63  }
0x16e: {  	_ =	swait.ge @!p0 [sflag:s7], $0x1F40  }
0x16f: {  	[sflag:s7] =	ssyncset.done @!p0 $0x0  }
0x170: {  	s11 =	simm.s32 @!p0 $0x3;
	[sflag:s7] =	ssyncadd.s32 @!p0 $0xFFFFE0C0  }
0x171: {  	_ =	swait.ge @!p0 [sflag:s11], $0x1F40  }
0x172: {  	[sflag:s11] =	ssyncset.done @!p0 $0x0  }
0x173: {  	s12 =	simm.s32 @!p0 $0xBF40;
	[sflag:s11] =	ssyncadd.s32 @!p0 $0xFFFFE0C0;
	s11 =	simm.s32 @!p0 $0x9E80  }
0x174: {  	[spmem:s2] =	stream.indirect.scatter.add.f32 @!p0 [tilespmem:s12], [sflag:$0x6], $0x40, s11, s9, $0xb8;
	[tilespmem:$0x1F4D0] =	vst v63  }
0x175: {  	_ =	swait.ge @!p0 [sflag:s7], $0x1F40  }
0x176: {  	[sflag:s7] =	ssyncset.done @!p0 $0x0  }
0x177: {  	s11 =	simm.s32 @!p0 $0x4;
	[sflag:s7] =	ssyncadd.s32 @!p0 $0xFFFFE0C0  }
0x178: {  	_ =	swait.ge @!p0 [sflag:s11], $0x1F40  }
0x179: {  	[sflag:s11] =	ssyncset.done @!p0 $0x0  }
0x17a: {  	[sflag:s11] =	ssyncadd.s32 @!p0 $0xFFFFE0C0;
	s11 =	simm.s32 @!p0 $0x9F00  }
0x17b: {  	[spmem:s3] =	stream.indirect.scatter.add.f32 @!p0 [tilespmem:s10], [sflag:$0x6], $0x10, s11, s9, $0xb8;
	[tilespmem:$0x1F4D0] =	vst v63  }
0x17c: {  	_ =	swait.ge @!p0 [sflag:s7], $0x7D0  }
0x17d: {  	[sflag:s7] =	ssyncset.done @!p0 $0x0  }
0x17e: {  	s10 =	simm.s32 @!p0 $0xDE80;
	[sflag:s7] =	ssyncadd.s32 @!p0 $0xFFFFF830  }
0x17f: {  	[spmem:s2] =	stream.indirect.scatter.add.f32 @!p0 [tilespmem:s10], [sflag:$0x6], $0x40, s11, s9, $0xb8;
	[tilespmem:$0x1F4D0] =	vst v63  }
0x180: {  	_ =	swait.ge @!p0 [sflag:s7], $0x1F40  }
0x181: {  	[sflag:s7] =	ssyncset.done @!p0 $0x0  }
0x182: {  	[sflag:s7] =	ssyncadd.s32 @!p0 $0xFFFFE0C0;
	s7 =	simm.s32 @!p0 $0x5  }
0x183: {  	_ =	swait.ge @!p0 [sflag:s7], $0x1F40  }
0x184: {  	[sflag:s7] =	ssyncset.done @!p0 $0x0  }
0x185: {  	s15 =	simm.s32 $0x9F80;
	[sflag:s7] =	ssyncadd.s32 @!p0 $0xFFFFE0C0  }
0x186: {  	[spmem:s2] =	stream.indirect.scatter.add.f32 [tilespmem:s29], [sflag:$0x6], $0x40, s15, s28, $0xb8;
	[tilespmem:$0x1F4D0] =	vst v63  }
0x187: {  	_ =	swait.ge [sflag:s24], $0x1F40  }
0x188: {  	[sflag:s24] =	ssyncset.done $0x0  }
0x189: {  	s16 =	stileid.u32;
	[sflag:s24] =	ssyncadd.s32 $0xFFFFE0C0  }
0x18a: {  	s7 =	sshll.u32 s16, $0x6;
	[bflag:$0x0] =	sbarrier.arrive $0xFFFF  }
0x18b: {  	s17 =	sshrl.u32 s8, $0x3;
	s7 =	sor.u32 $0x1C06, s7;
	s18 =	rddreg [dreg:$0x10]  }
0x18c: {  	[hbm:s18], [sflag:s7] =	dma.local [spmem:s17], $0x1400  }
0x18d: {  	s6 =	sadd.s32 $0x1, s6;
	_ =	swait.ge [sflag:s24], $0x1400  }
0x18e: {  	p2 =	sne.s32 s6, s21;
	[sflag:s24] =	ssyncset.done $0x0  }
.Ltmp3:
0x18f: {  	s19 =	sshrl.u32 s14, $0x3;
	[sflag:s24] =	ssyncadd.s32 $0xFFFFEC00;
	(pc) =	sbr.rel @p2 .LBB2_1-.Ltmp3, $4  }
0x190: {  	[hbm:s20], [sflag:s7] =	dma.local [spmem:s19], $0x500  }
0x191: {  	_ =	swait.ge [sflag:s24], $0x500  }
0x192: {  	[sflag:s24] =	ssyncset.done $0x0  }
0x193: {  	[sflag:s24] =	ssyncadd.s32 $0xFFFFFB00  }
0x194: {  	_ =	sfence.sel $0x180000  }
0x195: {  	[bflag:$0x0] =	sbarrier.arrive $0xFFFF  }
0x196: {  	_ =	strace $0x90000047  }
0x197: {  	s0 =	stileid.u32;
	[bflag:$0x2] =	sbarrier.arrive $0xFFFF  }
0x198: {  	p0 =	sne.s32 s0, $0x0;
	s0 =	rddreg [dreg:$0x4]  }
0x199: {  	s0 =	sadd.s32 @!p0 $0x100000, s0  }
0x19a: {  	[sflag:s0] =	ssyncadd.tile.s32 @!p0 $0x1;
	_ =	shalt  }
.Lfunc_end2:
_tile_overlayer_lowered:
.L_overlay_start_2:
0x19b: {  	(tag) =	ssettag $0x2  }
0x19c: {  	s0 =	rddreg [dreg:$0x0];
	s2 =	stileid.u32  }
0x19d: {  	s1 =	rddreg [dreg:$0x1];
	p0 =	sne.s32 s2, $0x0  }
0x19e: {  	s3 =	rddreg [dreg:$0x2];
	[bflag:$0x3] =	sbarrier.arrive $0xFFFF;
	s2 =	simm.s32 @!p0 $0x1C06  }
0x19f: {  	[timem:s3], [sflag:s2] =	dma.local @!p0 [hbm:s0], s1  }
0x1a0: {  	s0 =	simm.s32 @!p0 $0x6  }
0x1a1: {  	_ =	swait.ge @!p0 [sflag:s0], s1  }
0x1a2: {  	s1 =	ssub.s32 @!p0 $0x0, s1;
	[sflag:s0] =	ssyncset.done @!p0 $0x0  }
0x1a3: {  	[sflag:s0] =	ssyncadd.s32 @!p0 s1  }
0x1a4: {  	[bflag:$0x3] =	sbarrier.arrive $0xFFFF  }
0x1a5: {  	_ =	shalt  }

</sc_bundles>
